<compile_context>
chip_gen: v7x
topology: tpu7x:2x2x1
jax: 0.10.2.dev20260603
libtpu: 0.0.44.dev20260713+nightly
codegen_flags: <defaults>
</compile_context>

<pallas_src>
import dataclasses
import functools

import jax
import jax.numpy as jnp
from jax import lax
from jax.experimental import pallas as pl
from jax.experimental.pallas import tpu as pltpu
from jax.experimental.pallas import tpu_sc as plsc

N = 10000
E = 320000
D_IN = 128
D_H = 512
D_OUT = 40

NC = 2
NS = 16
NW = NC * NS
EPW = E // NW
CH = 80
NCH = EPW // CH
N_PAD = 10112
RPS = N_PAD // NS
ZR = 104

_mesh = plsc.VectorSubcoreMesh(core_axis_name="c", subcore_axis_name="s")

_sc_cp = pltpu.CompilerParams()
if "needs_layout_passes" in pltpu.CompilerParams.__dataclass_fields__:
    _sc_cp = dataclasses.replace(_sc_cp, needs_layout_passes=False)


def _zero_vmem(buf, rows, width):
    zv = jnp.zeros((16,), jnp.float32)

    @pl.loop(0, rows)
    def _(i):
        for j in range(width // 16):
            buf[i, pl.ds(j * 16, 16)] = zv


def _make_sc_deg():

    @functools.partial(
        pl.kernel,
        out_type=jax.ShapeDtypeStruct((NW * N,), jnp.float32),
        mesh=_mesh,
        compiler_params=_sc_cp,
        scratch_types=[
            pltpu.VMEM((EPW,), jnp.int32),
            pltpu.VMEM((N,), jnp.float32),
        ],
    )
    def k(dst_hbm, out_hbm, dbuf, hist):
        cid = lax.axis_index("c")
        sid = lax.axis_index("s")
        wid = sid * NC + cid
        zv = jnp.zeros((16,), jnp.float32)

        @pl.loop(0, N // 16)
        def _(i):
            hist[pl.ds(i * 16, 16)] = zv

        pltpu.sync_copy(dst_hbm.at[pl.ds(wid * EPW, EPW)], dbuf)
        ov = jnp.ones((16,), jnp.float32)

        @pl.loop(0, EPW // 16)
        def _(i):
            idx = dbuf[pl.ds(i * 16, 16)]
            plsc.addupdate_scatter(hist, [idx], ov)

        pltpu.sync_copy(hist, out_hbm.at[pl.ds(wid * N, N)])

    return k


NB = 4
NG = NCH // NB


def _make_sc_agg_real(D):
    @functools.partial(
        pl.kernel,
        out_type=jax.ShapeDtypeStruct((NC, N_PAD, D), jnp.float32),
        mesh=_mesh,
        scratch_types=[
            pltpu.VMEM((2, NB, CH), jnp.int32),
            pltpu.VMEM((3, NB, CH), jnp.int32),
            [pltpu.VMEM((CH, D), jnp.float32) for _ in range(NB)],
            pltpu.VMEM_SHARED((N_PAD, D), jnp.float32),
            pltpu.SemaphoreType.DMA,
            [pltpu.SemaphoreType.DMA for _ in range(NB)],
            [pltpu.SemaphoreType.DMA for _ in range(NB)],
        ],
    )
    def k(xs_hbm, src_hbm, dst_hbm, out_hbm, sidx, didx, rows, acc,
          isem, gsem, ssem):
        cid = lax.axis_index("c")
        sid = lax.axis_index("s")

        _zero_vmem(rows[0], CH, D)
        start = sid * RPS
        zh = []
        for t in range(RPS // CH):
            zh.append(pltpu.async_copy(
                rows[0], acc.at[pl.ds(start + t * CH, CH)], ssem[t % NB]))
        zh.append(pltpu.async_copy(
            rows[0].at[pl.ds(0, RPS % CH)],
            acc.at[pl.ds(start + (RPS // CH) * CH, RPS % CH)], ssem[0]))
        for h in zh:
            h.wait()
        plsc.subcore_barrier()

        wid = sid * NC + cid
        base_w = wid * EPW

        def idx_copies(g, s2, s3, issue):
            base = base_w + g * (NB * CH)
            hs = []
            for b in range(NB):
                pairs = [
                    (src_hbm.at[pl.ds(base + b * CH, CH)], sidx.at[s2, b]),
                    (dst_hbm.at[pl.ds(base + b * CH, CH)], didx.at[s3, b]),
                ]
                for sref, dref in pairs:
                    if issue:
                        hs.append(pltpu.async_copy(sref, dref, isem))
                    else:
                        pltpu.make_async_copy(sref, dref, isem).wait()
            return hs

        idx_copies(0, 0, 0, issue=True)

        @pl.loop(0, NG)
        def _(g):
            s2 = lax.rem(g, 2)
            s3 = lax.rem(g, 3)

            @pl.when(g < NG - 1)
            def _():
                idx_copies(g + 1, lax.rem(g + 1, 2), lax.rem(g + 1, 3),
                           issue=True)

            idx_copies(g, s2, s3, issue=False)

            ps3 = lax.rem(g + 2, 3)
            for b in range(NB):
                @pl.when(g > 0)
                def _():
                    pltpu.make_async_copy(
                        rows[b], acc.at[didx.at[ps3, b]], ssem[b]).wait()
                pltpu.async_copy(xs_hbm.at[sidx.at[s2, b]], rows[b], gsem[b])
            for b in range(NB):
                pltpu.make_async_copy(
                    xs_hbm.at[sidx.at[s2, b]], rows[b], gsem[b]).wait()
                pltpu.async_copy(rows[b], acc.at[didx.at[s3, b]], ssem[b],
                                 add=True)

        ls3 = (NG - 1) % 3
        for b in range(NB):
            pltpu.make_async_copy(
                rows[b], acc.at[didx.at[ls3, b]], ssem[b]).wait()

        for r in range(NCH - NG * NB):
            base = base_w + (NG * NB + r) * CH
            pltpu.sync_copy(src_hbm.at[pl.ds(base, CH)], sidx.at[0, 0])
            pltpu.sync_copy(dst_hbm.at[pl.ds(base, CH)], didx.at[0, 0])
            pltpu.sync_copy(xs_hbm.at[sidx.at[0, 0]], rows[0])
            pltpu.sync_copy(rows[0], acc.at[didx.at[0, 0]], add=True)

        plsc.subcore_barrier()
        pltpu.sync_copy(acc.at[pl.ds(start, RPS)],
                        out_hbm.at[cid, pl.ds(start, RPS)])

    return k


D_OUT_PAD = 128

_sc_deg = _make_sc_deg()
_sc_agg = _make_sc_agg_real(D_IN)
_sc_agg2 = _sc_agg

BM = 400
GM = N // BM


def _tc_a_body(dp_ref, x_ref, dinv_ref, xs1_ref):
    ones_w = jnp.ones((NW, 1), jnp.float32)
    deg = lax.dot_general(dp_ref[...], ones_w, (((0,), (0,)), ((), ())),
                          precision=lax.Precision.HIGHEST,
                          preferred_element_type=jnp.float32) + 1.0
    dinv = lax.rsqrt(deg)
    dinv_ref[...] = dinv
    xs1_ref[...] = x_ref[...] * dinv


def _tc_b_body(p0_ref, p1_ref, xs1_ref, dinv_ref, w1_ref, b1_ref, w2_ref,
               h1_ref, xs2_ref):
    dinv = dinv_ref[...]
    a1 = (p0_ref[...] + p1_ref[...] + xs1_ref[...]) * dinv
    h1 = jnp.maximum(
        lax.dot_general(a1, w1_ref[...], (((1,), (0,)), ((), ())),
                        precision=lax.Precision.HIGHEST,
                        preferred_element_type=jnp.float32) + b1_ref[...],
        0.0)
    h1_ref[...] = h1
    xs2_ref[...] = lax.dot_general(h1, w2_ref[...], (((1,), (0,)), ((), ())),
                                   precision=lax.Precision.HIGHEST,
                                   preferred_element_type=jnp.float32) * dinv


def _tc_c_body(q0_ref, q1_ref, xs2_ref, dinv_ref, b2_ref, out_ref):
    s = (q0_ref[...] + q1_ref[...] + xs2_ref[...])[:, :D_OUT]
    out_ref[...] = s * dinv_ref[...] + b2_ref[...]


def _row_spec(d):
    return pl.BlockSpec((BM, d), lambda i: (i, 0))


def _full_spec(shape):
    return pl.BlockSpec(shape, lambda i: tuple(0 for _ in shape))


_tc_a = pl.pallas_call(
    _tc_a_body,
    out_shape=[
        jax.ShapeDtypeStruct((N, 1), jnp.float32),
        jax.ShapeDtypeStruct((N, D_IN), jnp.float32),
    ],
)

_tc_b = pl.pallas_call(
    _tc_b_body,
    grid=(GM,),
    in_specs=[
        _row_spec(D_IN), _row_spec(D_IN), _row_spec(D_IN), _row_spec(1),
        _full_spec((D_IN, D_H)), _full_spec((1, D_H)),
        _full_spec((D_H, D_OUT_PAD)),
    ],
    out_specs=[_row_spec(D_H), _row_spec(D_OUT_PAD)],
    out_shape=[
        jax.ShapeDtypeStruct((N, D_H), jnp.float32),
        jax.ShapeDtypeStruct((N, D_OUT_PAD), jnp.float32),
    ],
)

_tc_c = pl.pallas_call(
    _tc_c_body,
    grid=(GM,),
    in_specs=[
        _row_spec(D_OUT_PAD), _row_spec(D_OUT_PAD), _row_spec(D_OUT_PAD),
        _row_spec(1), _full_spec((1, D_OUT)),
    ],
    out_specs=_row_spec(D_OUT),
    out_shape=jax.ShapeDtypeStruct((N, D_OUT), jnp.float32),
)


@jax.jit
def kernel(x, edge_index, W1, b1, W2, b2):
    src = edge_index[0]
    dst = edge_index[1]
    deg_parts = _sc_deg(dst).reshape(NW, N)
    dinv, xs1 = _tc_a(deg_parts, x)
    agg1 = _sc_agg(xs1, src, dst)
    w2p = jnp.zeros((D_H, D_OUT_PAD), jnp.float32).at[:, :D_OUT].set(W2)
    h1, xs2 = _tc_b(agg1[0], agg1[1], xs1, dinv, W1,
                    b1.reshape(1, D_H), w2p)
    agg2 = _sc_agg2(xs2, src, dst)
    out = _tc_c(agg2[0], agg2[1], xs2, dinv, b2.reshape(1, D_OUT))
    return (out, h1)

# --- scband reference (transcript-rebuilt; emitter-appended) ---
"""Pipeline reference for scband-gcn-17076789969171 (READ-ONLY COPY).

The authoritative reference and input builder live on the scoring server;
editing this copy changes nothing except your own understanding.
"""

import jax, jax.numpy as jnp
import numpy as np

N = 10000
E = 320000
D_IN = 128
D_H = 512
D_OUT = 40


def gcn_conv(x, edge_index, W, b):
    n = x.shape[0]
    loop = jnp.arange(n, dtype=edge_index.dtype)
    src = jnp.concatenate([edge_index[0], loop])
    dst = jnp.concatenate([edge_index[1], loop])
    deg = jnp.zeros((n,), x.dtype).at[dst].add(1.0)
    dinv = jnp.where(deg > 0, 1.0 / jnp.sqrt(deg), 0.0)
    norm = dinv[src] * dinv[dst]
    h = x @ W
    msg = h[src] * norm[:, None]
    out = jnp.zeros((n, h.shape[1]), x.dtype).at[dst].add(msg)
    return out + b


def setup_inputs(seed: int = 0) -> dict:
    key = jax.random.key(seed)
    ks = jax.random.split(key, 6)
    x = jax.random.normal(ks[0], (N, D_IN), dtype=jnp.float32)
    edge_index = jax.random.randint(ks[1], (2, E), 0, N, dtype=jnp.int32)
    s1 = 1.0 / np.sqrt(D_IN)
    s2 = 1.0 / np.sqrt(D_H)
    W1 = jax.random.uniform(ks[2], (D_IN, D_H), jnp.float32, -s1, s1)
    b1 = jnp.zeros((D_H,), jnp.float32)
    W2 = jax.random.uniform(ks[3], (D_H, D_OUT), jnp.float32, -s2, s2)
    b2 = jnp.zeros((D_OUT,), jnp.float32)
    return {"x": x, "edge_index": edge_index, "W1": W1, "b1": b1, "W2": W2, "b2": b2}


def reference(x, edge_index, W1, b1, W2, b2):
    h = gcn_conv(x, edge_index, W1, b1)
    h = jax.nn.relu(h)
    hidden = h  # dropout identity in eval mode (training=False)
    out = gcn_conv(h, edge_index, W2, b2)
    return (out, hidden)

if __name__ == "__main__":
    import jax
    _d = setup_inputs()
    print(jax.jit(kernel)(*tuple(_d.values())))

</pallas_src>

<mosaic_0001>
#map = affine_map<(d0, d1) -> (0)>
module attributes {stable_mosaic.version = 14 : i64} {
  func.func @k(%arg0: i32, %arg1: i32, %arg2: memref<320000xi32, #tpu.memory_space<hbm>>, %arg3: memref<320000xf32, #tpu.memory_space<hbm>>, %arg4: memref<10000xi32, #tpu.memory_space<vmem>>, %arg5: memref<10000xf32, #tpu.memory_space<vmem>>) attributes {dimension_semantics = [#tpu.dimension_semantics<core_parallel>, #tpu.dimension_semantics<subcore_parallel>], iteration_bounds = array<i64: 2, 16>, scalar_prefetch = 0 : i64, scratch_operands = 2 : i64, tpu.core_type = #tpu.core_type<sc_vector_subcore>, window_params = [{transform_indices = #map}, {transform_indices = #map}]} {
    %mul3A = arith.constant 2 : i32
    %mul3A_0 = arith.muli %arg1, %mul3A : i32
    %add3A = arith.addi %mul3A_0, %arg0 : i32
    %broadcast_in_dim3A = arith.constant 0.000000e+00 : f32
    %broadcast_in_dim3A_1 = vector.broadcast %broadcast_in_dim3A : f32 to vector<16xf32>
    %scan3A = arith.constant 0 : i32
    %scan3A_2 = arith.constant 625 : i32
    %scan3A_3 = arith.addi %scan3A, %scan3A_2 : i32
    %scan3A_4 = arith.constant 1 : i32
    scf.for %scan3A_17 = %scan3A to %scan3A_3 step %scan3A_4  : i32 {
      %mul3A_18 = arith.constant 1 : i32
      %mul3A_19 = arith.muli %scan3A_17, %mul3A_18 : i32
      %add3A_20 = arith.constant 0 : i32
      %add3A_21 = arith.addi %add3A_20, %mul3A_19 : i32
      %mul3A_22 = arith.constant 16 : i32
      %mul3A_23 = arith.muli %add3A_21, %mul3A_22 : i32
      %swap3A = arith.index_cast %mul3A_23 : i32 to index
      %swap3A_24 = tpu.vector_load %arg5[%swap3A] {strides = array<i32>} : memref<10000xf32, #tpu.memory_space<vmem>>, vector<16xf32>,
      tpu.vector_store %arg5[%swap3A], %broadcast_in_dim3A_1 {strides = array<i32>} : memref<10000xf32, #tpu.memory_space<vmem>>, vector<16xf32>,
    }
    %scan3A_5 = arith.constant 625 : i32
    %mul3A_6 = arith.constant 10000 : i32
    %mul3A_7 = arith.muli %add3A, %mul3A_6 : i32
    "tpu.region"() ({
      %run_scoped3A = tpu.sem_alloc : memref<!tpu.dma_semaphore, #tpu.memory_space<semaphore_mem>>
      %dma_start3A = tpu.memref_slice %arg2[%mul3A_7] : memref<320000xi32, #tpu.memory_space<hbm>> -> memref<10000xi32, #tpu.memory_space<hbm>>
      %dma_start3A_17 = tpu.memref_slice %arg2[%mul3A_7] : memref<320000xi32, #tpu.memory_space<hbm>> -> memref<10000xi32, #tpu.memory_space<hbm>>
      tpu.enqueue_dma source(%dma_start3A_17 : memref<10000xi32, #tpu.memory_space<hbm>>) target(%arg4 : memref<10000xi32, #tpu.memory_space<vmem>>) target_semaphore(%run_scoped3A : memref<!tpu.dma_semaphore, #tpu.memory_space<semaphore_mem>>)
      %dma_wait3A = tpu.memref_slice %arg2[%mul3A_7] : memref<320000xi32, #tpu.memory_space<hbm>> -> memref<10000xi32, #tpu.memory_space<hbm>>
      %dma_wait3A_18 = tpu.memref_slice %arg2[%mul3A_7] : memref<320000xi32, #tpu.memory_space<hbm>> -> memref<10000xi32, #tpu.memory_space<hbm>>
      tpu.wait_dma2 semaphore(%run_scoped3A : memref<!tpu.dma_semaphore, #tpu.memory_space<semaphore_mem>>) src(%dma_wait3A_18 : memref<10000xi32, #tpu.memory_space<hbm>>) dst(%arg4 : memref<10000xi32, #tpu.memory_space<vmem>>)
      tpu.yield
    }) : () -> ()
    %broadcast_in_dim3A_8 = arith.constant 1.000000e+00 : f32
    %broadcast_in_dim3A_9 = vector.broadcast %broadcast_in_dim3A_8 : f32 to vector<16xf32>
    %scan3A_10 = arith.constant 0 : i32
    %scan3A_11 = arith.constant 625 : i32
    %scan3A_12 = arith.addi %scan3A_10, %scan3A_11 : i32
    %scan3A_13 = arith.constant 1 : i32
    scf.for %scan3A_17 = %scan3A_10 to %scan3A_12 step %scan3A_13  : i32 {
      %mul3A_18 = arith.constant 1 : i32
      %mul3A_19 = arith.muli %scan3A_17, %mul3A_18 : i32
      %add3A_20 = arith.constant 0 : i32
      %add3A_21 = arith.addi %add3A_20, %mul3A_19 : i32
      %mul3A_22 = arith.constant 16 : i32
      %mul3A_23 = arith.muli %add3A_21, %mul3A_22 : i32
      %get3A = arith.index_cast %mul3A_23 : i32 to index
      %get3A_24 = tpu.vector_load %arg4[%get3A] {strides = array<i32>} : memref<10000xi32, #tpu.memory_space<vmem>>, vector<16xi32>,
      tpu.vector_store_idx %arg5[%get3A_24], %broadcast_in_dim3A_9 {add = true} : memref<10000xf32, #tpu.memory_space<vmem>>[vector<16xi32>], vector<16xf32>,
    }
    %scan3A_14 = arith.constant 625 : i32
    %mul3A_15 = arith.constant 10000 : i32
    %mul3A_16 = arith.muli %add3A, %mul3A_15 : i32
    "tpu.region"() ({
      %run_scoped3A = tpu.sem_alloc : memref<!tpu.dma_semaphore, #tpu.memory_space<semaphore_mem>>
      %dma_start3A = tpu.memref_slice %arg3[%mul3A_16] : memref<320000xf32, #tpu.memory_space<hbm>> -> memref<10000xf32, #tpu.memory_space<hbm>>
      %dma_start3A_17 = tpu.memref_slice %arg3[%mul3A_16] : memref<320000xf32, #tpu.memory_space<hbm>> -> memref<10000xf32, #tpu.memory_space<hbm>>
      tpu.enqueue_dma source(%arg5 : memref<10000xf32, #tpu.memory_space<vmem>>) target(%dma_start3A_17 : memref<10000xf32, #tpu.memory_space<hbm>>) target_semaphore(%run_scoped3A : memref<!tpu.dma_semaphore, #tpu.memory_space<semaphore_mem>>)
      %dma_wait3A = tpu.memref_slice %arg3[%mul3A_16] : memref<320000xf32, #tpu.memory_space<hbm>> -> memref<10000xf32, #tpu.memory_space<hbm>>
      %dma_wait3A_18 = tpu.memref_slice %arg3[%mul3A_16] : memref<320000xf32, #tpu.memory_space<hbm>> -> memref<10000xf32, #tpu.memory_space<hbm>>
      tpu.wait_dma2 semaphore(%run_scoped3A : memref<!tpu.dma_semaphore, #tpu.memory_space<semaphore_mem>>) src(%arg5 : memref<10000xf32, #tpu.memory_space<vmem>>) dst(%dma_wait3A_18 : memref<10000xf32, #tpu.memory_space<hbm>>)
      tpu.yield
    }) : () -> ()
    return
  }
}

#map = affine_map<(d0, d1) -> (0, 0)>
#map1 = affine_map<(d0, d1) -> (0)>
#map2 = affine_map<(d0, d1) -> (0, 0, 0)>
module attributes {stable_mosaic.version = 14 : i64} {
  func.func @k(%arg0: i32, %arg1: i32, %arg2: memref<10000x128xf32, #tpu.memory_space<hbm>>, %arg3: memref<320000xi32, #tpu.memory_space<hbm>>, %arg4: memref<320000xi32, #tpu.memory_space<hbm>>, %arg5: memref<2x10112x128xf32, #tpu.memory_space<hbm>>, %arg6: memref<2x4x80xi32, #tpu.memory_space<vmem>>, %arg7: memref<3x4x80xi32, #tpu.memory_space<vmem>>, %arg8: memref<80x128xf32, #tpu.memory_space<vmem>>, %arg9: memref<80x128xf32, #tpu.memory_space<vmem>>, %arg10: memref<80x128xf32, #tpu.memory_space<vmem>>, %arg11: memref<80x128xf32, #tpu.memory_space<vmem>>, %arg12: memref<10112x128xf32, #tpu.memory_space<vmem_shared>>, %arg13: memref<!tpu.dma_semaphore, #tpu.memory_space<semaphore_mem>>, %arg14: memref<!tpu.dma_semaphore, #tpu.memory_space<semaphore_mem>>, %arg15: memref<!tpu.dma_semaphore, #tpu.memory_space<semaphore_mem>>, %arg16: memref<!tpu.dma_semaphore, #tpu.memory_space<semaphore_mem>>, %arg17: memref<!tpu.dma_semaphore, #tpu.memory_space<semaphore_mem>>, %arg18: memref<!tpu.dma_semaphore, #tpu.memory_space<semaphore_mem>>, %arg19: memref<!tpu.dma_semaphore, #tpu.memory_space<semaphore_mem>>, %arg20: memref<!tpu.dma_semaphore, #tpu.memory_space<semaphore_mem>>, %arg21: memref<!tpu.dma_semaphore, #tpu.memory_space<semaphore_mem>>) attributes {dimension_semantics = [#tpu.dimension_semantics<core_parallel>, #tpu.dimension_semantics<subcore_parallel>], iteration_bounds = array<i64: 2, 16>, scalar_prefetch = 0 : i64, scratch_operands = 16 : i64, tpu.core_type = #tpu.core_type<sc_vector_subcore>, window_params = [{transform_indices = #map}, {transform_indices = #map1}, {transform_indices = #map1}, {transform_indices = #map2}]} {
    %broadcast_in_dim3A = arith.constant 0.000000e+00 : f32
    %broadcast_in_dim3A_0 = vector.broadcast %broadcast_in_dim3A : f32 to vector<16xf32>
    %scan3A = arith.constant 0 : i32
    %scan3A_1 = arith.constant 80 : i32
    %scan3A_2 = arith.addi %scan3A, %scan3A_1 : i32
    %scan3A_3 = arith.constant 1 : i32
    scf.for %scan3A_245 = %scan3A to %scan3A_2 step %scan3A_3  : i32 {
      %mul3A_246 = arith.constant 1 : i32
      %mul3A_247 = arith.muli %scan3A_245, %mul3A_246 : i32
      %add3A_248 = arith.constant 0 : i32
      %add3A_249 = arith.addi %add3A_248, %mul3A_247 : i32
      %swap3A = arith.index_cast %add3A_249 : i32 to index
      %swap3A_250 = arith.constant 0 : index
      %swap3A_251 = tpu.vector_load %arg8[%swap3A, %swap3A_250] {strides = array<i32>} : memref<80x128xf32, #tpu.memory_space<vmem>>, vector<1x16xf32>,
      %swap3A_252 = vector.shape_cast %swap3A_251 : vector<1x16xf32> to vector<16xf32>
      %swap3A_253 = vector.shape_cast %broadcast_in_dim3A_0 : vector<16xf32> to vector<1x16xf32>
      tpu.vector_store %arg8[%swap3A, %swap3A_250], %swap3A_253 {strides = array<i32>} : memref<80x128xf32, #tpu.memory_space<vmem>>, vector<1x16xf32>,
      %swap3A_254 = arith.index_cast %add3A_249 : i32 to index
      %swap3A_255 = arith.constant 16 : index
      %swap3A_256 = tpu.vector_load %arg8[%swap3A_254, %swap3A_255] {strides = array<i32>} : memref<80x128xf32, #tpu.memory_space<vmem>>, vector<1x16xf32>,
      %swap3A_257 = vector.shape_cast %swap3A_256 : vector<1x16xf32> to vector<16xf32>
      %swap3A_258 = vector.shape_cast %broadcast_in_dim3A_0 : vector<16xf32> to vector<1x16xf32>
      tpu.vector_store %arg8[%swap3A_254, %swap3A_255], %swap3A_258 {strides = array<i32>} : memref<80x128xf32, #tpu.memory_space<vmem>>, vector<1x16xf32>,
      %swap3A_259 = arith.index_cast %add3A_249 : i32 to index
      %swap3A_260 = arith.constant 32 : index
      %swap3A_261 = tpu.vector_load %arg8[%swap3A_259, %swap3A_260] {strides = array<i32>} : memref<80x128xf32, #tpu.memory_space<vmem>>, vector<1x16xf32>,
      %swap3A_262 = vector.shape_cast %swap3A_261 : vector<1x16xf32> to vector<16xf32>
      %swap3A_263 = vector.shape_cast %broadcast_in_dim3A_0 : vector<16xf32> to vector<1x16xf32>
      tpu.vector_store %arg8[%swap3A_259, %swap3A_260], %swap3A_263 {strides = array<i32>} : memref<80x128xf32, #tpu.memory_space<vmem>>, vector<1x16xf32>,
      %swap3A_264 = arith.index_cast %add3A_249 : i32 to index
      %swap3A_265 = arith.constant 48 : index
      %swap3A_266 = tpu.vector_load %arg8[%swap3A_264, %swap3A_265] {strides = array<i32>} : memref<80x128xf32, #tpu.memory_space<vmem>>, vector<1x16xf32>,
      %swap3A_267 = vector.shape_cast %swap3A_266 : vector<1x16xf32> to vector<16xf32>
      %swap3A_268 = vector.shape_cast %broadcast_in_dim3A_0 : vector<16xf32> to vector<1x16xf32>
      tpu.vector_store %arg8[%swap3A_264, %swap3A_265], %swap3A_268 {strides = array<i32>} : memref<80x128xf32, #tpu.memory_space<vmem>>, vector<1x16xf32>,
      %swap3A_269 = arith.index_cast %add3A_249 : i32 to index
      %swap3A_270 = arith.constant 64 : index
      %swap3A_271 = tpu.vector_load %arg8[%swap3A_269, %swap3A_270] {strides = array<i32>} : memref<80x128xf32, #tpu.memory_space<vmem>>, vector<1x16xf32>,
      %swap3A_272 = vector.shape_cast %swap3A_271 : vector<1x16xf32> to vector<16xf32>
      %swap3A_273 = vector.shape_cast %broadcast_in_dim3A_0 : vector<16xf32> to vector<1x16xf32>
      tpu.vector_store %arg8[%swap3A_269, %swap3A_270], %swap3A_273 {strides = array<i32>} : memref<80x128xf32, #tpu.memory_space<vmem>>, vector<1x16xf32>,
      %swap3A_274 = arith.index_cast %add3A_249 : i32 to index
      %swap3A_275 = arith.constant 80 : index
      %swap3A_276 = tpu.vector_load %arg8[%swap3A_274, %swap3A_275] {strides = array<i32>} : memref<80x128xf32, #tpu.memory_space<vmem>>, vector<1x16xf32>,
      %swap3A_277 = vector.shape_cast %swap3A_276 : vector<1x16xf32> to vector<16xf32>
      %swap3A_278 = vector.shape_cast %broadcast_in_dim3A_0 : vector<16xf32> to vector<1x16xf32>
      tpu.vector_store %arg8[%swap3A_274, %swap3A_275], %swap3A_278 {strides = array<i32>} : memref<80x128xf32, #tpu.memory_space<vmem>>, vector<1x16xf32>,
      %swap3A_279 = arith.index_cast %add3A_249 : i32 to index
      %swap3A_280 = arith.constant 96 : index
      %swap3A_281 = tpu.vector_load %arg8[%swap3A_279, %swap3A_280] {strides = array<i32>} : memref<80x128xf32, #tpu.memory_space<vmem>>, vector<1x16xf32>,
      %swap3A_282 = vector.shape_cast %swap3A_281 : vector<1x16xf32> to vector<16xf32>
      %swap3A_283 = vector.shape_cast %broadcast_in_dim3A_0 : vector<16xf32> to vector<1x16xf32>
      tpu.vector_store %arg8[%swap3A_279, %swap3A_280], %swap3A_283 {strides = array<i32>} : memref<80x128xf32, #tpu.memory_space<vmem>>, vector<1x16xf32>,
      %swap3A_284 = arith.index_cast %add3A_249 : i32 to index
      %swap3A_285 = arith.constant 112 : index
      %swap3A_286 = tpu.vector_load %arg8[%swap3A_284, %swap3A_285] {strides = array<i32>} : memref<80x128xf32, #tpu.memory_space<vmem>>, vector<1x16xf32>,
      %swap3A_287 = vector.shape_cast %swap3A_286 : vector<1x16xf32> to vector<16xf32>
      %swap3A_288 = vector.shape_cast %broadcast_in_dim3A_0 : vector<16xf32> to vector<1x16xf32>
      tpu.vector_store %arg8[%swap3A_284, %swap3A_285], %swap3A_288 {strides = array<i32>} : memref<80x128xf32, #tpu.memory_space<vmem>>, vector<1x16xf32>,
    }
    %scan3A_4 = arith.constant 80 : i32
    %mul3A = arith.constant 632 : i32
    %mul3A_5 = arith.muli %arg1, %mul3A : i32
    %add3A = arith.constant 0 : i32
    %add3A_6 = arith.addi %mul3A_5, %add3A : i32
    %dma_start3A = arith.constant 0 : i32
    %dma_start3A_7 = tpu.memref_slice %arg12[%add3A_6, %dma_start3A] : memref<10112x128xf32, #tpu.memory_space<vmem_shared>> -> memref<80x128xf32, #tpu.memory_space<vmem_shared>>
    %dma_start3A_8 = arith.constant 0 : i32
    %dma_start3A_9 = tpu.memref_slice %arg12[%add3A_6, %dma_start3A_8] : memref<10112x128xf32, #tpu.memory_space<vmem_shared>> -> memref<80x128xf32, #tpu.memory_space<vmem_shared>>
    tpu.enqueue_dma source(%arg8 : memref<80x128xf32, #tpu.memory_space<vmem>>) target(%dma_start3A_9 : memref<80x128xf32, #tpu.memory_space<vmem_shared>>) target_semaphore(%arg18 : memref<!tpu.dma_semaphore, #tpu.memory_space<semaphore_mem>>)
    %add3A_10 = arith.constant 80 : i32
    %add3A_11 = arith.addi %mul3A_5, %add3A_10 : i32
    %dma_start3A_12 = arith.constant 0 : i32
    %dma_start3A_13 = tpu.memref_slice %arg12[%add3A_11, %dma_start3A_12] : memref<10112x128xf32, #tpu.memory_space<vmem_shared>> -> memref<80x128xf32, #tpu.memory_space<vmem_shared>>
    %dma_start3A_14 = arith.constant 0 : i32
    %dma_start3A_15 = tpu.memref_slice %arg12[%add3A_11, %dma_start3A_14] : memref<10112x128xf32, #tpu.memory_space<vmem_shared>> -> memref<80x128xf32, #tpu.memory_space<vmem_shared>>
    tpu.enqueue_dma source(%arg8 : memref<80x128xf32, #tpu.memory_space<vmem>>) target(%dma_start3A_15 : memref<80x128xf32, #tpu.memory_space<vmem_shared>>) target_semaphore(%arg19 : memref<!tpu.dma_semaphore, #tpu.memory_space<semaphore_mem>>)
    %add3A_16 = arith.constant 160 : i32
    %add3A_17 = arith.addi %mul3A_5, %add3A_16 : i32
    %dma_start3A_18 = arith.constant 0 : i32
    %dma_start3A_19 = tpu.memref_slice %arg12[%add3A_17, %dma_start3A_18] : memref<10112x128xf32, #tpu.memory_space<vmem_shared>> -> memref<80x128xf32, #tpu.memory_space<vmem_shared>>
    %dma_start3A_20 = arith.constant 0 : i32
    %dma_start3A_21 = tpu.memref_slice %arg12[%add3A_17, %dma_start3A_20] : memref<10112x128xf32, #tpu.memory_space<vmem_shared>> -> memref<80x128xf32, #tpu.memory_space<vmem_shared>>
    tpu.enqueue_dma source(%arg8 : memref<80x128xf32, #tpu.memory_space<vmem>>) target(%dma_start3A_21 : memref<80x128xf32, #tpu.memory_space<vmem_shared>>) target_semaphore(%arg20 : memref<!tpu.dma_semaphore, #tpu.memory_space<semaphore_mem>>)
    %add3A_22 = arith.constant 240 : i32
    %add3A_23 = arith.addi %mul3A_5, %add3A_22 : i32
    %dma_start3A_24 = arith.constant 0 : i32
    %dma_start3A_25 = tpu.memref_slice %arg12[%add3A_23, %dma_start3A_24] : memref<10112x128xf32, #tpu.memory_space<vmem_shared>> -> memref<80x128xf32, #tpu.memory_space<vmem_shared>>
    %dma_start3A_26 = arith.constant 0 : i32
    %dma_start3A_27 = tpu.memref_slice %arg12[%add3A_23, %dma_start3A_26] : memref<10112x128xf32, #tpu.memory_space<vmem_shared>> -> memref<80x128xf32, #tpu.memory_space<vmem_shared>>
    tpu.enqueue_dma source(%arg8 : memref<80x128xf32, #tpu.memory_space<vmem>>) target(%dma_start3A_27 : memref<80x128xf32, #tpu.memory_space<vmem_shared>>) target_semaphore(%arg21 : memref<!tpu.dma_semaphore, #tpu.memory_space<semaphore_mem>>)
    %add3A_28 = arith.constant 320 : i32
    %add3A_29 = arith.addi %mul3A_5, %add3A_28 : i32
    %dma_start3A_30 = arith.constant 0 : i32
    %dma_start3A_31 = tpu.memref_slice %arg12[%add3A_29, %dma_start3A_30] : memref<10112x128xf32, #tpu.memory_space<vmem_shared>> -> memref<80x128xf32, #tpu.memory_space<vmem_shared>>
    %dma_start3A_32 = arith.constant 0 : i32
    %dma_start3A_33 = tpu.memref_slice %arg12[%add3A_29, %dma_start3A_32] : memref<10112x128xf32, #tpu.memory_space<vmem_shared>> -> memref<80x128xf32, #tpu.memory_space<vmem_shared>>
    tpu.enqueue_dma source(%arg8 : memref<80x128xf32, #tpu.memory_space<vmem>>) target(%dma_start3A_33 : memref<80x128xf32, #tpu.memory_space<vmem_shared>>) target_semaphore(%arg18 : memref<!tpu.dma_semaphore, #tpu.memory_space<semaphore_mem>>)
    %add3A_34 = arith.constant 400 : i32
    %add3A_35 = arith.addi %mul3A_5, %add3A_34 : i32
    %dma_start3A_36 = arith.constant 0 : i32
    %dma_start3A_37 = tpu.memref_slice %arg12[%add3A_35, %dma_start3A_36] : memref<10112x128xf32, #tpu.memory_space<vmem_shared>> -> memref<80x128xf32, #tpu.memory_space<vmem_shared>>
    %dma_start3A_38 = arith.constant 0 : i32
    %dma_start3A_39 = tpu.memref_slice %arg12[%add3A_35, %dma_start3A_38] : memref<10112x128xf32, #tpu.memory_space<vmem_shared>> -> memref<80x128xf32, #tpu.memory_space<vmem_shared>>
    tpu.enqueue_dma source(%arg8 : memref<80x128xf32, #tpu.memory_space<vmem>>) target(%dma_start3A_39 : memref<80x128xf32, #tpu.memory_space<vmem_shared>>) target_semaphore(%arg19 : memref<!tpu.dma_semaphore, #tpu.memory_space<semaphore_mem>>)
    %add3A_40 = arith.constant 480 : i32
    %add3A_41 = arith.addi %mul3A_5, %add3A_40 : i32
    %dma_start3A_42 = arith.constant 0 : i32
    %dma_start3A_43 = tpu.memref_slice %arg12[%add3A_41, %dma_start3A_42] : memref<10112x128xf32, #tpu.memory_space<vmem_shared>> -> memref<80x128xf32, #tpu.memory_space<vmem_shared>>
    %dma_start3A_44 = arith.constant 0 : i32
    %dma_start3A_45 = tpu.memref_slice %arg12[%add3A_41, %dma_start3A_44] : memref<10112x128xf32, #tpu.memory_space<vmem_shared>> -> memref<80x128xf32, #tpu.memory_space<vmem_shared>>
    tpu.enqueue_dma source(%arg8 : memref<80x128xf32, #tpu.memory_space<vmem>>) target(%dma_start3A_45 : memref<80x128xf32, #tpu.memory_space<vmem_shared>>) target_semaphore(%arg20 : memref<!tpu.dma_semaphore, #tpu.memory_space<semaphore_mem>>)
    %add3A_46 = arith.constant 560 : i32
    %add3A_47 = arith.addi %mul3A_5, %add3A_46 : i32
    %dma_start3A_48 = arith.constant 0 : i32
    %dma_start3A_49 = arith.constant 0 : i32
    %dma_start3A_50 = tpu.memref_slice %arg8[%dma_start3A_48, %dma_start3A_49] : memref<80x128xf32, #tpu.memory_space<vmem>> -> memref<72x128xf32, #tpu.memory_space<vmem>>
    %dma_start3A_51 = arith.constant 0 : i32
    %dma_start3A_52 = tpu.memref_slice %arg12[%add3A_47, %dma_start3A_51] : memref<10112x128xf32, #tpu.memory_space<vmem_shared>> -> memref<72x128xf32, #tpu.memory_space<vmem_shared>>
    %dma_start3A_53 = arith.constant 0 : i32
    %dma_start3A_54 = tpu.memref_slice %arg12[%add3A_47, %dma_start3A_53] : memref<10112x128xf32, #tpu.memory_space<vmem_shared>> -> memref<72x128xf32, #tpu.memory_space<vmem_shared>>
    %dma_start3A_55 = arith.constant 0 : i32
    %dma_start3A_56 = arith.constant 0 : i32
    %dma_start3A_57 = tpu.memref_slice %arg8[%dma_start3A_55, %dma_start3A_56] : memref<80x128xf32, #tpu.memory_space<vmem>> -> memref<72x128xf32, #tpu.memory_space<vmem>>
    tpu.enqueue_dma source(%dma_start3A_57 : memref<72x128xf32, #tpu.memory_space<vmem>>) target(%dma_start3A_54 : memref<72x128xf32, #tpu.memory_space<vmem_shared>>) target_semaphore(%arg18 : memref<!tpu.dma_semaphore, #tpu.memory_space<semaphore_mem>>)
    %dma_wait3A = arith.constant 0 : i32
    %dma_wait3A_58 = tpu.memref_slice %arg12[%add3A_6, %dma_wait3A] : memref<10112x128xf32, #tpu.memory_space<vmem_shared>> -> memref<80x128xf32, #tpu.memory_space<vmem_shared>>
    %dma_wait3A_59 = arith.constant 0 : i32
    %dma_wait3A_60 = tpu.memref_slice %arg12[%add3A_6, %dma_wait3A_59] : memref<10112x128xf32, #tpu.memory_space<vmem_shared>> -> memref<80x128xf32, #tpu.memory_space<vmem_shared>>
    tpu.wait_dma2 semaphore(%arg18 : memref<!tpu.dma_semaphore, #tpu.memory_space<semaphore_mem>>) src(%arg8 : memref<80x128xf32, #tpu.memory_space<vmem>>) dst(%dma_wait3A_60 : memref<80x128xf32, #tpu.memory_space<vmem_shared>>)
    %dma_wait3A_61 = arith.constant 0 : i32
    %dma_wait3A_62 = tpu.memref_slice %arg12[%add3A_11, %dma_wait3A_61] : memref<10112x128xf32, #tpu.memory_space<vmem_shared>> -> memref<80x128xf32, #tpu.memory_space<vmem_shared>>
    %dma_wait3A_63 = arith.constant 0 : i32
    %dma_wait3A_64 = tpu.memref_slice %arg12[%add3A_11, %dma_wait3A_63] : memref<10112x128xf32, #tpu.memory_space<vmem_shared>> -> memref<80x128xf32, #tpu.memory_space<vmem_shared>>
    tpu.wait_dma2 semaphore(%arg19 : memref<!tpu.dma_semaphore, #tpu.memory_space<semaphore_mem>>) src(%arg8 : memref<80x128xf32, #tpu.memory_space<vmem>>) dst(%dma_wait3A_64 : memref<80x128xf32, #tpu.memory_space<vmem_shared>>)
    %dma_wait3A_65 = arith.constant 0 : i32
    %dma_wait3A_66 = tpu.memref_slice %arg12[%add3A_17, %dma_wait3A_65] : memref<10112x128xf32, #tpu.memory_space<vmem_shared>> -> memref<80x128xf32, #tpu.memory_space<vmem_shared>>
    %dma_wait3A_67 = arith.constant 0 : i32
    %dma_wait3A_68 = tpu.memref_slice %arg12[%add3A_17, %dma_wait3A_67] : memref<10112x128xf32, #tpu.memory_space<vmem_shared>> -> memref<80x128xf32, #tpu.memory_space<vmem_shared>>
    tpu.wait_dma2 semaphore(%arg20 : memref<!tpu.dma_semaphore, #tpu.memory_space<semaphore_mem>>) src(%arg8 : memref<80x128xf32, #tpu.memory_space<vmem>>) dst(%dma_wait3A_68 : memref<80x128xf32, #tpu.memory_space<vmem_shared>>)
    %dma_wait3A_69 = arith.constant 0 : i32
    %dma_wait3A_70 = tpu.memref_slice %arg12[%add3A_23, %dma_wait3A_69] : memref<10112x128xf32, #tpu.memory_space<vmem_shared>> -> memref<80x128xf32, #tpu.memory_space<vmem_shared>>
    %dma_wait3A_71 = arith.constant 0 : i32
    %dma_wait3A_72 = tpu.memref_slice %arg12[%add3A_23, %dma_wait3A_71] : memref<10112x128xf32, #tpu.memory_space<vmem_shared>> -> memref<80x128xf32, #tpu.memory_space<vmem_shared>>
    tpu.wait_dma2 semaphore(%arg21 : memref<!tpu.dma_semaphore, #tpu.memory_space<semaphore_mem>>) src(%arg8 : memref<80x128xf32, #tpu.memory_space<vmem>>) dst(%dma_wait3A_72 : memref<80x128xf32, #tpu.memory_space<vmem_shared>>)
    %dma_wait3A_73 = arith.constant 0 : i32
    %dma_wait3A_74 = tpu.memref_slice %arg12[%add3A_29, %dma_wait3A_73] : memref<10112x128xf32, #tpu.memory_space<vmem_shared>> -> memref<80x128xf32, #tpu.memory_space<vmem_shared>>
    %dma_wait3A_75 = arith.constant 0 : i32
    %dma_wait3A_76 = tpu.memref_slice %arg12[%add3A_29, %dma_wait3A_75] : memref<10112x128xf32, #tpu.memory_space<vmem_shared>> -> memref<80x128xf32, #tpu.memory_space<vmem_shared>>
    tpu.wait_dma2 semaphore(%arg18 : memref<!tpu.dma_semaphore, #tpu.memory_space<semaphore_mem>>) src(%arg8 : memref<80x128xf32, #tpu.memory_space<vmem>>) dst(%dma_wait3A_76 : memref<80x128xf32, #tpu.memory_space<vmem_shared>>)
    %dma_wait3A_77 = arith.constant 0 : i32
    %dma_wait3A_78 = tpu.memref_slice %arg12[%add3A_35, %dma_wait3A_77] : memref<10112x128xf32, #tpu.memory_space<vmem_shared>> -> memref<80x128xf32, #tpu.memory_space<vmem_shared>>
    %dma_wait3A_79 = arith.constant 0 : i32
    %dma_wait3A_80 = tpu.memref_slice %arg12[%add3A_35, %dma_wait3A_79] : memref<10112x128xf32, #tpu.memory_space<vmem_shared>> -> memref<80x128xf32, #tpu.memory_space<vmem_shared>>
    tpu.wait_dma2 semaphore(%arg19 : memref<!tpu.dma_semaphore, #tpu.memory_space<semaphore_mem>>) src(%arg8 : memref<80x128xf32, #tpu.memory_space<vmem>>) dst(%dma_wait3A_80 : memref<80x128xf32, #tpu.memory_space<vmem_shared>>)
    %dma_wait3A_81 = arith.constant 0 : i32
    %dma_wait3A_82 = tpu.memref_slice %arg12[%add3A_41, %dma_wait3A_81] : memref<10112x128xf32, #tpu.memory_space<vmem_shared>> -> memref<80x128xf32, #tpu.memory_space<vmem_shared>>
    %dma_wait3A_83 = arith.constant 0 : i32
    %dma_wait3A_84 = tpu.memref_slice %arg12[%add3A_41, %dma_wait3A_83] : memref<10112x128xf32, #tpu.memory_space<vmem_shared>> -> memref<80x128xf32, #tpu.memory_space<vmem_shared>>
    tpu.wait_dma2 semaphore(%arg20 : memref<!tpu.dma_semaphore, #tpu.memory_space<semaphore_mem>>) src(%arg8 : memref<80x128xf32, #tpu.memory_space<vmem>>) dst(%dma_wait3A_84 : memref<80x128xf32, #tpu.memory_space<vmem_shared>>)
    %dma_wait3A_85 = arith.constant 0 : i32
    %dma_wait3A_86 = arith.constant 0 : i32
    %dma_wait3A_87 = tpu.memref_slice %arg8[%dma_wait3A_85, %dma_wait3A_86] : memref<80x128xf32, #tpu.memory_space<vmem>> -> memref<72x128xf32, #tpu.memory_space<vmem>>
    %dma_wait3A_88 = arith.constant 0 : i32
    %dma_wait3A_89 = tpu.memref_slice %arg12[%add3A_47, %dma_wait3A_88] : memref<10112x128xf32, #tpu.memory_space<vmem_shared>> -> memref<72x128xf32, #tpu.memory_space<vmem_shared>>
    %dma_wait3A_90 = arith.constant 0 : i32
    %dma_wait3A_91 = tpu.memref_slice %arg12[%add3A_47, %dma_wait3A_90] : memref<10112x128xf32, #tpu.memory_space<vmem_shared>> -> memref<72x128xf32, #tpu.memory_space<vmem_shared>>
    %dma_wait3A_92 = arith.constant 0 : i32
    %dma_wait3A_93 = arith.constant 0 : i32
    %dma_wait3A_94 = tpu.memref_slice %arg8[%dma_wait3A_92, %dma_wait3A_93] : memref<80x128xf32, #tpu.memory_space<vmem>> -> memref<72x128xf32, #tpu.memory_space<vmem>>
    tpu.wait_dma2 semaphore(%arg18 : memref<!tpu.dma_semaphore, #tpu.memory_space<semaphore_mem>>) src(%dma_wait3A_94 : memref<72x128xf32, #tpu.memory_space<vmem>>) dst(%dma_wait3A_91 : memref<72x128xf32, #tpu.memory_space<vmem_shared>>)
    %barrier3A = arith.constant 0 : index
    tpu.barrier barrier_id(%barrier3A)
    %mul3A_95 = arith.constant 2 : i32
    %mul3A_96 = arith.muli %arg1, %mul3A_95 : i32
    %add3A_97 = arith.addi %mul3A_96, %arg0 : i32
    %mul3A_98 = arith.constant 10000 : i32
    %mul3A_99 = arith.muli %add3A_97, %mul3A_98 : i32
    %add3A_100 = arith.constant 0 : i32
    %add3A_101 = arith.addi %mul3A_99, %add3A_100 : i32
    %add3A_102 = arith.constant 0 : i32
    %add3A_103 = arith.addi %add3A_101, %add3A_102 : i32
    %add3A_104 = arith.constant 0 : i32
    %add3A_105 = arith.addi %add3A_101, %add3A_104 : i32
    %dma_start3A_106 = arith.constant 0 : i32
    %dma_start3A_107 = arith.constant 0 : i32
    %dma_start3A_108 = arith.constant 0 : i32
    %dma_start3A_109 = tpu.memref_slice %arg6[%dma_start3A_106, %dma_start3A_107, %dma_start3A_108] : memref<2x4x80xi32, #tpu.memory_space<vmem>> -> memref<1x1x80xi32, #tpu.memory_space<vmem>>
    %dma_start3A_110 = tpu.memref_squeeze %dma_start3A_109 : memref<1x1x80xi32, #tpu.memory_space<vmem>> -> memref<80xi32, #tpu.memory_space<vmem>>
    %dma_start3A_111 = tpu.memref_slice %arg3[%add3A_103] : memref<320000xi32, #tpu.memory_space<hbm>> -> memref<80xi32, #tpu.memory_space<hbm>>
    %dma_start3A_112 = arith.constant 0 : i32
    %dma_start3A_113 = tpu.memref_slice %arg6[%dma_start3A_106, %dma_start3A_107, %dma_start3A_112] : memref<2x4x80xi32, #tpu.memory_space<vmem>> -> memref<1x1x80xi32, #tpu.memory_space<vmem>>
    %dma_start3A_114 = tpu.memref_squeeze %dma_start3A_113 : memref<1x1x80xi32, #tpu.memory_space<vmem>> -> memref<80xi32, #tpu.memory_space<vmem>>
    %dma_start3A_115 = tpu.memref_slice %arg3[%add3A_103] : memref<320000xi32, #tpu.memory_space<hbm>> -> memref<80xi32, #tpu.memory_space<hbm>>
    tpu.enqueue_dma source(%dma_start3A_115 : memref<80xi32, #tpu.memory_space<hbm>>) target(%dma_start3A_114 : memref<80xi32, #tpu.memory_space<vmem>>) target_semaphore(%arg13 : memref<!tpu.dma_semaphore, #tpu.memory_space<semaphore_mem>>)
    %dma_start3A_116 = arith.constant 0 : i32
    %dma_start3A_117 = arith.constant 0 : i32
    %dma_start3A_118 = arith.constant 0 : i32
    %dma_start3A_119 = tpu.memref_slice %arg7[%dma_start3A_116, %dma_start3A_117, %dma_start3A_118] : memref<3x4x80xi32, #tpu.memory_space<vmem>> -> memref<1x1x80xi32, #tpu.memory_space<vmem>>
    %dma_start3A_120 = tpu.memref_squeeze %dma_start3A_119 : memref<1x1x80xi32, #tpu.memory_space<vmem>> -> memref<80xi32, #tpu.memory_space<vmem>>
    %dma_start3A_121 = tpu.memref_slice %arg4[%add3A_105] : memref<320000xi32, #tpu.memory_space<hbm>> -> memref<80xi32, #tpu.memory_space<hbm>>
    %dma_start3A_122 = arith.constant 0 : i32
    %dma_start3A_123 = tpu.memref_slice %arg7[%dma_start3A_116, %dma_start3A_117, %dma_start3A_122] : memref<3x4x80xi32, #tpu.memory_space<vmem>> -> memref<1x1x80xi32, #tpu.memory_space<vmem>>
    %dma_start3A_124 = tpu.memref_squeeze %dma_start3A_123 : memref<1x1x80xi32, #tpu.memory_space<vmem>> -> memref<80xi32, #tpu.memory_space<vmem>>
    %dma_start3A_125 = tpu.memref_slice %arg4[%add3A_105] : memref<320000xi32, #tpu.memory_space<hbm>> -> memref<80xi32, #tpu.memory_space<hbm>>
    tpu.enqueue_dma source(%dma_start3A_125 : memref<80xi32, #tpu.memory_space<hbm>>) target(%dma_start3A_124 : memref<80xi32, #tpu.memory_space<vmem>>) target_semaphore(%arg13 : memref<!tpu.dma_semaphore, #tpu.memory_space<semaphore_mem>>)
    %add3A_126 = arith.constant 80 : i32
    %add3A_127 = arith.addi %add3A_101, %add3A_126 : i32
    %add3A_128 = arith.constant 80 : i32
    %add3A_129 = arith.addi %add3A_101, %add3A_128 : i32
    %dma_start3A_130 = arith.constant 0 : i32
    %dma_start3A_131 = arith.constant 1 : i32
    %dma_start3A_132 = arith.constant 0 : i32
    %dma_start3A_133 = tpu.memref_slice %arg6[%dma_start3A_130, %dma_start3A_131, %dma_start3A_132] : memref<2x4x80xi32, #tpu.memory_space<vmem>> -> memref<1x1x80xi32, #tpu.memory_space<vmem>>
    %dma_start3A_134 = tpu.memref_squeeze %dma_start3A_133 : memref<1x1x80xi32, #tpu.memory_space<vmem>> -> memref<80xi32, #tpu.memory_space<vmem>>
    %dma_start3A_135 = tpu.memref_slice %arg3[%add3A_127] : memref<320000xi32, #tpu.memory_space<hbm>> -> memref<80xi32, #tpu.memory_space<hbm>>
    %dma_start3A_136 = arith.constant 0 : i32
    %dma_start3A_137 = tpu.memref_slice %arg6[%dma_start3A_130, %dma_start3A_131, %dma_start3A_136] : memref<2x4x80xi32, #tpu.memory_space<vmem>> -> memref<1x1x80xi32, #tpu.memory_space<vmem>>
    %dma_start3A_138 = tpu.memref_squeeze %dma_start3A_137 : memref<1x1x80xi32, #tpu.memory_space<vmem>> -> memref<80xi32, #tpu.memory_space<vmem>>
    %dma_start3A_139 = tpu.memref_slice %arg3[%add3A_127] : memref<320000xi32, #tpu.memory_space<hbm>> -> memref<80xi32, #tpu.memory_space<hbm>>
    tpu.enqueue_dma source(%dma_start3A_139 : memref<80xi32, #tpu.memory_space<hbm>>) target(%dma_start3A_138 : memref<80xi32, #tpu.memory_space<vmem>>) target_semaphore(%arg13 : memref<!tpu.dma_semaphore, #tpu.memory_space<semaphore_mem>>)
    %dma_start3A_140 = arith.constant 0 : i32
    %dma_start3A_141 = arith.constant 1 : i32
    %dma_start3A_142 = arith.constant 0 : i32
    %dma_start3A_143 = tpu.memref_slice %arg7[%dma_start3A_140, %dma_start3A_141, %dma_start3A_142] : memref<3x4x80xi32, #tpu.memory_space<vmem>> -> memref<1x1x80xi32, #tpu.memory_space<vmem>>
    %dma_start3A_144 = tpu.memref_squeeze %dma_start3A_143 : memref<1x1x80xi32, #tpu.memory_space<vmem>> -> memref<80xi32, #tpu.memory_space<vmem>>
    %dma_start3A_145 = tpu.memref_slice %arg4[%add3A_129] : memref<320000xi32, #tpu.memory_space<hbm>> -> memref<80xi32, #tpu.memory_space<hbm>>
    %dma_start3A_146 = arith.constant 0 : i32
    %dma_start3A_147 = tpu.memref_slice %arg7[%dma_start3A_140, %dma_start3A_141, %dma_start3A_146] : memref<3x4x80xi32, #tpu.memory_space<vmem>> -> memref<1x1x80xi32, #tpu.memory_space<vmem>>
    %dma_start3A_148 = tpu.memref_squeeze %dma_start3A_147 : memref<1x1x80xi32, #tpu.memory_space<vmem>> -> memref<80xi32, #tpu.memory_space<vmem>>
    %dma_start3A_149 = tpu.memref_slice %arg4[%add3A_129] : memref<320000xi32, #tpu.memory_space<hbm>> -> memref<80xi32, #tpu.memory_space<hbm>>
    tpu.enqueue_dma source(%dma_start3A_149 : memref<80xi32, #tpu.memory_space<hbm>>) target(%dma_start3A_148 : memref<80xi32, #tpu.memory_space<vmem>>) target_semaphore(%arg13 : memref<!tpu.dma_semaphore, #tpu.memory_space<semaphore_mem>>)
    %add3A_150 = arith.constant 160 : i32
    %add3A_151 = arith.addi %add3A_101, %add3A_150 : i32
    %add3A_152 = arith.constant 160 : i32
    %add3A_153 = arith.addi %add3A_101, %add3A_152 : i32
    %dma_start3A_154 = arith.constant 0 : i32
    %dma_start3A_155 = arith.constant 2 : i32
    %dma_start3A_156 = arith.constant 0 : i32
    %dma_start3A_157 = tpu.memref_slice %arg6[%dma_start3A_154, %dma_start3A_155, %dma_start3A_156] : memref<2x4x80xi32, #tpu.memory_space<vmem>> -> memref<1x1x80xi32, #tpu.memory_space<vmem>>
    %dma_start3A_158 = tpu.memref_squeeze %dma_start3A_157 : memref<1x1x80xi32, #tpu.memory_space<vmem>> -> memref<80xi32, #tpu.memory_space<vmem>>
    %dma_start3A_159 = tpu.memref_slice %arg3[%add3A_151] : memref<320000xi32, #tpu.memory_space<hbm>> -> memref<80xi32, #tpu.memory_space<hbm>>
    %dma_start3A_160 = arith.constant 0 : i32
    %dma_start3A_161 = tpu.memref_slice %arg6[%dma_start3A_154, %dma_start3A_155, %dma_start3A_160] : memref<2x4x80xi32, #tpu.memory_space<vmem>> -> memref<1x1x80xi32, #tpu.memory_space<vmem>>
    %dma_start3A_162 = tpu.memref_squeeze %dma_start3A_161 : memref<1x1x80xi32, #tpu.memory_space<vmem>> -> memref<80xi32, #tpu.memory_space<vmem>>
    %dma_start3A_163 = tpu.memref_slice %arg3[%add3A_151] : memref<320000xi32, #tpu.memory_space<hbm>> -> memref<80xi32, #tpu.memory_space<hbm>>
    tpu.enqueue_dma source(%dma_start3A_163 : memref<80xi32, #tpu.memory_space<hbm>>) target(%dma_start3A_162 : memref<80xi32, #tpu.memory_space<vmem>>) target_semaphore(%arg13 : memref<!tpu.dma_semaphore, #tpu.memory_space<semaphore_mem>>)
    %dma_start3A_164 = arith.constant 0 : i32
    %dma_start3A_165 = arith.constant 2 : i32
    %dma_start3A_166 = arith.constant 0 : i32
    %dma_start3A_167 = tpu.memref_slice %arg7[%dma_start3A_164, %dma_start3A_165, %dma_start3A_166] : memref<3x4x80xi32, #tpu.memory_space<vmem>> -> memref<1x1x80xi32, #tpu.memory_space<vmem>>
    %dma_start3A_168 = tpu.memref_squeeze %dma_start3A_167 : memref<1x1x80xi32, #tpu.memory_space<vmem>> -> memref<80xi32, #tpu.memory_space<vmem>>
    %dma_start3A_169 = tpu.memref_slice %arg4[%add3A_153] : memref<320000xi32, #tpu.memory_space<hbm>> -> memref<80xi32, #tpu.memory_space<hbm>>
    %dma_start3A_170 = arith.constant 0 : i32
    %dma_start3A_171 = tpu.memref_slice %arg7[%dma_start3A_164, %dma_start3A_165, %dma_start3A_170] : memref<3x4x80xi32, #tpu.memory_space<vmem>> -> memref<1x1x80xi32, #tpu.memory_space<vmem>>
    %dma_start3A_172 = tpu.memref_squeeze %dma_start3A_171 : memref<1x1x80xi32, #tpu.memory_space<vmem>> -> memref<80xi32, #tpu.memory_space<vmem>>
    %dma_start3A_173 = tpu.memref_slice %arg4[%add3A_153] : memref<320000xi32, #tpu.memory_space<hbm>> -> memref<80xi32, #tpu.memory_space<hbm>>
    tpu.enqueue_dma source(%dma_start3A_173 : memref<80xi32, #tpu.memory_space<hbm>>) target(%dma_start3A_172 : memref<80xi32, #tpu.memory_space<vmem>>) target_semaphore(%arg13 : memref<!tpu.dma_semaphore, #tpu.memory_space<semaphore_mem>>)
    %add3A_174 = arith.constant 240 : i32
    %add3A_175 = arith.addi %add3A_101, %add3A_174 : i32
    %add3A_176 = arith.constant 240 : i32
    %add3A_177 = arith.addi %add3A_101, %add3A_176 : i32
    %dma_start3A_178 = arith.constant 0 : i32
    %dma_start3A_179 = arith.constant 3 : i32
    %dma_start3A_180 = arith.constant 0 : i32
    %dma_start3A_181 = tpu.memref_slice %arg6[%dma_start3A_178, %dma_start3A_179, %dma_start3A_180] : memref<2x4x80xi32, #tpu.memory_space<vmem>> -> memref<1x1x80xi32, #tpu.memory_space<vmem>>
    %dma_start3A_182 = tpu.memref_squeeze %dma_start3A_181 : memref<1x1x80xi32, #tpu.memory_space<vmem>> -> memref<80xi32, #tpu.memory_space<vmem>>
    %dma_start3A_183 = tpu.memref_slice %arg3[%add3A_175] : memref<320000xi32, #tpu.memory_space<hbm>> -> memref<80xi32, #tpu.memory_space<hbm>>
    %dma_start3A_184 = arith.constant 0 : i32
    %dma_start3A_185 = tpu.memref_slice %arg6[%dma_start3A_178, %dma_start3A_179, %dma_start3A_184] : memref<2x4x80xi32, #tpu.memory_space<vmem>> -> memref<1x1x80xi32, #tpu.memory_space<vmem>>
    %dma_start3A_186 = tpu.memref_squeeze %dma_start3A_185 : memref<1x1x80xi32, #tpu.memory_space<vmem>> -> memref<80xi32, #tpu.memory_space<vmem>>
    %dma_start3A_187 = tpu.memref_slice %arg3[%add3A_175] : memref<320000xi32, #tpu.memory_space<hbm>> -> memref<80xi32, #tpu.memory_space<hbm>>
    tpu.enqueue_dma source(%dma_start3A_187 : memref<80xi32, #tpu.memory_space<hbm>>) target(%dma_start3A_186 : memref<80xi32, #tpu.memory_space<vmem>>) target_semaphore(%arg13 : memref<!tpu.dma_semaphore, #tpu.memory_space<semaphore_mem>>)
    %dma_start3A_188 = arith.constant 0 : i32
    %dma_start3A_189 = arith.constant 3 : i32
    %dma_start3A_190 = arith.constant 0 : i32
    %dma_start3A_191 = tpu.memref_slice %arg7[%dma_start3A_188, %dma_start3A_189, %dma_start3A_190] : memref<3x4x80xi32, #tpu.memory_space<vmem>> -> memref<1x1x80xi32, #tpu.memory_space<vmem>>
    %dma_start3A_192 = tpu.memref_squeeze %dma_start3A_191 : memref<1x1x80xi32, #tpu.memory_space<vmem>> -> memref<80xi32, #tpu.memory_space<vmem>>
    %dma_start3A_193 = tpu.memref_slice %arg4[%add3A_177] : memref<320000xi32, #tpu.memory_space<hbm>> -> memref<80xi32, #tpu.memory_space<hbm>>
    %dma_start3A_194 = arith.constant 0 : i32
    %dma_start3A_195 = tpu.memref_slice %arg7[%dma_start3A_188, %dma_start3A_189, %dma_start3A_194] : memref<3x4x80xi32, #tpu.memory_space<vmem>> -> memref<1x1x80xi32, #tpu.memory_space<vmem>>
    %dma_start3A_196 = tpu.memref_squeeze %dma_start3A_195 : memref<1x1x80xi32, #tpu.memory_space<vmem>> -> memref<80xi32, #tpu.memory_space<vmem>>
    %dma_start3A_197 = tpu.memref_slice %arg4[%add3A_177] : memref<320000xi32, #tpu.memory_space<hbm>> -> memref<80xi32, #tpu.memory_space<hbm>>
    tpu.enqueue_dma source(%dma_start3A_197 : memref<80xi32, #tpu.memory_space<hbm>>) target(%dma_start3A_196 : memref<80xi32, #tpu.memory_space<vmem>>) target_semaphore(%arg13 : memref<!tpu.dma_semaphore, #tpu.memory_space<semaphore_mem>>)
    %scan3A_198 = arith.constant 0 : i32
    %scan3A_199 = arith.constant 31 : i32
    %scan3A_200 = arith.addi %scan3A_198, %scan3A_199 : i32
    %scan3A_201 = arith.constant 1 : i32
    scf.for %scan3A_245 = %scan3A_198 to %scan3A_200 step %scan3A_201  : i32 {
      %mul3A_246 = arith.constant 1 : i32
      %mul3A_247 = arith.muli %scan3A_245, %mul3A_246 : i32
      %add3A_248 = arith.constant 0 : i32
      %add3A_249 = arith.addi %add3A_248, %mul3A_247 : i32
      %rem3A = arith.constant 2 : i32
      %rem3A_250 = arith.remsi %add3A_249, %rem3A : i32
      %rem3A_251 = arith.constant 3 : i32
      %rem3A_252 = arith.remsi %add3A_249, %rem3A_251 : i32
      %lt3A = arith.constant 30 : i32
      %lt3A_253 = arith.cmpi slt, %add3A_249, %lt3A : i32
      %convert_element_type3A = arith.extui %lt3A_253 : i1 to i32
      %cond3A = arith.constant 0 : i32
      %cond3A_254 = arith.cmpi ne, %convert_element_type3A, %cond3A : i32
      scf.if %cond3A_254 {
        %add3A_453 = arith.constant 1 : i32
        %add3A_454 = arith.addi %add3A_249, %add3A_453 : i32
        %add3A_455 = arith.constant 1 : i32
        %add3A_456 = arith.addi %add3A_249, %add3A_455 : i32
        %rem3A_457 = arith.constant 2 : i32
        %rem3A_458 = arith.remsi %add3A_456, %rem3A_457 : i32
        %add3A_459 = arith.constant 1 : i32
        %add3A_460 = arith.addi %add3A_249, %add3A_459 : i32
        %rem3A_461 = arith.constant 3 : i32
        %rem3A_462 = arith.remsi %add3A_460, %rem3A_461 : i32
        %mul3A_463 = arith.constant 320 : i32
        %mul3A_464 = arith.muli %add3A_454, %mul3A_463 : i32
        %add3A_465 = arith.addi %mul3A_99, %mul3A_464 : i32
        %add3A_466 = arith.constant 0 : i32
        %add3A_467 = arith.addi %add3A_465, %add3A_466 : i32
        %add3A_468 = arith.constant 0 : i32
        %add3A_469 = arith.addi %add3A_465, %add3A_468 : i32
        %dma_start3A_470 = arith.constant 0 : i32
        %dma_start3A_471 = arith.constant 0 : i32
        %dma_start3A_472 = tpu.memref_slice %arg6[%rem3A_458, %dma_start3A_470, %dma_start3A_471] : memref<2x4x80xi32, #tpu.memory_space<vmem>> -> memref<1x1x80xi32, #tpu.memory_space<vmem>>
        %dma_start3A_473 = tpu.memref_squeeze %dma_start3A_472 : memref<1x1x80xi32, #tpu.memory_space<vmem>> -> memref<80xi32, #tpu.memory_space<vmem>>
        %dma_start3A_474 = tpu.memref_slice %arg3[%add3A_467] : memref<320000xi32, #tpu.memory_space<hbm>> -> memref<80xi32, #tpu.memory_space<hbm>>
        %dma_start3A_475 = arith.constant 0 : i32
        %dma_start3A_476 = tpu.memref_slice %arg6[%rem3A_458, %dma_start3A_470, %dma_start3A_475] : memref<2x4x80xi32, #tpu.memory_space<vmem>> -> memref<1x1x80xi32, #tpu.memory_space<vmem>>
        %dma_start3A_477 = tpu.memref_squeeze %dma_start3A_476 : memref<1x1x80xi32, #tpu.memory_space<vmem>> -> memref<80xi32, #tpu.memory_space<vmem>>
        %dma_start3A_478 = tpu.memref_slice %arg3[%add3A_467] : memref<320000xi32, #tpu.memory_space<hbm>> -> memref<80xi32, #tpu.memory_space<hbm>>
        tpu.enqueue_dma source(%dma_start3A_478 : memref<80xi32, #tpu.memory_space<hbm>>) target(%dma_start3A_477 : memref<80xi32, #tpu.memory_space<vmem>>) target_semaphore(%arg13 : memref<!tpu.dma_semaphore, #tpu.memory_space<semaphore_mem>>)
        %dma_start3A_479 = arith.constant 0 : i32
        %dma_start3A_480 = arith.constant 0 : i32
        %dma_start3A_481 = tpu.memref_slice %arg7[%rem3A_462, %dma_start3A_479, %dma_start3A_480] : memref<3x4x80xi32, #tpu.memory_space<vmem>> -> memref<1x1x80xi32, #tpu.memory_space<vmem>>
        %dma_start3A_482 = tpu.memref_squeeze %dma_start3A_481 : memref<1x1x80xi32, #tpu.memory_space<vmem>> -> memref<80xi32, #tpu.memory_space<vmem>>
        %dma_start3A_483 = tpu.memref_slice %arg4[%add3A_469] : memref<320000xi32, #tpu.memory_space<hbm>> -> memref<80xi32, #tpu.memory_space<hbm>>
        %dma_start3A_484 = arith.constant 0 : i32
        %dma_start3A_485 = tpu.memref_slice %arg7[%rem3A_462, %dma_start3A_479, %dma_start3A_484] : memref<3x4x80xi32, #tpu.memory_space<vmem>> -> memref<1x1x80xi32, #tpu.memory_space<vmem>>
        %dma_start3A_486 = tpu.memref_squeeze %dma_start3A_485 : memref<1x1x80xi32, #tpu.memory_space<vmem>> -> memref<80xi32, #tpu.memory_space<vmem>>
        %dma_start3A_487 = tpu.memref_slice %arg4[%add3A_469] : memref<320000xi32, #tpu.memory_space<hbm>> -> memref<80xi32, #tpu.memory_space<hbm>>
        tpu.enqueue_dma source(%dma_start3A_487 : memref<80xi32, #tpu.memory_space<hbm>>) target(%dma_start3A_486 : memref<80xi32, #tpu.memory_space<vmem>>) target_semaphore(%arg13 : memref<!tpu.dma_semaphore, #tpu.memory_space<semaphore_mem>>)
        %add3A_488 = arith.constant 80 : i32
        %add3A_489 = arith.addi %add3A_465, %add3A_488 : i32
        %add3A_490 = arith.constant 80 : i32
        %add3A_491 = arith.addi %add3A_465, %add3A_490 : i32
        %dma_start3A_492 = arith.constant 1 : i32
        %dma_start3A_493 = arith.constant 0 : i32
        %dma_start3A_494 = tpu.memref_slice %arg6[%rem3A_458, %dma_start3A_492, %dma_start3A_493] : memref<2x4x80xi32, #tpu.memory_space<vmem>> -> memref<1x1x80xi32, #tpu.memory_space<vmem>>
        %dma_start3A_495 = tpu.memref_squeeze %dma_start3A_494 : memref<1x1x80xi32, #tpu.memory_space<vmem>> -> memref<80xi32, #tpu.memory_space<vmem>>
        %dma_start3A_496 = tpu.memref_slice %arg3[%add3A_489] : memref<320000xi32, #tpu.memory_space<hbm>> -> memref<80xi32, #tpu.memory_space<hbm>>
        %dma_start3A_497 = arith.constant 0 : i32
        %dma_start3A_498 = tpu.memref_slice %arg6[%rem3A_458, %dma_start3A_492, %dma_start3A_497] : memref<2x4x80xi32, #tpu.memory_space<vmem>> -> memref<1x1x80xi32, #tpu.memory_space<vmem>>
        %dma_start3A_499 = tpu.memref_squeeze %dma_start3A_498 : memref<1x1x80xi32, #tpu.memory_space<vmem>> -> memref<80xi32, #tpu.memory_space<vmem>>
        %dma_start3A_500 = tpu.memref_slice %arg3[%add3A_489] : memref<320000xi32, #tpu.memory_space<hbm>> -> memref<80xi32, #tpu.memory_space<hbm>>
        tpu.enqueue_dma source(%dma_start3A_500 : memref<80xi32, #tpu.memory_space<hbm>>) target(%dma_start3A_499 : memref<80xi32, #tpu.memory_space<vmem>>) target_semaphore(%arg13 : memref<!tpu.dma_semaphore, #tpu.memory_space<semaphore_mem>>)
        %dma_start3A_501 = arith.constant 1 : i32
        %dma_start3A_502 = arith.constant 0 : i32
        %dma_start3A_503 = tpu.memref_slice %arg7[%rem3A_462, %dma_start3A_501, %dma_start3A_502] : memref<3x4x80xi32, #tpu.memory_space<vmem>> -> memref<1x1x80xi32, #tpu.memory_space<vmem>>
        %dma_start3A_504 = tpu.memref_squeeze %dma_start3A_503 : memref<1x1x80xi32, #tpu.memory_space<vmem>> -> memref<80xi32, #tpu.memory_space<vmem>>
        %dma_start3A_505 = tpu.memref_slice %arg4[%add3A_491] : memref<320000xi32, #tpu.memory_space<hbm>> -> memref<80xi32, #tpu.memory_space<hbm>>
        %dma_start3A_506 = arith.constant 0 : i32
        %dma_start3A_507 = tpu.memref_slice %arg7[%rem3A_462, %dma_start3A_501, %dma_start3A_506] : memref<3x4x80xi32, #tpu.memory_space<vmem>> -> memref<1x1x80xi32, #tpu.memory_space<vmem>>
        %dma_start3A_508 = tpu.memref_squeeze %dma_start3A_507 : memref<1x1x80xi32, #tpu.memory_space<vmem>> -> memref<80xi32, #tpu.memory_space<vmem>>
        %dma_start3A_509 = tpu.memref_slice %arg4[%add3A_491] : memref<320000xi32, #tpu.memory_space<hbm>> -> memref<80xi32, #tpu.memory_space<hbm>>
        tpu.enqueue_dma source(%dma_start3A_509 : memref<80xi32, #tpu.memory_space<hbm>>) target(%dma_start3A_508 : memref<80xi32, #tpu.memory_space<vmem>>) target_semaphore(%arg13 : memref<!tpu.dma_semaphore, #tpu.memory_space<semaphore_mem>>)
        %add3A_510 = arith.constant 160 : i32
        %add3A_511 = arith.addi %add3A_465, %add3A_510 : i32
        %add3A_512 = arith.constant 160 : i32
        %add3A_513 = arith.addi %add3A_465, %add3A_512 : i32
        %dma_start3A_514 = arith.constant 2 : i32
        %dma_start3A_515 = arith.constant 0 : i32
        %dma_start3A_516 = tpu.memref_slice %arg6[%rem3A_458, %dma_start3A_514, %dma_start3A_515] : memref<2x4x80xi32, #tpu.memory_space<vmem>> -> memref<1x1x80xi32, #tpu.memory_space<vmem>>
        %dma_start3A_517 = tpu.memref_squeeze %dma_start3A_516 : memref<1x1x80xi32, #tpu.memory_space<vmem>> -> memref<80xi32, #tpu.memory_space<vmem>>
        %dma_start3A_518 = tpu.memref_slice %arg3[%add3A_511] : memref<320000xi32, #tpu.memory_space<hbm>> -> memref<80xi32, #tpu.memory_space<hbm>>
        %dma_start3A_519 = arith.constant 0 : i32
        %dma_start3A_520 = tpu.memref_slice %arg6[%rem3A_458, %dma_start3A_514, %dma_start3A_519] : memref<2x4x80xi32, #tpu.memory_space<vmem>> -> memref<1x1x80xi32, #tpu.memory_space<vmem>>
        %dma_start3A_521 = tpu.memref_squeeze %dma_start3A_520 : memref<1x1x80xi32, #tpu.memory_space<vmem>> -> memref<80xi32, #tpu.memory_space<vmem>>
        %dma_start3A_522 = tpu.memref_slice %arg3[%add3A_511] : memref<320000xi32, #tpu.memory_space<hbm>> -> memref<80xi32, #tpu.memory_space<hbm>>
        tpu.enqueue_dma source(%dma_start3A_522 : memref<80xi32, #tpu.memory_space<hbm>>) target(%dma_start3A_521 : memref<80xi32, #tpu.memory_space<vmem>>) target_semaphore(%arg13 : memref<!tpu.dma_semaphore, #tpu.memory_space<semaphore_mem>>)
        %dma_start3A_523 = arith.constant 2 : i32
        %dma_start3A_524 = arith.constant 0 : i32
        %dma_start3A_525 = tpu.memref_slice %arg7[%rem3A_462, %dma_start3A_523, %dma_start3A_524] : memref<3x4x80xi32, #tpu.memory_space<vmem>> -> memref<1x1x80xi32, #tpu.memory_space<vmem>>
        %dma_start3A_526 = tpu.memref_squeeze %dma_start3A_525 : memref<1x1x80xi32, #tpu.memory_space<vmem>> -> memref<80xi32, #tpu.memory_space<vmem>>
        %dma_start3A_527 = tpu.memref_slice %arg4[%add3A_513] : memref<320000xi32, #tpu.memory_space<hbm>> -> memref<80xi32, #tpu.memory_space<hbm>>
        %dma_start3A_528 = arith.constant 0 : i32
        %dma_start3A_529 = tpu.memref_slice %arg7[%rem3A_462, %dma_start3A_523, %dma_start3A_528] : memref<3x4x80xi32, #tpu.memory_space<vmem>> -> memref<1x1x80xi32, #tpu.memory_space<vmem>>
        %dma_start3A_530 = tpu.memref_squeeze %dma_start3A_529 : memref<1x1x80xi32, #tpu.memory_space<vmem>> -> memref<80xi32, #tpu.memory_space<vmem>>
        %dma_start3A_531 = tpu.memref_slice %arg4[%add3A_513] : memref<320000xi32, #tpu.memory_space<hbm>> -> memref<80xi32, #tpu.memory_space<hbm>>
        tpu.enqueue_dma source(%dma_start3A_531 : memref<80xi32, #tpu.memory_space<hbm>>) target(%dma_start3A_530 : memref<80xi32, #tpu.memory_space<vmem>>) target_semaphore(%arg13 : memref<!tpu.dma_semaphore, #tpu.memory_space<semaphore_mem>>)
        %add3A_532 = arith.constant 240 : i32
        %add3A_533 = arith.addi %add3A_465, %add3A_532 : i32
        %add3A_534 = arith.constant 240 : i32
        %add3A_535 = arith.addi %add3A_465, %add3A_534 : i32
        %dma_start3A_536 = arith.constant 3 : i32
        %dma_start3A_537 = arith.constant 0 : i32
        %dma_start3A_538 = tpu.memref_slice %arg6[%rem3A_458, %dma_start3A_536, %dma_start3A_537] : memref<2x4x80xi32, #tpu.memory_space<vmem>> -> memref<1x1x80xi32, #tpu.memory_space<vmem>>
        %dma_start3A_539 = tpu.memref_squeeze %dma_start3A_538 : memref<1x1x80xi32, #tpu.memory_space<vmem>> -> memref<80xi32, #tpu.memory_space<vmem>>
        %dma_start3A_540 = tpu.memref_slice %arg3[%add3A_533] : memref<320000xi32, #tpu.memory_space<hbm>> -> memref<80xi32, #tpu.memory_space<hbm>>
        %dma_start3A_541 = arith.constant 0 : i32
        %dma_start3A_542 = tpu.memref_slice %arg6[%rem3A_458, %dma_start3A_536, %dma_start3A_541] : memref<2x4x80xi32, #tpu.memory_space<vmem>> -> memref<1x1x80xi32, #tpu.memory_space<vmem>>
        %dma_start3A_543 = tpu.memref_squeeze %dma_start3A_542 : memref<1x1x80xi32, #tpu.memory_space<vmem>> -> memref<80xi32, #tpu.memory_space<vmem>>
        %dma_start3A_544 = tpu.memref_slice %arg3[%add3A_533] : memref<320000xi32, #tpu.memory_space<hbm>> -> memref<80xi32, #tpu.memory_space<hbm>>
        tpu.enqueue_dma source(%dma_start3A_544 : memref<80xi32, #tpu.memory_space<hbm>>) target(%dma_start3A_543 : memref<80xi32, #tpu.memory_space<vmem>>) target_semaphore(%arg13 : memref<!tpu.dma_semaphore, #tpu.memory_space<semaphore_mem>>)
        %dma_start3A_545 = arith.constant 3 : i32
        %dma_start3A_546 = arith.constant 0 : i32
        %dma_start3A_547 = tpu.memref_slice %arg7[%rem3A_462, %dma_start3A_545, %dma_start3A_546] : memref<3x4x80xi32, #tpu.memory_space<vmem>> -> memref<1x1x80xi32, #tpu.memory_space<vmem>>
        %dma_start3A_548 = tpu.memref_squeeze %dma_start3A_547 : memref<1x1x80xi32, #tpu.memory_space<vmem>> -> memref<80xi32, #tpu.memory_space<vmem>>
        %dma_start3A_549 = tpu.memref_slice %arg4[%add3A_535] : memref<320000xi32, #tpu.memory_space<hbm>> -> memref<80xi32, #tpu.memory_space<hbm>>
        %dma_start3A_550 = arith.constant 0 : i32
        %dma_start3A_551 = tpu.memref_slice %arg7[%rem3A_462, %dma_start3A_545, %dma_start3A_550] : memref<3x4x80xi32, #tpu.memory_space<vmem>> -> memref<1x1x80xi32, #tpu.memory_space<vmem>>
        %dma_start3A_552 = tpu.memref_squeeze %dma_start3A_551 : memref<1x1x80xi32, #tpu.memory_space<vmem>> -> memref<80xi32, #tpu.memory_space<vmem>>
        %dma_start3A_553 = tpu.memref_slice %arg4[%add3A_535] : memref<320000xi32, #tpu.memory_space<hbm>> -> memref<80xi32, #tpu.memory_space<hbm>>
        tpu.enqueue_dma source(%dma_start3A_553 : memref<80xi32, #tpu.memory_space<hbm>>) target(%dma_start3A_552 : memref<80xi32, #tpu.memory_space<vmem>>) target_semaphore(%arg13 : memref<!tpu.dma_semaphore, #tpu.memory_space<semaphore_mem>>)
      } else {
      }
      %mul3A_255 = arith.constant 320 : i32
      %mul3A_256 = arith.muli %add3A_249, %mul3A_255 : i32
      %add3A_257 = arith.addi %mul3A_99, %mul3A_256 : i32
      %add3A_258 = arith.constant 0 : i32
      %add3A_259 = arith.addi %add3A_257, %add3A_258 : i32
      %add3A_260 = arith.constant 0 : i32
      %add3A_261 = arith.addi %add3A_257, %add3A_260 : i32
      %dma_wait3A_262 = arith.constant 0 : i32
      %dma_wait3A_263 = arith.constant 0 : i32
      %dma_wait3A_264 = tpu.memref_slice %arg6[%rem3A_250, %dma_wait3A_262, %dma_wait3A_263] : memref<2x4x80xi32, #tpu.memory_space<vmem>> -> memref<1x1x80xi32, #tpu.memory_space<vmem>>
      %dma_wait3A_265 = tpu.memref_squeeze %dma_wait3A_264 : memref<1x1x80xi32, #tpu.memory_space<vmem>> -> memref<80xi32, #tpu.memory_space<vmem>>
      %dma_wait3A_266 = tpu.memref_slice %arg3[%add3A_259] : memref<320000xi32, #tpu.memory_space<hbm>> -> memref<80xi32, #tpu.memory_space<hbm>>
      %dma_wait3A_267 = arith.constant 0 : i32
      %dma_wait3A_268 = tpu.memref_slice %arg6[%rem3A_250, %dma_wait3A_262, %dma_wait3A_267] : memref<2x4x80xi32, #tpu.memory_space<vmem>> -> memref<1x1x80xi32, #tpu.memory_space<vmem>>
      %dma_wait3A_269 = tpu.memref_squeeze %dma_wait3A_268 : memref<1x1x80xi32, #tpu.memory_space<vmem>> -> memref<80xi32, #tpu.memory_space<vmem>>
      %dma_wait3A_270 = tpu.memref_slice %arg3[%add3A_259] : memref<320000xi32, #tpu.memory_space<hbm>> -> memref<80xi32, #tpu.memory_space<hbm>>
      tpu.wait_dma2 semaphore(%arg13 : memref<!tpu.dma_semaphore, #tpu.memory_space<semaphore_mem>>) src(%dma_wait3A_270 : memref<80xi32, #tpu.memory_space<hbm>>) dst(%dma_wait3A_269 : memref<80xi32, #tpu.memory_space<vmem>>)
      %dma_wait3A_271 = arith.constant 0 : i32
      %dma_wait3A_272 = arith.constant 0 : i32
      %dma_wait3A_273 = tpu.memref_slice %arg7[%rem3A_252, %dma_wait3A_271, %dma_wait3A_272] : memref<3x4x80xi32, #tpu.memory_space<vmem>> -> memref<1x1x80xi32, #tpu.memory_space<vmem>>
      %dma_wait3A_274 = tpu.memref_squeeze %dma_wait3A_273 : memref<1x1x80xi32, #tpu.memory_space<vmem>> -> memref<80xi32, #tpu.memory_space<vmem>>
      %dma_wait3A_275 = tpu.memref_slice %arg4[%add3A_261] : memref<320000xi32, #tpu.memory_space<hbm>> -> memref<80xi32, #tpu.memory_space<hbm>>
      %dma_wait3A_276 = arith.constant 0 : i32
      %dma_wait3A_277 = tpu.memref_slice %arg7[%rem3A_252, %dma_wait3A_271, %dma_wait3A_276] : memref<3x4x80xi32, #tpu.memory_space<vmem>> -> memref<1x1x80xi32, #tpu.memory_space<vmem>>
      %dma_wait3A_278 = tpu.memref_squeeze %dma_wait3A_277 : memref<1x1x80xi32, #tpu.memory_space<vmem>> -> memref<80xi32, #tpu.memory_space<vmem>>
      %dma_wait3A_279 = tpu.memref_slice %arg4[%add3A_261] : memref<320000xi32, #tpu.memory_space<hbm>> -> memref<80xi32, #tpu.memory_space<hbm>>
      tpu.wait_dma2 semaphore(%arg13 : memref<!tpu.dma_semaphore, #tpu.memory_space<semaphore_mem>>) src(%dma_wait3A_279 : memref<80xi32, #tpu.memory_space<hbm>>) dst(%dma_wait3A_278 : memref<80xi32, #tpu.memory_space<vmem>>)
      %add3A_280 = arith.constant 80 : i32
      %add3A_281 = arith.addi %add3A_257, %add3A_280 : i32
      %add3A_282 = arith.constant 80 : i32
      %add3A_283 = arith.addi %add3A_257, %add3A_282 : i32
      %dma_wait3A_284 = arith.constant 1 : i32
      %dma_wait3A_285 = arith.constant 0 : i32
      %dma_wait3A_286 = tpu.memref_slice %arg6[%rem3A_250, %dma_wait3A_284, %dma_wait3A_285] : memref<2x4x80xi32, #tpu.memory_space<vmem>> -> memref<1x1x80xi32, #tpu.memory_space<vmem>>
      %dma_wait3A_287 = tpu.memref_squeeze %dma_wait3A_286 : memref<1x1x80xi32, #tpu.memory_space<vmem>> -> memref<80xi32, #tpu.memory_space<vmem>>
      %dma_wait3A_288 = tpu.memref_slice %arg3[%add3A_281] : memref<320000xi32, #tpu.memory_space<hbm>> -> memref<80xi32, #tpu.memory_space<hbm>>
      %dma_wait3A_289 = arith.constant 0 : i32
      %dma_wait3A_290 = tpu.memref_slice %arg6[%rem3A_250, %dma_wait3A_284, %dma_wait3A_289] : memref<2x4x80xi32, #tpu.memory_space<vmem>> -> memref<1x1x80xi32, #tpu.memory_space<vmem>>
      %dma_wait3A_291 = tpu.memref_squeeze %dma_wait3A_290 : memref<1x1x80xi32, #tpu.memory_space<vmem>> -> memref<80xi32, #tpu.memory_space<vmem>>
      %dma_wait3A_292 = tpu.memref_slice %arg3[%add3A_281] : memref<320000xi32, #tpu.memory_space<hbm>> -> memref<80xi32, #tpu.memory_space<hbm>>
      tpu.wait_dma2 semaphore(%arg13 : memref<!tpu.dma_semaphore, #tpu.memory_space<semaphore_mem>>) src(%dma_wait3A_292 : memref<80xi32, #tpu.memory_space<hbm>>) dst(%dma_wait3A_291 : memref<80xi32, #tpu.memory_space<vmem>>)
      %dma_wait3A_293 = arith.constant 1 : i32
      %dma_wait3A_294 = arith.constant 0 : i32
      %dma_wait3A_295 = tpu.memref_slice %arg7[%rem3A_252, %dma_wait3A_293, %dma_wait3A_294] : memref<3x4x80xi32, #tpu.memory_space<vmem>> -> memref<1x1x80xi32, #tpu.memory_space<vmem>>
      %dma_wait3A_296 = tpu.memref_squeeze %dma_wait3A_295 : memref<1x1x80xi32, #tpu.memory_space<vmem>> -> memref<80xi32, #tpu.memory_space<vmem>>
      %dma_wait3A_297 = tpu.memref_slice %arg4[%add3A_283] : memref<320000xi32, #tpu.memory_space<hbm>> -> memref<80xi32, #tpu.memory_space<hbm>>
      %dma_wait3A_298 = arith.constant 0 : i32
      %dma_wait3A_299 = tpu.memref_slice %arg7[%rem3A_252, %dma_wait3A_293, %dma_wait3A_298] : memref<3x4x80xi32, #tpu.memory_space<vmem>> -> memref<1x1x80xi32, #tpu.memory_space<vmem>>
      %dma_wait3A_300 = tpu.memref_squeeze %dma_wait3A_299 : memref<1x1x80xi32, #tpu.memory_space<vmem>> -> memref<80xi32, #tpu.memory_space<vmem>>
      %dma_wait3A_301 = tpu.memref_slice %arg4[%add3A_283] : memref<320000xi32, #tpu.memory_space<hbm>> -> memref<80xi32, #tpu.memory_space<hbm>>
      tpu.wait_dma2 semaphore(%arg13 : memref<!tpu.dma_semaphore, #tpu.memory_space<semaphore_mem>>) src(%dma_wait3A_301 : memref<80xi32, #tpu.memory_space<hbm>>) dst(%dma_wait3A_300 : memref<80xi32, #tpu.memory_space<vmem>>)
      %add3A_302 = arith.constant 160 : i32
      %add3A_303 = arith.addi %add3A_257, %add3A_302 : i32
      %add3A_304 = arith.constant 160 : i32
      %add3A_305 = arith.addi %add3A_257, %add3A_304 : i32
      %dma_wait3A_306 = arith.constant 2 : i32
      %dma_wait3A_307 = arith.constant 0 : i32
      %dma_wait3A_308 = tpu.memref_slice %arg6[%rem3A_250, %dma_wait3A_306, %dma_wait3A_307] : memref<2x4x80xi32, #tpu.memory_space<vmem>> -> memref<1x1x80xi32, #tpu.memory_space<vmem>>
      %dma_wait3A_309 = tpu.memref_squeeze %dma_wait3A_308 : memref<1x1x80xi32, #tpu.memory_space<vmem>> -> memref<80xi32, #tpu.memory_space<vmem>>
      %dma_wait3A_310 = tpu.memref_slice %arg3[%add3A_303] : memref<320000xi32, #tpu.memory_space<hbm>> -> memref<80xi32, #tpu.memory_space<hbm>>
      %dma_wait3A_311 = arith.constant 0 : i32
      %dma_wait3A_312 = tpu.memref_slice %arg6[%rem3A_250, %dma_wait3A_306, %dma_wait3A_311] : memref<2x4x80xi32, #tpu.memory_space<vmem>> -> memref<1x1x80xi32, #tpu.memory_space<vmem>>
      %dma_wait3A_313 = tpu.memref_squeeze %dma_wait3A_312 : memref<1x1x80xi32, #tpu.memory_space<vmem>> -> memref<80xi32, #tpu.memory_space<vmem>>
      %dma_wait3A_314 = tpu.memref_slice %arg3[%add3A_303] : memref<320000xi32, #tpu.memory_space<hbm>> -> memref<80xi32, #tpu.memory_space<hbm>>
      tpu.wait_dma2 semaphore(%arg13 : memref<!tpu.dma_semaphore, #tpu.memory_space<semaphore_mem>>) src(%dma_wait3A_314 : memref<80xi32, #tpu.memory_space<hbm>>) dst(%dma_wait3A_313 : memref<80xi32, #tpu.memory_space<vmem>>)
      %dma_wait3A_315 = arith.constant 2 : i32
      %dma_wait3A_316 = arith.constant 0 : i32
      %dma_wait3A_317 = tpu.memref_slice %arg7[%rem3A_252, %dma_wait3A_315, %dma_wait3A_316] : memref<3x4x80xi32, #tpu.memory_space<vmem>> -> memref<1x1x80xi32, #tpu.memory_space<vmem>>
      %dma_wait3A_318 = tpu.memref_squeeze %dma_wait3A_317 : memref<1x1x80xi32, #tpu.memory_space<vmem>> -> memref<80xi32, #tpu.memory_space<vmem>>
      %dma_wait3A_319 = tpu.memref_slice %arg4[%add3A_305] : memref<320000xi32, #tpu.memory_space<hbm>> -> memref<80xi32, #tpu.memory_space<hbm>>
      %dma_wait3A_320 = arith.constant 0 : i32
      %dma_wait3A_321 = tpu.memref_slice %arg7[%rem3A_252, %dma_wait3A_315, %dma_wait3A_320] : memref<3x4x80xi32, #tpu.memory_space<vmem>> -> memref<1x1x80xi32, #tpu.memory_space<vmem>>
      %dma_wait3A_322 = tpu.memref_squeeze %dma_wait3A_321 : memref<1x1x80xi32, #tpu.memory_space<vmem>> -> memref<80xi32, #tpu.memory_space<vmem>>
      %dma_wait3A_323 = tpu.memref_slice %arg4[%add3A_305] : memref<320000xi32, #tpu.memory_space<hbm>> -> memref<80xi32, #tpu.memory_space<hbm>>
      tpu.wait_dma2 semaphore(%arg13 : memref<!tpu.dma_semaphore, #tpu.memory_space<semaphore_mem>>) src(%dma_wait3A_323 : memref<80xi32, #tpu.memory_space<hbm>>) dst(%dma_wait3A_322 : memref<80xi32, #tpu.memory_space<vmem>>)
      %add3A_324 = arith.constant 240 : i32
      %add3A_325 = arith.addi %add3A_257, %add3A_324 : i32
      %add3A_326 = arith.constant 240 : i32
      %add3A_327 = arith.addi %add3A_257, %add3A_326 : i32
      %dma_wait3A_328 = arith.constant 3 : i32
      %dma_wait3A_329 = arith.constant 0 : i32
      %dma_wait3A_330 = tpu.memref_slice %arg6[%rem3A_250, %dma_wait3A_328, %dma_wait3A_329] : memref<2x4x80xi32, #tpu.memory_space<vmem>> -> memref<1x1x80xi32, #tpu.memory_space<vmem>>
      %dma_wait3A_331 = tpu.memref_squeeze %dma_wait3A_330 : memref<1x1x80xi32, #tpu.memory_space<vmem>> -> memref<80xi32, #tpu.memory_space<vmem>>
      %dma_wait3A_332 = tpu.memref_slice %arg3[%add3A_325] : memref<320000xi32, #tpu.memory_space<hbm>> -> memref<80xi32, #tpu.memory_space<hbm>>
      %dma_wait3A_333 = arith.constant 0 : i32
      %dma_wait3A_334 = tpu.memref_slice %arg6[%rem3A_250, %dma_wait3A_328, %dma_wait3A_333] : memref<2x4x80xi32, #tpu.memory_space<vmem>> -> memref<1x1x80xi32, #tpu.memory_space<vmem>>
      %dma_wait3A_335 = tpu.memref_squeeze %dma_wait3A_334 : memref<1x1x80xi32, #tpu.memory_space<vmem>> -> memref<80xi32, #tpu.memory_space<vmem>>
      %dma_wait3A_336 = tpu.memref_slice %arg3[%add3A_325] : memref<320000xi32, #tpu.memory_space<hbm>> -> memref<80xi32, #tpu.memory_space<hbm>>
      tpu.wait_dma2 semaphore(%arg13 : memref<!tpu.dma_semaphore, #tpu.memory_space<semaphore_mem>>) src(%dma_wait3A_336 : memref<80xi32, #tpu.memory_space<hbm>>) dst(%dma_wait3A_335 : memref<80xi32, #tpu.memory_space<vmem>>)
      %dma_wait3A_337 = arith.constant 3 : i32
      %dma_wait3A_338 = arith.constant 0 : i32
      %dma_wait3A_339 = tpu.memref_slice %arg7[%rem3A_252, %dma_wait3A_337, %dma_wait3A_338] : memref<3x4x80xi32, #tpu.memory_space<vmem>> -> memref<1x1x80xi32, #tpu.memory_space<vmem>>
      %dma_wait3A_340 = tpu.memref_squeeze %dma_wait3A_339 : memref<1x1x80xi32, #tpu.memory_space<vmem>> -> memref<80xi32, #tpu.memory_space<vmem>>
      %dma_wait3A_341 = tpu.memref_slice %arg4[%add3A_327] : memref<320000xi32, #tpu.memory_space<hbm>> -> memref<80xi32, #tpu.memory_space<hbm>>
      %dma_wait3A_342 = arith.constant 0 : i32
      %dma_wait3A_343 = tpu.memref_slice %arg7[%rem3A_252, %dma_wait3A_337, %dma_wait3A_342] : memref<3x4x80xi32, #tpu.memory_space<vmem>> -> memref<1x1x80xi32, #tpu.memory_space<vmem>>
      %dma_wait3A_344 = tpu.memref_squeeze %dma_wait3A_343 : memref<1x1x80xi32, #tpu.memory_space<vmem>> -> memref<80xi32, #tpu.memory_space<vmem>>
      %dma_wait3A_345 = tpu.memref_slice %arg4[%add3A_327] : memref<320000xi32, #tpu.memory_space<hbm>> -> memref<80xi32, #tpu.memory_space<hbm>>
      tpu.wait_dma2 semaphore(%arg13 : memref<!tpu.dma_semaphore, #tpu.memory_space<semaphore_mem>>) src(%dma_wait3A_345 : memref<80xi32, #tpu.memory_space<hbm>>) dst(%dma_wait3A_344 : memref<80xi32, #tpu.memory_space<vmem>>)
      %add3A_346 = arith.constant 2 : i32
      %add3A_347 = arith.addi %add3A_249, %add3A_346 : i32
      %rem3A_348 = arith.constant 3 : i32
      %rem3A_349 = arith.remsi %add3A_347, %rem3A_348 : i32
      %gt3A = arith.constant 0 : i32
      %gt3A_350 = arith.cmpi sgt, %add3A_249, %gt3A : i32
      %convert_element_type3A_351 = arith.extui %gt3A_350 : i1 to i32
      %cond3A_352 = arith.constant 0 : i32
      %cond3A_353 = arith.cmpi ne, %convert_element_type3A_351, %cond3A_352 : i32
      scf.if %cond3A_353 {
        %dma_wait3A_453 = arith.constant 0 : i32
        %dma_wait3A_454 = arith.constant 0 : i32
        %dma_wait3A_455 = tpu.memref_slice %arg7[%rem3A_349, %dma_wait3A_453, %dma_wait3A_454] : memref<3x4x80xi32, #tpu.memory_space<vmem>> -> memref<1x1x80xi32, #tpu.memory_space<vmem>>
        %dma_wait3A_456 = tpu.memref_squeeze %dma_wait3A_455 : memref<1x1x80xi32, #tpu.memory_space<vmem>> -> memref<80xi32, #tpu.memory_space<vmem>>
        %dma_wait3A_457 = arith.constant 0 : i32
        %dma_wait3A_458 = arith.constant 0 : i32
        %dma_wait3A_459 = tpu.memref_slice %arg12[%dma_wait3A_457, %dma_wait3A_458] : memref<10112x128xf32, #tpu.memory_space<vmem_shared>> -> memref<10112x128xf32, #tpu.memory_space<vmem_shared>>
        tpu.wait_indirect_dma semaphore(%arg18 : memref<!tpu.dma_semaphore, #tpu.memory_space<semaphore_mem>>) src(%arg8 : memref<80x128xf32, #tpu.memory_space<vmem>>) dst(%dma_wait3A_459 : memref<10112x128xf32, #tpu.memory_space<vmem_shared>>)
      } else {
      }
      %dma_start3A_354 = arith.constant 0 : i32
      %dma_start3A_355 = arith.constant 0 : i32
      %dma_start3A_356 = tpu.memref_slice %arg6[%rem3A_250, %dma_start3A_354, %dma_start3A_355] : memref<2x4x80xi32, #tpu.memory_space<vmem>> -> memref<1x1x80xi32, #tpu.memory_space<vmem>>
      %dma_start3A_357 = tpu.memref_squeeze %dma_start3A_356 : memref<1x1x80xi32, #tpu.memory_space<vmem>> -> memref<80xi32, #tpu.memory_space<vmem>>
      %dma_start3A_358 = arith.constant 0 : i32
      %dma_start3A_359 = arith.constant 0 : i32
      %dma_start3A_360 = tpu.memref_slice %arg2[%dma_start3A_358, %dma_start3A_359] : memref<10000x128xf32, #tpu.memory_space<hbm>> -> memref<10000x128xf32, #tpu.memory_space<hbm>>
      tpu.enqueue_indirect_dma source(%dma_start3A_360 : memref<10000x128xf32, #tpu.memory_space<hbm>>) target(%arg8 : memref<80x128xf32, #tpu.memory_space<vmem>>) offsets(%dma_start3A_357 : memref<80xi32, #tpu.memory_space<vmem>>) semaphore(%arg14 : memref<!tpu.dma_semaphore, #tpu.memory_space<semaphore_mem>>)
      %gt3A_361 = arith.constant 0 : i32
      %gt3A_362 = arith.cmpi sgt, %add3A_249, %gt3A_361 : i32
      %convert_element_type3A_363 = arith.extui %gt3A_362 : i1 to i32
      %cond3A_364 = arith.constant 0 : i32
      %cond3A_365 = arith.cmpi ne, %convert_element_type3A_363, %cond3A_364 : i32
      scf.if %cond3A_365 {
        %dma_wait3A_453 = arith.constant 1 : i32
        %dma_wait3A_454 = arith.constant 0 : i32
        %dma_wait3A_455 = tpu.memref_slice %arg7[%rem3A_349, %dma_wait3A_453, %dma_wait3A_454] : memref<3x4x80xi32, #tpu.memory_space<vmem>> -> memref<1x1x80xi32, #tpu.memory_space<vmem>>
        %dma_wait3A_456 = tpu.memref_squeeze %dma_wait3A_455 : memref<1x1x80xi32, #tpu.memory_space<vmem>> -> memref<80xi32, #tpu.memory_space<vmem>>
        %dma_wait3A_457 = arith.constant 0 : i32
        %dma_wait3A_458 = arith.constant 0 : i32
        %dma_wait3A_459 = tpu.memref_slice %arg12[%dma_wait3A_457, %dma_wait3A_458] : memref<10112x128xf32, #tpu.memory_space<vmem_shared>> -> memref<10112x128xf32, #tpu.memory_space<vmem_shared>>
        tpu.wait_indirect_dma semaphore(%arg19 : memref<!tpu.dma_semaphore, #tpu.memory_space<semaphore_mem>>) src(%arg9 : memref<80x128xf32, #tpu.memory_space<vmem>>) dst(%dma_wait3A_459 : memref<10112x128xf32, #tpu.memory_space<vmem_shared>>)
      } else {
      }
      %dma_start3A_366 = arith.constant 1 : i32
      %dma_start3A_367 = arith.constant 0 : i32
      %dma_start3A_368 = tpu.memref_slice %arg6[%rem3A_250, %dma_start3A_366, %dma_start3A_367] : memref<2x4x80xi32, #tpu.memory_space<vmem>> -> memref<1x1x80xi32, #tpu.memory_space<vmem>>
      %dma_start3A_369 = tpu.memref_squeeze %dma_start3A_368 : memref<1x1x80xi32, #tpu.memory_space<vmem>> -> memref<80xi32, #tpu.memory_space<vmem>>
      %dma_start3A_370 = arith.constant 0 : i32
      %dma_start3A_371 = arith.constant 0 : i32
      %dma_start3A_372 = tpu.memref_slice %arg2[%dma_start3A_370, %dma_start3A_371] : memref<10000x128xf32, #tpu.memory_space<hbm>> -> memref<10000x128xf32, #tpu.memory_space<hbm>>
      tpu.enqueue_indirect_dma source(%dma_start3A_372 : memref<10000x128xf32, #tpu.memory_space<hbm>>) target(%arg9 : memref<80x128xf32, #tpu.memory_space<vmem>>) offsets(%dma_start3A_369 : memref<80xi32, #tpu.memory_space<vmem>>) semaphore(%arg15 : memref<!tpu.dma_semaphore, #tpu.memory_space<semaphore_mem>>)
      %gt3A_373 = arith.constant 0 : i32
      %gt3A_374 = arith.cmpi sgt, %add3A_249, %gt3A_373 : i32
      %convert_element_type3A_375 = arith.extui %gt3A_374 : i1 to i32
      %cond3A_376 = arith.constant 0 : i32
      %cond3A_377 = arith.cmpi ne, %convert_element_type3A_375, %cond3A_376 : i32
      scf.if %cond3A_377 {
        %dma_wait3A_453 = arith.constant 2 : i32
        %dma_wait3A_454 = arith.constant 0 : i32
        %dma_wait3A_455 = tpu.memref_slice %arg7[%rem3A_349, %dma_wait3A_453, %dma_wait3A_454] : memref<3x4x80xi32, #tpu.memory_space<vmem>> -> memref<1x1x80xi32, #tpu.memory_space<vmem>>
        %dma_wait3A_456 = tpu.memref_squeeze %dma_wait3A_455 : memref<1x1x80xi32, #tpu.memory_space<vmem>> -> memref<80xi32, #tpu.memory_space<vmem>>
        %dma_wait3A_457 = arith.constant 0 : i32
        %dma_wait3A_458 = arith.constant 0 : i32
        %dma_wait3A_459 = tpu.memref_slice %arg12[%dma_wait3A_457, %dma_wait3A_458] : memref<10112x128xf32, #tpu.memory_space<vmem_shared>> -> memref<10112x128xf32, #tpu.memory_space<vmem_shared>>
        tpu.wait_indirect_dma semaphore(%arg20 : memref<!tpu.dma_semaphore, #tpu.memory_space<semaphore_mem>>) src(%arg10 : memref<80x128xf32, #tpu.memory_space<vmem>>) dst(%dma_wait3A_459 : memref<10112x128xf32, #tpu.memory_space<vmem_shared>>)
      } else {
      }
      %dma_start3A_378 = arith.constant 2 : i32
      %dma_start3A_379 = arith.constant 0 : i32
      %dma_start3A_380 = tpu.memref_slice %arg6[%rem3A_250, %dma_start3A_378, %dma_start3A_379] : memref<2x4x80xi32, #tpu.memory_space<vmem>> -> memref<1x1x80xi32, #tpu.memory_space<vmem>>
      %dma_start3A_381 = tpu.memref_squeeze %dma_start3A_380 : memref<1x1x80xi32, #tpu.memory_space<vmem>> -> memref<80xi32, #tpu.memory_space<vmem>>
      %dma_start3A_382 = arith.constant 0 : i32
      %dma_start3A_383 = arith.constant 0 : i32
      %dma_start3A_384 = tpu.memref_slice %arg2[%dma_start3A_382, %dma_start3A_383] : memref<10000x128xf32, #tpu.memory_space<hbm>> -> memref<10000x128xf32, #tpu.memory_space<hbm>>
      tpu.enqueue_indirect_dma source(%dma_start3A_384 : memref<10000x128xf32, #tpu.memory_space<hbm>>) target(%arg10 : memref<80x128xf32, #tpu.memory_space<vmem>>) offsets(%dma_start3A_381 : memref<80xi32, #tpu.memory_space<vmem>>) semaphore(%arg16 : memref<!tpu.dma_semaphore, #tpu.memory_space<semaphore_mem>>)
      %gt3A_385 = arith.constant 0 : i32
      %gt3A_386 = arith.cmpi sgt, %add3A_249, %gt3A_385 : i32
      %convert_element_type3A_387 = arith.extui %gt3A_386 : i1 to i32
      %cond3A_388 = arith.constant 0 : i32
      %cond3A_389 = arith.cmpi ne, %convert_element_type3A_387, %cond3A_388 : i32
      scf.if %cond3A_389 {
        %dma_wait3A_453 = arith.constant 3 : i32
        %dma_wait3A_454 = arith.constant 0 : i32
        %dma_wait3A_455 = tpu.memref_slice %arg7[%rem3A_349, %dma_wait3A_453, %dma_wait3A_454] : memref<3x4x80xi32, #tpu.memory_space<vmem>> -> memref<1x1x80xi32, #tpu.memory_space<vmem>>
        %dma_wait3A_456 = tpu.memref_squeeze %dma_wait3A_455 : memref<1x1x80xi32, #tpu.memory_space<vmem>> -> memref<80xi32, #tpu.memory_space<vmem>>
        %dma_wait3A_457 = arith.constant 0 : i32
        %dma_wait3A_458 = arith.constant 0 : i32
        %dma_wait3A_459 = tpu.memref_slice %arg12[%dma_wait3A_457, %dma_wait3A_458] : memref<10112x128xf32, #tpu.memory_space<vmem_shared>> -> memref<10112x128xf32, #tpu.memory_space<vmem_shared>>
        tpu.wait_indirect_dma semaphore(%arg21 : memref<!tpu.dma_semaphore, #tpu.memory_space<semaphore_mem>>) src(%arg11 : memref<80x128xf32, #tpu.memory_space<vmem>>) dst(%dma_wait3A_459 : memref<10112x128xf32, #tpu.memory_space<vmem_shared>>)
      } else {
      }
      %dma_start3A_390 = arith.constant 3 : i32
      %dma_start3A_391 = arith.constant 0 : i32
      %dma_start3A_392 = tpu.memref_slice %arg6[%rem3A_250, %dma_start3A_390, %dma_start3A_391] : memref<2x4x80xi32, #tpu.memory_space<vmem>> -> memref<1x1x80xi32, #tpu.memory_space<vmem>>
      %dma_start3A_393 = tpu.memref_squeeze %dma_start3A_392 : memref<1x1x80xi32, #tpu.memory_space<vmem>> -> memref<80xi32, #tpu.memory_space<vmem>>
      %dma_start3A_394 = arith.constant 0 : i32
      %dma_start3A_395 = arith.constant 0 : i32
      %dma_start3A_396 = tpu.memref_slice %arg2[%dma_start3A_394, %dma_start3A_395] : memref<10000x128xf32, #tpu.memory_space<hbm>> -> memref<10000x128xf32, #tpu.memory_space<hbm>>
      tpu.enqueue_indirect_dma source(%dma_start3A_396 : memref<10000x128xf32, #tpu.memory_space<hbm>>) target(%arg11 : memref<80x128xf32, #tpu.memory_space<vmem>>) offsets(%dma_start3A_393 : memref<80xi32, #tpu.memory_space<vmem>>) semaphore(%arg17 : memref<!tpu.dma_semaphore, #tpu.memory_space<semaphore_mem>>)
      %dma_wait3A_397 = arith.constant 0 : i32
      %dma_wait3A_398 = arith.constant 0 : i32
      %dma_wait3A_399 = tpu.memref_slice %arg6[%rem3A_250, %dma_wait3A_397, %dma_wait3A_398] : memref<2x4x80xi32, #tpu.memory_space<vmem>> -> memref<1x1x80xi32, #tpu.memory_space<vmem>>
      %dma_wait3A_400 = tpu.memref_squeeze %dma_wait3A_399 : memref<1x1x80xi32, #tpu.memory_space<vmem>> -> memref<80xi32, #tpu.memory_space<vmem>>
      %dma_wait3A_401 = arith.constant 0 : i32
      %dma_wait3A_402 = arith.constant 0 : i32
      %dma_wait3A_403 = tpu.memref_slice %arg2[%dma_wait3A_401, %dma_wait3A_402] : memref<10000x128xf32, #tpu.memory_space<hbm>> -> memref<10000x128xf32, #tpu.memory_space<hbm>>
      tpu.wait_indirect_dma semaphore(%arg14 : memref<!tpu.dma_semaphore, #tpu.memory_space<semaphore_mem>>) src(%dma_wait3A_403 : memref<10000x128xf32, #tpu.memory_space<hbm>>) dst(%arg8 : memref<80x128xf32, #tpu.memory_space<vmem>>)
      %dma_start3A_404 = arith.constant 0 : i32
      %dma_start3A_405 = arith.constant 0 : i32
      %dma_start3A_406 = tpu.memref_slice %arg7[%rem3A_252, %dma_start3A_404, %dma_start3A_405] : memref<3x4x80xi32, #tpu.memory_space<vmem>> -> memref<1x1x80xi32, #tpu.memory_space<vmem>>
      %dma_start3A_407 = tpu.memref_squeeze %dma_start3A_406 : memref<1x1x80xi32, #tpu.memory_space<vmem>> -> memref<80xi32, #tpu.memory_space<vmem>>
      %dma_start3A_408 = arith.constant 0 : i32
      %dma_start3A_409 = arith.constant 0 : i32
      %dma_start3A_410 = tpu.memref_slice %arg12[%dma_start3A_408, %dma_start3A_409] : memref<10112x128xf32, #tpu.memory_space<vmem_shared>> -> memref<10112x128xf32, #tpu.memory_space<vmem_shared>>
      tpu.enqueue_indirect_dma source(%arg8 : memref<80x128xf32, #tpu.memory_space<vmem>>) target(%dma_start3A_410 : memref<10112x128xf32, #tpu.memory_space<vmem_shared>>) offsets(%dma_start3A_407 : memref<80xi32, #tpu.memory_space<vmem>>) semaphore(%arg18 : memref<!tpu.dma_semaphore, #tpu.memory_space<semaphore_mem>>) {add = true}
      %dma_wait3A_411 = arith.constant 1 : i32
      %dma_wait3A_412 = arith.constant 0 : i32
      %dma_wait3A_413 = tpu.memref_slice %arg6[%rem3A_250, %dma_wait3A_411, %dma_wait3A_412] : memref<2x4x80xi32, #tpu.memory_space<vmem>> -> memref<1x1x80xi32, #tpu.memory_space<vmem>>
      %dma_wait3A_414 = tpu.memref_squeeze %dma_wait3A_413 : memref<1x1x80xi32, #tpu.memory_space<vmem>> -> memref<80xi32, #tpu.memory_space<vmem>>
      %dma_wait3A_415 = arith.constant 0 : i32
      %dma_wait3A_416 = arith.constant 0 : i32
      %dma_wait3A_417 = tpu.memref_slice %arg2[%dma_wait3A_415, %dma_wait3A_416] : memref<10000x128xf32, #tpu.memory_space<hbm>> -> memref<10000x128xf32, #tpu.memory_space<hbm>>
      tpu.wait_indirect_dma semaphore(%arg15 : memref<!tpu.dma_semaphore, #tpu.memory_space<semaphore_mem>>) src(%dma_wait3A_417 : memref<10000x128xf32, #tpu.memory_space<hbm>>) dst(%arg9 : memref<80x128xf32, #tpu.memory_space<vmem>>)
      %dma_start3A_418 = arith.constant 1 : i32
      %dma_start3A_419 = arith.constant 0 : i32
      %dma_start3A_420 = tpu.memref_slice %arg7[%rem3A_252, %dma_start3A_418, %dma_start3A_419] : memref<3x4x80xi32, #tpu.memory_space<vmem>> -> memref<1x1x80xi32, #tpu.memory_space<vmem>>
      %dma_start3A_421 = tpu.memref_squeeze %dma_start3A_420 : memref<1x1x80xi32, #tpu.memory_space<vmem>> -> memref<80xi32, #tpu.memory_space<vmem>>
      %dma_start3A_422 = arith.constant 0 : i32
      %dma_start3A_423 = arith.constant 0 : i32
      %dma_start3A_424 = tpu.memref_slice %arg12[%dma_start3A_422, %dma_start3A_423] : memref<10112x128xf32, #tpu.memory_space<vmem_shared>> -> memref<10112x128xf32, #tpu.memory_space<vmem_shared>>
      tpu.enqueue_indirect_dma source(%arg9 : memref<80x128xf32, #tpu.memory_space<vmem>>) target(%dma_start3A_424 : memref<10112x128xf32, #tpu.memory_space<vmem_shared>>) offsets(%dma_start3A_421 : memref<80xi32, #tpu.memory_space<vmem>>) semaphore(%arg19 : memref<!tpu.dma_semaphore, #tpu.memory_space<semaphore_mem>>) {add = true}
      %dma_wait3A_425 = arith.constant 2 : i32
      %dma_wait3A_426 = arith.constant 0 : i32
      %dma_wait3A_427 = tpu.memref_slice %arg6[%rem3A_250, %dma_wait3A_425, %dma_wait3A_426] : memref<2x4x80xi32, #tpu.memory_space<vmem>> -> memref<1x1x80xi32, #tpu.memory_space<vmem>>
      %dma_wait3A_428 = tpu.memref_squeeze %dma_wait3A_427 : memref<1x1x80xi32, #tpu.memory_space<vmem>> -> memref<80xi32, #tpu.memory_space<vmem>>
      %dma_wait3A_429 = arith.constant 0 : i32
      %dma_wait3A_430 = arith.constant 0 : i32
      %dma_wait3A_431 = tpu.memref_slice %arg2[%dma_wait3A_429, %dma_wait3A_430] : memref<10000x128xf32, #tpu.memory_space<hbm>> -> memref<10000x128xf32, #tpu.memory_space<hbm>>
      tpu.wait_indirect_dma semaphore(%arg16 : memref<!tpu.dma_semaphore, #tpu.memory_space<semaphore_mem>>) src(%dma_wait3A_431 : memref<10000x128xf32, #tpu.memory_space<hbm>>) dst(%arg10 : memref<80x128xf32, #tpu.memory_space<vmem>>)
      %dma_start3A_432 = arith.constant 2 : i32
      %dma_start3A_433 = arith.constant 0 : i32
      %dma_start3A_434 = tpu.memref_slice %arg7[%rem3A_252, %dma_start3A_432, %dma_start3A_433] : memref<3x4x80xi32, #tpu.memory_space<vmem>> -> memref<1x1x80xi32, #tpu.memory_space<vmem>>
      %dma_start3A_435 = tpu.memref_squeeze %dma_start3A_434 : memref<1x1x80xi32, #tpu.memory_space<vmem>> -> memref<80xi32, #tpu.memory_space<vmem>>
      %dma_start3A_436 = arith.constant 0 : i32
      %dma_start3A_437 = arith.constant 0 : i32
      %dma_start3A_438 = tpu.memref_slice %arg12[%dma_start3A_436, %dma_start3A_437] : memref<10112x128xf32, #tpu.memory_space<vmem_shared>> -> memref<10112x128xf32, #tpu.memory_space<vmem_shared>>
      tpu.enqueue_indirect_dma source(%arg10 : memref<80x128xf32, #tpu.memory_space<vmem>>) target(%dma_start3A_438 : memref<10112x128xf32, #tpu.memory_space<vmem_shared>>) offsets(%dma_start3A_435 : memref<80xi32, #tpu.memory_space<vmem>>) semaphore(%arg20 : memref<!tpu.dma_semaphore, #tpu.memory_space<semaphore_mem>>) {add = true}
      %dma_wait3A_439 = arith.constant 3 : i32
      %dma_wait3A_440 = arith.constant 0 : i32
      %dma_wait3A_441 = tpu.memref_slice %arg6[%rem3A_250, %dma_wait3A_439, %dma_wait3A_440] : memref<2x4x80xi32, #tpu.memory_space<vmem>> -> memref<1x1x80xi32, #tpu.memory_space<vmem>>
      %dma_wait3A_442 = tpu.memref_squeeze %dma_wait3A_441 : memref<1x1x80xi32, #tpu.memory_space<vmem>> -> memref<80xi32, #tpu.memory_space<vmem>>
      %dma_wait3A_443 = arith.constant 0 : i32
      %dma_wait3A_444 = arith.constant 0 : i32
      %dma_wait3A_445 = tpu.memref_slice %arg2[%dma_wait3A_443, %dma_wait3A_444] : memref<10000x128xf32, #tpu.memory_space<hbm>> -> memref<10000x128xf32, #tpu.memory_space<hbm>>
      tpu.wait_indirect_dma semaphore(%arg17 : memref<!tpu.dma_semaphore, #tpu.memory_space<semaphore_mem>>) src(%dma_wait3A_445 : memref<10000x128xf32, #tpu.memory_space<hbm>>) dst(%arg11 : memref<80x128xf32, #tpu.memory_space<vmem>>)
      %dma_start3A_446 = arith.constant 3 : i32
      %dma_start3A_447 = arith.constant 0 : i32
      %dma_start3A_448 = tpu.memref_slice %arg7[%rem3A_252, %dma_start3A_446, %dma_start3A_447] : memref<3x4x80xi32, #tpu.memory_space<vmem>> -> memref<1x1x80xi32, #tpu.memory_space<vmem>>
      %dma_start3A_449 = tpu.memref_squeeze %dma_start3A_448 : memref<1x1x80xi32, #tpu.memory_space<vmem>> -> memref<80xi32, #tpu.memory_space<vmem>>
      %dma_start3A_450 = arith.constant 0 : i32
      %dma_start3A_451 = arith.constant 0 : i32
      %dma_start3A_452 = tpu.memref_slice %arg12[%dma_start3A_450, %dma_start3A_451] : memref<10112x128xf32, #tpu.memory_space<vmem_shared>> -> memref<10112x128xf32, #tpu.memory_space<vmem_shared>>
      tpu.enqueue_indirect_dma source(%arg11 : memref<80x128xf32, #tpu.memory_space<vmem>>) target(%dma_start3A_452 : memref<10112x128xf32, #tpu.memory_space<vmem_shared>>) offsets(%dma_start3A_449 : memref<80xi32, #tpu.memory_space<vmem>>) semaphore(%arg21 : memref<!tpu.dma_semaphore, #tpu.memory_space<semaphore_mem>>) {add = true}
    }
    %scan3A_202 = arith.constant 31 : i32
    %dma_wait3A_203 = arith.constant 0 : i32
    %dma_wait3A_204 = arith.constant 0 : i32
    %dma_wait3A_205 = arith.constant 0 : i32
    %dma_wait3A_206 = tpu.memref_slice %arg7[%dma_wait3A_203, %dma_wait3A_204, %dma_wait3A_205] : memref<3x4x80xi32, #tpu.memory_space<vmem>> -> memref<1x1x80xi32, #tpu.memory_space<vmem>>
    %dma_wait3A_207 = tpu.memref_squeeze %dma_wait3A_206 : memref<1x1x80xi32, #tpu.memory_space<vmem>> -> memref<80xi32, #tpu.memory_space<vmem>>
    %dma_wait3A_208 = arith.constant 0 : i32
    %dma_wait3A_209 = arith.constant 0 : i32
    %dma_wait3A_210 = tpu.memref_slice %arg12[%dma_wait3A_208, %dma_wait3A_209] : memref<10112x128xf32, #tpu.memory_space<vmem_shared>> -> memref<10112x128xf32, #tpu.memory_space<vmem_shared>>
    tpu.wait_indirect_dma semaphore(%arg18 : memref<!tpu.dma_semaphore, #tpu.memory_space<semaphore_mem>>) src(%arg8 : memref<80x128xf32, #tpu.memory_space<vmem>>) dst(%dma_wait3A_210 : memref<10112x128xf32, #tpu.memory_space<vmem_shared>>)
    %dma_wait3A_211 = arith.constant 0 : i32
    %dma_wait3A_212 = arith.constant 1 : i32
    %dma_wait3A_213 = arith.constant 0 : i32
    %dma_wait3A_214 = tpu.memref_slice %arg7[%dma_wait3A_211, %dma_wait3A_212, %dma_wait3A_213] : memref<3x4x80xi32, #tpu.memory_space<vmem>> -> memref<1x1x80xi32, #tpu.memory_space<vmem>>
    %dma_wait3A_215 = tpu.memref_squeeze %dma_wait3A_214 : memref<1x1x80xi32, #tpu.memory_space<vmem>> -> memref<80xi32, #tpu.memory_space<vmem>>
    %dma_wait3A_216 = arith.constant 0 : i32
    %dma_wait3A_217 = arith.constant 0 : i32
    %dma_wait3A_218 = tpu.memref_slice %arg12[%dma_wait3A_216, %dma_wait3A_217] : memref<10112x128xf32, #tpu.memory_space<vmem_shared>> -> memref<10112x128xf32, #tpu.memory_space<vmem_shared>>
    tpu.wait_indirect_dma semaphore(%arg19 : memref<!tpu.dma_semaphore, #tpu.memory_space<semaphore_mem>>) src(%arg9 : memref<80x128xf32, #tpu.memory_space<vmem>>) dst(%dma_wait3A_218 : memref<10112x128xf32, #tpu.memory_space<vmem_shared>>)
    %dma_wait3A_219 = arith.constant 0 : i32
    %dma_wait3A_220 = arith.constant 2 : i32
    %dma_wait3A_221 = arith.constant 0 : i32
    %dma_wait3A_222 = tpu.memref_slice %arg7[%dma_wait3A_219, %dma_wait3A_220, %dma_wait3A_221] : memref<3x4x80xi32, #tpu.memory_space<vmem>> -> memref<1x1x80xi32, #tpu.memory_space<vmem>>
    %dma_wait3A_223 = tpu.memref_squeeze %dma_wait3A_222 : memref<1x1x80xi32, #tpu.memory_space<vmem>> -> memref<80xi32, #tpu.memory_space<vmem>>
    %dma_wait3A_224 = arith.constant 0 : i32
    %dma_wait3A_225 = arith.constant 0 : i32
    %dma_wait3A_226 = tpu.memref_slice %arg12[%dma_wait3A_224, %dma_wait3A_225] : memref<10112x128xf32, #tpu.memory_space<vmem_shared>> -> memref<10112x128xf32, #tpu.memory_space<vmem_shared>>
    tpu.wait_indirect_dma semaphore(%arg20 : memref<!tpu.dma_semaphore, #tpu.memory_space<semaphore_mem>>) src(%arg10 : memref<80x128xf32, #tpu.memory_space<vmem>>) dst(%dma_wait3A_226 : memref<10112x128xf32, #tpu.memory_space<vmem_shared>>)
    %dma_wait3A_227 = arith.constant 0 : i32
    %dma_wait3A_228 = arith.constant 3 : i32
    %dma_wait3A_229 = arith.constant 0 : i32
    %dma_wait3A_230 = tpu.memref_slice %arg7[%dma_wait3A_227, %dma_wait3A_228, %dma_wait3A_229] : memref<3x4x80xi32, #tpu.memory_space<vmem>> -> memref<1x1x80xi32, #tpu.memory_space<vmem>>
    %dma_wait3A_231 = tpu.memref_squeeze %dma_wait3A_230 : memref<1x1x80xi32, #tpu.memory_space<vmem>> -> memref<80xi32, #tpu.memory_space<vmem>>
    %dma_wait3A_232 = arith.constant 0 : i32
    %dma_wait3A_233 = arith.constant 0 : i32
    %dma_wait3A_234 = tpu.memref_slice %arg12[%dma_wait3A_232, %dma_wait3A_233] : memref<10112x128xf32, #tpu.memory_space<vmem_shared>> -> memref<10112x128xf32, #tpu.memory_space<vmem_shared>>
    tpu.wait_indirect_dma semaphore(%arg21 : memref<!tpu.dma_semaphore, #tpu.memory_space<semaphore_mem>>) src(%arg11 : memref<80x128xf32, #tpu.memory_space<vmem>>) dst(%dma_wait3A_234 : memref<10112x128xf32, #tpu.memory_space<vmem_shared>>)
    %add3A_235 = arith.constant 9920 : i32
    %add3A_236 = arith.addi %mul3A_99, %add3A_235 : i32
    %run_scoped3A = arith.constant 0 : i32
    %run_scoped3A_237 = arith.constant 0 : i32
    "tpu.region"() ({
      %run_scoped3A_245 = tpu.sem_alloc : memref<!tpu.dma_semaphore, #tpu.memory_space<semaphore_mem>>
      %dma_start3A_246 = arith.constant 0 : i32
      %dma_start3A_247 = tpu.memref_slice %arg6[%run_scoped3A, %run_scoped3A_237, %dma_start3A_246] : memref<2x4x80xi32, #tpu.memory_space<vmem>> -> memref<1x1x80xi32, #tpu.memory_space<vmem>>
      %dma_start3A_248 = tpu.memref_squeeze %dma_start3A_247 : memref<1x1x80xi32, #tpu.memory_space<vmem>> -> memref<80xi32, #tpu.memory_space<vmem>>
      %dma_start3A_249 = tpu.memref_slice %arg3[%add3A_236] : memref<320000xi32, #tpu.memory_space<hbm>> -> memref<80xi32, #tpu.memory_space<hbm>>
      %dma_start3A_250 = arith.constant 0 : i32
      %dma_start3A_251 = tpu.memref_slice %arg6[%run_scoped3A, %run_scoped3A_237, %dma_start3A_250] : memref<2x4x80xi32, #tpu.memory_space<vmem>> -> memref<1x1x80xi32, #tpu.memory_space<vmem>>
      %dma_start3A_252 = tpu.memref_squeeze %dma_start3A_251 : memref<1x1x80xi32, #tpu.memory_space<vmem>> -> memref<80xi32, #tpu.memory_space<vmem>>
      %dma_start3A_253 = tpu.memref_slice %arg3[%add3A_236] : memref<320000xi32, #tpu.memory_space<hbm>> -> memref<80xi32, #tpu.memory_space<hbm>>
      tpu.enqueue_dma source(%dma_start3A_253 : memref<80xi32, #tpu.memory_space<hbm>>) target(%dma_start3A_252 : memref<80xi32, #tpu.memory_space<vmem>>) target_semaphore(%run_scoped3A_245 : memref<!tpu.dma_semaphore, #tpu.memory_space<semaphore_mem>>)
      %dma_wait3A_254 = arith.constant 0 : i32
      %dma_wait3A_255 = tpu.memref_slice %arg6[%run_scoped3A, %run_scoped3A_237, %dma_wait3A_254] : memref<2x4x80xi32, #tpu.memory_space<vmem>> -> memref<1x1x80xi32, #tpu.memory_space<vmem>>
      %dma_wait3A_256 = tpu.memref_squeeze %dma_wait3A_255 : memref<1x1x80xi32, #tpu.memory_space<vmem>> -> memref<80xi32, #tpu.memory_space<vmem>>
      %dma_wait3A_257 = tpu.memref_slice %arg3[%add3A_236] : memref<320000xi32, #tpu.memory_space<hbm>> -> memref<80xi32, #tpu.memory_space<hbm>>
      %dma_wait3A_258 = arith.constant 0 : i32
      %dma_wait3A_259 = tpu.memref_slice %arg6[%run_scoped3A, %run_scoped3A_237, %dma_wait3A_258] : memref<2x4x80xi32, #tpu.memory_space<vmem>> -> memref<1x1x80xi32, #tpu.memory_space<vmem>>
      %dma_wait3A_260 = tpu.memref_squeeze %dma_wait3A_259 : memref<1x1x80xi32, #tpu.memory_space<vmem>> -> memref<80xi32, #tpu.memory_space<vmem>>
      %dma_wait3A_261 = tpu.memref_slice %arg3[%add3A_236] : memref<320000xi32, #tpu.memory_space<hbm>> -> memref<80xi32, #tpu.memory_space<hbm>>
      tpu.wait_dma2 semaphore(%run_scoped3A_245 : memref<!tpu.dma_semaphore, #tpu.memory_space<semaphore_mem>>) src(%dma_wait3A_261 : memref<80xi32, #tpu.memory_space<hbm>>) dst(%dma_wait3A_260 : memref<80xi32, #tpu.memory_space<vmem>>)
      tpu.yield
    }) : () -> ()
    %run_scoped3A_238 = arith.constant 0 : i32
    %run_scoped3A_239 = arith.constant 0 : i32
    "tpu.region"() ({
      %run_scoped3A_245 = tpu.sem_alloc : memref<!tpu.dma_semaphore, #tpu.memory_space<semaphore_mem>>
      %dma_start3A_246 = arith.constant 0 : i32
      %dma_start3A_247 = tpu.memref_slice %arg7[%run_scoped3A_238, %run_scoped3A_239, %dma_start3A_246] : memref<3x4x80xi32, #tpu.memory_space<vmem>> -> memref<1x1x80xi32, #tpu.memory_space<vmem>>
      %dma_start3A_248 = tpu.memref_squeeze %dma_start3A_247 : memref<1x1x80xi32, #tpu.memory_space<vmem>> -> memref<80xi32, #tpu.memory_space<vmem>>
      %dma_start3A_249 = tpu.memref_slice %arg4[%add3A_236] : memref<320000xi32, #tpu.memory_space<hbm>> -> memref<80xi32, #tpu.memory_space<hbm>>
      %dma_start3A_250 = arith.constant 0 : i32
      %dma_start3A_251 = tpu.memref_slice %arg7[%run_scoped3A_238, %run_scoped3A_239, %dma_start3A_250] : memref<3x4x80xi32, #tpu.memory_space<vmem>> -> memref<1x1x80xi32, #tpu.memory_space<vmem>>
      %dma_start3A_252 = tpu.memref_squeeze %dma_start3A_251 : memref<1x1x80xi32, #tpu.memory_space<vmem>> -> memref<80xi32, #tpu.memory_space<vmem>>
      %dma_start3A_253 = tpu.memref_slice %arg4[%add3A_236] : memref<320000xi32, #tpu.memory_space<hbm>> -> memref<80xi32, #tpu.memory_space<hbm>>
      tpu.enqueue_dma source(%dma_start3A_253 : memref<80xi32, #tpu.memory_space<hbm>>) target(%dma_start3A_252 : memref<80xi32, #tpu.memory_space<vmem>>) target_semaphore(%run_scoped3A_245 : memref<!tpu.dma_semaphore, #tpu.memory_space<semaphore_mem>>)
      %dma_wait3A_254 = arith.constant 0 : i32
      %dma_wait3A_255 = tpu.memref_slice %arg7[%run_scoped3A_238, %run_scoped3A_239, %dma_wait3A_254] : memref<3x4x80xi32, #tpu.memory_space<vmem>> -> memref<1x1x80xi32, #tpu.memory_space<vmem>>
      %dma_wait3A_256 = tpu.memref_squeeze %dma_wait3A_255 : memref<1x1x80xi32, #tpu.memory_space<vmem>> -> memref<80xi32, #tpu.memory_space<vmem>>
      %dma_wait3A_257 = tpu.memref_slice %arg4[%add3A_236] : memref<320000xi32, #tpu.memory_space<hbm>> -> memref<80xi32, #tpu.memory_space<hbm>>
      %dma_wait3A_258 = arith.constant 0 : i32
      %dma_wait3A_259 = tpu.memref_slice %arg7[%run_scoped3A_238, %run_scoped3A_239, %dma_wait3A_258] : memref<3x4x80xi32, #tpu.memory_space<vmem>> -> memref<1x1x80xi32, #tpu.memory_space<vmem>>
      %dma_wait3A_260 = tpu.memref_squeeze %dma_wait3A_259 : memref<1x1x80xi32, #tpu.memory_space<vmem>> -> memref<80xi32, #tpu.memory_space<vmem>>
      %dma_wait3A_261 = tpu.memref_slice %arg4[%add3A_236] : memref<320000xi32, #tpu.memory_space<hbm>> -> memref<80xi32, #tpu.memory_space<hbm>>
      tpu.wait_dma2 semaphore(%run_scoped3A_245 : memref<!tpu.dma_semaphore, #tpu.memory_space<semaphore_mem>>) src(%dma_wait3A_261 : memref<80xi32, #tpu.memory_space<hbm>>) dst(%dma_wait3A_260 : memref<80xi32, #tpu.memory_space<vmem>>)
      tpu.yield
    }) : () -> ()
    %run_scoped3A_240 = arith.constant 0 : i32
    %run_scoped3A_241 = arith.constant 0 : i32
    "tpu.region"() ({
      %run_scoped3A_245 = tpu.sem_alloc : memref<!tpu.dma_semaphore, #tpu.memory_space<semaphore_mem>>
      %dma_start3A_246 = arith.constant 0 : i32
      %dma_start3A_247 = tpu.memref_slice %arg6[%run_scoped3A_240, %run_scoped3A_241, %dma_start3A_246] : memref<2x4x80xi32, #tpu.memory_space<vmem>> -> memref<1x1x80xi32, #tpu.memory_space<vmem>>
      %dma_start3A_248 = tpu.memref_squeeze %dma_start3A_247 : memref<1x1x80xi32, #tpu.memory_space<vmem>> -> memref<80xi32, #tpu.memory_space<vmem>>
      %dma_start3A_249 = arith.constant 0 : i32
      %dma_start3A_250 = arith.constant 0 : i32
      %dma_start3A_251 = tpu.memref_slice %arg2[%dma_start3A_249, %dma_start3A_250] : memref<10000x128xf32, #tpu.memory_space<hbm>> -> memref<10000x128xf32, #tpu.memory_space<hbm>>
      tpu.enqueue_indirect_dma source(%dma_start3A_251 : memref<10000x128xf32, #tpu.memory_space<hbm>>) target(%arg8 : memref<80x128xf32, #tpu.memory_space<vmem>>) offsets(%dma_start3A_248 : memref<80xi32, #tpu.memory_space<vmem>>) semaphore(%run_scoped3A_245 : memref<!tpu.dma_semaphore, #tpu.memory_space<semaphore_mem>>)
      %dma_wait3A_252 = arith.constant 0 : i32
      %dma_wait3A_253 = tpu.memref_slice %arg6[%run_scoped3A_240, %run_scoped3A_241, %dma_wait3A_252] : memref<2x4x80xi32, #tpu.memory_space<vmem>> -> memref<1x1x80xi32, #tpu.memory_space<vmem>>
      %dma_wait3A_254 = tpu.memref_squeeze %dma_wait3A_253 : memref<1x1x80xi32, #tpu.memory_space<vmem>> -> memref<80xi32, #tpu.memory_space<vmem>>
      %dma_wait3A_255 = arith.constant 0 : i32
      %dma_wait3A_256 = arith.constant 0 : i32
      %dma_wait3A_257 = tpu.memref_slice %arg2[%dma_wait3A_255, %dma_wait3A_256] : memref<10000x128xf32, #tpu.memory_space<hbm>> -> memref<10000x128xf32, #tpu.memory_space<hbm>>
      tpu.wait_indirect_dma semaphore(%run_scoped3A_245 : memref<!tpu.dma_semaphore, #tpu.memory_space<semaphore_mem>>) src(%dma_wait3A_257 : memref<10000x128xf32, #tpu.memory_space<hbm>>) dst(%arg8 : memref<80x128xf32, #tpu.memory_space<vmem>>)
      tpu.yield
    }) : () -> ()
    %run_scoped3A_242 = arith.constant 0 : i32
    %run_scoped3A_243 = arith.constant 0 : i32
    "tpu.region"() ({
      %run_scoped3A_245 = tpu.sem_alloc : memref<!tpu.dma_semaphore, #tpu.memory_space<semaphore_mem>>
      %dma_start3A_246 = arith.constant 0 : i32
      %dma_start3A_247 = tpu.memref_slice %arg7[%run_scoped3A_242, %run_scoped3A_243, %dma_start3A_246] : memref<3x4x80xi32, #tpu.memory_space<vmem>> -> memref<1x1x80xi32, #tpu.memory_space<vmem>>
      %dma_start3A_248 = tpu.memref_squeeze %dma_start3A_247 : memref<1x1x80xi32, #tpu.memory_space<vmem>> -> memref<80xi32, #tpu.memory_space<vmem>>
      %dma_start3A_249 = arith.constant 0 : i32
      %dma_start3A_250 = arith.constant 0 : i32
      %dma_start3A_251 = tpu.memref_slice %arg12[%dma_start3A_249, %dma_start3A_250] : memref<10112x128xf32, #tpu.memory_space<vmem_shared>> -> memref<10112x128xf32, #tpu.memory_space<vmem_shared>>
      tpu.enqueue_indirect_dma source(%arg8 : memref<80x128xf32, #tpu.memory_space<vmem>>) target(%dma_start3A_251 : memref<10112x128xf32, #tpu.memory_space<vmem_shared>>) offsets(%dma_start3A_248 : memref<80xi32, #tpu.memory_space<vmem>>) semaphore(%run_scoped3A_245 : memref<!tpu.dma_semaphore, #tpu.memory_space<semaphore_mem>>) {add = true}
      %dma_wait3A_252 = arith.constant 0 : i32
      %dma_wait3A_253 = tpu.memref_slice %arg7[%run_scoped3A_242, %run_scoped3A_243, %dma_wait3A_252] : memref<3x4x80xi32, #tpu.memory_space<vmem>> -> memref<1x1x80xi32, #tpu.memory_space<vmem>>
      %dma_wait3A_254 = tpu.memref_squeeze %dma_wait3A_253 : memref<1x1x80xi32, #tpu.memory_space<vmem>> -> memref<80xi32, #tpu.memory_space<vmem>>
      %dma_wait3A_255 = arith.constant 0 : i32
      %dma_wait3A_256 = arith.constant 0 : i32
      %dma_wait3A_257 = tpu.memref_slice %arg12[%dma_wait3A_255, %dma_wait3A_256] : memref<10112x128xf32, #tpu.memory_space<vmem_shared>> -> memref<10112x128xf32, #tpu.memory_space<vmem_shared>>
      tpu.wait_indirect_dma semaphore(%run_scoped3A_245 : memref<!tpu.dma_semaphore, #tpu.memory_space<semaphore_mem>>) src(%arg8 : memref<80x128xf32, #tpu.memory_space<vmem>>) dst(%dma_wait3A_257 : memref<10112x128xf32, #tpu.memory_space<vmem_shared>>)
      tpu.yield
    }) : () -> ()
    %barrier3A_244 = arith.constant 0 : index
    tpu.barrier barrier_id(%barrier3A_244)
    "tpu.region"() ({
      %run_scoped3A_245 = tpu.sem_alloc : memref<!tpu.dma_semaphore, #tpu.memory_space<semaphore_mem>>
      %dma_start3A_246 = arith.constant 0 : i32
      %dma_start3A_247 = tpu.memref_slice %arg5[%arg0, %mul3A_5, %dma_start3A_246] : memref<2x10112x128xf32, #tpu.memory_space<hbm>> -> memref<1x632x128xf32, #tpu.memory_space<hbm>>
      %dma_start3A_248 = tpu.memref_squeeze %dma_start3A_247 : memref<1x632x128xf32, #tpu.memory_space<hbm>> -> memref<632x128xf32, #tpu.memory_space<hbm>>
      %dma_start3A_249 = arith.constant 0 : i32
      %dma_start3A_250 = tpu.memref_slice %arg12[%mul3A_5, %dma_start3A_249] : memref<10112x128xf32, #tpu.memory_space<vmem_shared>> -> memref<632x128xf32, #tpu.memory_space<vmem_shared>>
      tpu.enqueue_dma source(%dma_start3A_250 : memref<632x128xf32, #tpu.memory_space<vmem_shared>>) target(%dma_start3A_248 : memref<632x128xf32, #tpu.memory_space<hbm>>) target_semaphore(%run_scoped3A_245 : memref<!tpu.dma_semaphore, #tpu.memory_space<semaphore_mem>>)
      %dma_wait3A_251 = arith.constant 0 : i32
      %dma_wait3A_252 = tpu.memref_slice %arg5[%arg0, %mul3A_5, %dma_wait3A_251] : memref<2x10112x128xf32, #tpu.memory_space<hbm>> -> memref<1x632x128xf32, #tpu.memory_space<hbm>>
      %dma_wait3A_253 = tpu.memref_squeeze %dma_wait3A_252 : memref<1x632x128xf32, #tpu.memory_space<hbm>> -> memref<632x128xf32, #tpu.memory_space<hbm>>
      %dma_wait3A_254 = arith.constant 0 : i32
      %dma_wait3A_255 = tpu.memref_slice %arg12[%mul3A_5, %dma_wait3A_254] : memref<10112x128xf32, #tpu.memory_space<vmem_shared>> -> memref<632x128xf32, #tpu.memory_space<vmem_shared>>
      tpu.wait_dma2 semaphore(%run_scoped3A_245 : memref<!tpu.dma_semaphore, #tpu.memory_space<semaphore_mem>>) src(%dma_wait3A_255 : memref<632x128xf32, #tpu.memory_space<vmem_shared>>) dst(%dma_wait3A_253 : memref<632x128xf32, #tpu.memory_space<hbm>>)
      tpu.yield
    }) : () -> ()
    return
  }
}

#map = affine_map<(d0, d1) -> (0, 0)>
#map1 = affine_map<(d0, d1) -> (0)>
#map2 = affine_map<(d0, d1) -> (0, 0, 0)>
module attributes {stable_mosaic.version = 14 : i64} {
  func.func @k(%arg0: i32, %arg1: i32, %arg2: memref<10000x128xf32, #tpu.memory_space<hbm>>, %arg3: memref<320000xi32, #tpu.memory_space<hbm>>, %arg4: memref<320000xi32, #tpu.memory_space<hbm>>, %arg5: memref<2x10112x128xf32, #tpu.memory_space<hbm>>, %arg6: memref<2x4x80xi32, #tpu.memory_space<vmem>>, %arg7: memref<3x4x80xi32, #tpu.memory_space<vmem>>, %arg8: memref<80x128xf32, #tpu.memory_space<vmem>>, %arg9: memref<80x128xf32, #tpu.memory_space<vmem>>, %arg10: memref<80x128xf32, #tpu.memory_space<vmem>>, %arg11: memref<80x128xf32, #tpu.memory_space<vmem>>, %arg12: memref<10112x128xf32, #tpu.memory_space<vmem_shared>>, %arg13: memref<!tpu.dma_semaphore, #tpu.memory_space<semaphore_mem>>, %arg14: memref<!tpu.dma_semaphore, #tpu.memory_space<semaphore_mem>>, %arg15: memref<!tpu.dma_semaphore, #tpu.memory_space<semaphore_mem>>, %arg16: memref<!tpu.dma_semaphore, #tpu.memory_space<semaphore_mem>>, %arg17: memref<!tpu.dma_semaphore, #tpu.memory_space<semaphore_mem>>, %arg18: memref<!tpu.dma_semaphore, #tpu.memory_space<semaphore_mem>>, %arg19: memref<!tpu.dma_semaphore, #tpu.memory_space<semaphore_mem>>, %arg20: memref<!tpu.dma_semaphore, #tpu.memory_space<semaphore_mem>>, %arg21: memref<!tpu.dma_semaphore, #tpu.memory_space<semaphore_mem>>) attributes {dimension_semantics = [#tpu.dimension_semantics<core_parallel>, #tpu.dimension_semantics<subcore_parallel>], iteration_bounds = array<i64: 2, 16>, scalar_prefetch = 0 : i64, scratch_operands = 16 : i64, tpu.core_type = #tpu.core_type<sc_vector_subcore>, window_params = [{transform_indices = #map}, {transform_indices = #map1}, {transform_indices = #map1}, {transform_indices = #map2}]} {
    %broadcast_in_dim3A = arith.constant 0.000000e+00 : f32
    %broadcast_in_dim3A_0 = vector.broadcast %broadcast_in_dim3A : f32 to vector<16xf32>
    %scan3A = arith.constant 0 : i32
    %scan3A_1 = arith.constant 80 : i32
    %scan3A_2 = arith.addi %scan3A, %scan3A_1 : i32
    %scan3A_3 = arith.constant 1 : i32
    scf.for %scan3A_245 = %scan3A to %scan3A_2 step %scan3A_3  : i32 {
      %mul3A_246 = arith.constant 1 : i32
      %mul3A_247 = arith.muli %scan3A_245, %mul3A_246 : i32
      %add3A_248 = arith.constant 0 : i32
      %add3A_249 = arith.addi %add3A_248, %mul3A_247 : i32
      %swap3A = arith.index_cast %add3A_249 : i32 to index
      %swap3A_250 = arith.constant 0 : index
      %swap3A_251 = tpu.vector_load %arg8[%swap3A, %swap3A_250] {strides = array<i32>} : memref<80x128xf32, #tpu.memory_space<vmem>>, vector<1x16xf32>,
      %swap3A_252 = vector.shape_cast %swap3A_251 : vector<1x16xf32> to vector<16xf32>
      %swap3A_253 = vector.shape_cast %broadcast_in_dim3A_0 : vector<16xf32> to vector<1x16xf32>
      tpu.vector_store %arg8[%swap3A, %swap3A_250], %swap3A_253 {strides = array<i32>} : memref<80x128xf32, #tpu.memory_space<vmem>>, vector<1x16xf32>,
      %swap3A_254 = arith.index_cast %add3A_249 : i32 to index
      %swap3A_255 = arith.constant 16 : index
      %swap3A_256 = tpu.vector_load %arg8[%swap3A_254, %swap3A_255] {strides = array<i32>} : memref<80x128xf32, #tpu.memory_space<vmem>>, vector<1x16xf32>,
      %swap3A_257 = vector.shape_cast %swap3A_256 : vector<1x16xf32> to vector<16xf32>
      %swap3A_258 = vector.shape_cast %broadcast_in_dim3A_0 : vector<16xf32> to vector<1x16xf32>
      tpu.vector_store %arg8[%swap3A_254, %swap3A_255], %swap3A_258 {strides = array<i32>} : memref<80x128xf32, #tpu.memory_space<vmem>>, vector<1x16xf32>,
      %swap3A_259 = arith.index_cast %add3A_249 : i32 to index
      %swap3A_260 = arith.constant 32 : index
      %swap3A_261 = tpu.vector_load %arg8[%swap3A_259, %swap3A_260] {strides = array<i32>} : memref<80x128xf32, #tpu.memory_space<vmem>>, vector<1x16xf32>,
      %swap3A_262 = vector.shape_cast %swap3A_261 : vector<1x16xf32> to vector<16xf32>
      %swap3A_263 = vector.shape_cast %broadcast_in_dim3A_0 : vector<16xf32> to vector<1x16xf32>
      tpu.vector_store %arg8[%swap3A_259, %swap3A_260], %swap3A_263 {strides = array<i32>} : memref<80x128xf32, #tpu.memory_space<vmem>>, vector<1x16xf32>,
      %swap3A_264 = arith.index_cast %add3A_249 : i32 to index
      %swap3A_265 = arith.constant 48 : index
      %swap3A_266 = tpu.vector_load %arg8[%swap3A_264, %swap3A_265] {strides = array<i32>} : memref<80x128xf32, #tpu.memory_space<vmem>>, vector<1x16xf32>,
      %swap3A_267 = vector.shape_cast %swap3A_266 : vector<1x16xf32> to vector<16xf32>
      %swap3A_268 = vector.shape_cast %broadcast_in_dim3A_0 : vector<16xf32> to vector<1x16xf32>
      tpu.vector_store %arg8[%swap3A_264, %swap3A_265], %swap3A_268 {strides = array<i32>} : memref<80x128xf32, #tpu.memory_space<vmem>>, vector<1x16xf32>,
      %swap3A_269 = arith.index_cast %add3A_249 : i32 to index
      %swap3A_270 = arith.constant 64 : index
      %swap3A_271 = tpu.vector_load %arg8[%swap3A_269, %swap3A_270] {strides = array<i32>} : memref<80x128xf32, #tpu.memory_space<vmem>>, vector<1x16xf32>,
      %swap3A_272 = vector.shape_cast %swap3A_271 : vector<1x16xf32> to vector<16xf32>
      %swap3A_273 = vector.shape_cast %broadcast_in_dim3A_0 : vector<16xf32> to vector<1x16xf32>
      tpu.vector_store %arg8[%swap3A_269, %swap3A_270], %swap3A_273 {strides = array<i32>} : memref<80x128xf32, #tpu.memory_space<vmem>>, vector<1x16xf32>,
      %swap3A_274 = arith.index_cast %add3A_249 : i32 to index
      %swap3A_275 = arith.constant 80 : index
      %swap3A_276 = tpu.vector_load %arg8[%swap3A_274, %swap3A_275] {strides = array<i32>} : memref<80x128xf32, #tpu.memory_space<vmem>>, vector<1x16xf32>,
      %swap3A_277 = vector.shape_cast %swap3A_276 : vector<1x16xf32> to vector<16xf32>
      %swap3A_278 = vector.shape_cast %broadcast_in_dim3A_0 : vector<16xf32> to vector<1x16xf32>
      tpu.vector_store %arg8[%swap3A_274, %swap3A_275], %swap3A_278 {strides = array<i32>} : memref<80x128xf32, #tpu.memory_space<vmem>>, vector<1x16xf32>,
      %swap3A_279 = arith.index_cast %add3A_249 : i32 to index
      %swap3A_280 = arith.constant 96 : index
      %swap3A_281 = tpu.vector_load %arg8[%swap3A_279, %swap3A_280] {strides = array<i32>} : memref<80x128xf32, #tpu.memory_space<vmem>>, vector<1x16xf32>,
      %swap3A_282 = vector.shape_cast %swap3A_281 : vector<1x16xf32> to vector<16xf32>
      %swap3A_283 = vector.shape_cast %broadcast_in_dim3A_0 : vector<16xf32> to vector<1x16xf32>
      tpu.vector_store %arg8[%swap3A_279, %swap3A_280], %swap3A_283 {strides = array<i32>} : memref<80x128xf32, #tpu.memory_space<vmem>>, vector<1x16xf32>,
      %swap3A_284 = arith.index_cast %add3A_249 : i32 to index
      %swap3A_285 = arith.constant 112 : index
      %swap3A_286 = tpu.vector_load %arg8[%swap3A_284, %swap3A_285] {strides = array<i32>} : memref<80x128xf32, #tpu.memory_space<vmem>>, vector<1x16xf32>,
      %swap3A_287 = vector.shape_cast %swap3A_286 : vector<1x16xf32> to vector<16xf32>
      %swap3A_288 = vector.shape_cast %broadcast_in_dim3A_0 : vector<16xf32> to vector<1x16xf32>
      tpu.vector_store %arg8[%swap3A_284, %swap3A_285], %swap3A_288 {strides = array<i32>} : memref<80x128xf32, #tpu.memory_space<vmem>>, vector<1x16xf32>,
    }
    %scan3A_4 = arith.constant 80 : i32
    %mul3A = arith.constant 632 : i32
    %mul3A_5 = arith.muli %arg1, %mul3A : i32
    %add3A = arith.constant 0 : i32
    %add3A_6 = arith.addi %mul3A_5, %add3A : i32
    %dma_start3A = arith.constant 0 : i32
    %dma_start3A_7 = tpu.memref_slice %arg12[%add3A_6, %dma_start3A] : memref<10112x128xf32, #tpu.memory_space<vmem_shared>> -> memref<80x128xf32, #tpu.memory_space<vmem_shared>>
    %dma_start3A_8 = arith.constant 0 : i32
    %dma_start3A_9 = tpu.memref_slice %arg12[%add3A_6, %dma_start3A_8] : memref<10112x128xf32, #tpu.memory_space<vmem_shared>> -> memref<80x128xf32, #tpu.memory_space<vmem_shared>>
    tpu.enqueue_dma source(%arg8 : memref<80x128xf32, #tpu.memory_space<vmem>>) target(%dma_start3A_9 : memref<80x128xf32, #tpu.memory_space<vmem_shared>>) target_semaphore(%arg18 : memref<!tpu.dma_semaphore, #tpu.memory_space<semaphore_mem>>)
    %add3A_10 = arith.constant 80 : i32
    %add3A_11 = arith.addi %mul3A_5, %add3A_10 : i32
    %dma_start3A_12 = arith.constant 0 : i32
    %dma_start3A_13 = tpu.memref_slice %arg12[%add3A_11, %dma_start3A_12] : memref<10112x128xf32, #tpu.memory_space<vmem_shared>> -> memref<80x128xf32, #tpu.memory_space<vmem_shared>>
    %dma_start3A_14 = arith.constant 0 : i32
    %dma_start3A_15 = tpu.memref_slice %arg12[%add3A_11, %dma_start3A_14] : memref<10112x128xf32, #tpu.memory_space<vmem_shared>> -> memref<80x128xf32, #tpu.memory_space<vmem_shared>>
    tpu.enqueue_dma source(%arg8 : memref<80x128xf32, #tpu.memory_space<vmem>>) target(%dma_start3A_15 : memref<80x128xf32, #tpu.memory_space<vmem_shared>>) target_semaphore(%arg19 : memref<!tpu.dma_semaphore, #tpu.memory_space<semaphore_mem>>)
    %add3A_16 = arith.constant 160 : i32
    %add3A_17 = arith.addi %mul3A_5, %add3A_16 : i32
    %dma_start3A_18 = arith.constant 0 : i32
    %dma_start3A_19 = tpu.memref_slice %arg12[%add3A_17, %dma_start3A_18] : memref<10112x128xf32, #tpu.memory_space<vmem_shared>> -> memref<80x128xf32, #tpu.memory_space<vmem_shared>>
    %dma_start3A_20 = arith.constant 0 : i32
    %dma_start3A_21 = tpu.memref_slice %arg12[%add3A_17, %dma_start3A_20] : memref<10112x128xf32, #tpu.memory_space<vmem_shared>> -> memref<80x128xf32, #tpu.memory_space<vmem_shared>>
    tpu.enqueue_dma source(%arg8 : memref<80x128xf32, #tpu.memory_space<vmem>>) target(%dma_start3A_21 : memref<80x128xf32, #tpu.memory_space<vmem_shared>>) target_semaphore(%arg20 : memref<!tpu.dma_semaphore, #tpu.memory_space<semaphore_mem>>)
    %add3A_22 = arith.constant 240 : i32
    %add3A_23 = arith.addi %mul3A_5, %add3A_22 : i32
    %dma_start3A_24 = arith.constant 0 : i32
    %dma_start3A_25 = tpu.memref_slice %arg12[%add3A_23, %dma_start3A_24] : memref<10112x128xf32, #tpu.memory_space<vmem_shared>> -> memref<80x128xf32, #tpu.memory_space<vmem_shared>>
    %dma_start3A_26 = arith.constant 0 : i32
    %dma_start3A_27 = tpu.memref_slice %arg12[%add3A_23, %dma_start3A_26] : memref<10112x128xf32, #tpu.memory_space<vmem_shared>> -> memref<80x128xf32, #tpu.memory_space<vmem_shared>>
    tpu.enqueue_dma source(%arg8 : memref<80x128xf32, #tpu.memory_space<vmem>>) target(%dma_start3A_27 : memref<80x128xf32, #tpu.memory_space<vmem_shared>>) target_semaphore(%arg21 : memref<!tpu.dma_semaphore, #tpu.memory_space<semaphore_mem>>)
    %add3A_28 = arith.constant 320 : i32
    %add3A_29 = arith.addi %mul3A_5, %add3A_28 : i32
    %dma_start3A_30 = arith.constant 0 : i32
    %dma_start3A_31 = tpu.memref_slice %arg12[%add3A_29, %dma_start3A_30] : memref<10112x128xf32, #tpu.memory_space<vmem_shared>> -> memref<80x128xf32, #tpu.memory_space<vmem_shared>>
    %dma_start3A_32 = arith.constant 0 : i32
    %dma_start3A_33 = tpu.memref_slice %arg12[%add3A_29, %dma_start3A_32] : memref<10112x128xf32, #tpu.memory_space<vmem_shared>> -> memref<80x128xf32, #tpu.memory_space<vmem_shared>>
    tpu.enqueue_dma source(%arg8 : memref<80x128xf32, #tpu.memory_space<vmem>>) target(%dma_start3A_33 : memref<80x128xf32, #tpu.memory_space<vmem_shared>>) target_semaphore(%arg18 : memref<!tpu.dma_semaphore, #tpu.memory_space<semaphore_mem>>)
    %add3A_34 = arith.constant 400 : i32
    %add3A_35 = arith.addi %mul3A_5, %add3A_34 : i32
    %dma_start3A_36 = arith.constant 0 : i32
    %dma_start3A_37 = tpu.memref_slice %arg12[%add3A_35, %dma_start3A_36] : memref<10112x128xf32, #tpu.memory_space<vmem_shared>> -> memref<80x128xf32, #tpu.memory_space<vmem_shared>>
    %dma_start3A_38 = arith.constant 0 : i32
    %dma_start3A_39 = tpu.memref_slice %arg12[%add3A_35, %dma_start3A_38] : memref<10112x128xf32, #tpu.memory_space<vmem_shared>> -> memref<80x128xf32, #tpu.memory_space<vmem_shared>>
    tpu.enqueue_dma source(%arg8 : memref<80x128xf32, #tpu.memory_space<vmem>>) target(%dma_start3A_39 : memref<80x128xf32, #tpu.memory_space<vmem_shared>>) target_semaphore(%arg19 : memref<!tpu.dma_semaphore, #tpu.memory_space<semaphore_mem>>)
    %add3A_40 = arith.constant 480 : i32
    %add3A_41 = arith.addi %mul3A_5, %add3A_40 : i32
    %dma_start3A_42 = arith.constant 0 : i32
    %dma_start3A_43 = tpu.memref_slice %arg12[%add3A_41, %dma_start3A_42] : memref<10112x128xf32, #tpu.memory_space<vmem_shared>> -> memref<80x128xf32, #tpu.memory_space<vmem_shared>>
    %dma_start3A_44 = arith.constant 0 : i32
    %dma_start3A_45 = tpu.memref_slice %arg12[%add3A_41, %dma_start3A_44] : memref<10112x128xf32, #tpu.memory_space<vmem_shared>> -> memref<80x128xf32, #tpu.memory_space<vmem_shared>>
    tpu.enqueue_dma source(%arg8 : memref<80x128xf32, #tpu.memory_space<vmem>>) target(%dma_start3A_45 : memref<80x128xf32, #tpu.memory_space<vmem_shared>>) target_semaphore(%arg20 : memref<!tpu.dma_semaphore, #tpu.memory_space<semaphore_mem>>)
    %add3A_46 = arith.constant 560 : i32
    %add3A_47 = arith.addi %mul3A_5, %add3A_46 : i32
    %dma_start3A_48 = arith.constant 0 : i32
    %dma_start3A_49 = arith.constant 0 : i32
    %dma_start3A_50 = tpu.memref_slice %arg8[%dma_start3A_48, %dma_start3A_49] : memref<80x128xf32, #tpu.memory_space<vmem>> -> memref<72x128xf32, #tpu.memory_space<vmem>>
    %dma_start3A_51 = arith.constant 0 : i32
    %dma_start3A_52 = tpu.memref_slice %arg12[%add3A_47, %dma_start3A_51] : memref<10112x128xf32, #tpu.memory_space<vmem_shared>> -> memref<72x128xf32, #tpu.memory_space<vmem_shared>>
    %dma_start3A_53 = arith.constant 0 : i32
    %dma_start3A_54 = tpu.memref_slice %arg12[%add3A_47, %dma_start3A_53] : memref<10112x128xf32, #tpu.memory_space<vmem_shared>> -> memref<72x128xf32, #tpu.memory_space<vmem_shared>>
    %dma_start3A_55 = arith.constant 0 : i32
    %dma_start3A_56 = arith.constant 0 : i32
    %dma_start3A_57 = tpu.memref_slice %arg8[%dma_start3A_55, %dma_start3A_56] : memref<80x128xf32, #tpu.memory_space<vmem>> -> memref<72x128xf32, #tpu.memory_space<vmem>>
    tpu.enqueue_dma source(%dma_start3A_57 : memref<72x128xf32, #tpu.memory_space<vmem>>) target(%dma_start3A_54 : memref<72x128xf32, #tpu.memory_space<vmem_shared>>) target_semaphore(%arg18 : memref<!tpu.dma_semaphore, #tpu.memory_space<semaphore_mem>>)
    %dma_wait3A = arith.constant 0 : i32
    %dma_wait3A_58 = tpu.memref_slice %arg12[%add3A_6, %dma_wait3A] : memref<10112x128xf32, #tpu.memory_space<vmem_shared>> -> memref<80x128xf32, #tpu.memory_space<vmem_shared>>
    %dma_wait3A_59 = arith.constant 0 : i32
    %dma_wait3A_60 = tpu.memref_slice %arg12[%add3A_6, %dma_wait3A_59] : memref<10112x128xf32, #tpu.memory_space<vmem_shared>> -> memref<80x128xf32, #tpu.memory_space<vmem_shared>>
    tpu.wait_dma2 semaphore(%arg18 : memref<!tpu.dma_semaphore, #tpu.memory_space<semaphore_mem>>) src(%arg8 : memref<80x128xf32, #tpu.memory_space<vmem>>) dst(%dma_wait3A_60 : memref<80x128xf32, #tpu.memory_space<vmem_shared>>)
    %dma_wait3A_61 = arith.constant 0 : i32
    %dma_wait3A_62 = tpu.memref_slice %arg12[%add3A_11, %dma_wait3A_61] : memref<10112x128xf32, #tpu.memory_space<vmem_shared>> -> memref<80x128xf32, #tpu.memory_space<vmem_shared>>
    %dma_wait3A_63 = arith.constant 0 : i32
    %dma_wait3A_64 = tpu.memref_slice %arg12[%add3A_11, %dma_wait3A_63] : memref<10112x128xf32, #tpu.memory_space<vmem_shared>> -> memref<80x128xf32, #tpu.memory_space<vmem_shared>>
    tpu.wait_dma2 semaphore(%arg19 : memref<!tpu.dma_semaphore, #tpu.memory_space<semaphore_mem>>) src(%arg8 : memref<80x128xf32, #tpu.memory_space<vmem>>) dst(%dma_wait3A_64 : memref<80x128xf32, #tpu.memory_space<vmem_shared>>)
    %dma_wait3A_65 = arith.constant 0 : i32
    %dma_wait3A_66 = tpu.memref_slice %arg12[%add3A_17, %dma_wait3A_65] : memref<10112x128xf32, #tpu.memory_space<vmem_shared>> -> memref<80x128xf32, #tpu.memory_space<vmem_shared>>
    %dma_wait3A_67 = arith.constant 0 : i32
    %dma_wait3A_68 = tpu.memref_slice %arg12[%add3A_17, %dma_wait3A_67] : memref<10112x128xf32, #tpu.memory_space<vmem_shared>> -> memref<80x128xf32, #tpu.memory_space<vmem_shared>>
    tpu.wait_dma2 semaphore(%arg20 : memref<!tpu.dma_semaphore, #tpu.memory_space<semaphore_mem>>) src(%arg8 : memref<80x128xf32, #tpu.memory_space<vmem>>) dst(%dma_wait3A_68 : memref<80x128xf32, #tpu.memory_space<vmem_shared>>)
    %dma_wait3A_69 = arith.constant 0 : i32
    %dma_wait3A_70 = tpu.memref_slice %arg12[%add3A_23, %dma_wait3A_69] : memref<10112x128xf32, #tpu.memory_space<vmem_shared>> -> memref<80x128xf32, #tpu.memory_space<vmem_shared>>
    %dma_wait3A_71 = arith.constant 0 : i32
    %dma_wait3A_72 = tpu.memref_slice %arg12[%add3A_23, %dma_wait3A_71] : memref<10112x128xf32, #tpu.memory_space<vmem_shared>> -> memref<80x128xf32, #tpu.memory_space<vmem_shared>>
    tpu.wait_dma2 semaphore(%arg21 : memref<!tpu.dma_semaphore, #tpu.memory_space<semaphore_mem>>) src(%arg8 : memref<80x128xf32, #tpu.memory_space<vmem>>) dst(%dma_wait3A_72 : memref<80x128xf32, #tpu.memory_space<vmem_shared>>)
    %dma_wait3A_73 = arith.constant 0 : i32
    %dma_wait3A_74 = tpu.memref_slice %arg12[%add3A_29, %dma_wait3A_73] : memref<10112x128xf32, #tpu.memory_space<vmem_shared>> -> memref<80x128xf32, #tpu.memory_space<vmem_shared>>
    %dma_wait3A_75 = arith.constant 0 : i32
    %dma_wait3A_76 = tpu.memref_slice %arg12[%add3A_29, %dma_wait3A_75] : memref<10112x128xf32, #tpu.memory_space<vmem_shared>> -> memref<80x128xf32, #tpu.memory_space<vmem_shared>>
    tpu.wait_dma2 semaphore(%arg18 : memref<!tpu.dma_semaphore, #tpu.memory_space<semaphore_mem>>) src(%arg8 : memref<80x128xf32, #tpu.memory_space<vmem>>) dst(%dma_wait3A_76 : memref<80x128xf32, #tpu.memory_space<vmem_shared>>)
    %dma_wait3A_77 = arith.constant 0 : i32
    %dma_wait3A_78 = tpu.memref_slice %arg12[%add3A_35, %dma_wait3A_77] : memref<10112x128xf32, #tpu.memory_space<vmem_shared>> -> memref<80x128xf32, #tpu.memory_space<vmem_shared>>
    %dma_wait3A_79 = arith.constant 0 : i32
    %dma_wait3A_80 = tpu.memref_slice %arg12[%add3A_35, %dma_wait3A_79] : memref<10112x128xf32, #tpu.memory_space<vmem_shared>> -> memref<80x128xf32, #tpu.memory_space<vmem_shared>>
    tpu.wait_dma2 semaphore(%arg19 : memref<!tpu.dma_semaphore, #tpu.memory_space<semaphore_mem>>) src(%arg8 : memref<80x128xf32, #tpu.memory_space<vmem>>) dst(%dma_wait3A_80 : memref<80x128xf32, #tpu.memory_space<vmem_shared>>)
    %dma_wait3A_81 = arith.constant 0 : i32
    %dma_wait3A_82 = tpu.memref_slice %arg12[%add3A_41, %dma_wait3A_81] : memref<10112x128xf32, #tpu.memory_space<vmem_shared>> -> memref<80x128xf32, #tpu.memory_space<vmem_shared>>
    %dma_wait3A_83 = arith.constant 0 : i32
    %dma_wait3A_84 = tpu.memref_slice %arg12[%add3A_41, %dma_wait3A_83] : memref<10112x128xf32, #tpu.memory_space<vmem_shared>> -> memref<80x128xf32, #tpu.memory_space<vmem_shared>>
    tpu.wait_dma2 semaphore(%arg20 : memref<!tpu.dma_semaphore, #tpu.memory_space<semaphore_mem>>) src(%arg8 : memref<80x128xf32, #tpu.memory_space<vmem>>) dst(%dma_wait3A_84 : memref<80x128xf32, #tpu.memory_space<vmem_shared>>)
    %dma_wait3A_85 = arith.constant 0 : i32
    %dma_wait3A_86 = arith.constant 0 : i32
    %dma_wait3A_87 = tpu.memref_slice %arg8[%dma_wait3A_85, %dma_wait3A_86] : memref<80x128xf32, #tpu.memory_space<vmem>> -> memref<72x128xf32, #tpu.memory_space<vmem>>
    %dma_wait3A_88 = arith.constant 0 : i32
    %dma_wait3A_89 = tpu.memref_slice %arg12[%add3A_47, %dma_wait3A_88] : memref<10112x128xf32, #tpu.memory_space<vmem_shared>> -> memref<72x128xf32, #tpu.memory_space<vmem_shared>>
    %dma_wait3A_90 = arith.constant 0 : i32
    %dma_wait3A_91 = tpu.memref_slice %arg12[%add3A_47, %dma_wait3A_90] : memref<10112x128xf32, #tpu.memory_space<vmem_shared>> -> memref<72x128xf32, #tpu.memory_space<vmem_shared>>
    %dma_wait3A_92 = arith.constant 0 : i32
    %dma_wait3A_93 = arith.constant 0 : i32
    %dma_wait3A_94 = tpu.memref_slice %arg8[%dma_wait3A_92, %dma_wait3A_93] : memref<80x128xf32, #tpu.memory_space<vmem>> -> memref<72x128xf32, #tpu.memory_space<vmem>>
    tpu.wait_dma2 semaphore(%arg18 : memref<!tpu.dma_semaphore, #tpu.memory_space<semaphore_mem>>) src(%dma_wait3A_94 : memref<72x128xf32, #tpu.memory_space<vmem>>) dst(%dma_wait3A_91 : memref<72x128xf32, #tpu.memory_space<vmem_shared>>)
    %barrier3A = arith.constant 0 : index
    tpu.barrier barrier_id(%barrier3A)
    %mul3A_95 = arith.constant 2 : i32
    %mul3A_96 = arith.muli %arg1, %mul3A_95 : i32
    %add3A_97 = arith.addi %mul3A_96, %arg0 : i32
    %mul3A_98 = arith.constant 10000 : i32
    %mul3A_99 = arith.muli %add3A_97, %mul3A_98 : i32
    %add3A_100 = arith.constant 0 : i32
    %add3A_101 = arith.addi %mul3A_99, %add3A_100 : i32
    %add3A_102 = arith.constant 0 : i32
    %add3A_103 = arith.addi %add3A_101, %add3A_102 : i32
    %add3A_104 = arith.constant 0 : i32
    %add3A_105 = arith.addi %add3A_101, %add3A_104 : i32
    %dma_start3A_106 = arith.constant 0 : i32
    %dma_start3A_107 = arith.constant 0 : i32
    %dma_start3A_108 = arith.constant 0 : i32
    %dma_start3A_109 = tpu.memref_slice %arg6[%dma_start3A_106, %dma_start3A_107, %dma_start3A_108] : memref<2x4x80xi32, #tpu.memory_space<vmem>> -> memref<1x1x80xi32, #tpu.memory_space<vmem>>
    %dma_start3A_110 = tpu.memref_squeeze %dma_start3A_109 : memref<1x1x80xi32, #tpu.memory_space<vmem>> -> memref<80xi32, #tpu.memory_space<vmem>>
    %dma_start3A_111 = tpu.memref_slice %arg3[%add3A_103] : memref<320000xi32, #tpu.memory_space<hbm>> -> memref<80xi32, #tpu.memory_space<hbm>>
    %dma_start3A_112 = arith.constant 0 : i32
    %dma_start3A_113 = tpu.memref_slice %arg6[%dma_start3A_106, %dma_start3A_107, %dma_start3A_112] : memref<2x4x80xi32, #tpu.memory_space<vmem>> -> memref<1x1x80xi32, #tpu.memory_space<vmem>>
    %dma_start3A_114 = tpu.memref_squeeze %dma_start3A_113 : memref<1x1x80xi32, #tpu.memory_space<vmem>> -> memref<80xi32, #tpu.memory_space<vmem>>
    %dma_start3A_115 = tpu.memref_slice %arg3[%add3A_103] : memref<320000xi32, #tpu.memory_space<hbm>> -> memref<80xi32, #tpu.memory_space<hbm>>
    tpu.enqueue_dma source(%dma_start3A_115 : memref<80xi32, #tpu.memory_space<hbm>>) target(%dma_start3A_114 : memref<80xi32, #tpu.memory_space<vmem>>) target_semaphore(%arg13 : memref<!tpu.dma_semaphore, #tpu.memory_space<semaphore_mem>>)
    %dma_start3A_116 = arith.constant 0 : i32
    %dma_start3A_117 = arith.constant 0 : i32
    %dma_start3A_118 = arith.constant 0 : i32
    %dma_start3A_119 = tpu.memref_slice %arg7[%dma_start3A_116, %dma_start3A_117, %dma_start3A_118] : memref<3x4x80xi32, #tpu.memory_space<vmem>> -> memref<1x1x80xi32, #tpu.memory_space<vmem>>
    %dma_start3A_120 = tpu.memref_squeeze %dma_start3A_119 : memref<1x1x80xi32, #tpu.memory_space<vmem>> -> memref<80xi32, #tpu.memory_space<vmem>>
    %dma_start3A_121 = tpu.memref_slice %arg4[%add3A_105] : memref<320000xi32, #tpu.memory_space<hbm>> -> memref<80xi32, #tpu.memory_space<hbm>>
    %dma_start3A_122 = arith.constant 0 : i32
    %dma_start3A_123 = tpu.memref_slice %arg7[%dma_start3A_116, %dma_start3A_117, %dma_start3A_122] : memref<3x4x80xi32, #tpu.memory_space<vmem>> -> memref<1x1x80xi32, #tpu.memory_space<vmem>>
    %dma_start3A_124 = tpu.memref_squeeze %dma_start3A_123 : memref<1x1x80xi32, #tpu.memory_space<vmem>> -> memref<80xi32, #tpu.memory_space<vmem>>
    %dma_start3A_125 = tpu.memref_slice %arg4[%add3A_105] : memref<320000xi32, #tpu.memory_space<hbm>> -> memref<80xi32, #tpu.memory_space<hbm>>
    tpu.enqueue_dma source(%dma_start3A_125 : memref<80xi32, #tpu.memory_space<hbm>>) target(%dma_start3A_124 : memref<80xi32, #tpu.memory_space<vmem>>) target_semaphore(%arg13 : memref<!tpu.dma_semaphore, #tpu.memory_space<semaphore_mem>>)
    %add3A_126 = arith.constant 80 : i32
    %add3A_127 = arith.addi %add3A_101, %add3A_126 : i32
    %add3A_128 = arith.constant 80 : i32
    %add3A_129 = arith.addi %add3A_101, %add3A_128 : i32
    %dma_start3A_130 = arith.constant 0 : i32
    %dma_start3A_131 = arith.constant 1 : i32
    %dma_start3A_132 = arith.constant 0 : i32
    %dma_start3A_133 = tpu.memref_slice %arg6[%dma_start3A_130, %dma_start3A_131, %dma_start3A_132] : memref<2x4x80xi32, #tpu.memory_space<vmem>> -> memref<1x1x80xi32, #tpu.memory_space<vmem>>
    %dma_start3A_134 = tpu.memref_squeeze %dma_start3A_133 : memref<1x1x80xi32, #tpu.memory_space<vmem>> -> memref<80xi32, #tpu.memory_space<vmem>>
    %dma_start3A_135 = tpu.memref_slice %arg3[%add3A_127] : memref<320000xi32, #tpu.memory_space<hbm>> -> memref<80xi32, #tpu.memory_space<hbm>>
    %dma_start3A_136 = arith.constant 0 : i32
    %dma_start3A_137 = tpu.memref_slice %arg6[%dma_start3A_130, %dma_start3A_131, %dma_start3A_136] : memref<2x4x80xi32, #tpu.memory_space<vmem>> -> memref<1x1x80xi32, #tpu.memory_space<vmem>>
    %dma_start3A_138 = tpu.memref_squeeze %dma_start3A_137 : memref<1x1x80xi32, #tpu.memory_space<vmem>> -> memref<80xi32, #tpu.memory_space<vmem>>
    %dma_start3A_139 = tpu.memref_slice %arg3[%add3A_127] : memref<320000xi32, #tpu.memory_space<hbm>> -> memref<80xi32, #tpu.memory_space<hbm>>
    tpu.enqueue_dma source(%dma_start3A_139 : memref<80xi32, #tpu.memory_space<hbm>>) target(%dma_start3A_138 : memref<80xi32, #tpu.memory_space<vmem>>) target_semaphore(%arg13 : memref<!tpu.dma_semaphore, #tpu.memory_space<semaphore_mem>>)
    %dma_start3A_140 = arith.constant 0 : i32
    %dma_start3A_141 = arith.constant 1 : i32
    %dma_start3A_142 = arith.constant 0 : i32
    %dma_start3A_143 = tpu.memref_slice %arg7[%dma_start3A_140, %dma_start3A_141, %dma_start3A_142] : memref<3x4x80xi32, #tpu.memory_space<vmem>> -> memref<1x1x80xi32, #tpu.memory_space<vmem>>
    %dma_start3A_144 = tpu.memref_squeeze %dma_start3A_143 : memref<1x1x80xi32, #tpu.memory_space<vmem>> -> memref<80xi32, #tpu.memory_space<vmem>>
    %dma_start3A_145 = tpu.memref_slice %arg4[%add3A_129] : memref<320000xi32, #tpu.memory_space<hbm>> -> memref<80xi32, #tpu.memory_space<hbm>>
    %dma_start3A_146 = arith.constant 0 : i32
    %dma_start3A_147 = tpu.memref_slice %arg7[%dma_start3A_140, %dma_start3A_141, %dma_start3A_146] : memref<3x4x80xi32, #tpu.memory_space<vmem>> -> memref<1x1x80xi32, #tpu.memory_space<vmem>>
    %dma_start3A_148 = tpu.memref_squeeze %dma_start3A_147 : memref<1x1x80xi32, #tpu.memory_space<vmem>> -> memref<80xi32, #tpu.memory_space<vmem>>
    %dma_start3A_149 = tpu.memref_slice %arg4[%add3A_129] : memref<320000xi32, #tpu.memory_space<hbm>> -> memref<80xi32, #tpu.memory_space<hbm>>
    tpu.enqueue_dma source(%dma_start3A_149 : memref<80xi32, #tpu.memory_space<hbm>>) target(%dma_start3A_148 : memref<80xi32, #tpu.memory_space<vmem>>) target_semaphore(%arg13 : memref<!tpu.dma_semaphore, #tpu.memory_space<semaphore_mem>>)
    %add3A_150 = arith.constant 160 : i32
    %add3A_151 = arith.addi %add3A_101, %add3A_150 : i32
    %add3A_152 = arith.constant 160 : i32
    %add3A_153 = arith.addi %add3A_101, %add3A_152 : i32
    %dma_start3A_154 = arith.constant 0 : i32
    %dma_start3A_155 = arith.constant 2 : i32
    %dma_start3A_156 = arith.constant 0 : i32
    %dma_start3A_157 = tpu.memref_slice %arg6[%dma_start3A_154, %dma_start3A_155, %dma_start3A_156] : memref<2x4x80xi32, #tpu.memory_space<vmem>> -> memref<1x1x80xi32, #tpu.memory_space<vmem>>
    %dma_start3A_158 = tpu.memref_squeeze %dma_start3A_157 : memref<1x1x80xi32, #tpu.memory_space<vmem>> -> memref<80xi32, #tpu.memory_space<vmem>>
    %dma_start3A_159 = tpu.memref_slice %arg3[%add3A_151] : memref<320000xi32, #tpu.memory_space<hbm>> -> memref<80xi32, #tpu.memory_space<hbm>>
    %dma_start3A_160 = arith.constant 0 : i32
    %dma_start3A_161 = tpu.memref_slice %arg6[%dma_start3A_154, %dma_start3A_155, %dma_start3A_160] : memref<2x4x80xi32, #tpu.memory_space<vmem>> -> memref<1x1x80xi32, #tpu.memory_space<vmem>>
    %dma_start3A_162 = tpu.memref_squeeze %dma_start3A_161 : memref<1x1x80xi32, #tpu.memory_space<vmem>> -> memref<80xi32, #tpu.memory_space<vmem>>
    %dma_start3A_163 = tpu.memref_slice %arg3[%add3A_151] : memref<320000xi32, #tpu.memory_space<hbm>> -> memref<80xi32, #tpu.memory_space<hbm>>
    tpu.enqueue_dma source(%dma_start3A_163 : memref<80xi32, #tpu.memory_space<hbm>>) target(%dma_start3A_162 : memref<80xi32, #tpu.memory_space<vmem>>) target_semaphore(%arg13 : memref<!tpu.dma_semaphore, #tpu.memory_space<semaphore_mem>>)
    %dma_start3A_164 = arith.constant 0 : i32
    %dma_start3A_165 = arith.constant 2 : i32
    %dma_start3A_166 = arith.constant 0 : i32
    %dma_start3A_167 = tpu.memref_slice %arg7[%dma_start3A_164, %dma_start3A_165, %dma_start3A_166] : memref<3x4x80xi32, #tpu.memory_space<vmem>> -> memref<1x1x80xi32, #tpu.memory_space<vmem>>
    %dma_start3A_168 = tpu.memref_squeeze %dma_start3A_167 : memref<1x1x80xi32, #tpu.memory_space<vmem>> -> memref<80xi32, #tpu.memory_space<vmem>>
    %dma_start3A_169 = tpu.memref_slice %arg4[%add3A_153] : memref<320000xi32, #tpu.memory_space<hbm>> -> memref<80xi32, #tpu.memory_space<hbm>>
    %dma_start3A_170 = arith.constant 0 : i32
    %dma_start3A_171 = tpu.memref_slice %arg7[%dma_start3A_164, %dma_start3A_165, %dma_start3A_170] : memref<3x4x80xi32, #tpu.memory_space<vmem>> -> memref<1x1x80xi32, #tpu.memory_space<vmem>>
    %dma_start3A_172 = tpu.memref_squeeze %dma_start3A_171 : memref<1x1x80xi32, #tpu.memory_space<vmem>> -> memref<80xi32, #tpu.memory_space<vmem>>
    %dma_start3A_173 = tpu.memref_slice %arg4[%add3A_153] : memref<320000xi32, #tpu.memory_space<hbm>> -> memref<80xi32, #tpu.memory_space<hbm>>
    tpu.enqueue_dma source(%dma_start3A_173 : memref<80xi32, #tpu.memory_space<hbm>>) target(%dma_start3A_172 : memref<80xi32, #tpu.memory_space<vmem>>) target_semaphore(%arg13 : memref<!tpu.dma_semaphore, #tpu.memory_space<semaphore_mem>>)
    %add3A_174 = arith.constant 240 : i32
    %add3A_175 = arith.addi %add3A_101, %add3A_174 : i32
    %add3A_176 = arith.constant 240 : i32
    %add3A_177 = arith.addi %add3A_101, %add3A_176 : i32
    %dma_start3A_178 = arith.constant 0 : i32
    %dma_start3A_179 = arith.constant 3 : i32
    %dma_start3A_180 = arith.constant 0 : i32
    %dma_start3A_181 = tpu.memref_slice %arg6[%dma_start3A_178, %dma_start3A_179, %dma_start3A_180] : memref<2x4x80xi32, #tpu.memory_space<vmem>> -> memref<1x1x80xi32, #tpu.memory_space<vmem>>
    %dma_start3A_182 = tpu.memref_squeeze %dma_start3A_181 : memref<1x1x80xi32, #tpu.memory_space<vmem>> -> memref<80xi32, #tpu.memory_space<vmem>>
    %dma_start3A_183 = tpu.memref_slice %arg3[%add3A_175] : memref<320000xi32, #tpu.memory_space<hbm>> -> memref<80xi32, #tpu.memory_space<hbm>>
    %dma_start3A_184 = arith.constant 0 : i32
    %dma_start3A_185 = tpu.memref_slice %arg6[%dma_start3A_178, %dma_start3A_179, %dma_start3A_184] : memref<2x4x80xi32, #tpu.memory_space<vmem>> -> memref<1x1x80xi32, #tpu.memory_space<vmem>>
    %dma_start3A_186 = tpu.memref_squeeze %dma_start3A_185 : memref<1x1x80xi32, #tpu.memory_space<vmem>> -> memref<80xi32, #tpu.memory_space<vmem>>
    %dma_start3A_187 = tpu.memref_slice %arg3[%add3A_175] : memref<320000xi32, #tpu.memory_space<hbm>> -> memref<80xi32, #tpu.memory_space<hbm>>
    tpu.enqueue_dma source(%dma_start3A_187 : memref<80xi32, #tpu.memory_space<hbm>>) target(%dma_start3A_186 : memref<80xi32, #tpu.memory_space<vmem>>) target_semaphore(%arg13 : memref<!tpu.dma_semaphore, #tpu.memory_space<semaphore_mem>>)
    %dma_start3A_188 = arith.constant 0 : i32
    %dma_start3A_189 = arith.constant 3 : i32
    %dma_start3A_190 = arith.constant 0 : i32
    %dma_start3A_191 = tpu.memref_slice %arg7[%dma_start3A_188, %dma_start3A_189, %dma_start3A_190] : memref<3x4x80xi32, #tpu.memory_space<vmem>> -> memref<1x1x80xi32, #tpu.memory_space<vmem>>
    %dma_start3A_192 = tpu.memref_squeeze %dma_start3A_191 : memref<1x1x80xi32, #tpu.memory_space<vmem>> -> memref<80xi32, #tpu.memory_space<vmem>>
    %dma_start3A_193 = tpu.memref_slice %arg4[%add3A_177] : memref<320000xi32, #tpu.memory_space<hbm>> -> memref<80xi32, #tpu.memory_space<hbm>>
    %dma_start3A_194 = arith.constant 0 : i32
    %dma_start3A_195 = tpu.memref_slice %arg7[%dma_start3A_188, %dma_start3A_189, %dma_start3A_194] : memref<3x4x80xi32, #tpu.memory_space<vmem>> -> memref<1x1x80xi32, #tpu.memory_space<vmem>>
    %dma_start3A_196 = tpu.memref_squeeze %dma_start3A_195 : memref<1x1x80xi32, #tpu.memory_space<vmem>> -> memref<80xi32, #tpu.memory_space<vmem>>
    %dma_start3A_197 = tpu.memref_slice %arg4[%add3A_177] : memref<320000xi32, #tpu.memory_space<hbm>> -> memref<80xi32, #tpu.memory_space<hbm>>
    tpu.enqueue_dma source(%dma_start3A_197 : memref<80xi32, #tpu.memory_space<hbm>>) target(%dma_start3A_196 : memref<80xi32, #tpu.memory_space<vmem>>) target_semaphore(%arg13 : memref<!tpu.dma_semaphore, #tpu.memory_space<semaphore_mem>>)
    %scan3A_198 = arith.constant 0 : i32
    %scan3A_199 = arith.constant 31 : i32
    %scan3A_200 = arith.addi %scan3A_198, %scan3A_199 : i32
    %scan3A_201 = arith.constant 1 : i32
    scf.for %scan3A_245 = %scan3A_198 to %scan3A_200 step %scan3A_201  : i32 {
      %mul3A_246 = arith.constant 1 : i32
      %mul3A_247 = arith.muli %scan3A_245, %mul3A_246 : i32
      %add3A_248 = arith.constant 0 : i32
      %add3A_249 = arith.addi %add3A_248, %mul3A_247 : i32
      %rem3A = arith.constant 2 : i32
      %rem3A_250 = arith.remsi %add3A_249, %rem3A : i32
      %rem3A_251 = arith.constant 3 : i32
      %rem3A_252 = arith.remsi %add3A_249, %rem3A_251 : i32
      %lt3A = arith.constant 30 : i32
      %lt3A_253 = arith.cmpi slt, %add3A_249, %lt3A : i32
      %convert_element_type3A = arith.extui %lt3A_253 : i1 to i32
      %cond3A = arith.constant 0 : i32
      %cond3A_254 = arith.cmpi ne, %convert_element_type3A, %cond3A : i32
      scf.if %cond3A_254 {
        %add3A_453 = arith.constant 1 : i32
        %add3A_454 = arith.addi %add3A_249, %add3A_453 : i32
        %add3A_455 = arith.constant 1 : i32
        %add3A_456 = arith.addi %add3A_249, %add3A_455 : i32
        %rem3A_457 = arith.constant 2 : i32
        %rem3A_458 = arith.remsi %add3A_456, %rem3A_457 : i32
        %add3A_459 = arith.constant 1 : i32
        %add3A_460 = arith.addi %add3A_249, %add3A_459 : i32
        %rem3A_461 = arith.constant 3 : i32
        %rem3A_462 = arith.remsi %add3A_460, %rem3A_461 : i32
        %mul3A_463 = arith.constant 320 : i32
        %mul3A_464 = arith.muli %add3A_454, %mul3A_463 : i32
        %add3A_465 = arith.addi %mul3A_99, %mul3A_464 : i32
        %add3A_466 = arith.constant 0 : i32
        %add3A_467 = arith.addi %add3A_465, %add3A_466 : i32
        %add3A_468 = arith.constant 0 : i32
        %add3A_469 = arith.addi %add3A_465, %add3A_468 : i32
        %dma_start3A_470 = arith.constant 0 : i32
        %dma_start3A_471 = arith.constant 0 : i32
        %dma_start3A_472 = tpu.memref_slice %arg6[%rem3A_458, %dma_start3A_470, %dma_start3A_471] : memref<2x4x80xi32, #tpu.memory_space<vmem>> -> memref<1x1x80xi32, #tpu.memory_space<vmem>>
        %dma_start3A_473 = tpu.memref_squeeze %dma_start3A_472 : memref<1x1x80xi32, #tpu.memory_space<vmem>> -> memref<80xi32, #tpu.memory_space<vmem>>
        %dma_start3A_474 = tpu.memref_slice %arg3[%add3A_467] : memref<320000xi32, #tpu.memory_space<hbm>> -> memref<80xi32, #tpu.memory_space<hbm>>
        %dma_start3A_475 = arith.constant 0 : i32
        %dma_start3A_476 = tpu.memref_slice %arg6[%rem3A_458, %dma_start3A_470, %dma_start3A_475] : memref<2x4x80xi32, #tpu.memory_space<vmem>> -> memref<1x1x80xi32, #tpu.memory_space<vmem>>
        %dma_start3A_477 = tpu.memref_squeeze %dma_start3A_476 : memref<1x1x80xi32, #tpu.memory_space<vmem>> -> memref<80xi32, #tpu.memory_space<vmem>>
        %dma_start3A_478 = tpu.memref_slice %arg3[%add3A_467] : memref<320000xi32, #tpu.memory_space<hbm>> -> memref<80xi32, #tpu.memory_space<hbm>>
        tpu.enqueue_dma source(%dma_start3A_478 : memref<80xi32, #tpu.memory_space<hbm>>) target(%dma_start3A_477 : memref<80xi32, #tpu.memory_space<vmem>>) target_semaphore(%arg13 : memref<!tpu.dma_semaphore, #tpu.memory_space<semaphore_mem>>)
        %dma_start3A_479 = arith.constant 0 : i32
        %dma_start3A_480 = arith.constant 0 : i32
        %dma_start3A_481 = tpu.memref_slice %arg7[%rem3A_462, %dma_start3A_479, %dma_start3A_480] : memref<3x4x80xi32, #tpu.memory_space<vmem>> -> memref<1x1x80xi32, #tpu.memory_space<vmem>>
        %dma_start3A_482 = tpu.memref_squeeze %dma_start3A_481 : memref<1x1x80xi32, #tpu.memory_space<vmem>> -> memref<80xi32, #tpu.memory_space<vmem>>
        %dma_start3A_483 = tpu.memref_slice %arg4[%add3A_469] : memref<320000xi32, #tpu.memory_space<hbm>> -> memref<80xi32, #tpu.memory_space<hbm>>
        %dma_start3A_484 = arith.constant 0 : i32
        %dma_start3A_485 = tpu.memref_slice %arg7[%rem3A_462, %dma_start3A_479, %dma_start3A_484] : memref<3x4x80xi32, #tpu.memory_space<vmem>> -> memref<1x1x80xi32, #tpu.memory_space<vmem>>
        %dma_start3A_486 = tpu.memref_squeeze %dma_start3A_485 : memref<1x1x80xi32, #tpu.memory_space<vmem>> -> memref<80xi32, #tpu.memory_space<vmem>>
        %dma_start3A_487 = tpu.memref_slice %arg4[%add3A_469] : memref<320000xi32, #tpu.memory_space<hbm>> -> memref<80xi32, #tpu.memory_space<hbm>>
        tpu.enqueue_dma source(%dma_start3A_487 : memref<80xi32, #tpu.memory_space<hbm>>) target(%dma_start3A_486 : memref<80xi32, #tpu.memory_space<vmem>>) target_semaphore(%arg13 : memref<!tpu.dma_semaphore, #tpu.memory_space<semaphore_mem>>)
        %add3A_488 = arith.constant 80 : i32
        %add3A_489 = arith.addi %add3A_465, %add3A_488 : i32
        %add3A_490 = arith.constant 80 : i32
        %add3A_491 = arith.addi %add3A_465, %add3A_490 : i32
        %dma_start3A_492 = arith.constant 1 : i32
        %dma_start3A_493 = arith.constant 0 : i32
        %dma_start3A_494 = tpu.memref_slice %arg6[%rem3A_458, %dma_start3A_492, %dma_start3A_493] : memref<2x4x80xi32, #tpu.memory_space<vmem>> -> memref<1x1x80xi32, #tpu.memory_space<vmem>>
        %dma_start3A_495 = tpu.memref_squeeze %dma_start3A_494 : memref<1x1x80xi32, #tpu.memory_space<vmem>> -> memref<80xi32, #tpu.memory_space<vmem>>
        %dma_start3A_496 = tpu.memref_slice %arg3[%add3A_489] : memref<320000xi32, #tpu.memory_space<hbm>> -> memref<80xi32, #tpu.memory_space<hbm>>
        %dma_start3A_497 = arith.constant 0 : i32
        %dma_start3A_498 = tpu.memref_slice %arg6[%rem3A_458, %dma_start3A_492, %dma_start3A_497] : memref<2x4x80xi32, #tpu.memory_space<vmem>> -> memref<1x1x80xi32, #tpu.memory_space<vmem>>
        %dma_start3A_499 = tpu.memref_squeeze %dma_start3A_498 : memref<1x1x80xi32, #tpu.memory_space<vmem>> -> memref<80xi32, #tpu.memory_space<vmem>>
        %dma_start3A_500 = tpu.memref_slice %arg3[%add3A_489] : memref<320000xi32, #tpu.memory_space<hbm>> -> memref<80xi32, #tpu.memory_space<hbm>>
        tpu.enqueue_dma source(%dma_start3A_500 : memref<80xi32, #tpu.memory_space<hbm>>) target(%dma_start3A_499 : memref<80xi32, #tpu.memory_space<vmem>>) target_semaphore(%arg13 : memref<!tpu.dma_semaphore, #tpu.memory_space<semaphore_mem>>)
        %dma_start3A_501 = arith.constant 1 : i32
        %dma_start3A_502 = arith.constant 0 : i32
        %dma_start3A_503 = tpu.memref_slice %arg7[%rem3A_462, %dma_start3A_501, %dma_start3A_502] : memref<3x4x80xi32, #tpu.memory_space<vmem>> -> memref<1x1x80xi32, #tpu.memory_space<vmem>>
        %dma_start3A_504 = tpu.memref_squeeze %dma_start3A_503 : memref<1x1x80xi32, #tpu.memory_space<vmem>> -> memref<80xi32, #tpu.memory_space<vmem>>
        %dma_start3A_505 = tpu.memref_slice %arg4[%add3A_491] : memref<320000xi32, #tpu.memory_space<hbm>> -> memref<80xi32, #tpu.memory_space<hbm>>
        %dma_start3A_506 = arith.constant 0 : i32
        %dma_start3A_507 = tpu.memref_slice %arg7[%rem3A_462, %dma_start3A_501, %dma_start3A_506] : memref<3x4x80xi32, #tpu.memory_space<vmem>> -> memref<1x1x80xi32, #tpu.memory_space<vmem>>
        %dma_start3A_508 = tpu.memref_squeeze %dma_start3A_507 : memref<1x1x80xi32, #tpu.memory_space<vmem>> -> memref<80xi32, #tpu.memory_space<vmem>>
        %dma_start3A_509 = tpu.memref_slice %arg4[%add3A_491] : memref<320000xi32, #tpu.memory_space<hbm>> -> memref<80xi32, #tpu.memory_space<hbm>>
        tpu.enqueue_dma source(%dma_start3A_509 : memref<80xi32, #tpu.memory_space<hbm>>) target(%dma_start3A_508 : memref<80xi32, #tpu.memory_space<vmem>>) target_semaphore(%arg13 : memref<!tpu.dma_semaphore, #tpu.memory_space<semaphore_mem>>)
        %add3A_510 = arith.constant 160 : i32
        %add3A_511 = arith.addi %add3A_465, %add3A_510 : i32
        %add3A_512 = arith.constant 160 : i32
        %add3A_513 = arith.addi %add3A_465, %add3A_512 : i32
        %dma_start3A_514 = arith.constant 2 : i32
        %dma_start3A_515 = arith.constant 0 : i32
        %dma_start3A_516 = tpu.memref_slice %arg6[%rem3A_458, %dma_start3A_514, %dma_start3A_515] : memref<2x4x80xi32, #tpu.memory_space<vmem>> -> memref<1x1x80xi32, #tpu.memory_space<vmem>>
        %dma_start3A_517 = tpu.memref_squeeze %dma_start3A_516 : memref<1x1x80xi32, #tpu.memory_space<vmem>> -> memref<80xi32, #tpu.memory_space<vmem>>
        %dma_start3A_518 = tpu.memref_slice %arg3[%add3A_511] : memref<320000xi32, #tpu.memory_space<hbm>> -> memref<80xi32, #tpu.memory_space<hbm>>
        %dma_start3A_519 = arith.constant 0 : i32
        %dma_start3A_520 = tpu.memref_slice %arg6[%rem3A_458, %dma_start3A_514, %dma_start3A_519] : memref<2x4x80xi32, #tpu.memory_space<vmem>> -> memref<1x1x80xi32, #tpu.memory_space<vmem>>
        %dma_start3A_521 = tpu.memref_squeeze %dma_start3A_520 : memref<1x1x80xi32, #tpu.memory_space<vmem>> -> memref<80xi32, #tpu.memory_space<vmem>>
        %dma_start3A_522 = tpu.memref_slice %arg3[%add3A_511] : memref<320000xi32, #tpu.memory_space<hbm>> -> memref<80xi32, #tpu.memory_space<hbm>>
        tpu.enqueue_dma source(%dma_start3A_522 : memref<80xi32, #tpu.memory_space<hbm>>) target(%dma_start3A_521 : memref<80xi32, #tpu.memory_space<vmem>>) target_semaphore(%arg13 : memref<!tpu.dma_semaphore, #tpu.memory_space<semaphore_mem>>)
        %dma_start3A_523 = arith.constant 2 : i32
        %dma_start3A_524 = arith.constant 0 : i32
        %dma_start3A_525 = tpu.memref_slice %arg7[%rem3A_462, %dma_start3A_523, %dma_start3A_524] : memref<3x4x80xi32, #tpu.memory_space<vmem>> -> memref<1x1x80xi32, #tpu.memory_space<vmem>>
        %dma_start3A_526 = tpu.memref_squeeze %dma_start3A_525 : memref<1x1x80xi32, #tpu.memory_space<vmem>> -> memref<80xi32, #tpu.memory_space<vmem>>
        %dma_start3A_527 = tpu.memref_slice %arg4[%add3A_513] : memref<320000xi32, #tpu.memory_space<hbm>> -> memref<80xi32, #tpu.memory_space<hbm>>
        %dma_start3A_528 = arith.constant 0 : i32
        %dma_start3A_529 = tpu.memref_slice %arg7[%rem3A_462, %dma_start3A_523, %dma_start3A_528] : memref<3x4x80xi32, #tpu.memory_space<vmem>> -> memref<1x1x80xi32, #tpu.memory_space<vmem>>
        %dma_start3A_530 = tpu.memref_squeeze %dma_start3A_529 : memref<1x1x80xi32, #tpu.memory_space<vmem>> -> memref<80xi32, #tpu.memory_space<vmem>>
        %dma_start3A_531 = tpu.memref_slice %arg4[%add3A_513] : memref<320000xi32, #tpu.memory_space<hbm>> -> memref<80xi32, #tpu.memory_space<hbm>>
        tpu.enqueue_dma source(%dma_start3A_531 : memref<80xi32, #tpu.memory_space<hbm>>) target(%dma_start3A_530 : memref<80xi32, #tpu.memory_space<vmem>>) target_semaphore(%arg13 : memref<!tpu.dma_semaphore, #tpu.memory_space<semaphore_mem>>)
        %add3A_532 = arith.constant 240 : i32
        %add3A_533 = arith.addi %add3A_465, %add3A_532 : i32
        %add3A_534 = arith.constant 240 : i32
        %add3A_535 = arith.addi %add3A_465, %add3A_534 : i32
        %dma_start3A_536 = arith.constant 3 : i32
        %dma_start3A_537 = arith.constant 0 : i32
        %dma_start3A_538 = tpu.memref_slice %arg6[%rem3A_458, %dma_start3A_536, %dma_start3A_537] : memref<2x4x80xi32, #tpu.memory_space<vmem>> -> memref<1x1x80xi32, #tpu.memory_space<vmem>>
        %dma_start3A_539 = tpu.memref_squeeze %dma_start3A_538 : memref<1x1x80xi32, #tpu.memory_space<vmem>> -> memref<80xi32, #tpu.memory_space<vmem>>
        %dma_start3A_540 = tpu.memref_slice %arg3[%add3A_533] : memref<320000xi32, #tpu.memory_space<hbm>> -> memref<80xi32, #tpu.memory_space<hbm>>
        %dma_start3A_541 = arith.constant 0 : i32
        %dma_start3A_542 = tpu.memref_slice %arg6[%rem3A_458, %dma_start3A_536, %dma_start3A_541] : memref<2x4x80xi32, #tpu.memory_space<vmem>> -> memref<1x1x80xi32, #tpu.memory_space<vmem>>
        %dma_start3A_543 = tpu.memref_squeeze %dma_start3A_542 : memref<1x1x80xi32, #tpu.memory_space<vmem>> -> memref<80xi32, #tpu.memory_space<vmem>>
        %dma_start3A_544 = tpu.memref_slice %arg3[%add3A_533] : memref<320000xi32, #tpu.memory_space<hbm>> -> memref<80xi32, #tpu.memory_space<hbm>>
        tpu.enqueue_dma source(%dma_start3A_544 : memref<80xi32, #tpu.memory_space<hbm>>) target(%dma_start3A_543 : memref<80xi32, #tpu.memory_space<vmem>>) target_semaphore(%arg13 : memref<!tpu.dma_semaphore, #tpu.memory_space<semaphore_mem>>)
        %dma_start3A_545 = arith.constant 3 : i32
        %dma_start3A_546 = arith.constant 0 : i32
        %dma_start3A_547 = tpu.memref_slice %arg7[%rem3A_462, %dma_start3A_545, %dma_start3A_546] : memref<3x4x80xi32, #tpu.memory_space<vmem>> -> memref<1x1x80xi32, #tpu.memory_space<vmem>>
        %dma_start3A_548 = tpu.memref_squeeze %dma_start3A_547 : memref<1x1x80xi32, #tpu.memory_space<vmem>> -> memref<80xi32, #tpu.memory_space<vmem>>
        %dma_start3A_549 = tpu.memref_slice %arg4[%add3A_535] : memref<320000xi32, #tpu.memory_space<hbm>> -> memref<80xi32, #tpu.memory_space<hbm>>
        %dma_start3A_550 = arith.constant 0 : i32
        %dma_start3A_551 = tpu.memref_slice %arg7[%rem3A_462, %dma_start3A_545, %dma_start3A_550] : memref<3x4x80xi32, #tpu.memory_space<vmem>> -> memref<1x1x80xi32, #tpu.memory_space<vmem>>
        %dma_start3A_552 = tpu.memref_squeeze %dma_start3A_551 : memref<1x1x80xi32, #tpu.memory_space<vmem>> -> memref<80xi32, #tpu.memory_space<vmem>>
        %dma_start3A_553 = tpu.memref_slice %arg4[%add3A_535] : memref<320000xi32, #tpu.memory_space<hbm>> -> memref<80xi32, #tpu.memory_space<hbm>>
        tpu.enqueue_dma source(%dma_start3A_553 : memref<80xi32, #tpu.memory_space<hbm>>) target(%dma_start3A_552 : memref<80xi32, #tpu.memory_space<vmem>>) target_semaphore(%arg13 : memref<!tpu.dma_semaphore, #tpu.memory_space<semaphore_mem>>)
      } else {
      }
      %mul3A_255 = arith.constant 320 : i32
      %mul3A_256 = arith.muli %add3A_249, %mul3A_255 : i32
      %add3A_257 = arith.addi %mul3A_99, %mul3A_256 : i32
      %add3A_258 = arith.constant 0 : i32
      %add3A_259 = arith.addi %add3A_257, %add3A_258 : i32
      %add3A_260 = arith.constant 0 : i32
      %add3A_261 = arith.addi %add3A_257, %add3A_260 : i32
      %dma_wait3A_262 = arith.constant 0 : i32
      %dma_wait3A_263 = arith.constant 0 : i32
      %dma_wait3A_264 = tpu.memref_slice %arg6[%rem3A_250, %dma_wait3A_262, %dma_wait3A_263] : memref<2x4x80xi32, #tpu.memory_space<vmem>> -> memref<1x1x80xi32, #tpu.memory_space<vmem>>
      %dma_wait3A_265 = tpu.memref_squeeze %dma_wait3A_264 : memref<1x1x80xi32, #tpu.memory_space<vmem>> -> memref<80xi32, #tpu.memory_space<vmem>>
      %dma_wait3A_266 = tpu.memref_slice %arg3[%add3A_259] : memref<320000xi32, #tpu.memory_space<hbm>> -> memref<80xi32, #tpu.memory_space<hbm>>
      %dma_wait3A_267 = arith.constant 0 : i32
      %dma_wait3A_268 = tpu.memref_slice %arg6[%rem3A_250, %dma_wait3A_262, %dma_wait3A_267] : memref<2x4x80xi32, #tpu.memory_space<vmem>> -> memref<1x1x80xi32, #tpu.memory_space<vmem>>
      %dma_wait3A_269 = tpu.memref_squeeze %dma_wait3A_268 : memref<1x1x80xi32, #tpu.memory_space<vmem>> -> memref<80xi32, #tpu.memory_space<vmem>>
      %dma_wait3A_270 = tpu.memref_slice %arg3[%add3A_259] : memref<320000xi32, #tpu.memory_space<hbm>> -> memref<80xi32, #tpu.memory_space<hbm>>
      tpu.wait_dma2 semaphore(%arg13 : memref<!tpu.dma_semaphore, #tpu.memory_space<semaphore_mem>>) src(%dma_wait3A_270 : memref<80xi32, #tpu.memory_space<hbm>>) dst(%dma_wait3A_269 : memref<80xi32, #tpu.memory_space<vmem>>)
      %dma_wait3A_271 = arith.constant 0 : i32
      %dma_wait3A_272 = arith.constant 0 : i32
      %dma_wait3A_273 = tpu.memref_slice %arg7[%rem3A_252, %dma_wait3A_271, %dma_wait3A_272] : memref<3x4x80xi32, #tpu.memory_space<vmem>> -> memref<1x1x80xi32, #tpu.memory_space<vmem>>
      %dma_wait3A_274 = tpu.memref_squeeze %dma_wait3A_273 : memref<1x1x80xi32, #tpu.memory_space<vmem>> -> memref<80xi32, #tpu.memory_space<vmem>>
      %dma_wait3A_275 = tpu.memref_slice %arg4[%add3A_261] : memref<320000xi32, #tpu.memory_space<hbm>> -> memref<80xi32, #tpu.memory_space<hbm>>
      %dma_wait3A_276 = arith.constant 0 : i32
      %dma_wait3A_277 = tpu.memref_slice %arg7[%rem3A_252, %dma_wait3A_271, %dma_wait3A_276] : memref<3x4x80xi32, #tpu.memory_space<vmem>> -> memref<1x1x80xi32, #tpu.memory_space<vmem>>
      %dma_wait3A_278 = tpu.memref_squeeze %dma_wait3A_277 : memref<1x1x80xi32, #tpu.memory_space<vmem>> -> memref<80xi32, #tpu.memory_space<vmem>>
      %dma_wait3A_279 = tpu.memref_slice %arg4[%add3A_261] : memref<320000xi32, #tpu.memory_space<hbm>> -> memref<80xi32, #tpu.memory_space<hbm>>
      tpu.wait_dma2 semaphore(%arg13 : memref<!tpu.dma_semaphore, #tpu.memory_space<semaphore_mem>>) src(%dma_wait3A_279 : memref<80xi32, #tpu.memory_space<hbm>>) dst(%dma_wait3A_278 : memref<80xi32, #tpu.memory_space<vmem>>)
      %add3A_280 = arith.constant 80 : i32
      %add3A_281 = arith.addi %add3A_257, %add3A_280 : i32
      %add3A_282 = arith.constant 80 : i32
      %add3A_283 = arith.addi %add3A_257, %add3A_282 : i32
      %dma_wait3A_284 = arith.constant 1 : i32
      %dma_wait3A_285 = arith.constant 0 : i32
      %dma_wait3A_286 = tpu.memref_slice %arg6[%rem3A_250, %dma_wait3A_284, %dma_wait3A_285] : memref<2x4x80xi32, #tpu.memory_space<vmem>> -> memref<1x1x80xi32, #tpu.memory_space<vmem>>
      %dma_wait3A_287 = tpu.memref_squeeze %dma_wait3A_286 : memref<1x1x80xi32, #tpu.memory_space<vmem>> -> memref<80xi32, #tpu.memory_space<vmem>>
      %dma_wait3A_288 = tpu.memref_slice %arg3[%add3A_281] : memref<320000xi32, #tpu.memory_space<hbm>> -> memref<80xi32, #tpu.memory_space<hbm>>
      %dma_wait3A_289 = arith.constant 0 : i32
      %dma_wait3A_290 = tpu.memref_slice %arg6[%rem3A_250, %dma_wait3A_284, %dma_wait3A_289] : memref<2x4x80xi32, #tpu.memory_space<vmem>> -> memref<1x1x80xi32, #tpu.memory_space<vmem>>
      %dma_wait3A_291 = tpu.memref_squeeze %dma_wait3A_290 : memref<1x1x80xi32, #tpu.memory_space<vmem>> -> memref<80xi32, #tpu.memory_space<vmem>>
      %dma_wait3A_292 = tpu.memref_slice %arg3[%add3A_281] : memref<320000xi32, #tpu.memory_space<hbm>> -> memref<80xi32, #tpu.memory_space<hbm>>
      tpu.wait_dma2 semaphore(%arg13 : memref<!tpu.dma_semaphore, #tpu.memory_space<semaphore_mem>>) src(%dma_wait3A_292 : memref<80xi32, #tpu.memory_space<hbm>>) dst(%dma_wait3A_291 : memref<80xi32, #tpu.memory_space<vmem>>)
      %dma_wait3A_293 = arith.constant 1 : i32
      %dma_wait3A_294 = arith.constant 0 : i32
      %dma_wait3A_295 = tpu.memref_slice %arg7[%rem3A_252, %dma_wait3A_293, %dma_wait3A_294] : memref<3x4x80xi32, #tpu.memory_space<vmem>> -> memref<1x1x80xi32, #tpu.memory_space<vmem>>
      %dma_wait3A_296 = tpu.memref_squeeze %dma_wait3A_295 : memref<1x1x80xi32, #tpu.memory_space<vmem>> -> memref<80xi32, #tpu.memory_space<vmem>>
      %dma_wait3A_297 = tpu.memref_slice %arg4[%add3A_283] : memref<320000xi32, #tpu.memory_space<hbm>> -> memref<80xi32, #tpu.memory_space<hbm>>
      %dma_wait3A_298 = arith.constant 0 : i32
      %dma_wait3A_299 = tpu.memref_slice %arg7[%rem3A_252, %dma_wait3A_293, %dma_wait3A_298] : memref<3x4x80xi32, #tpu.memory_space<vmem>> -> memref<1x1x80xi32, #tpu.memory_space<vmem>>
      %dma_wait3A_300 = tpu.memref_squeeze %dma_wait3A_299 : memref<1x1x80xi32, #tpu.memory_space<vmem>> -> memref<80xi32, #tpu.memory_space<vmem>>
      %dma_wait3A_301 = tpu.memref_slice %arg4[%add3A_283] : memref<320000xi32, #tpu.memory_space<hbm>> -> memref<80xi32, #tpu.memory_space<hbm>>
      tpu.wait_dma2 semaphore(%arg13 : memref<!tpu.dma_semaphore, #tpu.memory_space<semaphore_mem>>) src(%dma_wait3A_301 : memref<80xi32, #tpu.memory_space<hbm>>) dst(%dma_wait3A_300 : memref<80xi32, #tpu.memory_space<vmem>>)
      %add3A_302 = arith.constant 160 : i32
      %add3A_303 = arith.addi %add3A_257, %add3A_302 : i32
      %add3A_304 = arith.constant 160 : i32
      %add3A_305 = arith.addi %add3A_257, %add3A_304 : i32
      %dma_wait3A_306 = arith.constant 2 : i32
      %dma_wait3A_307 = arith.constant 0 : i32
      %dma_wait3A_308 = tpu.memref_slice %arg6[%rem3A_250, %dma_wait3A_306, %dma_wait3A_307] : memref<2x4x80xi32, #tpu.memory_space<vmem>> -> memref<1x1x80xi32, #tpu.memory_space<vmem>>
      %dma_wait3A_309 = tpu.memref_squeeze %dma_wait3A_308 : memref<1x1x80xi32, #tpu.memory_space<vmem>> -> memref<80xi32, #tpu.memory_space<vmem>>
      %dma_wait3A_310 = tpu.memref_slice %arg3[%add3A_303] : memref<320000xi32, #tpu.memory_space<hbm>> -> memref<80xi32, #tpu.memory_space<hbm>>
      %dma_wait3A_311 = arith.constant 0 : i32
      %dma_wait3A_312 = tpu.memref_slice %arg6[%rem3A_250, %dma_wait3A_306, %dma_wait3A_311] : memref<2x4x80xi32, #tpu.memory_space<vmem>> -> memref<1x1x80xi32, #tpu.memory_space<vmem>>
      %dma_wait3A_313 = tpu.memref_squeeze %dma_wait3A_312 : memref<1x1x80xi32, #tpu.memory_space<vmem>> -> memref<80xi32, #tpu.memory_space<vmem>>
      %dma_wait3A_314 = tpu.memref_slice %arg3[%add3A_303] : memref<320000xi32, #tpu.memory_space<hbm>> -> memref<80xi32, #tpu.memory_space<hbm>>
      tpu.wait_dma2 semaphore(%arg13 : memref<!tpu.dma_semaphore, #tpu.memory_space<semaphore_mem>>) src(%dma_wait3A_314 : memref<80xi32, #tpu.memory_space<hbm>>) dst(%dma_wait3A_313 : memref<80xi32, #tpu.memory_space<vmem>>)
      %dma_wait3A_315 = arith.constant 2 : i32
      %dma_wait3A_316 = arith.constant 0 : i32
      %dma_wait3A_317 = tpu.memref_slice %arg7[%rem3A_252, %dma_wait3A_315, %dma_wait3A_316] : memref<3x4x80xi32, #tpu.memory_space<vmem>> -> memref<1x1x80xi32, #tpu.memory_space<vmem>>
      %dma_wait3A_318 = tpu.memref_squeeze %dma_wait3A_317 : memref<1x1x80xi32, #tpu.memory_space<vmem>> -> memref<80xi32, #tpu.memory_space<vmem>>
      %dma_wait3A_319 = tpu.memref_slice %arg4[%add3A_305] : memref<320000xi32, #tpu.memory_space<hbm>> -> memref<80xi32, #tpu.memory_space<hbm>>
      %dma_wait3A_320 = arith.constant 0 : i32
      %dma_wait3A_321 = tpu.memref_slice %arg7[%rem3A_252, %dma_wait3A_315, %dma_wait3A_320] : memref<3x4x80xi32, #tpu.memory_space<vmem>> -> memref<1x1x80xi32, #tpu.memory_space<vmem>>
      %dma_wait3A_322 = tpu.memref_squeeze %dma_wait3A_321 : memref<1x1x80xi32, #tpu.memory_space<vmem>> -> memref<80xi32, #tpu.memory_space<vmem>>
      %dma_wait3A_323 = tpu.memref_slice %arg4[%add3A_305] : memref<320000xi32, #tpu.memory_space<hbm>> -> memref<80xi32, #tpu.memory_space<hbm>>
      tpu.wait_dma2 semaphore(%arg13 : memref<!tpu.dma_semaphore, #tpu.memory_space<semaphore_mem>>) src(%dma_wait3A_323 : memref<80xi32, #tpu.memory_space<hbm>>) dst(%dma_wait3A_322 : memref<80xi32, #tpu.memory_space<vmem>>)
      %add3A_324 = arith.constant 240 : i32
      %add3A_325 = arith.addi %add3A_257, %add3A_324 : i32
      %add3A_326 = arith.constant 240 : i32
      %add3A_327 = arith.addi %add3A_257, %add3A_326 : i32
      %dma_wait3A_328 = arith.constant 3 : i32
      %dma_wait3A_329 = arith.constant 0 : i32
      %dma_wait3A_330 = tpu.memref_slice %arg6[%rem3A_250, %dma_wait3A_328, %dma_wait3A_329] : memref<2x4x80xi32, #tpu.memory_space<vmem>> -> memref<1x1x80xi32, #tpu.memory_space<vmem>>
      %dma_wait3A_331 = tpu.memref_squeeze %dma_wait3A_330 : memref<1x1x80xi32, #tpu.memory_space<vmem>> -> memref<80xi32, #tpu.memory_space<vmem>>
      %dma_wait3A_332 = tpu.memref_slice %arg3[%add3A_325] : memref<320000xi32, #tpu.memory_space<hbm>> -> memref<80xi32, #tpu.memory_space<hbm>>
      %dma_wait3A_333 = arith.constant 0 : i32
      %dma_wait3A_334 = tpu.memref_slice %arg6[%rem3A_250, %dma_wait3A_328, %dma_wait3A_333] : memref<2x4x80xi32, #tpu.memory_space<vmem>> -> memref<1x1x80xi32, #tpu.memory_space<vmem>>
      %dma_wait3A_335 = tpu.memref_squeeze %dma_wait3A_334 : memref<1x1x80xi32, #tpu.memory_space<vmem>> -> memref<80xi32, #tpu.memory_space<vmem>>
      %dma_wait3A_336 = tpu.memref_slice %arg3[%add3A_325] : memref<320000xi32, #tpu.memory_space<hbm>> -> memref<80xi32, #tpu.memory_space<hbm>>
      tpu.wait_dma2 semaphore(%arg13 : memref<!tpu.dma_semaphore, #tpu.memory_space<semaphore_mem>>) src(%dma_wait3A_336 : memref<80xi32, #tpu.memory_space<hbm>>) dst(%dma_wait3A_335 : memref<80xi32, #tpu.memory_space<vmem>>)
      %dma_wait3A_337 = arith.constant 3 : i32
      %dma_wait3A_338 = arith.constant 0 : i32
      %dma_wait3A_339 = tpu.memref_slice %arg7[%rem3A_252, %dma_wait3A_337, %dma_wait3A_338] : memref<3x4x80xi32, #tpu.memory_space<vmem>> -> memref<1x1x80xi32, #tpu.memory_space<vmem>>
      %dma_wait3A_340 = tpu.memref_squeeze %dma_wait3A_339 : memref<1x1x80xi32, #tpu.memory_space<vmem>> -> memref<80xi32, #tpu.memory_space<vmem>>
      %dma_wait3A_341 = tpu.memref_slice %arg4[%add3A_327] : memref<320000xi32, #tpu.memory_space<hbm>> -> memref<80xi32, #tpu.memory_space<hbm>>
      %dma_wait3A_342 = arith.constant 0 : i32
      %dma_wait3A_343 = tpu.memref_slice %arg7[%rem3A_252, %dma_wait3A_337, %dma_wait3A_342] : memref<3x4x80xi32, #tpu.memory_space<vmem>> -> memref<1x1x80xi32, #tpu.memory_space<vmem>>
      %dma_wait3A_344 = tpu.memref_squeeze %dma_wait3A_343 : memref<1x1x80xi32, #tpu.memory_space<vmem>> -> memref<80xi32, #tpu.memory_space<vmem>>
      %dma_wait3A_345 = tpu.memref_slice %arg4[%add3A_327] : memref<320000xi32, #tpu.memory_space<hbm>> -> memref<80xi32, #tpu.memory_space<hbm>>
      tpu.wait_dma2 semaphore(%arg13 : memref<!tpu.dma_semaphore, #tpu.memory_space<semaphore_mem>>) src(%dma_wait3A_345 : memref<80xi32, #tpu.memory_space<hbm>>) dst(%dma_wait3A_344 : memref<80xi32, #tpu.memory_space<vmem>>)
      %add3A_346 = arith.constant 2 : i32
      %add3A_347 = arith.addi %add3A_249, %add3A_346 : i32
      %rem3A_348 = arith.constant 3 : i32
      %rem3A_349 = arith.remsi %add3A_347, %rem3A_348 : i32
      %gt3A = arith.constant 0 : i32
      %gt3A_350 = arith.cmpi sgt, %add3A_249, %gt3A : i32
      %convert_element_type3A_351 = arith.extui %gt3A_350 : i1 to i32
      %cond3A_352 = arith.constant 0 : i32
      %cond3A_353 = arith.cmpi ne, %convert_element_type3A_351, %cond3A_352 : i32
      scf.if %cond3A_353 {
        %dma_wait3A_453 = arith.constant 0 : i32
        %dma_wait3A_454 = arith.constant 0 : i32
        %dma_wait3A_455 = tpu.memref_slice %arg7[%rem3A_349, %dma_wait3A_453, %dma_wait3A_454] : memref<3x4x80xi32, #tpu.memory_space<vmem>> -> memref<1x1x80xi32, #tpu.memory_space<vmem>>
        %dma_wait3A_456 = tpu.memref_squeeze %dma_wait3A_455 : memref<1x1x80xi32, #tpu.memory_space<vmem>> -> memref<80xi32, #tpu.memory_space<vmem>>
        %dma_wait3A_457 = arith.constant 0 : i32
        %dma_wait3A_458 = arith.constant 0 : i32
        %dma_wait3A_459 = tpu.memref_slice %arg12[%dma_wait3A_457, %dma_wait3A_458] : memref<10112x128xf32, #tpu.memory_space<vmem_shared>> -> memref<10112x128xf32, #tpu.memory_space<vmem_shared>>
        tpu.wait_indirect_dma semaphore(%arg18 : memref<!tpu.dma_semaphore, #tpu.memory_space<semaphore_mem>>) src(%arg8 : memref<80x128xf32, #tpu.memory_space<vmem>>) dst(%dma_wait3A_459 : memref<10112x128xf32, #tpu.memory_space<vmem_shared>>)
      } else {
      }
      %dma_start3A_354 = arith.constant 0 : i32
      %dma_start3A_355 = arith.constant 0 : i32
      %dma_start3A_356 = tpu.memref_slice %arg6[%rem3A_250, %dma_start3A_354, %dma_start3A_355] : memref<2x4x80xi32, #tpu.memory_space<vmem>> -> memref<1x1x80xi32, #tpu.memory_space<vmem>>
      %dma_start3A_357 = tpu.memref_squeeze %dma_start3A_356 : memref<1x1x80xi32, #tpu.memory_space<vmem>> -> memref<80xi32, #tpu.memory_space<vmem>>
      %dma_start3A_358 = arith.constant 0 : i32
      %dma_start3A_359 = arith.constant 0 : i32
      %dma_start3A_360 = tpu.memref_slice %arg2[%dma_start3A_358, %dma_start3A_359] : memref<10000x128xf32, #tpu.memory_space<hbm>> -> memref<10000x128xf32, #tpu.memory_space<hbm>>
      tpu.enqueue_indirect_dma source(%dma_start3A_360 : memref<10000x128xf32, #tpu.memory_space<hbm>>) target(%arg8 : memref<80x128xf32, #tpu.memory_space<vmem>>) offsets(%dma_start3A_357 : memref<80xi32, #tpu.memory_space<vmem>>) semaphore(%arg14 : memref<!tpu.dma_semaphore, #tpu.memory_space<semaphore_mem>>)
      %gt3A_361 = arith.constant 0 : i32
      %gt3A_362 = arith.cmpi sgt, %add3A_249, %gt3A_361 : i32
      %convert_element_type3A_363 = arith.extui %gt3A_362 : i1 to i32
      %cond3A_364 = arith.constant 0 : i32
      %cond3A_365 = arith.cmpi ne, %convert_element_type3A_363, %cond3A_364 : i32
      scf.if %cond3A_365 {
        %dma_wait3A_453 = arith.constant 1 : i32
        %dma_wait3A_454 = arith.constant 0 : i32
        %dma_wait3A_455 = tpu.memref_slice %arg7[%rem3A_349, %dma_wait3A_453, %dma_wait3A_454] : memref<3x4x80xi32, #tpu.memory_space<vmem>> -> memref<1x1x80xi32, #tpu.memory_space<vmem>>
        %dma_wait3A_456 = tpu.memref_squeeze %dma_wait3A_455 : memref<1x1x80xi32, #tpu.memory_space<vmem>> -> memref<80xi32, #tpu.memory_space<vmem>>
        %dma_wait3A_457 = arith.constant 0 : i32
        %dma_wait3A_458 = arith.constant 0 : i32
        %dma_wait3A_459 = tpu.memref_slice %arg12[%dma_wait3A_457, %dma_wait3A_458] : memref<10112x128xf32, #tpu.memory_space<vmem_shared>> -> memref<10112x128xf32, #tpu.memory_space<vmem_shared>>
        tpu.wait_indirect_dma semaphore(%arg19 : memref<!tpu.dma_semaphore, #tpu.memory_space<semaphore_mem>>) src(%arg9 : memref<80x128xf32, #tpu.memory_space<vmem>>) dst(%dma_wait3A_459 : memref<10112x128xf32, #tpu.memory_space<vmem_shared>>)
      } else {
      }
      %dma_start3A_366 = arith.constant 1 : i32
      %dma_start3A_367 = arith.constant 0 : i32
      %dma_start3A_368 = tpu.memref_slice %arg6[%rem3A_250, %dma_start3A_366, %dma_start3A_367] : memref<2x4x80xi32, #tpu.memory_space<vmem>> -> memref<1x1x80xi32, #tpu.memory_space<vmem>>
      %dma_start3A_369 = tpu.memref_squeeze %dma_start3A_368 : memref<1x1x80xi32, #tpu.memory_space<vmem>> -> memref<80xi32, #tpu.memory_space<vmem>>
      %dma_start3A_370 = arith.constant 0 : i32
      %dma_start3A_371 = arith.constant 0 : i32
      %dma_start3A_372 = tpu.memref_slice %arg2[%dma_start3A_370, %dma_start3A_371] : memref<10000x128xf32, #tpu.memory_space<hbm>> -> memref<10000x128xf32, #tpu.memory_space<hbm>>
      tpu.enqueue_indirect_dma source(%dma_start3A_372 : memref<10000x128xf32, #tpu.memory_space<hbm>>) target(%arg9 : memref<80x128xf32, #tpu.memory_space<vmem>>) offsets(%dma_start3A_369 : memref<80xi32, #tpu.memory_space<vmem>>) semaphore(%arg15 : memref<!tpu.dma_semaphore, #tpu.memory_space<semaphore_mem>>)
      %gt3A_373 = arith.constant 0 : i32
      %gt3A_374 = arith.cmpi sgt, %add3A_249, %gt3A_373 : i32
      %convert_element_type3A_375 = arith.extui %gt3A_374 : i1 to i32
      %cond3A_376 = arith.constant 0 : i32
      %cond3A_377 = arith.cmpi ne, %convert_element_type3A_375, %cond3A_376 : i32
      scf.if %cond3A_377 {
        %dma_wait3A_453 = arith.constant 2 : i32
        %dma_wait3A_454 = arith.constant 0 : i32
        %dma_wait3A_455 = tpu.memref_slice %arg7[%rem3A_349, %dma_wait3A_453, %dma_wait3A_454] : memref<3x4x80xi32, #tpu.memory_space<vmem>> -> memref<1x1x80xi32, #tpu.memory_space<vmem>>
        %dma_wait3A_456 = tpu.memref_squeeze %dma_wait3A_455 : memref<1x1x80xi32, #tpu.memory_space<vmem>> -> memref<80xi32, #tpu.memory_space<vmem>>
        %dma_wait3A_457 = arith.constant 0 : i32
        %dma_wait3A_458 = arith.constant 0 : i32
        %dma_wait3A_459 = tpu.memref_slice %arg12[%dma_wait3A_457, %dma_wait3A_458] : memref<10112x128xf32, #tpu.memory_space<vmem_shared>> -> memref<10112x128xf32, #tpu.memory_space<vmem_shared>>
        tpu.wait_indirect_dma semaphore(%arg20 : memref<!tpu.dma_semaphore, #tpu.memory_space<semaphore_mem>>) src(%arg10 : memref<80x128xf32, #tpu.memory_space<vmem>>) dst(%dma_wait3A_459 : memref<10112x128xf32, #tpu.memory_space<vmem_shared>>)
      } else {
      }
      %dma_start3A_378 = arith.constant 2 : i32
      %dma_start3A_379 = arith.constant 0 : i32
      %dma_start3A_380 = tpu.memref_slice %arg6[%rem3A_250, %dma_start3A_378, %dma_start3A_379] : memref<2x4x80xi32, #tpu.memory_space<vmem>> -> memref<1x1x80xi32, #tpu.memory_space<vmem>>
      %dma_start3A_381 = tpu.memref_squeeze %dma_start3A_380 : memref<1x1x80xi32, #tpu.memory_space<vmem>> -> memref<80xi32, #tpu.memory_space<vmem>>
      %dma_start3A_382 = arith.constant 0 : i32
      %dma_start3A_383 = arith.constant 0 : i32
      %dma_start3A_384 = tpu.memref_slice %arg2[%dma_start3A_382, %dma_start3A_383] : memref<10000x128xf32, #tpu.memory_space<hbm>> -> memref<10000x128xf32, #tpu.memory_space<hbm>>
      tpu.enqueue_indirect_dma source(%dma_start3A_384 : memref<10000x128xf32, #tpu.memory_space<hbm>>) target(%arg10 : memref<80x128xf32, #tpu.memory_space<vmem>>) offsets(%dma_start3A_381 : memref<80xi32, #tpu.memory_space<vmem>>) semaphore(%arg16 : memref<!tpu.dma_semaphore, #tpu.memory_space<semaphore_mem>>)
      %gt3A_385 = arith.constant 0 : i32
      %gt3A_386 = arith.cmpi sgt, %add3A_249, %gt3A_385 : i32
      %convert_element_type3A_387 = arith.extui %gt3A_386 : i1 to i32
      %cond3A_388 = arith.constant 0 : i32
      %cond3A_389 = arith.cmpi ne, %convert_element_type3A_387, %cond3A_388 : i32
      scf.if %cond3A_389 {
        %dma_wait3A_453 = arith.constant 3 : i32
        %dma_wait3A_454 = arith.constant 0 : i32
        %dma_wait3A_455 = tpu.memref_slice %arg7[%rem3A_349, %dma_wait3A_453, %dma_wait3A_454] : memref<3x4x80xi32, #tpu.memory_space<vmem>> -> memref<1x1x80xi32, #tpu.memory_space<vmem>>
        %dma_wait3A_456 = tpu.memref_squeeze %dma_wait3A_455 : memref<1x1x80xi32, #tpu.memory_space<vmem>> -> memref<80xi32, #tpu.memory_space<vmem>>
        %dma_wait3A_457 = arith.constant 0 : i32
        %dma_wait3A_458 = arith.constant 0 : i32
        %dma_wait3A_459 = tpu.memref_slice %arg12[%dma_wait3A_457, %dma_wait3A_458] : memref<10112x128xf32, #tpu.memory_space<vmem_shared>> -> memref<10112x128xf32, #tpu.memory_space<vmem_shared>>
        tpu.wait_indirect_dma semaphore(%arg21 : memref<!tpu.dma_semaphore, #tpu.memory_space<semaphore_mem>>) src(%arg11 : memref<80x128xf32, #tpu.memory_space<vmem>>) dst(%dma_wait3A_459 : memref<10112x128xf32, #tpu.memory_space<vmem_shared>>)
      } else {
      }
      %dma_start3A_390 = arith.constant 3 : i32
      %dma_start3A_391 = arith.constant 0 : i32
      %dma_start3A_392 = tpu.memref_slice %arg6[%rem3A_250, %dma_start3A_390, %dma_start3A_391] : memref<2x4x80xi32, #tpu.memory_space<vmem>> -> memref<1x1x80xi32, #tpu.memory_space<vmem>>
      %dma_start3A_393 = tpu.memref_squeeze %dma_start3A_392 : memref<1x1x80xi32, #tpu.memory_space<vmem>> -> memref<80xi32, #tpu.memory_space<vmem>>
      %dma_start3A_394 = arith.constant 0 : i32
      %dma_start3A_395 = arith.constant 0 : i32
      %dma_start3A_396 = tpu.memref_slice %arg2[%dma_start3A_394, %dma_start3A_395] : memref<10000x128xf32, #tpu.memory_space<hbm>> -> memref<10000x128xf32, #tpu.memory_space<hbm>>
      tpu.enqueue_indirect_dma source(%dma_start3A_396 : memref<10000x128xf32, #tpu.memory_space<hbm>>) target(%arg11 : memref<80x128xf32, #tpu.memory_space<vmem>>) offsets(%dma_start3A_393 : memref<80xi32, #tpu.memory_space<vmem>>) semaphore(%arg17 : memref<!tpu.dma_semaphore, #tpu.memory_space<semaphore_mem>>)
      %dma_wait3A_397 = arith.constant 0 : i32
      %dma_wait3A_398 = arith.constant 0 : i32
      %dma_wait3A_399 = tpu.memref_slice %arg6[%rem3A_250, %dma_wait3A_397, %dma_wait3A_398] : memref<2x4x80xi32, #tpu.memory_space<vmem>> -> memref<1x1x80xi32, #tpu.memory_space<vmem>>
      %dma_wait3A_400 = tpu.memref_squeeze %dma_wait3A_399 : memref<1x1x80xi32, #tpu.memory_space<vmem>> -> memref<80xi32, #tpu.memory_space<vmem>>
      %dma_wait3A_401 = arith.constant 0 : i32
      %dma_wait3A_402 = arith.constant 0 : i32
      %dma_wait3A_403 = tpu.memref_slice %arg2[%dma_wait3A_401, %dma_wait3A_402] : memref<10000x128xf32, #tpu.memory_space<hbm>> -> memref<10000x128xf32, #tpu.memory_space<hbm>>
      tpu.wait_indirect_dma semaphore(%arg14 : memref<!tpu.dma_semaphore, #tpu.memory_space<semaphore_mem>>) src(%dma_wait3A_403 : memref<10000x128xf32, #tpu.memory_space<hbm>>) dst(%arg8 : memref<80x128xf32, #tpu.memory_space<vmem>>)
      %dma_start3A_404 = arith.constant 0 : i32
      %dma_start3A_405 = arith.constant 0 : i32
      %dma_start3A_406 = tpu.memref_slice %arg7[%rem3A_252, %dma_start3A_404, %dma_start3A_405] : memref<3x4x80xi32, #tpu.memory_space<vmem>> -> memref<1x1x80xi32, #tpu.memory_space<vmem>>
      %dma_start3A_407 = tpu.memref_squeeze %dma_start3A_406 : memref<1x1x80xi32, #tpu.memory_space<vmem>> -> memref<80xi32, #tpu.memory_space<vmem>>
      %dma_start3A_408 = arith.constant 0 : i32
      %dma_start3A_409 = arith.constant 0 : i32
      %dma_start3A_410 = tpu.memref_slice %arg12[%dma_start3A_408, %dma_start3A_409] : memref<10112x128xf32, #tpu.memory_space<vmem_shared>> -> memref<10112x128xf32, #tpu.memory_space<vmem_shared>>
      tpu.enqueue_indirect_dma source(%arg8 : memref<80x128xf32, #tpu.memory_space<vmem>>) target(%dma_start3A_410 : memref<10112x128xf32, #tpu.memory_space<vmem_shared>>) offsets(%dma_start3A_407 : memref<80xi32, #tpu.memory_space<vmem>>) semaphore(%arg18 : memref<!tpu.dma_semaphore, #tpu.memory_space<semaphore_mem>>) {add = true}
      %dma_wait3A_411 = arith.constant 1 : i32
      %dma_wait3A_412 = arith.constant 0 : i32
      %dma_wait3A_413 = tpu.memref_slice %arg6[%rem3A_250, %dma_wait3A_411, %dma_wait3A_412] : memref<2x4x80xi32, #tpu.memory_space<vmem>> -> memref<1x1x80xi32, #tpu.memory_space<vmem>>
      %dma_wait3A_414 = tpu.memref_squeeze %dma_wait3A_413 : memref<1x1x80xi32, #tpu.memory_space<vmem>> -> memref<80xi32, #tpu.memory_space<vmem>>
      %dma_wait3A_415 = arith.constant 0 : i32
      %dma_wait3A_416 = arith.constant 0 : i32
      %dma_wait3A_417 = tpu.memref_slice %arg2[%dma_wait3A_415, %dma_wait3A_416] : memref<10000x128xf32, #tpu.memory_space<hbm>> -> memref<10000x128xf32, #tpu.memory_space<hbm>>
      tpu.wait_indirect_dma semaphore(%arg15 : memref<!tpu.dma_semaphore, #tpu.memory_space<semaphore_mem>>) src(%dma_wait3A_417 : memref<10000x128xf32, #tpu.memory_space<hbm>>) dst(%arg9 : memref<80x128xf32, #tpu.memory_space<vmem>>)
      %dma_start3A_418 = arith.constant 1 : i32
      %dma_start3A_419 = arith.constant 0 : i32
      %dma_start3A_420 = tpu.memref_slice %arg7[%rem3A_252, %dma_start3A_418, %dma_start3A_419] : memref<3x4x80xi32, #tpu.memory_space<vmem>> -> memref<1x1x80xi32, #tpu.memory_space<vmem>>
      %dma_start3A_421 = tpu.memref_squeeze %dma_start3A_420 : memref<1x1x80xi32, #tpu.memory_space<vmem>> -> memref<80xi32, #tpu.memory_space<vmem>>
      %dma_start3A_422 = arith.constant 0 : i32
      %dma_start3A_423 = arith.constant 0 : i32
      %dma_start3A_424 = tpu.memref_slice %arg12[%dma_start3A_422, %dma_start3A_423] : memref<10112x128xf32, #tpu.memory_space<vmem_shared>> -> memref<10112x128xf32, #tpu.memory_space<vmem_shared>>
      tpu.enqueue_indirect_dma source(%arg9 : memref<80x128xf32, #tpu.memory_space<vmem>>) target(%dma_start3A_424 : memref<10112x128xf32, #tpu.memory_space<vmem_shared>>) offsets(%dma_start3A_421 : memref<80xi32, #tpu.memory_space<vmem>>) semaphore(%arg19 : memref<!tpu.dma_semaphore, #tpu.memory_space<semaphore_mem>>) {add = true}
      %dma_wait3A_425 = arith.constant 2 : i32
      %dma_wait3A_426 = arith.constant 0 : i32
      %dma_wait3A_427 = tpu.memref_slice %arg6[%rem3A_250, %dma_wait3A_425, %dma_wait3A_426] : memref<2x4x80xi32, #tpu.memory_space<vmem>> -> memref<1x1x80xi32, #tpu.memory_space<vmem>>
      %dma_wait3A_428 = tpu.memref_squeeze %dma_wait3A_427 : memref<1x1x80xi32, #tpu.memory_space<vmem>> -> memref<80xi32, #tpu.memory_space<vmem>>
      %dma_wait3A_429 = arith.constant 0 : i32
      %dma_wait3A_430 = arith.constant 0 : i32
      %dma_wait3A_431 = tpu.memref_slice %arg2[%dma_wait3A_429, %dma_wait3A_430] : memref<10000x128xf32, #tpu.memory_space<hbm>> -> memref<10000x128xf32, #tpu.memory_space<hbm>>
      tpu.wait_indirect_dma semaphore(%arg16 : memref<!tpu.dma_semaphore, #tpu.memory_space<semaphore_mem>>) src(%dma_wait3A_431 : memref<10000x128xf32, #tpu.memory_space<hbm>>) dst(%arg10 : memref<80x128xf32, #tpu.memory_space<vmem>>)
      %dma_start3A_432 = arith.constant 2 : i32
      %dma_start3A_433 = arith.constant 0 : i32
      %dma_start3A_434 = tpu.memref_slice %arg7[%rem3A_252, %dma_start3A_432, %dma_start3A_433] : memref<3x4x80xi32, #tpu.memory_space<vmem>> -> memref<1x1x80xi32, #tpu.memory_space<vmem>>
      %dma_start3A_435 = tpu.memref_squeeze %dma_start3A_434 : memref<1x1x80xi32, #tpu.memory_space<vmem>> -> memref<80xi32, #tpu.memory_space<vmem>>
      %dma_start3A_436 = arith.constant 0 : i32
      %dma_start3A_437 = arith.constant 0 : i32
      %dma_start3A_438 = tpu.memref_slice %arg12[%dma_start3A_436, %dma_start3A_437] : memref<10112x128xf32, #tpu.memory_space<vmem_shared>> -> memref<10112x128xf32, #tpu.memory_space<vmem_shared>>
      tpu.enqueue_indirect_dma source(%arg10 : memref<80x128xf32, #tpu.memory_space<vmem>>) target(%dma_start3A_438 : memref<10112x128xf32, #tpu.memory_space<vmem_shared>>) offsets(%dma_start3A_435 : memref<80xi32, #tpu.memory_space<vmem>>) semaphore(%arg20 : memref<!tpu.dma_semaphore, #tpu.memory_space<semaphore_mem>>) {add = true}
      %dma_wait3A_439 = arith.constant 3 : i32
      %dma_wait3A_440 = arith.constant 0 : i32
      %dma_wait3A_441 = tpu.memref_slice %arg6[%rem3A_250, %dma_wait3A_439, %dma_wait3A_440] : memref<2x4x80xi32, #tpu.memory_space<vmem>> -> memref<1x1x80xi32, #tpu.memory_space<vmem>>
      %dma_wait3A_442 = tpu.memref_squeeze %dma_wait3A_441 : memref<1x1x80xi32, #tpu.memory_space<vmem>> -> memref<80xi32, #tpu.memory_space<vmem>>
      %dma_wait3A_443 = arith.constant 0 : i32
      %dma_wait3A_444 = arith.constant 0 : i32
      %dma_wait3A_445 = tpu.memref_slice %arg2[%dma_wait3A_443, %dma_wait3A_444] : memref<10000x128xf32, #tpu.memory_space<hbm>> -> memref<10000x128xf32, #tpu.memory_space<hbm>>
      tpu.wait_indirect_dma semaphore(%arg17 : memref<!tpu.dma_semaphore, #tpu.memory_space<semaphore_mem>>) src(%dma_wait3A_445 : memref<10000x128xf32, #tpu.memory_space<hbm>>) dst(%arg11 : memref<80x128xf32, #tpu.memory_space<vmem>>)
      %dma_start3A_446 = arith.constant 3 : i32
      %dma_start3A_447 = arith.constant 0 : i32
      %dma_start3A_448 = tpu.memref_slice %arg7[%rem3A_252, %dma_start3A_446, %dma_start3A_447] : memref<3x4x80xi32, #tpu.memory_space<vmem>> -> memref<1x1x80xi32, #tpu.memory_space<vmem>>
      %dma_start3A_449 = tpu.memref_squeeze %dma_start3A_448 : memref<1x1x80xi32, #tpu.memory_space<vmem>> -> memref<80xi32, #tpu.memory_space<vmem>>
      %dma_start3A_450 = arith.constant 0 : i32
      %dma_start3A_451 = arith.constant 0 : i32
      %dma_start3A_452 = tpu.memref_slice %arg12[%dma_start3A_450, %dma_start3A_451] : memref<10112x128xf32, #tpu.memory_space<vmem_shared>> -> memref<10112x128xf32, #tpu.memory_space<vmem_shared>>
      tpu.enqueue_indirect_dma source(%arg11 : memref<80x128xf32, #tpu.memory_space<vmem>>) target(%dma_start3A_452 : memref<10112x128xf32, #tpu.memory_space<vmem_shared>>) offsets(%dma_start3A_449 : memref<80xi32, #tpu.memory_space<vmem>>) semaphore(%arg21 : memref<!tpu.dma_semaphore, #tpu.memory_space<semaphore_mem>>) {add = true}
    }
    %scan3A_202 = arith.constant 31 : i32
    %dma_wait3A_203 = arith.constant 0 : i32
    %dma_wait3A_204 = arith.constant 0 : i32
    %dma_wait3A_205 = arith.constant 0 : i32
    %dma_wait3A_206 = tpu.memref_slice %arg7[%dma_wait3A_203, %dma_wait3A_204, %dma_wait3A_205] : memref<3x4x80xi32, #tpu.memory_space<vmem>> -> memref<1x1x80xi32, #tpu.memory_space<vmem>>
    %dma_wait3A_207 = tpu.memref_squeeze %dma_wait3A_206 : memref<1x1x80xi32, #tpu.memory_space<vmem>> -> memref<80xi32, #tpu.memory_space<vmem>>
    %dma_wait3A_208 = arith.constant 0 : i32
    %dma_wait3A_209 = arith.constant 0 : i32
    %dma_wait3A_210 = tpu.memref_slice %arg12[%dma_wait3A_208, %dma_wait3A_209] : memref<10112x128xf32, #tpu.memory_space<vmem_shared>> -> memref<10112x128xf32, #tpu.memory_space<vmem_shared>>
    tpu.wait_indirect_dma semaphore(%arg18 : memref<!tpu.dma_semaphore, #tpu.memory_space<semaphore_mem>>) src(%arg8 : memref<80x128xf32, #tpu.memory_space<vmem>>) dst(%dma_wait3A_210 : memref<10112x128xf32, #tpu.memory_space<vmem_shared>>)
    %dma_wait3A_211 = arith.constant 0 : i32
    %dma_wait3A_212 = arith.constant 1 : i32
    %dma_wait3A_213 = arith.constant 0 : i32
    %dma_wait3A_214 = tpu.memref_slice %arg7[%dma_wait3A_211, %dma_wait3A_212, %dma_wait3A_213] : memref<3x4x80xi32, #tpu.memory_space<vmem>> -> memref<1x1x80xi32, #tpu.memory_space<vmem>>
    %dma_wait3A_215 = tpu.memref_squeeze %dma_wait3A_214 : memref<1x1x80xi32, #tpu.memory_space<vmem>> -> memref<80xi32, #tpu.memory_space<vmem>>
    %dma_wait3A_216 = arith.constant 0 : i32
    %dma_wait3A_217 = arith.constant 0 : i32
    %dma_wait3A_218 = tpu.memref_slice %arg12[%dma_wait3A_216, %dma_wait3A_217] : memref<10112x128xf32, #tpu.memory_space<vmem_shared>> -> memref<10112x128xf32, #tpu.memory_space<vmem_shared>>
    tpu.wait_indirect_dma semaphore(%arg19 : memref<!tpu.dma_semaphore, #tpu.memory_space<semaphore_mem>>) src(%arg9 : memref<80x128xf32, #tpu.memory_space<vmem>>) dst(%dma_wait3A_218 : memref<10112x128xf32, #tpu.memory_space<vmem_shared>>)
    %dma_wait3A_219 = arith.constant 0 : i32
    %dma_wait3A_220 = arith.constant 2 : i32
    %dma_wait3A_221 = arith.constant 0 : i32
    %dma_wait3A_222 = tpu.memref_slice %arg7[%dma_wait3A_219, %dma_wait3A_220, %dma_wait3A_221] : memref<3x4x80xi32, #tpu.memory_space<vmem>> -> memref<1x1x80xi32, #tpu.memory_space<vmem>>
    %dma_wait3A_223 = tpu.memref_squeeze %dma_wait3A_222 : memref<1x1x80xi32, #tpu.memory_space<vmem>> -> memref<80xi32, #tpu.memory_space<vmem>>
    %dma_wait3A_224 = arith.constant 0 : i32
    %dma_wait3A_225 = arith.constant 0 : i32
    %dma_wait3A_226 = tpu.memref_slice %arg12[%dma_wait3A_224, %dma_wait3A_225] : memref<10112x128xf32, #tpu.memory_space<vmem_shared>> -> memref<10112x128xf32, #tpu.memory_space<vmem_shared>>
    tpu.wait_indirect_dma semaphore(%arg20 : memref<!tpu.dma_semaphore, #tpu.memory_space<semaphore_mem>>) src(%arg10 : memref<80x128xf32, #tpu.memory_space<vmem>>) dst(%dma_wait3A_226 : memref<10112x128xf32, #tpu.memory_space<vmem_shared>>)
    %dma_wait3A_227 = arith.constant 0 : i32
    %dma_wait3A_228 = arith.constant 3 : i32
    %dma_wait3A_229 = arith.constant 0 : i32
    %dma_wait3A_230 = tpu.memref_slice %arg7[%dma_wait3A_227, %dma_wait3A_228, %dma_wait3A_229] : memref<3x4x80xi32, #tpu.memory_space<vmem>> -> memref<1x1x80xi32, #tpu.memory_space<vmem>>
    %dma_wait3A_231 = tpu.memref_squeeze %dma_wait3A_230 : memref<1x1x80xi32, #tpu.memory_space<vmem>> -> memref<80xi32, #tpu.memory_space<vmem>>
    %dma_wait3A_232 = arith.constant 0 : i32
    %dma_wait3A_233 = arith.constant 0 : i32
    %dma_wait3A_234 = tpu.memref_slice %arg12[%dma_wait3A_232, %dma_wait3A_233] : memref<10112x128xf32, #tpu.memory_space<vmem_shared>> -> memref<10112x128xf32, #tpu.memory_space<vmem_shared>>
    tpu.wait_indirect_dma semaphore(%arg21 : memref<!tpu.dma_semaphore, #tpu.memory_space<semaphore_mem>>) src(%arg11 : memref<80x128xf32, #tpu.memory_space<vmem>>) dst(%dma_wait3A_234 : memref<10112x128xf32, #tpu.memory_space<vmem_shared>>)
    %add3A_235 = arith.constant 9920 : i32
    %add3A_236 = arith.addi %mul3A_99, %add3A_235 : i32
    %run_scoped3A = arith.constant 0 : i32
    %run_scoped3A_237 = arith.constant 0 : i32
    "tpu.region"() ({
      %run_scoped3A_245 = tpu.sem_alloc : memref<!tpu.dma_semaphore, #tpu.memory_space<semaphore_mem>>
      %dma_start3A_246 = arith.constant 0 : i32
      %dma_start3A_247 = tpu.memref_slice %arg6[%run_scoped3A, %run_scoped3A_237, %dma_start3A_246] : memref<2x4x80xi32, #tpu.memory_space<vmem>> -> memref<1x1x80xi32, #tpu.memory_space<vmem>>
      %dma_start3A_248 = tpu.memref_squeeze %dma_start3A_247 : memref<1x1x80xi32, #tpu.memory_space<vmem>> -> memref<80xi32, #tpu.memory_space<vmem>>
      %dma_start3A_249 = tpu.memref_slice %arg3[%add3A_236] : memref<320000xi32, #tpu.memory_space<hbm>> -> memref<80xi32, #tpu.memory_space<hbm>>
      %dma_start3A_250 = arith.constant 0 : i32
      %dma_start3A_251 = tpu.memref_slice %arg6[%run_scoped3A, %run_scoped3A_237, %dma_start3A_250] : memref<2x4x80xi32, #tpu.memory_space<vmem>> -> memref<1x1x80xi32, #tpu.memory_space<vmem>>
      %dma_start3A_252 = tpu.memref_squeeze %dma_start3A_251 : memref<1x1x80xi32, #tpu.memory_space<vmem>> -> memref<80xi32, #tpu.memory_space<vmem>>
      %dma_start3A_253 = tpu.memref_slice %arg3[%add3A_236] : memref<320000xi32, #tpu.memory_space<hbm>> -> memref<80xi32, #tpu.memory_space<hbm>>
      tpu.enqueue_dma source(%dma_start3A_253 : memref<80xi32, #tpu.memory_space<hbm>>) target(%dma_start3A_252 : memref<80xi32, #tpu.memory_space<vmem>>) target_semaphore(%run_scoped3A_245 : memref<!tpu.dma_semaphore, #tpu.memory_space<semaphore_mem>>)
      %dma_wait3A_254 = arith.constant 0 : i32
      %dma_wait3A_255 = tpu.memref_slice %arg6[%run_scoped3A, %run_scoped3A_237, %dma_wait3A_254] : memref<2x4x80xi32, #tpu.memory_space<vmem>> -> memref<1x1x80xi32, #tpu.memory_space<vmem>>
      %dma_wait3A_256 = tpu.memref_squeeze %dma_wait3A_255 : memref<1x1x80xi32, #tpu.memory_space<vmem>> -> memref<80xi32, #tpu.memory_space<vmem>>
      %dma_wait3A_257 = tpu.memref_slice %arg3[%add3A_236] : memref<320000xi32, #tpu.memory_space<hbm>> -> memref<80xi32, #tpu.memory_space<hbm>>
      %dma_wait3A_258 = arith.constant 0 : i32
      %dma_wait3A_259 = tpu.memref_slice %arg6[%run_scoped3A, %run_scoped3A_237, %dma_wait3A_258] : memref<2x4x80xi32, #tpu.memory_space<vmem>> -> memref<1x1x80xi32, #tpu.memory_space<vmem>>
      %dma_wait3A_260 = tpu.memref_squeeze %dma_wait3A_259 : memref<1x1x80xi32, #tpu.memory_space<vmem>> -> memref<80xi32, #tpu.memory_space<vmem>>
      %dma_wait3A_261 = tpu.memref_slice %arg3[%add3A_236] : memref<320000xi32, #tpu.memory_space<hbm>> -> memref<80xi32, #tpu.memory_space<hbm>>
      tpu.wait_dma2 semaphore(%run_scoped3A_245 : memref<!tpu.dma_semaphore, #tpu.memory_space<semaphore_mem>>) src(%dma_wait3A_261 : memref<80xi32, #tpu.memory_space<hbm>>) dst(%dma_wait3A_260 : memref<80xi32, #tpu.memory_space<vmem>>)
      tpu.yield
    }) : () -> ()
    %run_scoped3A_238 = arith.constant 0 : i32
    %run_scoped3A_239 = arith.constant 0 : i32
    "tpu.region"() ({
      %run_scoped3A_245 = tpu.sem_alloc : memref<!tpu.dma_semaphore, #tpu.memory_space<semaphore_mem>>
      %dma_start3A_246 = arith.constant 0 : i32
      %dma_start3A_247 = tpu.memref_slice %arg7[%run_scoped3A_238, %run_scoped3A_239, %dma_start3A_246] : memref<3x4x80xi32, #tpu.memory_space<vmem>> -> memref<1x1x80xi32, #tpu.memory_space<vmem>>
      %dma_start3A_248 = tpu.memref_squeeze %dma_start3A_247 : memref<1x1x80xi32, #tpu.memory_space<vmem>> -> memref<80xi32, #tpu.memory_space<vmem>>
      %dma_start3A_249 = tpu.memref_slice %arg4[%add3A_236] : memref<320000xi32, #tpu.memory_space<hbm>> -> memref<80xi32, #tpu.memory_space<hbm>>
      %dma_start3A_250 = arith.constant 0 : i32
      %dma_start3A_251 = tpu.memref_slice %arg7[%run_scoped3A_238, %run_scoped3A_239, %dma_start3A_250] : memref<3x4x80xi32, #tpu.memory_space<vmem>> -> memref<1x1x80xi32, #tpu.memory_space<vmem>>
      %dma_start3A_252 = tpu.memref_squeeze %dma_start3A_251 : memref<1x1x80xi32, #tpu.memory_space<vmem>> -> memref<80xi32, #tpu.memory_space<vmem>>
      %dma_start3A_253 = tpu.memref_slice %arg4[%add3A_236] : memref<320000xi32, #tpu.memory_space<hbm>> -> memref<80xi32, #tpu.memory_space<hbm>>
      tpu.enqueue_dma source(%dma_start3A_253 : memref<80xi32, #tpu.memory_space<hbm>>) target(%dma_start3A_252 : memref<80xi32, #tpu.memory_space<vmem>>) target_semaphore(%run_scoped3A_245 : memref<!tpu.dma_semaphore, #tpu.memory_space<semaphore_mem>>)
      %dma_wait3A_254 = arith.constant 0 : i32
      %dma_wait3A_255 = tpu.memref_slice %arg7[%run_scoped3A_238, %run_scoped3A_239, %dma_wait3A_254] : memref<3x4x80xi32, #tpu.memory_space<vmem>> -> memref<1x1x80xi32, #tpu.memory_space<vmem>>
      %dma_wait3A_256 = tpu.memref_squeeze %dma_wait3A_255 : memref<1x1x80xi32, #tpu.memory_space<vmem>> -> memref<80xi32, #tpu.memory_space<vmem>>
      %dma_wait3A_257 = tpu.memref_slice %arg4[%add3A_236] : memref<320000xi32, #tpu.memory_space<hbm>> -> memref<80xi32, #tpu.memory_space<hbm>>
      %dma_wait3A_258 = arith.constant 0 : i32
      %dma_wait3A_259 = tpu.memref_slice %arg7[%run_scoped3A_238, %run_scoped3A_239, %dma_wait3A_258] : memref<3x4x80xi32, #tpu.memory_space<vmem>> -> memref<1x1x80xi32, #tpu.memory_space<vmem>>
      %dma_wait3A_260 = tpu.memref_squeeze %dma_wait3A_259 : memref<1x1x80xi32, #tpu.memory_space<vmem>> -> memref<80xi32, #tpu.memory_space<vmem>>
      %dma_wait3A_261 = tpu.memref_slice %arg4[%add3A_236] : memref<320000xi32, #tpu.memory_space<hbm>> -> memref<80xi32, #tpu.memory_space<hbm>>
      tpu.wait_dma2 semaphore(%run_scoped3A_245 : memref<!tpu.dma_semaphore, #tpu.memory_space<semaphore_mem>>) src(%dma_wait3A_261 : memref<80xi32, #tpu.memory_space<hbm>>) dst(%dma_wait3A_260 : memref<80xi32, #tpu.memory_space<vmem>>)
      tpu.yield
    }) : () -> ()
    %run_scoped3A_240 = arith.constant 0 : i32
    %run_scoped3A_241 = arith.constant 0 : i32
    "tpu.region"() ({
      %run_scoped3A_245 = tpu.sem_alloc : memref<!tpu.dma_semaphore, #tpu.memory_space<semaphore_mem>>
      %dma_start3A_246 = arith.constant 0 : i32
      %dma_start3A_247 = tpu.memref_slice %arg6[%run_scoped3A_240, %run_scoped3A_241, %dma_start3A_246] : memref<2x4x80xi32, #tpu.memory_space<vmem>> -> memref<1x1x80xi32, #tpu.memory_space<vmem>>
      %dma_start3A_248 = tpu.memref_squeeze %dma_start3A_247 : memref<1x1x80xi32, #tpu.memory_space<vmem>> -> memref<80xi32, #tpu.memory_space<vmem>>
      %dma_start3A_249 = arith.constant 0 : i32
      %dma_start3A_250 = arith.constant 0 : i32
      %dma_start3A_251 = tpu.memref_slice %arg2[%dma_start3A_249, %dma_start3A_250] : memref<10000x128xf32, #tpu.memory_space<hbm>> -> memref<10000x128xf32, #tpu.memory_space<hbm>>
      tpu.enqueue_indirect_dma source(%dma_start3A_251 : memref<10000x128xf32, #tpu.memory_space<hbm>>) target(%arg8 : memref<80x128xf32, #tpu.memory_space<vmem>>) offsets(%dma_start3A_248 : memref<80xi32, #tpu.memory_space<vmem>>) semaphore(%run_scoped3A_245 : memref<!tpu.dma_semaphore, #tpu.memory_space<semaphore_mem>>)
      %dma_wait3A_252 = arith.constant 0 : i32
      %dma_wait3A_253 = tpu.memref_slice %arg6[%run_scoped3A_240, %run_scoped3A_241, %dma_wait3A_252] : memref<2x4x80xi32, #tpu.memory_space<vmem>> -> memref<1x1x80xi32, #tpu.memory_space<vmem>>
      %dma_wait3A_254 = tpu.memref_squeeze %dma_wait3A_253 : memref<1x1x80xi32, #tpu.memory_space<vmem>> -> memref<80xi32, #tpu.memory_space<vmem>>
      %dma_wait3A_255 = arith.constant 0 : i32
      %dma_wait3A_256 = arith.constant 0 : i32
      %dma_wait3A_257 = tpu.memref_slice %arg2[%dma_wait3A_255, %dma_wait3A_256] : memref<10000x128xf32, #tpu.memory_space<hbm>> -> memref<10000x128xf32, #tpu.memory_space<hbm>>
      tpu.wait_indirect_dma semaphore(%run_scoped3A_245 : memref<!tpu.dma_semaphore, #tpu.memory_space<semaphore_mem>>) src(%dma_wait3A_257 : memref<10000x128xf32, #tpu.memory_space<hbm>>) dst(%arg8 : memref<80x128xf32, #tpu.memory_space<vmem>>)
      tpu.yield
    }) : () -> ()
    %run_scoped3A_242 = arith.constant 0 : i32
    %run_scoped3A_243 = arith.constant 0 : i32
    "tpu.region"() ({
      %run_scoped3A_245 = tpu.sem_alloc : memref<!tpu.dma_semaphore, #tpu.memory_space<semaphore_mem>>
      %dma_start3A_246 = arith.constant 0 : i32
      %dma_start3A_247 = tpu.memref_slice %arg7[%run_scoped3A_242, %run_scoped3A_243, %dma_start3A_246] : memref<3x4x80xi32, #tpu.memory_space<vmem>> -> memref<1x1x80xi32, #tpu.memory_space<vmem>>
      %dma_start3A_248 = tpu.memref_squeeze %dma_start3A_247 : memref<1x1x80xi32, #tpu.memory_space<vmem>> -> memref<80xi32, #tpu.memory_space<vmem>>
      %dma_start3A_249 = arith.constant 0 : i32
      %dma_start3A_250 = arith.constant 0 : i32
      %dma_start3A_251 = tpu.memref_slice %arg12[%dma_start3A_249, %dma_start3A_250] : memref<10112x128xf32, #tpu.memory_space<vmem_shared>> -> memref<10112x128xf32, #tpu.memory_space<vmem_shared>>
      tpu.enqueue_indirect_dma source(%arg8 : memref<80x128xf32, #tpu.memory_space<vmem>>) target(%dma_start3A_251 : memref<10112x128xf32, #tpu.memory_space<vmem_shared>>) offsets(%dma_start3A_248 : memref<80xi32, #tpu.memory_space<vmem>>) semaphore(%run_scoped3A_245 : memref<!tpu.dma_semaphore, #tpu.memory_space<semaphore_mem>>) {add = true}
      %dma_wait3A_252 = arith.constant 0 : i32
      %dma_wait3A_253 = tpu.memref_slice %arg7[%run_scoped3A_242, %run_scoped3A_243, %dma_wait3A_252] : memref<3x4x80xi32, #tpu.memory_space<vmem>> -> memref<1x1x80xi32, #tpu.memory_space<vmem>>
      %dma_wait3A_254 = tpu.memref_squeeze %dma_wait3A_253 : memref<1x1x80xi32, #tpu.memory_space<vmem>> -> memref<80xi32, #tpu.memory_space<vmem>>
      %dma_wait3A_255 = arith.constant 0 : i32
      %dma_wait3A_256 = arith.constant 0 : i32
      %dma_wait3A_257 = tpu.memref_slice %arg12[%dma_wait3A_255, %dma_wait3A_256] : memref<10112x128xf32, #tpu.memory_space<vmem_shared>> -> memref<10112x128xf32, #tpu.memory_space<vmem_shared>>
      tpu.wait_indirect_dma semaphore(%run_scoped3A_245 : memref<!tpu.dma_semaphore, #tpu.memory_space<semaphore_mem>>) src(%arg8 : memref<80x128xf32, #tpu.memory_space<vmem>>) dst(%dma_wait3A_257 : memref<10112x128xf32, #tpu.memory_space<vmem_shared>>)
      tpu.yield
    }) : () -> ()
    %barrier3A_244 = arith.constant 0 : index
    tpu.barrier barrier_id(%barrier3A_244)
    "tpu.region"() ({
      %run_scoped3A_245 = tpu.sem_alloc : memref<!tpu.dma_semaphore, #tpu.memory_space<semaphore_mem>>
      %dma_start3A_246 = arith.constant 0 : i32
      %dma_start3A_247 = tpu.memref_slice %arg5[%arg0, %mul3A_5, %dma_start3A_246] : memref<2x10112x128xf32, #tpu.memory_space<hbm>> -> memref<1x632x128xf32, #tpu.memory_space<hbm>>
      %dma_start3A_248 = tpu.memref_squeeze %dma_start3A_247 : memref<1x632x128xf32, #tpu.memory_space<hbm>> -> memref<632x128xf32, #tpu.memory_space<hbm>>
      %dma_start3A_249 = arith.constant 0 : i32
      %dma_start3A_250 = tpu.memref_slice %arg12[%mul3A_5, %dma_start3A_249] : memref<10112x128xf32, #tpu.memory_space<vmem_shared>> -> memref<632x128xf32, #tpu.memory_space<vmem_shared>>
      tpu.enqueue_dma source(%dma_start3A_250 : memref<632x128xf32, #tpu.memory_space<vmem_shared>>) target(%dma_start3A_248 : memref<632x128xf32, #tpu.memory_space<hbm>>) target_semaphore(%run_scoped3A_245 : memref<!tpu.dma_semaphore, #tpu.memory_space<semaphore_mem>>)
      %dma_wait3A_251 = arith.constant 0 : i32
      %dma_wait3A_252 = tpu.memref_slice %arg5[%arg0, %mul3A_5, %dma_wait3A_251] : memref<2x10112x128xf32, #tpu.memory_space<hbm>> -> memref<1x632x128xf32, #tpu.memory_space<hbm>>
      %dma_wait3A_253 = tpu.memref_squeeze %dma_wait3A_252 : memref<1x632x128xf32, #tpu.memory_space<hbm>> -> memref<632x128xf32, #tpu.memory_space<hbm>>
      %dma_wait3A_254 = arith.constant 0 : i32
      %dma_wait3A_255 = tpu.memref_slice %arg12[%mul3A_5, %dma_wait3A_254] : memref<10112x128xf32, #tpu.memory_space<vmem_shared>> -> memref<632x128xf32, #tpu.memory_space<vmem_shared>>
      tpu.wait_dma2 semaphore(%run_scoped3A_245 : memref<!tpu.dma_semaphore, #tpu.memory_space<semaphore_mem>>) src(%dma_wait3A_255 : memref<632x128xf32, #tpu.memory_space<vmem_shared>>) dst(%dma_wait3A_253 : memref<632x128xf32, #tpu.memory_space<hbm>>)
      tpu.yield
    }) : () -> ()
    return
  }
}

module attributes {stable_mosaic.version = 14 : i64} {
  func.func @_tc_a_body(%arg0: memref<32x10000xf32, #tpu.memory_space<vmem>>, %arg1: memref<10000x128xf32, #tpu.memory_space<vmem>>, %arg2: memref<10000x1xf32, #tpu.memory_space<vmem>>, %arg3: memref<10000x128xf32, #tpu.memory_space<vmem>>) attributes {dimension_semantics = [], scalar_prefetch = 0 : i64, scratch_operands = 0 : i64, tpu.core_type = #tpu.core_type<tc>} {
    %broadcast_in_dim3A = arith.constant 1.000000e+00 : f32
    %broadcast_in_dim3A_0 = vector.broadcast %broadcast_in_dim3A : f32 to vector<32x1xf32>
    %get3A = arith.constant 0 : index
    %get3A_1 = arith.constant 0 : index
    %get3A_2 = vector.load %arg0[%get3A, %get3A_1] : memref<32x10000xf32, #tpu.memory_space<vmem>>, vector<32x10000xf32>
    %dot_general3A = arith.constant dense<0.000000e+00> : vector<10000x1xf32>
    %dot_general3A_3 = tpu.matmul %get3A_2, %broadcast_in_dim3A_0, %dot_general3A {dimension_numbers = #tpu.dot_dimension_numbers<[0], [0], [1], [1], [0, 1, 1, 1], [], []>, precision = #tpu.contract_precision<fp32>, transpose_lhs_hint = false} : vector<32x10000xf32>, vector<32x1xf32>, vector<10000x1xf32> -> vector<10000x1xf32>
    %add3A = arith.constant 1.000000e+00 : f32
    %add3A_4 = vector.broadcast %add3A : f32 to vector<10000x1xf32>
    %add3A_5 = arith.addf %dot_general3A_3, %add3A_4 : vector<10000x1xf32>
    %rsqrt3A = math.rsqrt %add3A_5 : vector<10000x1xf32>
    %swap3A = arith.constant 0 : index
    %swap3A_6 = arith.constant 0 : index
    %swap3A_7 = vector.load %arg2[%swap3A, %swap3A_6] : memref<10000x1xf32, #tpu.memory_space<vmem>>, vector<10000x1xf32>
    tpu.vector_store %arg2[%swap3A, %swap3A_6], %rsqrt3A {strides = array<i32>} : memref<10000x1xf32, #tpu.memory_space<vmem>>, vector<10000x1xf32>,
    %get3A_8 = arith.constant 0 : index
    %get3A_9 = arith.constant 0 : index
    %get3A_10 = vector.load %arg1[%get3A_8, %get3A_9] : memref<10000x128xf32, #tpu.memory_space<vmem>>, vector<10000x128xf32>
    %mul3A = vector.broadcast %rsqrt3A : vector<10000x1xf32> to vector<10000x128xf32>
    %mul3A_11 = arith.mulf %get3A_10, %mul3A : vector<10000x128xf32>
    %swap3A_12 = arith.constant 0 : index
    %swap3A_13 = arith.constant 0 : index
    %swap3A_14 = vector.load %arg3[%swap3A_12, %swap3A_13] : memref<10000x128xf32, #tpu.memory_space<vmem>>, vector<10000x128xf32>
    tpu.vector_store %arg3[%swap3A_12, %swap3A_13], %mul3A_11 {strides = array<i32>} : memref<10000x128xf32, #tpu.memory_space<vmem>>, vector<10000x128xf32>,
    return
  }
}

module attributes {stable_mosaic.version = 14 : i64} {
  func.func @_tc_b_body(%arg0: i32, %arg1: memref<400x128xf32, #tpu.memory_space<vmem>>, %arg2: memref<400x128xf32, #tpu.memory_space<vmem>>, %arg3: memref<400x128xf32, #tpu.memory_space<vmem>>, %arg4: memref<400x1xf32, #tpu.memory_space<vmem>>, %arg5: memref<128x512xf32, #tpu.memory_space<vmem>>, %arg6: memref<1x512xf32, #tpu.memory_space<vmem>>, %arg7: memref<512x128xf32, #tpu.memory_space<vmem>>, %arg8: memref<400x512xf32, #tpu.memory_space<vmem>>, %arg9: memref<400x128xf32, #tpu.memory_space<vmem>>) attributes {dimension_semantics = [#tpu.dimension_semantics<arbitrary>], iteration_bounds = array<i64: 25>, scalar_prefetch = 0 : i64, scratch_operands = 0 : i64, tpu.core_type = #tpu.core_type<tc>, window_params = [{transform_indices = @transform_0, window_bounds = array<i64: 400, 128>}, {transform_indices = @transform_1, window_bounds = array<i64: 400, 128>}, {transform_indices = @transform_2, window_bounds = array<i64: 400, 128>}, {transform_indices = @transform_3, window_bounds = array<i64: 400, 1>}, {pipeline_mode = #tpu.pipeline_mode<synchronous>, transform_indices = @transform_4, window_bounds = array<i64: 128, 512>}, {pipeline_mode = #tpu.pipeline_mode<synchronous>, transform_indices = @transform_5, window_bounds = array<i64: 1, 512>}, {pipeline_mode = #tpu.pipeline_mode<synchronous>, transform_indices = @transform_6, window_bounds = array<i64: 512, 128>}, {transform_indices = @transform_7, window_bounds = array<i64: 400, 512>}, {transform_indices = @transform_8, window_bounds = array<i64: 400, 128>}]} {
    %get3A = arith.constant 0 : index
    %get3A_0 = arith.constant 0 : index
    %get3A_1 = vector.load %arg4[%get3A, %get3A_0] : memref<400x1xf32, #tpu.memory_space<vmem>>, vector<400x1xf32>
    %get3A_2 = arith.constant 0 : index
    %get3A_3 = arith.constant 0 : index
    %get3A_4 = vector.load %arg1[%get3A_2, %get3A_3] : memref<400x128xf32, #tpu.memory_space<vmem>>, vector<400x128xf32>
    %get3A_5 = arith.constant 0 : index
    %get3A_6 = arith.constant 0 : index
    %get3A_7 = vector.load %arg2[%get3A_5, %get3A_6] : memref<400x128xf32, #tpu.memory_space<vmem>>, vector<400x128xf32>
    %add3A = arith.addf %get3A_4, %get3A_7 : vector<400x128xf32>
    %get3A_8 = arith.constant 0 : index
    %get3A_9 = arith.constant 0 : index
    %get3A_10 = vector.load %arg3[%get3A_8, %get3A_9] : memref<400x128xf32, #tpu.memory_space<vmem>>, vector<400x128xf32>
    %add3A_11 = arith.addf %add3A, %get3A_10 : vector<400x128xf32>
    %mul3A = vector.broadcast %get3A_1 : vector<400x1xf32> to vector<400x128xf32>
    %mul3A_12 = arith.mulf %add3A_11, %mul3A : vector<400x128xf32>
    %get3A_13 = arith.constant 0 : index
    %get3A_14 = arith.constant 0 : index
    %get3A_15 = vector.load %arg5[%get3A_13, %get3A_14] : memref<128x512xf32, #tpu.memory_space<vmem>>, vector<128x512xf32>
    %dot_general3A = arith.constant dense<0.000000e+00> : vector<400x512xf32>
    %dot_general3A_16 = tpu.matmul %mul3A_12, %get3A_15, %dot_general3A {dimension_numbers = #tpu.dot_dimension_numbers<[1], [0], [0], [1], [0, 0, 1, 1], [], []>, precision = #tpu.contract_precision<fp32>, transpose_lhs_hint = false} : vector<400x128xf32>, vector<128x512xf32>, vector<400x512xf32> -> vector<400x512xf32>
    %get3A_17 = arith.constant 0 : index
    %get3A_18 = arith.constant 0 : index
    %get3A_19 = vector.load %arg6[%get3A_17, %get3A_18] : memref<1x512xf32, #tpu.memory_space<vmem>>, vector<1x512xf32>
    %add3A_20 = vector.broadcast %get3A_19 : vector<1x512xf32> to vector<400x512xf32>
    %add3A_21 = arith.addf %dot_general3A_16, %add3A_20 : vector<400x512xf32>
    %max3A = arith.constant 0.000000e+00 : f32
    %max3A_22 = vector.broadcast %max3A : f32 to vector<400x512xf32>
    %max3A_23 = arith.maximumf %add3A_21, %max3A_22 : vector<400x512xf32>
    %swap3A = arith.constant 0 : index
    %swap3A_24 = arith.constant 0 : index
    %swap3A_25 = vector.load %arg8[%swap3A, %swap3A_24] : memref<400x512xf32, #tpu.memory_space<vmem>>, vector<400x512xf32>
    tpu.vector_store %arg8[%swap3A, %swap3A_24], %max3A_23 {strides = array<i32>} : memref<400x512xf32, #tpu.memory_space<vmem>>, vector<400x512xf32>,
    %get3A_26 = arith.constant 0 : index
    %get3A_27 = arith.constant 0 : index
    %get3A_28 = vector.load %arg7[%get3A_26, %get3A_27] : memref<512x128xf32, #tpu.memory_space<vmem>>, vector<512x128xf32>
    %dot_general3A_29 = arith.constant dense<0.000000e+00> : vector<400x128xf32>
    %dot_general3A_30 = tpu.matmul %max3A_23, %get3A_28, %dot_general3A_29 {dimension_numbers = #tpu.dot_dimension_numbers<[1], [0], [0], [1], [0, 0, 1, 1], [], []>, precision = #tpu.contract_precision<fp32>, transpose_lhs_hint = false} : vector<400x512xf32>, vector<512x128xf32>, vector<400x128xf32> -> vector<400x128xf32>
    %mul3A_31 = vector.broadcast %get3A_1 : vector<400x1xf32> to vector<400x128xf32>
    %mul3A_32 = arith.mulf %dot_general3A_30, %mul3A_31 : vector<400x128xf32>
    %swap3A_33 = arith.constant 0 : index
    %swap3A_34 = arith.constant 0 : index
    %swap3A_35 = vector.load %arg9[%swap3A_33, %swap3A_34] : memref<400x128xf32, #tpu.memory_space<vmem>>, vector<400x128xf32>
    tpu.vector_store %arg9[%swap3A_33, %swap3A_34], %mul3A_32 {strides = array<i32>} : memref<400x128xf32, #tpu.memory_space<vmem>>, vector<400x128xf32>,
    return
  }
  func.func @transform_0(%arg0: i32) -> (i32, i32) {
    %c0_i32 = arith.constant 0 : i32
    %c0_i32_0 = arith.constant 0 : i32
    return %arg0, %c0_i32 : i32, i32
  }
  func.func @transform_1(%arg0: i32) -> (i32, i32) {
    %c0_i32 = arith.constant 0 : i32
    %c0_i32_0 = arith.constant 0 : i32
    return %arg0, %c0_i32 : i32, i32
  }
  func.func @transform_2(%arg0: i32) -> (i32, i32) {
    %c0_i32 = arith.constant 0 : i32
    %c0_i32_0 = arith.constant 0 : i32
    return %arg0, %c0_i32 : i32, i32
  }
  func.func @transform_3(%arg0: i32) -> (i32, i32) {
    %c0_i32 = arith.constant 0 : i32
    %c0_i32_0 = arith.constant 0 : i32
    return %arg0, %c0_i32 : i32, i32
  }
  func.func @transform_4(%arg0: i32) -> (i32, i32) {
    %c0_i32 = arith.constant 0 : i32
    %c0_i32_0 = arith.constant 0 : i32
    %c0_i32_1 = arith.constant 0 : i32
    return %c0_i32, %c0_i32_0 : i32, i32
  }
  func.func @transform_5(%arg0: i32) -> (i32, i32) {
    %c0_i32 = arith.constant 0 : i32
    %c0_i32_0 = arith.constant 0 : i32
    %c0_i32_1 = arith.constant 0 : i32
    return %c0_i32, %c0_i32_0 : i32, i32
  }
  func.func @transform_6(%arg0: i32) -> (i32, i32) {
    %c0_i32 = arith.constant 0 : i32
    %c0_i32_0 = arith.constant 0 : i32
    %c0_i32_1 = arith.constant 0 : i32
    return %c0_i32, %c0_i32_0 : i32, i32
  }
  func.func @transform_7(%arg0: i32) -> (i32, i32) {
    %c0_i32 = arith.constant 0 : i32
    %c0_i32_0 = arith.constant 0 : i32
    return %arg0, %c0_i32 : i32, i32
  }
  func.func @transform_8(%arg0: i32) -> (i32, i32) {
    %c0_i32 = arith.constant 0 : i32
    %c0_i32_0 = arith.constant 0 : i32
    return %arg0, %c0_i32 : i32, i32
  }
}

module attributes {stable_mosaic.version = 14 : i64} {
  func.func @_tc_c_body(%arg0: i32, %arg1: memref<400x128xf32, #tpu.memory_space<vmem>>, %arg2: memref<400x128xf32, #tpu.memory_space<vmem>>, %arg3: memref<400x128xf32, #tpu.memory_space<vmem>>, %arg4: memref<400x1xf32, #tpu.memory_space<vmem>>, %arg5: memref<1x40xf32, #tpu.memory_space<vmem>>, %arg6: memref<400x40xf32, #tpu.memory_space<vmem>>) attributes {dimension_semantics = [#tpu.dimension_semantics<arbitrary>], iteration_bounds = array<i64: 25>, scalar_prefetch = 0 : i64, scratch_operands = 0 : i64, tpu.core_type = #tpu.core_type<tc>, window_params = [{transform_indices = @transform_0, window_bounds = array<i64: 400, 128>}, {transform_indices = @transform_1, window_bounds = array<i64: 400, 128>}, {transform_indices = @transform_2, window_bounds = array<i64: 400, 128>}, {transform_indices = @transform_3, window_bounds = array<i64: 400, 1>}, {pipeline_mode = #tpu.pipeline_mode<synchronous>, transform_indices = @transform_4, window_bounds = array<i64: 1, 40>}, {transform_indices = @transform_5, window_bounds = array<i64: 400, 40>}]} {
    %get3A = arith.constant 0 : index
    %get3A_0 = arith.constant 0 : index
    %get3A_1 = vector.load %arg1[%get3A, %get3A_0] : memref<400x128xf32, #tpu.memory_space<vmem>>, vector<400x128xf32>
    %get3A_2 = arith.constant 0 : index
    %get3A_3 = arith.constant 0 : index
    %get3A_4 = vector.load %arg2[%get3A_2, %get3A_3] : memref<400x128xf32, #tpu.memory_space<vmem>>, vector<400x128xf32>
    %add3A = arith.addf %get3A_1, %get3A_4 : vector<400x128xf32>
    %get3A_5 = arith.constant 0 : index
    %get3A_6 = arith.constant 0 : index
    %get3A_7 = vector.load %arg3[%get3A_5, %get3A_6] : memref<400x128xf32, #tpu.memory_space<vmem>>, vector<400x128xf32>
    %add3A_8 = arith.addf %add3A, %get3A_7 : vector<400x128xf32>
    %slice3A = vector.extract_strided_slice %add3A_8 {offsets = [0, 0], sizes = [400, 40], strides = [1, 1]} : vector<400x128xf32> to vector<400x40xf32>
    %get3A_9 = arith.constant 0 : index
    %get3A_10 = arith.constant 0 : index
    %get3A_11 = vector.load %arg4[%get3A_9, %get3A_10] : memref<400x1xf32, #tpu.memory_space<vmem>>, vector<400x1xf32>
    %mul3A = vector.broadcast %get3A_11 : vector<400x1xf32> to vector<400x40xf32>
    %mul3A_12 = arith.mulf %slice3A, %mul3A : vector<400x40xf32>
    %get3A_13 = arith.constant 0 : index
    %get3A_14 = arith.constant 0 : index
    %get3A_15 = vector.load %arg5[%get3A_13, %get3A_14] : memref<1x40xf32, #tpu.memory_space<vmem>>, vector<1x40xf32>
    %add3A_16 = vector.broadcast %get3A_15 : vector<1x40xf32> to vector<400x40xf32>
    %add3A_17 = arith.addf %mul3A_12, %add3A_16 : vector<400x40xf32>
    %swap3A = arith.constant 0 : index
    %swap3A_18 = arith.constant 0 : index
    %swap3A_19 = vector.load %arg6[%swap3A, %swap3A_18] : memref<400x40xf32, #tpu.memory_space<vmem>>, vector<400x40xf32>
    tpu.vector_store %arg6[%swap3A, %swap3A_18], %add3A_17 {strides = array<i32>} : memref<400x40xf32, #tpu.memory_space<vmem>>, vector<400x40xf32>,
    return
  }
  func.func @transform_0(%arg0: i32) -> (i32, i32) {
    %c0_i32 = arith.constant 0 : i32
    %c0_i32_0 = arith.constant 0 : i32
    return %arg0, %c0_i32 : i32, i32
  }
  func.func @transform_1(%arg0: i32) -> (i32, i32) {
    %c0_i32 = arith.constant 0 : i32
    %c0_i32_0 = arith.constant 0 : i32
    return %arg0, %c0_i32 : i32, i32
  }
  func.func @transform_2(%arg0: i32) -> (i32, i32) {
    %c0_i32 = arith.constant 0 : i32
    %c0_i32_0 = arith.constant 0 : i32
    return %arg0, %c0_i32 : i32, i32
  }
  func.func @transform_3(%arg0: i32) -> (i32, i32) {
    %c0_i32 = arith.constant 0 : i32
    %c0_i32_0 = arith.constant 0 : i32
    return %arg0, %c0_i32 : i32, i32
  }
  func.func @transform_4(%arg0: i32) -> (i32, i32) {
    %c0_i32 = arith.constant 0 : i32
    %c0_i32_0 = arith.constant 0 : i32
    %c0_i32_1 = arith.constant 0 : i32
    return %c0_i32, %c0_i32_0 : i32, i32
  }
  func.func @transform_5(%arg0: i32) -> (i32, i32) {
    %c0_i32 = arith.constant 0 : i32
    %c0_i32_0 = arith.constant 0 : i32
    return %arg0, %c0_i32 : i32, i32
  }
}

</mosaic_0001>

<sc_bundles>
// kernel: kernel.11.cloned.1.call-start
scs
__scs_entry_jumppad:
0x0: {  	(pc) =	sbr.rel $0x88, $3  }
0x1: {  	(tag) =	ssettag $0x0;
	lr =	simm.s32 $0x1  }
0x2: {  	[smem:$0x3F9B] =	sst lr;
	_ =	strace $0xD0000000  }
0x3: {  	_ = 	snop  }
0x4: {  	_ = 	snop  }
0x5: {  	_ = 	snop  }
0x6: {  	_ = 	snop  }
0x7: {  	_ = 	snop  }
__scs_overlays_trampoline_lowered:
0x8: {  	[smem:$0x3FAA] =	sst s0  }
0x9: {  	[smem:$0x3FAB] =	sst s1  }
0xa: {  	[smem:$0x3FAC] =	sst s2  }
0xb: {  	[smem:$0x3FAD] =	sst s3  }
0xc: {  	[smem:$0x3FAE] =	sst s4  }
0xd: {  	[smem:$0x3FAF] =	sst s5  }
0xe: {  	[smem:$0x3FB0] =	sst s6  }
0xf: {  	[smem:$0x3FB1] =	sst s7  }
0x10: {  	[smem:$0x3FB2] =	sst s8  }
0x11: {  	[smem:$0x3FB3] =	sst s9;
	s0 =	simm.s32 @!p0 $0x0  }
0x12: {  	s1 =	sld [smem:$0x3F99];
	s0 =	simm.s32 @p0 $0x1  }
0x13: {  	[smem:$0x3FB4] =	sst s0;
	s0 =	simm.s32 @!p1 $0x0  }
0x14: {  	s2 =	sld [smem:$0x3F98];
	s0 =	simm.s32 @p1 $0x1  }
0x15: {  	[smem:$0x3FB5] =	sst s0;
	s0 =	simm.s32 @!p2 $0x0  }
0x16: {  	s3 =	sld [smem:$0x3FDB];
	s0 =	simm.s32 @p2 $0x1  }
0x17: {  	s4 =	simm.s32 $0x1BF5;
	[smem:$0x3FB7] =	sst s0  }
0x18: {  	s0 =	sld [smem:$0x3F9A];
	_ =	swait.ge [sflag:s4], $0x0  }
0x19: {  	s7 =	sld [smem:$0x3F9B]  }
0x1a: {  	s8 =	sadd.s32 $0xFFFFE003, lr  }
0x1b: {  	s9 =	sadd.s32 $0xFFFFFEF7, lr;
	s5 =	simm.s32 $0xFFFFFFFF;
	p2 =	slt.u32 s8, $0xFFFFF086  }
0x1c: {  	p1 =	slt.u32 s9, $0xF7A;
	s5 =	simm.s32 @!p2 $0x0  }
0x1d: {  	s5 =	simm.s32 @p1 $0x1;
	p0 =	seq.s32 s7, s2  }
0x1e: {  	s7 =	smul.u32 @!p0 $0xF7A, s2;
	p2 =	seq.s32 @!p0 s5, $0x0  }
0x1f: {  	s9 =	smul.u32 $0xF7A, s1;
	s8 =	simm.s32 @!p0 $0x1BF5;
	p2 =	por !p2, p0  }
0x20: {  	[sflag:s8] =	ssyncset.s32 @!p0 $0xFFFFF086;
	s6 =	sadd.s32 @!p0 s3, s7;
	s7 =	simm.s32 @!p0 $0x108  }
0x21: {  	s3 =	sadd.s32 s3, s9;
	s6 =	sadd.s32 @!p0 $0x88, s6;
	s7 =	simm.s32 @p2 $0x1082  }
0x22: {  	[simem:s7], [sflag:s8] =	dma.local @!p0 [hbm:s6], $0xF7A  }
0x23: {  	s9 =	sor.u32 $0xD0000000, s2;
	s6 =	simm.s32 $0x108;
	_ =	swait.ge @!p0 [sflag:s8], $0x0  }
0x24: {  	s3 =	sadd.s32 $0x88, s3;
	s6 =	simm.s32 @!p1 $0x1082;
	[sflag:s4] =	ssyncset.s32 $0xFFFFF086  }
0x25: {  	[simem:s6], [sflag:s4] =	dma.local [hbm:s3], $0xF7A  }
0x26: {  	[smem:$0x3F9B] =	sst s1;
	(tag) =	ssettag s2;
	_ =	strace s9  }
0x27: {  	s1 =	sld [smem:$0x3FAB]  }
0x28: {  	s2 =	sld [smem:$0x3FAC]  }
0x29: {  	s4 =	sld [smem:$0x3FAE]  }
0x2a: {  	p0 =	seq.s32 s5, $0x0;
	s5 =	sld [smem:$0x3FAF]  }
0x2b: {  	s6 =	sld [smem:$0x3FB0]  }
0x2c: {  	s7 =	sld [smem:$0x3FB1]  }
0x2d: {  	s3 =	simm.s32 $0x108;
	s8 =	sld [smem:$0x3FB2]  }
0x2e: {  	s3 =	simm.s32 @!p0 $0x1082;
	s9 =	sld [smem:$0x3FB3]  }
0x2f: {  	lr =	sadd.s32 s0, s3;
	s0 =	sld [smem:$0x3FAA]  }
0x30: {  	s3 =	sld [smem:$0x3FAD]  }
0x31: {  	[smem:$0x3FB6] =	sst s10  }
0x32: {  	s10 =	sld [smem:$0x3FB4];
	_ =	sdelay $0x3  }
0x33: {  	p0 =	seq.s32 s10, $0x1;
	s10 =	sld [smem:$0x3FB6];
	_ =	sdelay $0x3  }
0x34: {  	[smem:$0x3FB6] =	sst s10  }
0x35: {  	s10 =	sld [smem:$0x3FB5];
	_ =	sdelay $0x3  }
0x36: {  	p1 =	seq.s32 s10, $0x1;
	s10 =	sld [smem:$0x3FB6];
	_ =	sdelay $0x3  }
0x37: {  	[smem:$0x3FB6] =	sst s10  }
0x38: {  	s10 =	sld [smem:$0x3FB7]  }
0x39: {  	_ = 	snop;
	(pc) =	sbr.ind lr, $3  }
0x3a: {  	_ = 	snop  }
0x3b: {  	_ = 	snop  }
0x3c: {  	p2 =	seq.s32 s10, $0x1;
	s10 =	sld [smem:$0x3FB6]  }
0x3d: {  	_ =	shalt  }
0x3e: {  	_ =	shalt  }
0x3f: {  	_ =	shalt  }
0x40: {  	_ =	shalt  }
0x41: {  	_ =	shalt  }
0x42: {  	_ =	shalt  }
0x43: {  	_ =	shalt  }
0x44: {  	_ =	shalt  }
0x45: {  	_ =	shalt  }
0x46: {  	_ =	shalt  }
0x47: {  	_ =	shalt  }
0x48: {  	_ =	shalt  }
0x49: {  	_ =	shalt  }
0x4a: {  	_ =	shalt  }
0x4b: {  	_ =	shalt  }
0x4c: {  	_ =	shalt  }
0x4d: {  	_ =	shalt  }
0x4e: {  	_ =	shalt  }
0x4f: {  	_ =	shalt  }
0x50: {  	_ =	shalt  }
0x51: {  	_ =	shalt  }
0x52: {  	_ =	shalt  }
0x53: {  	_ =	shalt  }
0x54: {  	_ =	shalt  }
0x55: {  	_ =	shalt  }
0x56: {  	_ =	shalt  }
0x57: {  	_ =	shalt  }
0x58: {  	_ =	shalt  }
0x59: {  	_ =	shalt  }
0x5a: {  	_ =	shalt  }
0x5b: {  	_ =	shalt  }
0x5c: {  	_ =	shalt  }
0x5d: {  	_ =	shalt  }
0x5e: {  	_ =	shalt  }
0x5f: {  	_ =	shalt  }
0x60: {  	_ =	shalt  }
0x61: {  	_ =	shalt  }
0x62: {  	_ =	shalt  }
0x63: {  	_ =	shalt  }
0x64: {  	_ =	shalt  }
0x65: {  	_ =	shalt  }
0x66: {  	_ =	shalt  }
0x67: {  	_ =	shalt  }
0x68: {  	_ =	shalt  }
0x69: {  	_ =	shalt  }
0x6a: {  	_ =	shalt  }
0x6b: {  	_ =	shalt  }
0x6c: {  	_ =	shalt  }
0x6d: {  	_ =	shalt  }
0x6e: {  	_ =	shalt  }
0x6f: {  	_ =	shalt  }
0x70: {  	_ =	shalt  }
0x71: {  	_ =	shalt  }
0x72: {  	_ =	shalt  }
0x73: {  	_ =	shalt  }
0x74: {  	_ =	shalt  }
0x75: {  	_ =	shalt  }
0x76: {  	_ =	shalt  }
0x77: {  	_ =	shalt  }
0x78: {  	_ =	shalt  }
0x79: {  	_ =	shalt  }
0x7a: {  	_ =	shalt  }
0x7b: {  	_ =	shalt  }
0x7c: {  	_ =	shalt  }
0x7d: {  	_ =	shalt  }
0x7e: {  	_ =	shalt  }
0x7f: {  	_ =	shalt  }
0x80: {  	_ =	shalt  }
0x81: {  	_ =	shalt  }
0x82: {  	_ =	shalt  }
0x83: {  	_ =	shalt  }
0x84: {  	_ =	shalt  }
0x85: {  	_ =	shalt  }
0x86: {  	_ =	shalt  }
0x87: {  	_ =	shalt  }
.Lfunc_end0:
.L_simem_size_0:
called_computation.1_lowered:
.L_overlay_start_0:
0x88: {  	s2 =	sld [smem:$0x3FD9]  }
0x89: {  	s3 =	sld [smem:$0x3FFE];
	_ =	sdelay $0x1  }
0x8a: {  	s1 =	srdreg.scid  }
0x8b: {  	s0 =	sand.u32 $0x1, s1  }
0x8c: {  	s14 =	sshll.u32 s0, $0xA;
	s2 =	sadd.s32 s3, s2  }
0x8d: {  	s2 =	sadd.s32 s2, s14  }
0x8e: {  	[smem:$0x3FC2] =	sst s2  }
0x8f: {  	_ = 	snop  }
0x90: {  	s2 =	sld [smem:$0x3FD0];
	_ =	sdelay $0x2  }
0x91: {  	s15 =	simm.s32 $0xA;
	s4 =	simm.s32 $0x10  }
0x92: {  	[smem:s4], [sflag:s15] =	dma.local [hbm:s2], $0x1  }
0x93: {  	_ =	swait.eq [sflag:s15], $0x1  }
0x94: {  	[sflag:s15] =	ssyncset.done $0x0  }
0x95: {  	s16 =	sld [smem:$0x10];
	[sflag:s15] =	ssyncadd.s32 $0xFFFFFFFF  }
0x96: {  	s17 =	sld [smem:$0x11];
	(tm) =	ssettm $0x1  }
0x97: {  	s18 =	sld [smem:$0x3FFB];
	_ =	sdelay $0x3  }
0x98: {  	_ =	strace s18  }
0x99: {  	s4 =	sld [smem:$0x3FFC];
	_ =	sdelay $0x3  }
0x9a: {  	_ =	strace s4  }
0x9b: {  	s4 =	sld [smem:$0x3FFD];
	_ =	sdelay $0x3  }
0x9c: {  	_ =	strace s4  }
0x9d: {  	_ =	strace $0x8FFFFFFF  }
0x9e: {  	s19 =	sld [smem:$0x3FDB];
	_ =	sdelay $0x1  }
0x9f: {  	s5 =	simm.s32 $_scs_section_size  }
0xa0: {  	s6 =	simm.s32 $_size__tile_overlayer_lowered;
	s7 =	simm.s32 $_tile_overlayer_lowered  }
0xa1: {  	s22 =	simm.s32 $0x1BFF;
	s21 =	sshll.u32 s7, $0x1;
	s4 =	sadd.s32 s5, s19  }
0xa2: {  	s8 =	simm.s32 $0x0;
	s20 =	sshll.u32 s6, $0x1;
	s6 =	sadd.s32 s21, s4  }
0xa3: {  	[timem:s8], [sflag:s22] =	dma.local [hbm:s6], s20  }
0xa4: {  	_ =	swait.ge [sflag:s22], s20  }
0xa5: {  	s5 =	ssub.s32 $0x0, s20;
	[sflag:s22] =	ssyncset.done $0x0  }
0xa6: {  	[sflag:s22] =	ssyncadd.s32 s5;
	_ =	sdelay $0x1  }
0xa7: {  	s23 =	simm.s32 $0x1B8B  }
0xa8: {  	_ =	swait.ge [sflag:s23], $0x1  }
0xa9: {  	[sflag:s23] =	ssyncset.done $0x0  }
0xaa: {  	s25 =	simm.s32 $0x1B8E;
	s24 =	sld [smem:$0x3FFE];
	[sflag:s23] =	ssyncadd.s32 $0xFFFFFFFF  }
0xab: {  	s26 =	simm.s32 $execute0_lowered;
	[smem:$0x3FD2] =	sst s25  }
0xac: {  	s6 =	sshll.u32 s26, $0x1;
	_ =	strace $0x80000049;
	[dreg:$0x1] =	wrdreg $0xFFFFFFFF  }
0xad: {  	s28 =	simm.s32 $_size_execute0_lowered;
	s4 =	sadd.s32 s4, s6;
	[dreg:$0x0] =	wrdreg $0x0  }
0xae: {  	s6 =	sshll.u32 s28, $0x1;
	[dreg:$0x2] =	wrdreg s4  }
0xaf: {  	[dreg:$0x3] =	wrdreg s6  }
0xb0: {  	[dreg:$0x4] =	wrdreg $0xC0  }
0xb1: {  	_ =	task [dreg:s8], $0x5FFFF  }
0xb2: {  	[dreg:$0x1] =	wrdreg $0xFFFFFFFF  }
0xb3: {  	[dreg:$0x0] =	wrdreg $0x60  }
0xb4: {  	[dreg:$0x2] =	wrdreg s24  }
0xb5: {  	[dreg:$0x3] =	wrdreg s16  }
0xb6: {  	[dreg:$0x4] =	wrdreg s17  }
0xb7: {  	[dreg:$0x5] =	wrdreg $0xAA000  }
0xb8: {  	[dreg:$0x6] =	wrdreg $0x9  }
0xb9: {  	_ =	task.clear_ibuf [dreg:s8], $0x7FFFF;
	_ =	strace $0x90000049  }
0xba: {  	s29 =	simm.s32 $0x9;
	_ =	strace $0x8000004B  }
0xbb: {  	_ =	swait.ge [sflag:s29], $0x1  }
0xbc: {  	[sflag:s29] =	ssyncadd.s32 $0xFFFFFFFF  }
0xbd: {  	_ =	strace $0x9000004B  }
0xbe: {  	_ =	sfence  }
0xbf: {  	s30 =	sld [smem:$0x0];
	_ =	sdelay $0x2  }
0xc0: {  	s31 =	sshll.u32 s1, $0xD;
	s1 =	sshrl.u32 s1, $0x2  }
0xc1: {  	s3 =	sand.u32 $0x4000, s31;
	s1 =	sadd.s32 s1, s30  }
0xc2: {  	s0 =	sor.u32 s3, s0;
	s1 =	sshll.u32 s1, $0x11  }
0xc3: {  	s0 =	sor.u32 s1, s0  }
0xc4: {  	s0 =	sadd.s32 $0x8F2B, s0  }
0xc5: {  	[sflag:s0] =	ssyncadd.remote.s32 $0x1  }
0xc6: {  	_ =	sfence.sel $0xFFFF  }
0xc7: {  	[dreg:$0x0] =	wrdreg $0xFFFFFFFF;
	(pc) =	sbr.abs _section_cstart, $3  }
0xc8: {  	[dreg:$0x1] =	wrdreg $0xFFFFFFFF  }
0xc9: {  	_ =	task.clear_ibuf [dreg:s8], $0x2FFFF;
	_ =	strace $0x9FFFFFFF  }
0xca: {  	(tm) =	ssettm $0x7FFFFFFF  }
0xcb: {  	_ =	shalt  }
tec
execute0_lowered:
.L_overlay_start_1:
0x0: {  	(tag) =	ssettag $0x1  }
0x1: {  	s0 =	rddreg [dreg:$0x0]  }
0x2: {  	s1 =	rddreg [dreg:$0x1]  }
0x3: {  	s3 =	rddreg [dreg:$0x2]  }
0x4: {  	s2 =	rddreg [dreg:$0x3];
	s4 =	simm.s32 $0x0;
	s12 =	srdreg.scid  }
0x5: {  	s13 =	stileid.u32;
	s29 =	simm.s32 $0xA00;
	s30 =	simm.s32 $0x6  }
0x6: {  	[smem:$0x7FF] =	sst s4;
	s4 =	sand.u32 $0x1, s12;
	s7 =	smul.u32 $0x4F000, s13  }
0x7: {  	s8 =	sshll.u32 s13, $0x1;
	s5 =	sadd.s32 $0xC200, s0;
	s10 =	smul.u32 $0x4E20, s13  }
0x8: {  	s6 =	sadd.s32 $0x2400, s0;
	s13 =	smul.u32 $0x13C00, s13;
	_ =	strace $0x8000004A  }
0x9: {  	s14 =	sor.u32 s4, s8;
	s17 =	smul.u32 $0x2710, s4;
	s7 =	sshrl.u32 s7, $0x2  }
0xa: {  	s15 =	ssub.s32 $0x2, s4;
	s4 =	smul.u32 $0x13C000, s4;
	s7 =	sadd.s32 s7, s2  }
0xb: {  	s0 =	smul.u32 $0x2710, s14;
	s16 =	sadd.s32 $0x2800, s7;
	[dreg:$0xd] =	wrdreg s7  }
0xc: {  	s9 =	sshrl.u32 s15, $0x1;
	s11 =	sadd.s32 $0x5000, s7;
	[dreg:$0xe] =	wrdreg s16  }
0xd: {  	s8 =	ssub.s32 s15, s9;
	s18 =	sadd.s32 $0x7800, s7;
	[dreg:$0xf] =	wrdreg s11  }
0xe: {  	s9 =	sadd.s32 s17, s10;
	s19 =	sadd.s32 $0xA000, s7;
	[dreg:$0x10] =	wrdreg s18  }
0xf: {  	s20 =	sadd.s32 $0xC800, s7;
	s0 =	sshrl.u32 s0, $0x3;
	[dreg:$0x11] =	wrdreg s19  }
0x10: {  	s4 =	sadd.s32 s13, s4;
	[dreg:$0x12] =	wrdreg s20;
	s21 =	sadd.s32 s1, s0  }
0x11: {  	s4 =	sshrl.u32 s4, $0x3;
	s12 =	sadd.s32 s6, s0;
	[dreg:$0x13] =	wrdreg s21  }
0x12: {  	s26 =	sadd.s32 $0x1E0, s9;
	s3 =	sadd.s32 s3, s4;
	[dreg:$0x14] =	wrdreg s12  }
0x13: {  	s22 =	sadd.s32 $0xA, s0;
	s20 =	simm.s32 $0x3200;
	[dreg:$0x19] =	wrdreg s3  }
0x14: {  	s31 =	sshrl.u32 s26, $0x3;
	s26 =	sadd.s32 $0x140, s9;
	[dreg:$0xb] =	wrdreg s20  }
0x15: {  	s23 =	sadd.s32 $0x230, s9;
	s24 =	sadd.s32 s1, s22;
	[dreg:$0x1f] =	wrdreg s26  }
0x16: {  	s11 =	sshrl.u32 s23, $0x3;
	s10 =	sadd.s32 s6, s22;
	[dreg:$0x15] =	wrdreg s24  }
0x17: {  	s13 =	simm.s32 $0x3;
	s25 =	sadd.s32 s11, s6;
	[dreg:$0x16] =	wrdreg s10  }
0x18: {  	s14 =	sadd.s32 $0x190, s9;
	s28 =	sadd.s32 s11, s1;
	[dreg:$0x5] =	wrdreg s25  }
0x19: {  	s15 =	sadd.s32 $0x14, s0;
	s12 =	sadd.s32 s31, s6;
	[dreg:$0x6] =	wrdreg s28  }
0x1a: {  	s19 =	sadd.s32 $0x1E, s0;
	s11 =	sadd.s32 s31, s1;
	[dreg:$0x7] =	wrdreg s12  }
0x1b: {  	s0 =	sadd.s32 $0x4D8, s0;
	s17 =	sadd.s32 s1, s15;
	[dreg:$0x8] =	wrdreg s11  }
0x1c: {  	s9 =	simm.s32 $0x1;
	s18 =	sadd.s32 s6, s15;
	[dreg:$0x17] =	wrdreg s17  }
0x1d: {  	s21 =	sadd.s32 s1, s19;
	s22 =	simm.s32 $0x5A00;
	[dreg:$0x18] =	wrdreg s18  }
0x1e: {  	s23 =	sadd.s32 s6, s19;
	s31 =	sadd.s32 $0x11800, s7;
	[dreg:$0x1a] =	wrdreg s21  }
0x1f: {  	s19 =	simm.s32 $0x8;
	s20 =	simm.s32 $0x9;
	[dreg:$0x1b] =	wrdreg s23  }
0x20: {  	s15 =	simm.s32 $0x5;
	s10 =	sshrl.u32 s14, $0x3;
	[dreg:$0xc] =	wrdreg s22  }
0x21: {  	s24 =	sadd.s32 s1, s0;
	s0 =	sadd.s32 s6, s0;
	[smem:$0x7FD] =	sst s31  }
0x22: {  	s25 =	smax.u32 s8, $0x1;
	s28 =	sadd.s32 $0xF000, s7;
	[dreg:$0x1c] =	wrdreg s24  }
0x23: {  	s8 =	simm.s32 $0x7;
	s21 =	simm.s32 $0x400;
	[dreg:$0x1d] =	wrdreg s0  }
0x24: {  	s11 =	simm.s32 $0x8200;
	s12 =	simm.s32 $0x2;
	[dreg:$0x1e] =	wrdreg s25  }
0x25: {  	s14 =	simm.s32 $0x4;
	s16 =	sadd.s32 s10, s6;
	[smem:$0x7FC] =	sst s28  }
0x26: {  	s17 =	simm.s32 $0x0;
	s10 =	sadd.s32 s10, s1;
	[dreg:$0x9] =	wrdreg s16  }
0x27: {  	v0 =	vimm.f32 $0.0e+00;
	[dreg:$0xa] =	wrdreg s10;
	s10 =	simm.s32 $0x50;
	s16 =	simm.s32 $0xA  }
.LBB2_1:
0x28: {  	s4 =	simm.s32 $0x0;
	s18 =	simm.s32 $0x200  }
.LBB2_2:
0x29: {  	p0 =	sne.s32 s18, $0x9E00;
	[tilespmem:s4+$0xA70] =	vst v0  }
0x2a: {  	[tilespmem:s4+$0xA00] =	vst v0  }
0x2b: {  	[tilespmem:s4+$0xA10] =	vst v0  }
.Ltmp0:
0x2c: {  	[tilespmem:s4+$0xA20] =	vst v0;
	(pc) =	sbr.rel @p0 .LBB2_2-.Ltmp0, $4  }
0x2d: {  	[tilespmem:s4+$0xA30] =	vst v0  }
0x2e: {  	[tilespmem:s4+$0xA40] =	vst v0  }
0x2f: {  	[tilespmem:s4+$0xA50] =	vst v0  }
0x30: {  	[tilespmem:s4+$0xA60] =	vst v0;
	s4 =	sshra.s32 s18, $0x2;
	s18 =	sadd.s32 $0x200, s18  }
0x31: {  	[tilespmem:s4+$0xA70] =	vst v0  }
0x32: {  	[tilespmem:s4+$0xA00] =	vst v0  }
0x33: {  	[tilespmem:s4+$0xA10] =	vst v0  }
0x34: {  	[tilespmem:s4+$0xA20] =	vst v0  }
0x35: {  	[tilespmem:s4+$0xA30] =	vst v0  }
0x36: {  	[tilespmem:s4+$0xA40] =	vst v0  }
0x37: {  	[tilespmem:s4+$0xA50] =	vst v0  }
0x38: {  	[tilespmem:s4+$0xA60] =	vst v0;
	s0 =	rddreg [dreg:$0xe]  }
0x39: {  	[spmem:s7] =	stream.linear.scatter [tilespmem:s29], [sflag:$0x6], $0x2800, $0x38;
	[tilespmem:$0x1E600] =	vst v63  }
0x3a: {  	s31 =	rddreg [dreg:$0xf]  }
0x3b: {  	[spmem:s0] =	stream.linear.scatter [tilespmem:s29], [sflag:$0x7], $0x2800, $0x38;
	[tilespmem:$0x1E600] =	vst v63  }
0x3c: {  	s3 =	rddreg [dreg:$0x10]  }
0x3d: {  	[spmem:s31] =	stream.linear.scatter [tilespmem:s29], [sflag:$0x8], $0x2800, $0x38;
	[tilespmem:$0x1E600] =	vst v63  }
0x3e: {  	s4 =	rddreg [dreg:$0x11]  }
0x3f: {  	[spmem:s3] =	stream.linear.scatter [tilespmem:s29], [sflag:$0x9], $0x2800, $0x38;
	[tilespmem:$0x1E600] =	vst v63  }
0x40: {  	s18 =	sld [smem:$0x7FC]  }
0x41: {  	[spmem:s4] =	stream.linear.scatter [tilespmem:s29], [sflag:$0x6], $0x2800, $0x38;
	[tilespmem:$0x1E600] =	vst v63  }
0x42: {  	s7 =	rddreg [dreg:$0x12]  }
0x43: {  	[spmem:s7] =	stream.linear.scatter [tilespmem:s29], [sflag:$0x7], $0x2800, $0x38;
	[tilespmem:$0x1E600] =	vst v63  }
0x44: {  	s22 =	sld [smem:$0x7FD]  }
0x45: {  	[spmem:s18] =	stream.linear.scatter [tilespmem:s29], [sflag:$0x8], $0x2800, $0x38;
	[tilespmem:$0x1E600] =	vst v63  }
0x46: {  	_ = 	snop  }
0x47: {  	[spmem:s22] =	stream.linear.scatter [tilespmem:s29], [sflag:$0x6], $0x2400, $0x38;
	[tilespmem:$0x1E600] =	vst v63  }
0x48: {  	_ =	swait.ge [sflag:s30], $0x2800  }
0x49: {  	[sflag:s30] =	ssyncset.done $0x0  }
0x4a: {  	[sflag:s30] =	ssyncadd.s32 $0xFFFFD800  }
0x4b: {  	_ =	swait.ge [sflag:s8], $0x2800  }
0x4c: {  	[sflag:s8] =	ssyncset.done $0x0  }
0x4d: {  	[sflag:s8] =	ssyncadd.s32 $0xFFFFD800  }
0x4e: {  	_ =	swait.ge [sflag:s19], $0x2800  }
0x4f: {  	[sflag:s19] =	ssyncset.done $0x0  }
0x50: {  	[sflag:s19] =	ssyncadd.s32 $0xFFFFD800  }
0x51: {  	_ =	swait.ge [sflag:s20], $0x2800  }
0x52: {  	[sflag:s20] =	ssyncset.done $0x0  }
0x53: {  	[sflag:s20] =	ssyncadd.s32 $0xFFFFD800  }
0x54: {  	_ =	swait.ge [sflag:s30], $0x2800  }
0x55: {  	[sflag:s30] =	ssyncset.done $0x0  }
0x56: {  	[sflag:s30] =	ssyncadd.s32 $0xFFFFD800  }
0x57: {  	_ =	swait.ge [sflag:s8], $0x2800  }
0x58: {  	[sflag:s8] =	ssyncset.done $0x0  }
0x59: {  	[sflag:s8] =	ssyncadd.s32 $0xFFFFD800  }
0x5a: {  	_ =	swait.ge [sflag:s19], $0x2800  }
0x5b: {  	[sflag:s19] =	ssyncset.done $0x0  }
0x5c: {  	[sflag:s19] =	ssyncadd.s32 $0xFFFFD800  }
0x5d: {  	_ =	swait.ge [sflag:s30], $0x2400  }
0x5e: {  	[sflag:s30] =	ssyncset.done $0x0  }
0x5f: {  	[sflag:s30] =	ssyncadd.s32 $0xFFFFDC00  }
0x60: {  	[bflag:$0x0] =	sbarrier.arrive $0xFFFF  }
0x61: {  	s4 =	simm.s32 $0x0;
	s23 =	rddreg [dreg:$0x13]  }
0x62: {  	[tilespmem:s4], [sflag:$0x1] =	stream.linear.gather [hbm4b:s23+s4], $0x50, $0x38;
	[tilespmem:$0x1E600] =	vst v63  }
0x63: {  	s24 =	rddreg [dreg:$0x14]  }
0x64: {  	[tilespmem:s21], [sflag:$0x1] =	stream.linear.gather [hbm4b:s24+s4], $0x50, $0x38;
	[tilespmem:$0x1E600] =	vst v63  }
0x65: {  	s3 =	simm.s32 $0x80;
	s25 =	rddreg [dreg:$0x15]  }
0x66: {  	[tilespmem:s3], [sflag:$0x1] =	stream.linear.gather [hbm4b:s25+s4], $0x50, $0x38;
	[tilespmem:$0x1E600] =	vst v63  }
0x67: {  	s31 =	simm.s32 $0x480;
	s26 =	rddreg [dreg:$0x16]  }
0x68: {  	[tilespmem:s31], [sflag:$0x1] =	stream.linear.gather [hbm4b:s26+s4], $0x50, $0x38;
	[tilespmem:$0x1E600] =	vst v63  }
0x69: {  	s8 =	simm.s32 $0x100;
	s7 =	rddreg [dreg:$0x17]  }
0x6a: {  	[tilespmem:s8], [sflag:$0x1] =	stream.linear.gather [hbm4b:s7+s4], $0x50, $0x38;
	[tilespmem:$0x1E600] =	vst v63  }
0x6b: {  	p0 =	por $0x0, $0x0;
	s18 =	rddreg [dreg:$0x18];
	s8 =	simm.s32 $0x1  }
0x6c: {  	s19 =	simm.s32 $0x500;
	s20 =	rddreg [dreg:$0x1a];
	s8 =	smul.u32 @!p0 $0xAB, s8  }
0x6d: {  	[tilespmem:s19], [sflag:$0x1] =	stream.linear.gather [hbm4b:s18+s4], $0x50, $0x38;
	[tilespmem:$0x1E600] =	vst v63  }
0x6e: {  	s22 =	rddreg [dreg:$0x1b];
	s21 =	simm.s32 $0x180;
	s8 =	sshrl.u32 @!p0 s8, $0x9  }
0x6f: {  	[tilespmem:s21], [sflag:$0x1] =	stream.linear.gather [hbm4b:s20+s4], $0x50, $0x38;
	[tilespmem:$0x1E600] =	vst v63  }
0x70: {  	s0 =	rddreg [dreg:$0x1f];
	s8 =	sand.u32 @!p0 $0x7F, s8  }
0x71: {  	s23 =	simm.s32 $0x580;
	s18 =	sshrl.u32 @!p0 s0, $0x3;
	s8 =	smul.u32 @!p0 $0x3, s8  }
0x72: {  	[tilespmem:s23], [sflag:$0x1] =	stream.linear.gather [hbm4b:s22+s4], $0x50, $0x38;
	[tilespmem:$0x1E600] =	vst v63  }
0x73: {  	s19 =	sadd.s32 @!p0 s1, s18;
	s4 =	simm.s32 $0x200;
	s8 =	ssub.s32 @!p0 $0x1, s8  }
0x74: {  	s20 =	simm.s32 @!p0 $0x0;
	s4 =	sand.u32 @!p0 $0x200, s4;
	s8 =	sand.u32 @!p0 $0xFF, s8  }
0x75: {  	[tilespmem:s4], [sflag:$0x1] =	stream.linear.gather @!p0 [hbm4b:s19+s20], $0x50, $0x38;
	[tilespmem:$0x1E600] =	vst v63  }
0x76: {  	s8 =	sshll.u32 @!p0 s8, $0x9  }
0x77: {  	s18 =	sadd.s32 @!p0 s6, s18;
	s21 =	rddreg [dreg:$0xa];
	s19 =	sadd.s32 @!p0 $0x400, s8  }
0x78: {  	[tilespmem:s19], [sflag:$0x1] =	stream.linear.gather @!p0 [hbm4b:s18+s20], $0x50, $0x38;
	[tilespmem:$0x1E600] =	vst v63  }
0x79: {  	s22 =	rddreg [dreg:$0x9];
	s18 =	sor.u32 @!p0 $0x80, s4;
	s19 =	sadd.s32 @!p0 $0x0, s21  }
0x7a: {  	[tilespmem:s18], [sflag:$0x1] =	stream.linear.gather @!p0 [hbm4b:s19+s20], $0x50, $0x38;
	[tilespmem:$0x1E600] =	vst v63  }
0x7b: {  	s21 =	rddreg [dreg:$0x8];
	s18 =	sadd.s32 @!p0 $0x480, s8;
	s19 =	sadd.s32 @!p0 $0x0, s22  }
0x7c: {  	[tilespmem:s18], [sflag:$0x1] =	stream.linear.gather @!p0 [hbm4b:s19+s20], $0x50, $0x38;
	[tilespmem:$0x1E600] =	vst v63  }
0x7d: {  	s22 =	rddreg [dreg:$0x7];
	s18 =	sor.u32 @!p0 $0x100, s4;
	s19 =	sadd.s32 @!p0 $0x0, s21  }
0x7e: {  	[tilespmem:s18], [sflag:$0x1] =	stream.linear.gather @!p0 [hbm4b:s19+s20], $0x50, $0x38;
	[tilespmem:$0x1E600] =	vst v63  }
0x7f: {  	s21 =	rddreg [dreg:$0x6];
	s18 =	sadd.s32 @!p0 $0x500, s8;
	s19 =	sadd.s32 @!p0 $0x0, s22  }
0x80: {  	[tilespmem:s18], [sflag:$0x1] =	stream.linear.gather @!p0 [hbm4b:s19+s20], $0x50, $0x38;
	[tilespmem:$0x1E600] =	vst v63  }
0x81: {  	s4 =	sor.u32 @!p0 $0x180, s4;
	s22 =	rddreg [dreg:$0x5];
	s18 =	sadd.s32 @!p0 $0x0, s21  }
0x82: {  	[tilespmem:s4], [sflag:$0x1] =	stream.linear.gather @!p0 [hbm4b:s18+s20], $0x50, $0x38;
	[tilespmem:$0x1E600] =	vst v63  }
0x83: {  	s4 =	sadd.s32 @!p0 $0x580, s8;
	s8 =	sadd.s32 @!p0 $0x0, s22  }
0x84: {  	[tilespmem:s4], [sflag:$0x1] =	stream.linear.gather @!p0 [hbm4b:s8+s20], $0x50, $0x38;
	[tilespmem:$0x1E600] =	vst v63  }
0x85: {  	_ =	swait.ge [sflag:s9], $0x50  }
0x86: {  	[sflag:s9] =	ssyncset.done $0x0  }
0x87: {  	[sflag:s9] =	ssyncadd.s32 $0xFFFFFFB0  }
0x88: {  	_ =	swait.ge [sflag:s9], $0x50  }
0x89: {  	[sflag:s9] =	ssyncset.done $0x0  }
0x8a: {  	[sflag:s9] =	ssyncadd.s32 $0xFFFFFFB0  }
0x8b: {  	_ =	swait.ge [sflag:s9], $0x50  }
0x8c: {  	[sflag:s9] =	ssyncset.done $0x0  }
0x8d: {  	[sflag:s9] =	ssyncadd.s32 $0xFFFFFFB0  }
0x8e: {  	_ =	swait.ge [sflag:s9], $0x50  }
0x8f: {  	[sflag:s9] =	ssyncset.done $0x0  }
0x90: {  	[sflag:s9] =	ssyncadd.s32 $0xFFFFFFB0  }
0x91: {  	_ =	swait.ge [sflag:s9], $0x50  }
0x92: {  	[sflag:s9] =	ssyncset.done $0x0  }
0x93: {  	[sflag:s9] =	ssyncadd.s32 $0xFFFFFFB0  }
0x94: {  	_ =	swait.ge [sflag:s9], $0x50  }
0x95: {  	[sflag:s9] =	ssyncset.done $0x0  }
0x96: {  	[sflag:s9] =	ssyncadd.s32 $0xFFFFFFB0  }
0x97: {  	_ =	swait.ge [sflag:s9], $0x50  }
0x98: {  	[sflag:s9] =	ssyncset.done $0x0  }
0x99: {  	[sflag:s9] =	ssyncadd.s32 $0xFFFFFFB0  }
0x9a: {  	s24 =	simm.s32 $0x0;
	_ =	swait.ge [sflag:s9], $0x50  }
0x9b: {  	p0 =	por $0x1, $0x1;
	s4 =	sand.u32 $0x200, s24;
	[sflag:s9] =	ssyncset.done $0x0  }
0x9c: {  	s8 =	simm.s32 @p0 $0x50;
	s18 =	simm.s32 @p0 $0xA00;
	[sflag:s9] =	ssyncadd.s32 $0xFFFFFFB0  }
0x9d: {  	[tilespmem:s18], [sflag:$0x2] =	stream.indirect.gather @p0 [hbm4b:s5+s8], $0x80, s4, s8, $0xb8;
	[tilespmem:$0x1E600] =	vst v63  }
0x9e: {  	s19 =	simm.s32 @p0 $0x3200;
	s18 =	sor.u32 $0x80, s4  }
0x9f: {  	[tilespmem:s19], [sflag:$0x3] =	stream.indirect.gather @p0 [hbm4b:s5+s8], $0x80, s18, s8, $0xb8;
	[tilespmem:$0x1E600] =	vst v63  }
0xa0: {  	s20 =	simm.s32 @p0 $0x5A00;
	s21 =	simm.s32 @!p0 $0x6;
	s19 =	sor.u32 $0x100, s4  }
0xa1: {  	[tilespmem:s20], [sflag:$0x4] =	stream.indirect.gather @p0 [hbm4b:s5+s8], $0x80, s19, s8, $0xb8;
	[tilespmem:$0x1E600] =	vst v63  }
0xa2: {  	_ =	swait.ge @!p0 [sflag:s21], $0x2800  }
0xa3: {  	s8 =	simm.s32 @!p0 $0x7;
	[sflag:s21] =	ssyncset.done @!p0 $0x0  }
0xa4: {  	s20 =	simm.s32 @!p0 $0x50;
	[sflag:s21] =	ssyncadd.s32 @!p0 $0xFFFFD800;
	s21 =	simm.s32 @!p0 $0xA00  }
0xa5: {  	[tilespmem:s21], [sflag:$0x2] =	stream.indirect.gather @!p0 [hbm4b:s5+s20], $0x80, s4, s20, $0xb8;
	[tilespmem:$0x1E600] =	vst v63  }
0xa6: {  	_ =	swait.ge @!p0 [sflag:s8], $0x2800  }
0xa7: {  	[sflag:s8] =	ssyncset.done @!p0 $0x0  }
0xa8: {  	s25 =	simm.s32 $0x0;
	[sflag:s8] =	ssyncadd.s32 @!p0 $0xFFFFD800;
	s8 =	simm.s32 @!p0 $0x3200  }
0xa9: {  	[tilespmem:s8], [sflag:$0x3] =	stream.indirect.gather @!p0 [hbm4b:s5+s20], $0x80, s18, s20, $0xb8;
	[tilespmem:$0x1E600] =	vst v63  }
0xaa: {  	s21 =	simm.s32 @!p0 $0x8;
	s8 =	smul.u32 $0xAB, s25  }
0xab: {  	_ =	swait.ge @!p0 [sflag:s21], $0x2800  }
0xac: {  	s18 =	simm.s32 @!p0 $0x5A00;
	[sflag:s21] =	ssyncset.done @!p0 $0x0;
	s8 =	sshrl.u32 s8, $0x9  }
0xad: {  	[sflag:s21] =	ssyncadd.s32 @!p0 $0xFFFFD800;
	s21 =	simm.s32 @!p0 $0x9;
	s8 =	sand.u32 $0x7F, s8  }
0xae: {  	[tilespmem:s18], [sflag:$0x4] =	stream.indirect.gather @!p0 [hbm4b:s5+s20], $0x80, s19, s20, $0xb8;
	[tilespmem:$0x1E600] =	vst v63  }
0xaf: {  	p1 =	por $0x0, $0x0;
	s8 =	smul.u32 $0x3, s8;
	_ =	swait.ge @!p0 [sflag:s21], $0x2800  }
0xb0: {  	s22 =	sadd.s32 $0x140, s0;
	s4 =	sor.u32 $0x180, s4;
	[sflag:s21] =	ssyncset.done @!p0 $0x0  }
0xb1: {  	s19 =	simm.s32 $0x28;
	s26 =	ssub.s32 $0x0, s8;
	[sflag:s21] =	ssyncadd.s32 @!p0 $0xFFFFD800  }
0xb2: {  	[tilespmem:s11], [sflag:$0x5] =	stream.indirect.gather [hbm4b:s5+s10], $0x80, s4, s10, $0xb8;
	[tilespmem:$0x1E600] =	vst v63  }
0xb3: {  	s18 =	simm.s32 $0x2;
	s4 =	sand.u32 $0xFF, s26;
	_ =	swait.ge [sflag:s12], $0x2800  }
0xb4: {  	s20 =	smul.u32 @!p1 $0xAB, s18;
	s24 =	sshll.u32 s4, $0x9;
	[sflag:s12] =	ssyncset.done $0x0  }
0xb5: {  	s8 =	sshrl.u32 @!p1 s22, $0x3;
	s4 =	sadd.s32 $0x400, s24;
	[sflag:s12] =	ssyncadd.s32 $0xFFFFD800  }
0xb6: {  	[spmem:s2] =	stream.indirect.scatter.add.f32 [tilespmem:s29], [sflag:$0x6], $0x80, s4, s10, $0xb8;
	[tilespmem:$0x1E600] =	vst v63  }
0xb7: {  	s21 =	simm.s32 $0x50;
	s20 =	sshrl.u32 @!p1 s20, $0x9;
	_ =	swait.ge [sflag:s13], $0x2800  }
0xb8: {  	s28 =	sadd.s32 @!p1 s1, s8;
	s26 =	sadd.s32 @!p1 s6, s8;
	[sflag:s13] =	ssyncset.done $0x0  }
0xb9: {  	s23 =	sadd.s32 $0x480, s24;
	s31 =	rddreg [dreg:$0xb];
	[sflag:s13] =	ssyncadd.s32 $0xFFFFD800  }
0xba: {  	[spmem:s2] =	stream.indirect.scatter.add.f32 [tilespmem:s31], [sflag:$0x7], $0x80, s23, s10, $0xb8;
	[tilespmem:$0x1E600] =	vst v63  }
0xbb: {  	s4 =	sadd.s32 $0x500, s24;
	s23 =	sand.u32 @!p1 $0x7F, s20;
	_ =	swait.ge [sflag:s14], $0x2800  }
0xbc: {  	s20 =	simm.s32 $0x400;
	s8 =	rddreg [dreg:$0xc];
	[sflag:s14] =	ssyncset.done $0x0  }
.LBB2_4:
0xbd: {  	s25 =	smul.u32 @!p1 $0x3, s23;
	[sflag:s14] =	ssyncadd.s32 $0xFFFFD800  }
0xbe: {  	[spmem:s2] =	stream.indirect.scatter.add.f32 [tilespmem:s8], [sflag:$0x8], $0x80, s4, s10, $0xb8;
	[tilespmem:$0x1E600] =	vst v63  }
0xbf: {  	_ =	swait.ge [sflag:s15], $0x2800  }
0xc0: {  	s7 =	sadd.s32 $0x580, s24;
	s4 =	ssub.s32 @!p1 s18, s25;
	[sflag:s15] =	ssyncset.done $0x0  }
0xc1: {  	s24 =	simm.s32 @!p1 $0x0;
	s4 =	sand.u32 @!p1 $0xFF, s4;
	[sflag:s15] =	ssyncadd.s32 $0xFFFFD800  }
0xc2: {  	[spmem:s2] =	stream.indirect.scatter.add.f32 [tilespmem:s11], [sflag:$0x9], $0x80, s7, s10, $0xb8;
	[tilespmem:$0x1E600] =	vst v63  }
0xc3: {  	s25 =	sand.u32 @!p1 $0x200, s20;
	s31 =	rddreg [dreg:$0x9];
	s4 =	sshll.u32 @!p1 s4, $0x9  }
0xc4: {  	[tilespmem:s25], [sflag:$0x1] =	stream.linear.gather @!p1 [hbm4b:s28+s24], $0x50, $0x38;
	[tilespmem:$0x1E600] =	vst v63  }
0xc5: {  	s8 =	sadd.s32 @!p1 $0x400, s4;
	s7 =	rddreg [dreg:$0xa]  }
0xc6: {  	[tilespmem:s8], [sflag:$0x1] =	stream.linear.gather @!p1 [hbm4b:s26+s24], $0x50, $0x38;
	[tilespmem:$0x1E600] =	vst v63  }
0xc7: {  	s3 =	sadd.s32 @!p1 $0x480, s4;
	s7 =	sadd.s32 @!p1 s19, s7;
	s28 =	sor.u32 @!p1 $0x80, s25  }
0xc8: {  	[tilespmem:s28], [sflag:$0x1] =	stream.linear.gather @!p1 [hbm4b:s7+s24], $0x50, $0x38;
	[tilespmem:$0x1E600] =	vst v63  }
0xc9: {  	s8 =	rddreg [dreg:$0x8];
	s26 =	sor.u32 @!p1 $0x180, s25;
	s7 =	sadd.s32 @!p1 s19, s31  }
0xca: {  	[tilespmem:s3], [sflag:$0x1] =	stream.linear.gather @!p1 [hbm4b:s7+s24], $0x50, $0x38;
	[tilespmem:$0x1E600] =	vst v63  }
0xcb: {  	s25 =	sor.u32 @!p1 $0x100, s25;
	s28 =	rddreg [dreg:$0x7];
	s3 =	sadd.s32 @!p1 s19, s8  }
0xcc: {  	[tilespmem:s25], [sflag:$0x1] =	stream.linear.gather @!p1 [hbm4b:s3+s24], $0x50, $0x38;
	[tilespmem:$0x1E600] =	vst v63  }
0xcd: {  	s0 =	sadd.s32 @!p1 $0x500, s4;
	s7 =	rddreg [dreg:$0x6];
	s3 =	sadd.s32 @!p1 s19, s28  }
0xce: {  	[tilespmem:s0], [sflag:$0x1] =	stream.linear.gather @!p1 [hbm4b:s3+s24], $0x50, $0x38;
	[tilespmem:$0x1E600] =	vst v63  }
0xcf: {  	s8 =	rddreg [dreg:$0x5];
	s0 =	sadd.s32 @!p1 s19, s7  }
0xd0: {  	[tilespmem:s26], [sflag:$0x1] =	stream.linear.gather @!p1 [hbm4b:s0+s24], $0x50, $0x38;
	[tilespmem:$0x1E600] =	vst v63  }
0xd1: {  	s4 =	sadd.s32 @!p1 $0x580, s4;
	s0 =	sadd.s32 @!p1 s19, s8  }
0xd2: {  	[tilespmem:s4], [sflag:$0x1] =	stream.linear.gather @!p1 [hbm4b:s0+s24], $0x50, $0x38;
	[tilespmem:$0x1E600] =	vst v63  }
0xd3: {  	_ =	swait.ge [sflag:s9], $0x50  }
0xd4: {  	[sflag:s9] =	ssyncset.done $0x0  }
0xd5: {  	[sflag:s9] =	ssyncadd.s32 $0xFFFFFFB0  }
0xd6: {  	_ =	swait.ge [sflag:s9], $0x50  }
0xd7: {  	[sflag:s9] =	ssyncset.done $0x0  }
0xd8: {  	[sflag:s9] =	ssyncadd.s32 $0xFFFFFFB0  }
0xd9: {  	_ =	swait.ge [sflag:s9], $0x50  }
0xda: {  	[sflag:s9] =	ssyncset.done $0x0  }
0xdb: {  	[sflag:s9] =	ssyncadd.s32 $0xFFFFFFB0  }
0xdc: {  	_ =	swait.ge [sflag:s9], $0x50  }
0xdd: {  	[sflag:s9] =	ssyncset.done $0x0  }
0xde: {  	[sflag:s9] =	ssyncadd.s32 $0xFFFFFFB0  }
0xdf: {  	_ =	swait.ge [sflag:s9], $0x50  }
0xe0: {  	[sflag:s9] =	ssyncset.done $0x0  }
0xe1: {  	[sflag:s9] =	ssyncadd.s32 $0xFFFFFFB0  }
0xe2: {  	_ =	swait.ge [sflag:s9], $0x50  }
0xe3: {  	[sflag:s9] =	ssyncset.done $0x0  }
0xe4: {  	[sflag:s9] =	ssyncadd.s32 $0xFFFFFFB0  }
0xe5: {  	_ =	swait.ge [sflag:s9], $0x50  }
0xe6: {  	[sflag:s9] =	ssyncset.done $0x0  }
0xe7: {  	[sflag:s9] =	ssyncadd.s32 $0xFFFFFFB0  }
0xe8: {  	s23 =	smov.u32 s21;
	s25 =	sadd.s32 $0xFFFFFE00, s20;
	_ =	swait.ge [sflag:s9], $0x50  }
0xe9: {  	p1 =	seq.s32 s19, $0x0;
	s0 =	sand.u32 $0x200, s25;
	[sflag:s9] =	ssyncset.done $0x0  }
0xea: {  	s3 =	simm.s32 @p1 $0x50;
	s4 =	simm.s32 @p1 $0xA00;
	[sflag:s9] =	ssyncadd.s32 $0xFFFFFFB0  }
0xeb: {  	[tilespmem:s4], [sflag:$0x2] =	stream.indirect.gather @p1 [hbm4b:s5+s3], $0x80, s0, s3, $0xb8;
	[tilespmem:$0x1E600] =	vst v63  }
0xec: {  	s19 =	smov.u32 s23;
	s7 =	simm.s32 @p1 $0x3200;
	s4 =	sor.u32 $0x80, s0  }
0xed: {  	[tilespmem:s7], [sflag:$0x3] =	stream.indirect.gather @p1 [hbm4b:s5+s3], $0x80, s4, s3, $0xb8;
	[tilespmem:$0x1E600] =	vst v63  }
0xee: {  	s8 =	simm.s32 @p1 $0x5A00;
	s23 =	simm.s32 @!p1 $0x6;
	s7 =	sor.u32 $0x100, s0  }
0xef: {  	[tilespmem:s8], [sflag:$0x4] =	stream.indirect.gather @p1 [hbm4b:s5+s3], $0x80, s7, s3, $0xb8;
	[tilespmem:$0x1E600] =	vst v63  }
0xf0: {  	_ =	swait.ge @!p1 [sflag:s23], $0x2800  }
0xf1: {  	s3 =	simm.s32 @!p1 $0x7;
	[sflag:s23] =	ssyncset.done @!p1 $0x0  }
0xf2: {  	s8 =	simm.s32 @!p1 $0x50;
	[sflag:s23] =	ssyncadd.s32 @!p1 $0xFFFFD800;
	s23 =	simm.s32 @!p1 $0xA00  }
0xf3: {  	[tilespmem:s23], [sflag:$0x2] =	stream.indirect.gather @!p1 [hbm4b:s5+s8], $0x80, s0, s8, $0xb8;
	[tilespmem:$0x1E600] =	vst v63  }
0xf4: {  	s26 =	sadd.s32 $0xFFFFFFFF, s18;
	_ =	swait.ge @!p1 [sflag:s3], $0x2800  }
0xf5: {  	s31 =	smul.u32 $0xAB, s26;
	[sflag:s3] =	ssyncset.done @!p1 $0x0  }
0xf6: {  	s23 =	simm.s32 @!p1 $0x8;
	[sflag:s3] =	ssyncadd.s32 @!p1 $0xFFFFD800;
	s3 =	simm.s32 @!p1 $0x3200  }
0xf7: {  	[tilespmem:s3], [sflag:$0x3] =	stream.indirect.gather @!p1 [hbm4b:s5+s8], $0x80, s4, s8, $0xb8;
	[tilespmem:$0x1E600] =	vst v63  }
0xf8: {  	s21 =	sadd.s32 $0x28, s21;
	_ =	swait.ge @!p1 [sflag:s23], $0x2800  }
0xf9: {  	s24 =	simm.s32 @!p1 $0x9;
	s4 =	sshrl.u32 s31, $0x9;
	[sflag:s23] =	ssyncset.done @!p1 $0x0  }
0xfa: {  	s4 =	sand.u32 $0x7F, s4;
	[sflag:s23] =	ssyncadd.s32 @!p1 $0xFFFFD800;
	s23 =	simm.s32 @!p1 $0x5A00  }
0xfb: {  	[tilespmem:s23], [sflag:$0x4] =	stream.indirect.gather @!p1 [hbm4b:s5+s8], $0x80, s7, s8, $0xb8;
	[tilespmem:$0x1E600] =	vst v63  }
0xfc: {  	s22 =	sadd.s32 $0x140, s22;
	s4 =	smul.u32 $0x3, s4;
	_ =	swait.ge @!p1 [sflag:s24], $0x2800  }
0xfd: {  	p0 =	sne.s32 s21, $0x4D8;
	s20 =	sadd.s32 $0x200, s20;
	[sflag:s24] =	ssyncset.done @!p1 $0x0  }
0xfe: {  	s0 =	sor.u32 $0x180, s0;
	s25 =	ssub.s32 s26, s4;
	[sflag:s24] =	ssyncadd.s32 @!p1 $0xFFFFD800  }
0xff: {  	[tilespmem:s11], [sflag:$0x5] =	stream.indirect.gather [hbm4b:s5+s10], $0x80, s0, s10, $0xb8;
	[tilespmem:$0x1E600] =	vst v63  }
0x100: {  	s18 =	sadd.s32 $0x1, s18;
	s0 =	sand.u32 $0xFF, s25;
	_ =	swait.ge [sflag:s12], $0x2800  }
0x101: {  	p1 =	seq.s32 s19, $0x4B0;
	s24 =	sshll.u32 s0, $0x9;
	[sflag:s12] =	ssyncset.done $0x0  }
0x102: {  	s3 =	sshrl.u32 @!p1 s22, $0x3;
	s0 =	sadd.s32 $0x400, s24;
	[sflag:s12] =	ssyncadd.s32 $0xFFFFD800  }
0x103: {  	[spmem:s2] =	stream.indirect.scatter.add.f32 [tilespmem:s29], [sflag:$0x6], $0x80, s0, s10, $0xb8;
	[tilespmem:$0x1E600] =	vst v63  }
0x104: {  	s7 =	smul.u32 @!p1 $0xAB, s18;
	s28 =	sadd.s32 @!p1 s1, s3;
	_ =	swait.ge [sflag:s13], $0x2800  }
.Ltmp1:
0x105: {  	s31 =	sadd.s32 $0x480, s24;
	[sflag:s13] =	ssyncset.done $0x0;
	(pc) =	sbr.rel @p0 .LBB2_4-.Ltmp1, $4  }
0x106: {  	s0 =	sshrl.u32 @!p1 s7, $0x9;
	s26 =	rddreg [dreg:$0xb];
	[sflag:s13] =	ssyncadd.s32 $0xFFFFD800  }
0x107: {  	[spmem:s2] =	stream.indirect.scatter.add.f32 [tilespmem:s26], [sflag:$0x7], $0x80, s31, s10, $0xb8;
	[tilespmem:$0x1E600] =	vst v63  }
0x108: {  	s4 =	sadd.s32 $0x500, s24;
	s23 =	sand.u32 @!p1 $0x7F, s0;
	_ =	swait.ge [sflag:s14], $0x2800  }
0x109: {  	s26 =	sadd.s32 @!p1 s6, s3;
	s8 =	rddreg [dreg:$0xc];
	[sflag:s14] =	ssyncset.done $0x0  }
0x10a: {  	s0 =	smul.u32 @!p1 $0x3, s23;
	[sflag:s14] =	ssyncadd.s32 $0xFFFFD800  }
0x10b: {  	[spmem:s2] =	stream.indirect.scatter.add.f32 [tilespmem:s8], [sflag:$0x8], $0x80, s4, s10, $0xb8;
	[tilespmem:$0x1E600] =	vst v63  }
0x10c: {  	_ =	swait.ge [sflag:s15], $0x2800  }
0x10d: {  	s0 =	ssub.s32 @!p1 s18, s0;
	[sflag:s15] =	ssyncset.done $0x0  }
0x10e: {  	s3 =	sadd.s32 $0x580, s24;
	s0 =	sand.u32 @!p1 $0xFF, s0;
	[sflag:s15] =	ssyncadd.s32 $0xFFFFD800  }
0x10f: {  	[spmem:s2] =	stream.indirect.scatter.add.f32 [tilespmem:s11], [sflag:$0x9], $0x80, s3, s10, $0xb8;
	[tilespmem:$0x1E600] =	vst v63  }
0x110: {  	s4 =	sand.u32 @!p1 $0x200, s20;
	s0 =	sshll.u32 @!p1 s0, $0x9;
	s3 =	simm.s32 @!p1 $0x0  }
0x111: {  	[tilespmem:s4], [sflag:$0x1] =	stream.linear.gather @!p1 [hbm4b:s28+s3], $0x50, $0x38;
	[tilespmem:$0x1E600] =	vst v63  }
0x112: {  	s8 =	rddreg [dreg:$0xa];
	s7 =	sadd.s32 @!p1 $0x400, s0  }
0x113: {  	[tilespmem:s7], [sflag:$0x1] =	stream.linear.gather @!p1 [hbm4b:s26+s3], $0x50, $0x38;
	[tilespmem:$0x1E600] =	vst v63  }
0x114: {  	s21 =	sor.u32 @!p1 $0x80, s4;
	s8 =	sadd.s32 @!p1 s19, s8;
	s7 =	rddreg [dreg:$0x9]  }
0x115: {  	[tilespmem:s21], [sflag:$0x1] =	stream.linear.gather @!p1 [hbm4b:s8+s3], $0x50, $0x38;
	[tilespmem:$0x1E600] =	vst v63  }
0x116: {  	s7 =	sadd.s32 @!p1 s19, s7;
	s8 =	sadd.s32 @!p1 $0x480, s0;
	s21 =	rddreg [dreg:$0x8]  }
0x117: {  	[tilespmem:s8], [sflag:$0x1] =	stream.linear.gather @!p1 [hbm4b:s7+s3], $0x50, $0x38;
	[tilespmem:$0x1E600] =	vst v63  }
0x118: {  	s21 =	sadd.s32 @!p1 s19, s21;
	s7 =	rddreg [dreg:$0x7];
	s8 =	sor.u32 @!p1 $0x100, s4  }
0x119: {  	[tilespmem:s8], [sflag:$0x1] =	stream.linear.gather @!p1 [hbm4b:s21+s3], $0x50, $0x38;
	[tilespmem:$0x1E600] =	vst v63  }
0x11a: {  	s7 =	sadd.s32 @!p1 s19, s7;
	s8 =	sadd.s32 @!p1 $0x500, s0;
	s21 =	rddreg [dreg:$0x6]  }
0x11b: {  	[tilespmem:s8], [sflag:$0x1] =	stream.linear.gather @!p1 [hbm4b:s7+s3], $0x50, $0x38;
	[tilespmem:$0x1E600] =	vst v63  }
0x11c: {  	s4 =	sor.u32 @!p1 $0x180, s4;
	s7 =	rddreg [dreg:$0x5];
	s8 =	sadd.s32 @!p1 s19, s21  }
0x11d: {  	[tilespmem:s4], [sflag:$0x1] =	stream.linear.gather @!p1 [hbm4b:s8+s3], $0x50, $0x38;
	[tilespmem:$0x1E600] =	vst v63  }
0x11e: {  	s0 =	sadd.s32 @!p1 $0x580, s0;
	s4 =	sadd.s32 @!p1 s19, s7  }
0x11f: {  	[tilespmem:s0], [sflag:$0x1] =	stream.linear.gather @!p1 [hbm4b:s4+s3], $0x50, $0x38;
	[tilespmem:$0x1E600] =	vst v63  }
0x120: {  	_ =	swait.ge [sflag:s9], $0x50  }
0x121: {  	[sflag:s9] =	ssyncset.done $0x0  }
0x122: {  	[sflag:s9] =	ssyncadd.s32 $0xFFFFFFB0  }
0x123: {  	_ =	swait.ge [sflag:s9], $0x50  }
0x124: {  	[sflag:s9] =	ssyncset.done $0x0  }
0x125: {  	[sflag:s9] =	ssyncadd.s32 $0xFFFFFFB0  }
0x126: {  	_ =	swait.ge [sflag:s9], $0x50  }
0x127: {  	[sflag:s9] =	ssyncset.done $0x0  }
0x128: {  	[sflag:s9] =	ssyncadd.s32 $0xFFFFFFB0  }
0x129: {  	_ =	swait.ge [sflag:s9], $0x50  }
0x12a: {  	[sflag:s9] =	ssyncset.done $0x0  }
0x12b: {  	[sflag:s9] =	ssyncadd.s32 $0xFFFFFFB0  }
0x12c: {  	_ =	swait.ge [sflag:s9], $0x50  }
0x12d: {  	[sflag:s9] =	ssyncset.done $0x0  }
0x12e: {  	[sflag:s9] =	ssyncadd.s32 $0xFFFFFFB0  }
0x12f: {  	_ =	swait.ge [sflag:s9], $0x50  }
0x130: {  	[sflag:s9] =	ssyncset.done $0x0  }
0x131: {  	[sflag:s9] =	ssyncadd.s32 $0xFFFFFFB0  }
0x132: {  	_ =	swait.ge [sflag:s9], $0x50  }
0x133: {  	[sflag:s9] =	ssyncset.done $0x0  }
0x134: {  	[sflag:s9] =	ssyncadd.s32 $0xFFFFFFB0  }
0x135: {  	s26 =	sadd.s32 $0xFFFFFE00, s20;
	_ =	swait.ge [sflag:s9], $0x50  }
0x136: {  	p0 =	seq.s32 s19, $0x0;
	s0 =	sand.u32 $0x200, s26;
	[sflag:s9] =	ssyncset.done $0x0  }
0x137: {  	s3 =	simm.s32 @p0 $0x50;
	s4 =	simm.s32 @p0 $0xA00;
	[sflag:s9] =	ssyncadd.s32 $0xFFFFFFB0  }
0x138: {  	[tilespmem:s4], [sflag:$0x2] =	stream.indirect.gather @p0 [hbm4b:s5+s3], $0x80, s0, s3, $0xb8;
	[tilespmem:$0x1E600] =	vst v63  }
0x139: {  	s7 =	simm.s32 @p0 $0x3200;
	s4 =	sor.u32 $0x80, s0  }
0x13a: {  	[tilespmem:s7], [sflag:$0x3] =	stream.indirect.gather @p0 [hbm4b:s5+s3], $0x80, s4, s3, $0xb8;
	[tilespmem:$0x1E600] =	vst v63  }
0x13b: {  	s8 =	simm.s32 @p0 $0x5A00;
	s7 =	sor.u32 $0x100, s0  }
0x13c: {  	[tilespmem:s8], [sflag:$0x4] =	stream.indirect.gather @p0 [hbm4b:s5+s3], $0x80, s7, s3, $0xb8;
	[tilespmem:$0x1E600] =	vst v63  }
0x13d: {  	s3 =	simm.s32 @!p0 $0x6  }
0x13e: {  	_ =	swait.ge @!p0 [sflag:s3], $0x2800  }
0x13f: {  	[sflag:s3] =	ssyncset.done @!p0 $0x0  }
0x140: {  	s8 =	simm.s32 @!p0 $0xA00;
	[sflag:s3] =	ssyncadd.s32 @!p0 $0xFFFFD800;
	s3 =	simm.s32 @!p0 $0x50  }
0x141: {  	[tilespmem:s8], [sflag:$0x2] =	stream.indirect.gather @!p0 [hbm4b:s5+s3], $0x80, s0, s3, $0xb8;
	[tilespmem:$0x1E600] =	vst v63  }
0x142: {  	s8 =	simm.s32 @!p0 $0x7  }
0x143: {  	_ =	swait.ge @!p0 [sflag:s8], $0x2800  }
0x144: {  	[sflag:s8] =	ssyncset.done @!p0 $0x0  }
0x145: {  	[sflag:s8] =	ssyncadd.s32 @!p0 $0xFFFFD800;
	s8 =	simm.s32 @!p0 $0x3200  }
0x146: {  	[tilespmem:s8], [sflag:$0x3] =	stream.indirect.gather @!p0 [hbm4b:s5+s3], $0x80, s4, s3, $0xb8;
	[tilespmem:$0x1E600] =	vst v63  }
0x147: {  	s4 =	simm.s32 @!p0 $0x8  }
0x148: {  	_ =	swait.ge @!p0 [sflag:s4], $0x2800  }
0x149: {  	s28 =	sadd.s32 $0xFFFFFFFF, s18;
	[sflag:s4] =	ssyncset.done @!p0 $0x0  }
0x14a: {  	s31 =	smul.u32 $0xAB, s28;
	[sflag:s4] =	ssyncadd.s32 @!p0 $0xFFFFD800;
	s4 =	simm.s32 @!p0 $0x5A00  }
0x14b: {  	[tilespmem:s4], [sflag:$0x4] =	stream.indirect.gather @!p0 [hbm4b:s5+s3], $0x80, s7, s3, $0xb8;
	[tilespmem:$0x1E600] =	vst v63  }
0x14c: {  	s7 =	simm.s32 @!p0 $0x9  }
0x14d: {  	s4 =	sshrl.u32 s31, $0x9;
	_ =	swait.ge @!p0 [sflag:s7], $0x2800  }
0x14e: {  	s4 =	sand.u32 $0x7F, s4;
	[sflag:s7] =	ssyncset.done @!p0 $0x0  }
0x14f: {  	s0 =	sor.u32 $0x180, s0;
	s4 =	smul.u32 $0x3, s4;
	[sflag:s7] =	ssyncadd.s32 @!p0 $0xFFFFD800  }
0x150: {  	[tilespmem:s11], [sflag:$0x5] =	stream.indirect.gather [hbm4b:s5+s10], $0x80, s0, s10, $0xb8;
	[tilespmem:$0x1E600] =	vst v63  }
0x151: {  	s7 =	ssub.s32 s28, s4  }
0x152: {  	_ =	swait.ge [sflag:s12], $0x2800;
	s0 =	sand.u32 $0xFF, s7  }
0x153: {  	s0 =	sshll.u32 s0, $0x9;
	[sflag:s12] =	ssyncset.done $0x0  }
0x154: {  	s8 =	sadd.s32 $0x400, s0;
	[sflag:s12] =	ssyncadd.s32 $0xFFFFD800  }
0x155: {  	[spmem:s2] =	stream.indirect.scatter.add.f32 [tilespmem:s29], [sflag:$0x6], $0x80, s8, s10, $0xb8;
	[tilespmem:$0x1E600] =	vst v63  }
0x156: {  	_ =	swait.ge [sflag:s13], $0x2800  }
0x157: {  	[sflag:s13] =	ssyncset.done $0x0  }
0x158: {  	s19 =	sadd.s32 $0x480, s0;
	s18 =	rddreg [dreg:$0xb];
	[sflag:s13] =	ssyncadd.s32 $0xFFFFD800  }
0x159: {  	[spmem:s2] =	stream.indirect.scatter.add.f32 [tilespmem:s18], [sflag:$0x7], $0x80, s19, s10, $0xb8;
	[tilespmem:$0x1E600] =	vst v63  }
0x15a: {  	_ =	swait.ge [sflag:s14], $0x2800  }
0x15b: {  	[sflag:s14] =	ssyncset.done $0x0  }
0x15c: {  	s21 =	sadd.s32 $0x500, s0;
	s20 =	rddreg [dreg:$0xc];
	[sflag:s14] =	ssyncadd.s32 $0xFFFFD800  }
0x15d: {  	[spmem:s2] =	stream.indirect.scatter.add.f32 [tilespmem:s20], [sflag:$0x8], $0x80, s21, s10, $0xb8;
	[tilespmem:$0x1E600] =	vst v63  }
0x15e: {  	_ =	swait.ge [sflag:s15], $0x2800  }
0x15f: {  	[sflag:s15] =	ssyncset.done $0x0  }
0x160: {  	s0 =	sadd.s32 $0x580, s0;
	[sflag:s15] =	ssyncadd.s32 $0xFFFFD800  }
0x161: {  	[spmem:s2] =	stream.indirect.scatter.add.f32 [tilespmem:s11], [sflag:$0x9], $0x80, s0, s10, $0xb8;
	[tilespmem:$0x1E600] =	vst v63  }
0x162: {  	_ =	swait.ge [sflag:s30], $0x2800  }
0x163: {  	[sflag:s30] =	ssyncset.done $0x0  }
0x164: {  	s8 =	simm.s32 $0x7;
	[sflag:s30] =	ssyncadd.s32 $0xFFFFD800  }
0x165: {  	_ =	swait.ge [sflag:s8], $0x2800  }
0x166: {  	[sflag:s8] =	ssyncset.done $0x0  }
0x167: {  	s19 =	simm.s32 $0x8;
	[sflag:s8] =	ssyncadd.s32 $0xFFFFD800  }
0x168: {  	_ =	swait.ge [sflag:s19], $0x2800  }
0x169: {  	[sflag:s19] =	ssyncset.done $0x0  }
0x16a: {  	s20 =	simm.s32 $0x9;
	[sflag:s19] =	ssyncadd.s32 $0xFFFFD800  }
0x16b: {  	_ =	swait.ge [sflag:s20], $0x2800  }
0x16c: {  	[sflag:s20] =	ssyncset.done $0x0  }
0x16d: {  	s22 =	simm.s32 $0x0;
	s23 =	rddreg [dreg:$0x1c];
	[sflag:s20] =	ssyncadd.s32 $0xFFFFD800  }
0x16e: {  	[tilespmem:s22], [sflag:$0xA] =	stream.linear.gather [hbm4b:s23+s22], $0x50, $0x38;
	[tilespmem:$0x1E600] =	vst v63  }
0x16f: {  	_ =	swait.ge [sflag:s16], $0x50  }
0x170: {  	[sflag:s16] =	ssyncset.done $0x0  }
0x171: {  	s21 =	simm.s32 $0x400;
	s24 =	rddreg [dreg:$0x1d];
	[sflag:s16] =	ssyncadd.s32 $0xFFFFFFB0  }
0x172: {  	[tilespmem:s21], [sflag:$0xA] =	stream.linear.gather [hbm4b:s24+s22], $0x50, $0x38;
	[tilespmem:$0x1E600] =	vst v63  }
0x173: {  	_ =	swait.ge [sflag:s16], $0x50  }
0x174: {  	[sflag:s16] =	ssyncset.done $0x0  }
0x175: {  	[sflag:s16] =	ssyncadd.s32 $0xFFFFFFB0  }
0x176: {  	[tilespmem:s29], [sflag:$0xA] =	stream.indirect.gather [hbm4b:s5+s10], $0x80, s22, s10, $0xb8;
	[tilespmem:$0x1E600] =	vst v63  }
0x177: {  	_ =	swait.ge [sflag:s16], $0x2800  }
0x178: {  	[sflag:s16] =	ssyncset.done $0x0  }
0x179: {  	[sflag:s16] =	ssyncadd.s32 $0xFFFFD800  }
0x17a: {  	[spmem:s2] =	stream.indirect.scatter.add.f32 [tilespmem:s29], [sflag:$0xA], $0x80, s21, s10, $0xb8;
	[tilespmem:$0x1E600] =	vst v63  }
0x17b: {  	_ =	swait.ge [sflag:s16], $0x2800  }
0x17c: {  	[sflag:s16] =	ssyncset.done $0x0  }
0x17d: {  	[sflag:s16] =	ssyncadd.s32 $0xFFFFD800  }
0x17e: {  	s25 =	stileid.u32;
	[bflag:$0x0] =	sbarrier.arrive $0xFFFF  }
0x17f: {  	s0 =	sshll.u32 s25, $0x6;
	s7 =	rddreg [dreg:$0xd]  }
0x180: {  	s0 =	sor.u32 $0x1C0A, s0;
	s28 =	rddreg [dreg:$0x19];
	s26 =	sshrl.u32 s7, $0x3  }
0x181: {  	[hbm:s28], [sflag:s0] =	dma.local [spmem:s26], $0x2780  }
0x182: {  	_ =	swait.ge [sflag:s16], $0x2780  }
0x183: {  	s17 =	sadd.s32 $0x1, s17;
	s31 =	rddreg [dreg:$0x1e]  }
0x184: {  	p0 =	sne.s32 s17, s31  }
.Ltmp2:
0x185: {  	_ = 	snop;
	(pc) =	sbr.rel @p0 .LBB2_1-.Ltmp2, $3  }
0x186: {  	_ =	sdelay $0x1  }
0x187: {  	[sflag:s16] =	ssyncset.done $0x0  }
0x188: {  	[sflag:s16] =	ssyncadd.s32 $0xFFFFD880  }
0x189: {  	_ =	sfence.sel $0x180000  }
0x18a: {  	[bflag:$0x0] =	sbarrier.arrive $0xFFFF  }
0x18b: {  	_ =	strace $0x9000004A  }
0x18c: {  	s0 =	stileid.u32;
	[bflag:$0x2] =	sbarrier.arrive $0xFFFF  }
0x18d: {  	p0 =	sne.s32 s0, $0x0;
	s0 =	rddreg [dreg:$0x4]  }
0x18e: {  	s0 =	sadd.s32 @!p0 $0x100000, s0  }
0x18f: {  	[sflag:s0] =	ssyncadd.tile.s32 @!p0 $0x1;
	_ =	shalt  }
.Lfunc_end2:
_tile_overlayer_lowered:
.L_overlay_start_2:
0x190: {  	(tag) =	ssettag $0x2  }
0x191: {  	s0 =	rddreg [dreg:$0x0];
	s2 =	stileid.u32  }
0x192: {  	s1 =	rddreg [dreg:$0x1];
	p0 =	sne.s32 s2, $0x0  }
0x193: {  	s3 =	rddreg [dreg:$0x2];
	[bflag:$0x3] =	sbarrier.arrive $0xFFFF;
	s2 =	simm.s32 @!p0 $0x1C0A  }
0x194: {  	[timem:s3], [sflag:s2] =	dma.local @!p0 [hbm:s0], s1  }
0x195: {  	s0 =	simm.s32 @!p0 $0xA  }
0x196: {  	_ =	swait.ge @!p0 [sflag:s0], s1  }
0x197: {  	s1 =	ssub.s32 @!p0 $0x0, s1;
	[sflag:s0] =	ssyncset.done @!p0 $0x0  }
0x198: {  	[sflag:s0] =	ssyncadd.s32 @!p0 s1  }
0x199: {  	[bflag:$0x3] =	sbarrier.arrive $0xFFFF  }
0x19a: {  	_ =	shalt  }

// kernel: kernel.14.cloned.1.call-start
scs
__scs_entry_jumppad:
0x0: {  	(pc) =	sbr.rel $0x88, $3  }
0x1: {  	(tag) =	ssettag $0x0;
	lr =	simm.s32 $0x1  }
0x2: {  	[smem:$0x3F9B] =	sst lr;
	_ =	strace $0xD0000000  }
0x3: {  	_ = 	snop  }
0x4: {  	_ = 	snop  }
0x5: {  	_ = 	snop  }
0x6: {  	_ = 	snop  }
0x7: {  	_ = 	snop  }
__scs_overlays_trampoline_lowered:
0x8: {  	[smem:$0x3FAA] =	sst s0  }
0x9: {  	[smem:$0x3FAB] =	sst s1  }
0xa: {  	[smem:$0x3FAC] =	sst s2  }
0xb: {  	[smem:$0x3FAD] =	sst s3  }
0xc: {  	[smem:$0x3FAE] =	sst s4  }
0xd: {  	[smem:$0x3FAF] =	sst s5  }
0xe: {  	[smem:$0x3FB0] =	sst s6  }
0xf: {  	[smem:$0x3FB1] =	sst s7  }
0x10: {  	[smem:$0x3FB2] =	sst s8  }
0x11: {  	[smem:$0x3FB3] =	sst s9;
	s0 =	simm.s32 @!p0 $0x0  }
0x12: {  	s1 =	sld [smem:$0x3F99];
	s0 =	simm.s32 @p0 $0x1  }
0x13: {  	[smem:$0x3FB4] =	sst s0;
	s0 =	simm.s32 @!p1 $0x0  }
0x14: {  	s2 =	sld [smem:$0x3F98];
	s0 =	simm.s32 @p1 $0x1  }
0x15: {  	[smem:$0x3FB5] =	sst s0;
	s0 =	simm.s32 @!p2 $0x0  }
0x16: {  	s3 =	sld [smem:$0x3FDB];
	s0 =	simm.s32 @p2 $0x1  }
0x17: {  	s4 =	simm.s32 $0x1BF5;
	[smem:$0x3FB7] =	sst s0  }
0x18: {  	s0 =	sld [smem:$0x3F9A];
	_ =	swait.ge [sflag:s4], $0x0  }
0x19: {  	s7 =	sld [smem:$0x3F9B]  }
0x1a: {  	s8 =	sadd.s32 $0xFFFFE003, lr  }
0x1b: {  	s9 =	sadd.s32 $0xFFFFFEF7, lr;
	s5 =	simm.s32 $0xFFFFFFFF;
	p2 =	slt.u32 s8, $0xFFFFF086  }
0x1c: {  	p1 =	slt.u32 s9, $0xF7A;
	s5 =	simm.s32 @!p2 $0x0  }
0x1d: {  	s5 =	simm.s32 @p1 $0x1;
	p0 =	seq.s32 s7, s2  }
0x1e: {  	s7 =	smul.u32 @!p0 $0xF7A, s2;
	p2 =	seq.s32 @!p0 s5, $0x0  }
0x1f: {  	s9 =	smul.u32 $0xF7A, s1;
	s8 =	simm.s32 @!p0 $0x1BF5;
	p2 =	por !p2, p0  }
0x20: {  	[sflag:s8] =	ssyncset.s32 @!p0 $0xFFFFF086;
	s6 =	sadd.s32 @!p0 s3, s7;
	s7 =	simm.s32 @!p0 $0x108  }
0x21: {  	s3 =	sadd.s32 s3, s9;
	s6 =	sadd.s32 @!p0 $0x88, s6;
	s7 =	simm.s32 @p2 $0x1082  }
0x22: {  	[simem:s7], [sflag:s8] =	dma.local @!p0 [hbm:s6], $0xF7A  }
0x23: {  	s9 =	sor.u32 $0xD0000000, s2;
	s6 =	simm.s32 $0x108;
	_ =	swait.ge @!p0 [sflag:s8], $0x0  }
0x24: {  	s3 =	sadd.s32 $0x88, s3;
	s6 =	simm.s32 @!p1 $0x1082;
	[sflag:s4] =	ssyncset.s32 $0xFFFFF086  }
0x25: {  	[simem:s6], [sflag:s4] =	dma.local [hbm:s3], $0xF7A  }
0x26: {  	[smem:$0x3F9B] =	sst s1;
	(tag) =	ssettag s2;
	_ =	strace s9  }
0x27: {  	s1 =	sld [smem:$0x3FAB]  }
0x28: {  	s2 =	sld [smem:$0x3FAC]  }
0x29: {  	s4 =	sld [smem:$0x3FAE]  }
0x2a: {  	p0 =	seq.s32 s5, $0x0;
	s5 =	sld [smem:$0x3FAF]  }
0x2b: {  	s6 =	sld [smem:$0x3FB0]  }
0x2c: {  	s7 =	sld [smem:$0x3FB1]  }
0x2d: {  	s3 =	simm.s32 $0x108;
	s8 =	sld [smem:$0x3FB2]  }
0x2e: {  	s3 =	simm.s32 @!p0 $0x1082;
	s9 =	sld [smem:$0x3FB3]  }
0x2f: {  	lr =	sadd.s32 s0, s3;
	s0 =	sld [smem:$0x3FAA]  }
0x30: {  	s3 =	sld [smem:$0x3FAD]  }
0x31: {  	[smem:$0x3FB6] =	sst s10  }
0x32: {  	s10 =	sld [smem:$0x3FB4];
	_ =	sdelay $0x3  }
0x33: {  	p0 =	seq.s32 s10, $0x1;
	s10 =	sld [smem:$0x3FB6];
	_ =	sdelay $0x3  }
0x34: {  	[smem:$0x3FB6] =	sst s10  }
0x35: {  	s10 =	sld [smem:$0x3FB5];
	_ =	sdelay $0x3  }
0x36: {  	p1 =	seq.s32 s10, $0x1;
	s10 =	sld [smem:$0x3FB6];
	_ =	sdelay $0x3  }
0x37: {  	[smem:$0x3FB6] =	sst s10  }
0x38: {  	s10 =	sld [smem:$0x3FB7]  }
0x39: {  	_ = 	snop;
	(pc) =	sbr.ind lr, $3  }
0x3a: {  	_ = 	snop  }
0x3b: {  	_ = 	snop  }
0x3c: {  	p2 =	seq.s32 s10, $0x1;
	s10 =	sld [smem:$0x3FB6]  }
0x3d: {  	_ =	shalt  }
0x3e: {  	_ =	shalt  }
0x3f: {  	_ =	shalt  }
0x40: {  	_ =	shalt  }
0x41: {  	_ =	shalt  }
0x42: {  	_ =	shalt  }
0x43: {  	_ =	shalt  }
0x44: {  	_ =	shalt  }
0x45: {  	_ =	shalt  }
0x46: {  	_ =	shalt  }
0x47: {  	_ =	shalt  }
0x48: {  	_ =	shalt  }
0x49: {  	_ =	shalt  }
0x4a: {  	_ =	shalt  }
0x4b: {  	_ =	shalt  }
0x4c: {  	_ =	shalt  }
0x4d: {  	_ =	shalt  }
0x4e: {  	_ =	shalt  }
0x4f: {  	_ =	shalt  }
0x50: {  	_ =	shalt  }
0x51: {  	_ =	shalt  }
0x52: {  	_ =	shalt  }
0x53: {  	_ =	shalt  }
0x54: {  	_ =	shalt  }
0x55: {  	_ =	shalt  }
0x56: {  	_ =	shalt  }
0x57: {  	_ =	shalt  }
0x58: {  	_ =	shalt  }
0x59: {  	_ =	shalt  }
0x5a: {  	_ =	shalt  }
0x5b: {  	_ =	shalt  }
0x5c: {  	_ =	shalt  }
0x5d: {  	_ =	shalt  }
0x5e: {  	_ =	shalt  }
0x5f: {  	_ =	shalt  }
0x60: {  	_ =	shalt  }
0x61: {  	_ =	shalt  }
0x62: {  	_ =	shalt  }
0x63: {  	_ =	shalt  }
0x64: {  	_ =	shalt  }
0x65: {  	_ =	shalt  }
0x66: {  	_ =	shalt  }
0x67: {  	_ =	shalt  }
0x68: {  	_ =	shalt  }
0x69: {  	_ =	shalt  }
0x6a: {  	_ =	shalt  }
0x6b: {  	_ =	shalt  }
0x6c: {  	_ =	shalt  }
0x6d: {  	_ =	shalt  }
0x6e: {  	_ =	shalt  }
0x6f: {  	_ =	shalt  }
0x70: {  	_ =	shalt  }
0x71: {  	_ =	shalt  }
0x72: {  	_ =	shalt  }
0x73: {  	_ =	shalt  }
0x74: {  	_ =	shalt  }
0x75: {  	_ =	shalt  }
0x76: {  	_ =	shalt  }
0x77: {  	_ =	shalt  }
0x78: {  	_ =	shalt  }
0x79: {  	_ =	shalt  }
0x7a: {  	_ =	shalt  }
0x7b: {  	_ =	shalt  }
0x7c: {  	_ =	shalt  }
0x7d: {  	_ =	shalt  }
0x7e: {  	_ =	shalt  }
0x7f: {  	_ =	shalt  }
0x80: {  	_ =	shalt  }
0x81: {  	_ =	shalt  }
0x82: {  	_ =	shalt  }
0x83: {  	_ =	shalt  }
0x84: {  	_ =	shalt  }
0x85: {  	_ =	shalt  }
0x86: {  	_ =	shalt  }
0x87: {  	_ =	shalt  }
.Lfunc_end0:
.L_simem_size_0:
called_computation.2_lowered:
.L_overlay_start_0:
0x88: {  	s2 =	sld [smem:$0x3FD9]  }
0x89: {  	s3 =	sld [smem:$0x3FFE];
	_ =	sdelay $0x1  }
0x8a: {  	s1 =	srdreg.scid  }
0x8b: {  	s0 =	sand.u32 $0x1, s1  }
0x8c: {  	s14 =	sshll.u32 s0, $0xA;
	s2 =	sadd.s32 s3, s2  }
0x8d: {  	s2 =	sadd.s32 s2, s14  }
0x8e: {  	[smem:$0x3FC2] =	sst s2  }
0x8f: {  	_ = 	snop  }
0x90: {  	s2 =	sld [smem:$0x3FD0];
	_ =	sdelay $0x2  }
0x91: {  	s15 =	simm.s32 $0xA;
	s4 =	simm.s32 $0x10  }
0x92: {  	[smem:s4], [sflag:s15] =	dma.local [hbm:s2], $0x1  }
0x93: {  	_ =	swait.eq [sflag:s15], $0x1  }
0x94: {  	[sflag:s15] =	ssyncset.done $0x0  }
0x95: {  	[sflag:s15] =	ssyncadd.s32 $0xFFFFFFFF  }
0x96: {  	s16 =	sld [smem:$0x10];
	(tm) =	ssettm $0x1  }
0x97: {  	s17 =	sld [smem:$0x3FFB];
	_ =	sdelay $0x3  }
0x98: {  	_ =	strace s17  }
0x99: {  	s3 =	sld [smem:$0x3FFC];
	_ =	sdelay $0x3  }
0x9a: {  	_ =	strace s3  }
0x9b: {  	s3 =	sld [smem:$0x3FFD];
	_ =	sdelay $0x3  }
0x9c: {  	_ =	strace s3  }
0x9d: {  	_ =	strace $0x8FFFFFFF  }
0x9e: {  	s18 =	sld [smem:$0x3FDB];
	_ =	sdelay $0x1  }
0x9f: {  	s19 =	simm.s32 $_scs_section_size  }
0xa0: {  	s5 =	simm.s32 $_size__tile_overlayer_lowered;
	s6 =	simm.s32 $_tile_overlayer_lowered  }
0xa1: {  	s22 =	simm.s32 $0x1BFF;
	s21 =	sshll.u32 s6, $0x1;
	s3 =	sadd.s32 s19, s18  }
0xa2: {  	s7 =	simm.s32 $0x0;
	s20 =	sshll.u32 s5, $0x1;
	s5 =	sadd.s32 s21, s3  }
0xa3: {  	[timem:s7], [sflag:s22] =	dma.local [hbm:s5], s20  }
0xa4: {  	_ =	swait.ge [sflag:s22], s20  }
0xa5: {  	s4 =	ssub.s32 $0x0, s20;
	[sflag:s22] =	ssyncset.done $0x0  }
0xa6: {  	[sflag:s22] =	ssyncadd.s32 s4;
	_ =	sdelay $0x1  }
0xa7: {  	s23 =	simm.s32 $0x1B8B  }
0xa8: {  	_ =	swait.ge [sflag:s23], $0x1  }
0xa9: {  	[sflag:s23] =	ssyncset.done $0x0  }
0xaa: {  	s25 =	simm.s32 $0x1B8E;
	s24 =	sld [smem:$0x3FFE];
	[sflag:s23] =	ssyncadd.s32 $0xFFFFFFFF  }
0xab: {  	s26 =	simm.s32 $execute0_lowered;
	[smem:$0x3FD2] =	sst s25  }
0xac: {  	s5 =	sshll.u32 s26, $0x1;
	_ =	strace $0x8000004C;
	[dreg:$0x1] =	wrdreg $0xFFFFFFFF  }
0xad: {  	s28 =	simm.s32 $_size_execute0_lowered;
	s3 =	sadd.s32 s3, s5;
	[dreg:$0x0] =	wrdreg $0x0  }
0xae: {  	s5 =	sshll.u32 s28, $0x1;
	[dreg:$0x2] =	wrdreg s3  }
0xaf: {  	[dreg:$0x3] =	wrdreg s5  }
0xb0: {  	[dreg:$0x4] =	wrdreg $0xC0  }
0xb1: {  	_ =	task [dreg:s7], $0x5FFFF  }
0xb2: {  	[dreg:$0x1] =	wrdreg $0xFFFFFFFF  }
0xb3: {  	[dreg:$0x0] =	wrdreg $0x60  }
0xb4: {  	[dreg:$0x2] =	wrdreg s24  }
0xb5: {  	[dreg:$0x3] =	wrdreg s16  }
0xb6: {  	[dreg:$0x4] =	wrdreg $0xAA000  }
0xb7: {  	[dreg:$0x5] =	wrdreg $0x9  }
0xb8: {  	_ =	task.clear_ibuf [dreg:s7], $0x6FFFF;
	_ =	strace $0x9000004C  }
0xb9: {  	s29 =	simm.s32 $0x9;
	_ =	strace $0x8000004E  }
0xba: {  	_ =	swait.ge [sflag:s29], $0x1  }
0xbb: {  	[sflag:s29] =	ssyncadd.s32 $0xFFFFFFFF  }
0xbc: {  	_ =	strace $0x9000004E  }
0xbd: {  	_ =	sfence  }
0xbe: {  	s30 =	sld [smem:$0x0];
	_ =	sdelay $0x2  }
0xbf: {  	s31 =	sshll.u32 s1, $0xD;
	s1 =	sshrl.u32 s1, $0x2  }
0xc0: {  	s3 =	sand.u32 $0x4000, s31;
	s1 =	sadd.s32 s1, s30  }
0xc1: {  	s0 =	sor.u32 s3, s0;
	s1 =	sshll.u32 s1, $0x11  }
0xc2: {  	s0 =	sor.u32 s1, s0  }
0xc3: {  	s0 =	sadd.s32 $0x8F2B, s0  }
0xc4: {  	[sflag:s0] =	ssyncadd.remote.s32 $0x1  }
0xc5: {  	_ =	sfence.sel $0xFFFF  }
0xc6: {  	[dreg:$0x0] =	wrdreg $0xFFFFFFFF;
	(pc) =	sbr.abs _section_cstart, $3  }
0xc7: {  	[dreg:$0x1] =	wrdreg $0xFFFFFFFF  }
0xc8: {  	_ =	task.clear_ibuf [dreg:s7], $0x2FFFF;
	_ =	strace $0x9FFFFFFF  }
0xc9: {  	(tm) =	ssettm $0x7FFFFFFF  }
tec
execute0_lowered:
.L_overlay_start_1:
0x0: {  	(tag) =	ssettag $0x1  }
0x1: {  	s0 =	rddreg [dreg:$0x0]  }
0x2: {  	s2 =	rddreg [dreg:$0x1]  }
0x3: {  	s1 =	srdreg.scid;
	s10 =	stileid.u32  }
0x4: {  	s3 =	rddreg [dreg:$0x2];
	s5 =	smul.u32 $0x13C00, s10  }
0x5: {  	s6 =	simm.s32 $0x0;
	s1 =	sand.u32 $0x1, s1;
	s7 =	smul.u32 $0x4F000, s10  }
0x6: {  	[smem:$0x7FF] =	sst s6;
	s6 =	sadd.s32 $0x2400, s0;
	s17 =	smul.u32 $0x4E20, s10  }
0x7: {  	s15 =	sshll.u32 s10, $0x1;
	s4 =	smul.u32 $0x13C000, s1;
	s8 =	ssub.s32 $0x2, s1  }
0x8: {  	_ =	strace $0x8000004D;
	s7 =	sshrl.u32 s7, $0x2;
	s9 =	sshrl.u32 s8, $0x1  }
0x9: {  	s4 =	sadd.s32 s5, s4;
	s5 =	sadd.s32 $0xC200, s0;
	s7 =	sadd.s32 s7, s3  }
0xa: {  	s4 =	sshrl.u32 s4, $0x3;
	s16 =	sadd.s32 $0x2800, s7;
	[dreg:$0xc] =	wrdreg s7  }
0xb: {  	s18 =	sadd.s32 $0x5000, s7;
	s19 =	sadd.s32 $0x7800, s7;
	[dreg:$0xd] =	wrdreg s16  }
0xc: {  	s20 =	sadd.s32 $0xA000, s7;
	s0 =	sadd.s32 s4, s0;
	[dreg:$0xe] =	wrdreg s18  }
0xd: {  	s4 =	sor.u32 s1, s15;
	[dreg:$0xf] =	wrdreg s19;
	s1 =	smul.u32 $0x2710, s1  }
0xe: {  	s21 =	sadd.s32 $0xC800, s7;
	[dreg:$0x10] =	wrdreg s20;
	s4 =	smul.u32 $0x2710, s4  }
0xf: {  	s8 =	ssub.s32 s8, s9;
	[dreg:$0x11] =	wrdreg s21  }
0x10: {  	s0 =	sadd.s32 $0x33400, s0;
	s1 =	sadd.s32 s1, s17;
	s4 =	sshrl.u32 s4, $0x3  }
0x11: {  	[dreg:$0x1c] =	wrdreg s0;
	s26 =	sadd.s32 $0x230, s1;
	s22 =	sadd.s32 s2, s4  }
0x12: {  	s23 =	sadd.s32 $0xA, s4;
	s24 =	sadd.s32 s6, s4;
	[dreg:$0x12] =	wrdreg s22  }
0x13: {  	s9 =	sshrl.u32 s26, $0x3;
	s26 =	sadd.s32 $0x140, s1;
	[dreg:$0x13] =	wrdreg s24  }
0x14: {  	s25 =	sadd.s32 s2, s23;
	[dreg:$0x1e] =	wrdreg s26  }
0x15: {  	s28 =	sadd.s32 $0x14, s4;
	s10 =	sadd.s32 s6, s23;
	[dreg:$0x14] =	wrdreg s25  }
0x16: {  	s11 =	sadd.s32 s2, s28;
	[dreg:$0x15] =	wrdreg s10  }
0x17: {  	s12 =	sadd.s32 $0x1E0, s1;
	s31 =	sadd.s32 s9, s6;
	[dreg:$0x16] =	wrdreg s11  }
0x18: {  	s13 =	sshrl.u32 s12, $0x3;
	s9 =	sadd.s32 s9, s2;
	[dreg:$0x4] =	wrdreg s31  }
0x19: {  	s15 =	sadd.s32 $0x190, s1;
	s14 =	sadd.s32 s13, s6;
	[dreg:$0x5] =	wrdreg s9  }
0x1a: {  	s17 =	sshrl.u32 s15, $0x3;
	s16 =	sadd.s32 s13, s2;
	[dreg:$0x6] =	wrdreg s14  }
0x1b: {  	s19 =	sadd.s32 $0x1E, s4;
	s18 =	sadd.s32 s17, s6;
	[dreg:$0x7] =	wrdreg s16  }
0x1c: {  	s29 =	simm.s32 $0xA00;
	s21 =	sadd.s32 s2, s19;
	[dreg:$0x8] =	wrdreg s18  }
0x1d: {  	s30 =	simm.s32 $0x6;
	s20 =	sadd.s32 s17, s2;
	[dreg:$0x18] =	wrdreg s21  }
0x1e: {  	s4 =	sadd.s32 $0x4D8, s4;
	s22 =	simm.s32 $0x3200;
	[dreg:$0x9] =	wrdreg s20  }
0x1f: {  	s12 =	simm.s32 $0x2;
	s23 =	simm.s32 $0x5A00;
	[dreg:$0xa] =	wrdreg s22  }
0x20: {  	s15 =	simm.s32 $0x5;
	s24 =	sadd.s32 s2, s4;
	[dreg:$0xb] =	wrdreg s23  }
0x21: {  	s4 =	sadd.s32 s6, s4;
	s13 =	simm.s32 $0x3;
	[dreg:$0x1a] =	wrdreg s24  }
0x22: {  	s17 =	simm.s32 $0x0;
	s10 =	sadd.s32 s6, s28;
	[dreg:$0x1b] =	wrdreg s4  }
0x23: {  	s25 =	smax.u32 s8, $0x1;
	s28 =	sadd.s32 $0xF000, s7;
	s31 =	sadd.s32 $0x11800, s7  }
0x24: {  	s8 =	simm.s32 $0x7;
	s20 =	simm.s32 $0x9;
	[dreg:$0x17] =	wrdreg s10  }
0x25: {  	s21 =	simm.s32 $0x400;
	s9 =	simm.s32 $0x1;
	[dreg:$0x1d] =	wrdreg s25  }
0x26: {  	s11 =	simm.s32 $0x8200;
	s14 =	simm.s32 $0x4;
	[dreg:$0x1f] =	wrdreg s28  }
0x27: {  	s16 =	simm.s32 $0xA;
	s10 =	sadd.s32 s6, s19;
	[smem:$0x7FD] =	sst s31  }
0x28: {  	v0 =	vimm.f32 $0.0e+00;
	s19 =	simm.s32 $0x8;
	[dreg:$0x19] =	wrdreg s10;
	s10 =	simm.s32 $0x50  }
.LBB2_1:
0x29: {  	s4 =	simm.s32 $0x0;
	s18 =	simm.s32 $0x200  }
.LBB2_2:
0x2a: {  	p0 =	sne.s32 s18, $0x9E00;
	[tilespmem:s4+$0xA70] =	vst v0  }
0x2b: {  	[tilespmem:s4+$0xA00] =	vst v0  }
0x2c: {  	[tilespmem:s4+$0xA10] =	vst v0  }
.Ltmp0:
0x2d: {  	[tilespmem:s4+$0xA20] =	vst v0;
	(pc) =	sbr.rel @p0 .LBB2_2-.Ltmp0, $4  }
0x2e: {  	[tilespmem:s4+$0xA30] =	vst v0  }
0x2f: {  	[tilespmem:s4+$0xA40] =	vst v0  }
0x30: {  	[tilespmem:s4+$0xA50] =	vst v0  }
0x31: {  	[tilespmem:s4+$0xA60] =	vst v0;
	s4 =	sshra.s32 s18, $0x2;
	s18 =	sadd.s32 $0x200, s18  }
0x32: {  	[tilespmem:s4+$0xA70] =	vst v0  }
0x33: {  	[tilespmem:s4+$0xA00] =	vst v0  }
0x34: {  	[tilespmem:s4+$0xA10] =	vst v0  }
0x35: {  	[tilespmem:s4+$0xA20] =	vst v0  }
0x36: {  	[tilespmem:s4+$0xA30] =	vst v0  }
0x37: {  	[tilespmem:s4+$0xA40] =	vst v0  }
0x38: {  	[tilespmem:s4+$0xA50] =	vst v0  }
0x39: {  	[tilespmem:s4+$0xA60] =	vst v0;
	s0 =	rddreg [dreg:$0xd]  }
0x3a: {  	[spmem:s7] =	stream.linear.scatter [tilespmem:s29], [sflag:$0x6], $0x2800, $0x38;
	[tilespmem:$0x1E600] =	vst v63  }
0x3b: {  	s31 =	rddreg [dreg:$0xe]  }
0x3c: {  	[spmem:s0] =	stream.linear.scatter [tilespmem:s29], [sflag:$0x7], $0x2800, $0x38;
	[tilespmem:$0x1E600] =	vst v63  }
0x3d: {  	s1 =	rddreg [dreg:$0xf]  }
0x3e: {  	[spmem:s31] =	stream.linear.scatter [tilespmem:s29], [sflag:$0x8], $0x2800, $0x38;
	[tilespmem:$0x1E600] =	vst v63  }
0x3f: {  	s4 =	rddreg [dreg:$0x10]  }
0x40: {  	[spmem:s1] =	stream.linear.scatter [tilespmem:s29], [sflag:$0x9], $0x2800, $0x38;
	[tilespmem:$0x1E600] =	vst v63  }
0x41: {  	s18 =	rddreg [dreg:$0x1f]  }
0x42: {  	[spmem:s4] =	stream.linear.scatter [tilespmem:s29], [sflag:$0x6], $0x2800, $0x38;
	[tilespmem:$0x1E600] =	vst v63  }
0x43: {  	s7 =	rddreg [dreg:$0x11]  }
0x44: {  	[spmem:s7] =	stream.linear.scatter [tilespmem:s29], [sflag:$0x7], $0x2800, $0x38;
	[tilespmem:$0x1E600] =	vst v63  }
0x45: {  	s22 =	sld [smem:$0x7FD]  }
0x46: {  	[spmem:s18] =	stream.linear.scatter [tilespmem:s29], [sflag:$0x8], $0x2800, $0x38;
	[tilespmem:$0x1E600] =	vst v63  }
0x47: {  	_ = 	snop  }
0x48: {  	[spmem:s22] =	stream.linear.scatter [tilespmem:s29], [sflag:$0x6], $0x2400, $0x38;
	[tilespmem:$0x1E600] =	vst v63  }
0x49: {  	_ =	swait.ge [sflag:s30], $0x2800  }
0x4a: {  	[sflag:s30] =	ssyncset.done $0x0  }
0x4b: {  	[sflag:s30] =	ssyncadd.s32 $0xFFFFD800  }
0x4c: {  	_ =	swait.ge [sflag:s8], $0x2800  }
0x4d: {  	[sflag:s8] =	ssyncset.done $0x0  }
0x4e: {  	[sflag:s8] =	ssyncadd.s32 $0xFFFFD800  }
0x4f: {  	_ =	swait.ge [sflag:s19], $0x2800  }
0x50: {  	[sflag:s19] =	ssyncset.done $0x0  }
0x51: {  	[sflag:s19] =	ssyncadd.s32 $0xFFFFD800  }
0x52: {  	_ =	swait.ge [sflag:s20], $0x2800  }
0x53: {  	[sflag:s20] =	ssyncset.done $0x0  }
0x54: {  	[sflag:s20] =	ssyncadd.s32 $0xFFFFD800  }
0x55: {  	_ =	swait.ge [sflag:s30], $0x2800  }
0x56: {  	[sflag:s30] =	ssyncset.done $0x0  }
0x57: {  	[sflag:s30] =	ssyncadd.s32 $0xFFFFD800  }
0x58: {  	_ =	swait.ge [sflag:s8], $0x2800  }
0x59: {  	[sflag:s8] =	ssyncset.done $0x0  }
0x5a: {  	[sflag:s8] =	ssyncadd.s32 $0xFFFFD800  }
0x5b: {  	_ =	swait.ge [sflag:s19], $0x2800  }
0x5c: {  	[sflag:s19] =	ssyncset.done $0x0  }
0x5d: {  	[sflag:s19] =	ssyncadd.s32 $0xFFFFD800  }
0x5e: {  	_ =	swait.ge [sflag:s30], $0x2400  }
0x5f: {  	[sflag:s30] =	ssyncset.done $0x0  }
0x60: {  	[sflag:s30] =	ssyncadd.s32 $0xFFFFDC00  }
0x61: {  	[bflag:$0x0] =	sbarrier.arrive $0xFFFF  }
0x62: {  	s4 =	simm.s32 $0x0;
	s23 =	rddreg [dreg:$0x12]  }
0x63: {  	[tilespmem:s4], [sflag:$0x1] =	stream.linear.gather [hbm4b:s23+s4], $0x50, $0x38;
	[tilespmem:$0x1E600] =	vst v63  }
0x64: {  	s24 =	rddreg [dreg:$0x13]  }
0x65: {  	[tilespmem:s21], [sflag:$0x1] =	stream.linear.gather [hbm4b:s24+s4], $0x50, $0x38;
	[tilespmem:$0x1E600] =	vst v63  }
0x66: {  	s1 =	simm.s32 $0x80;
	s25 =	rddreg [dreg:$0x14]  }
0x67: {  	[tilespmem:s1], [sflag:$0x1] =	stream.linear.gather [hbm4b:s25+s4], $0x50, $0x38;
	[tilespmem:$0x1E600] =	vst v63  }
0x68: {  	s31 =	simm.s32 $0x480;
	s26 =	rddreg [dreg:$0x15]  }
0x69: {  	[tilespmem:s31], [sflag:$0x1] =	stream.linear.gather [hbm4b:s26+s4], $0x50, $0x38;
	[tilespmem:$0x1E600] =	vst v63  }
0x6a: {  	s8 =	simm.s32 $0x100;
	s7 =	rddreg [dreg:$0x16]  }
0x6b: {  	[tilespmem:s8], [sflag:$0x1] =	stream.linear.gather [hbm4b:s7+s4], $0x50, $0x38;
	[tilespmem:$0x1E600] =	vst v63  }
0x6c: {  	p0 =	por $0x0, $0x0;
	s18 =	rddreg [dreg:$0x17];
	s8 =	simm.s32 $0x1  }
0x6d: {  	s19 =	simm.s32 $0x500;
	s20 =	rddreg [dreg:$0x18];
	s8 =	smul.u32 @!p0 $0xAB, s8  }
0x6e: {  	[tilespmem:s19], [sflag:$0x1] =	stream.linear.gather [hbm4b:s18+s4], $0x50, $0x38;
	[tilespmem:$0x1E600] =	vst v63  }
0x6f: {  	s22 =	rddreg [dreg:$0x19];
	s21 =	simm.s32 $0x180;
	s8 =	sshrl.u32 @!p0 s8, $0x9  }
0x70: {  	[tilespmem:s21], [sflag:$0x1] =	stream.linear.gather [hbm4b:s20+s4], $0x50, $0x38;
	[tilespmem:$0x1E600] =	vst v63  }
0x71: {  	s0 =	rddreg [dreg:$0x1e];
	s8 =	sand.u32 @!p0 $0x7F, s8  }
0x72: {  	s23 =	simm.s32 $0x580;
	s18 =	sshrl.u32 @!p0 s0, $0x3;
	s8 =	smul.u32 @!p0 $0x3, s8  }
0x73: {  	[tilespmem:s23], [sflag:$0x1] =	stream.linear.gather [hbm4b:s22+s4], $0x50, $0x38;
	[tilespmem:$0x1E600] =	vst v63  }
0x74: {  	s19 =	sadd.s32 @!p0 s2, s18;
	s4 =	simm.s32 $0x200;
	s8 =	ssub.s32 @!p0 $0x1, s8  }
0x75: {  	s20 =	simm.s32 @!p0 $0x0;
	s4 =	sand.u32 @!p0 $0x200, s4;
	s8 =	sand.u32 @!p0 $0xFF, s8  }
0x76: {  	[tilespmem:s4], [sflag:$0x1] =	stream.linear.gather @!p0 [hbm4b:s19+s20], $0x50, $0x38;
	[tilespmem:$0x1E600] =	vst v63  }
0x77: {  	s8 =	sshll.u32 @!p0 s8, $0x9  }
0x78: {  	s18 =	sadd.s32 @!p0 s6, s18;
	s21 =	rddreg [dreg:$0x9];
	s19 =	sadd.s32 @!p0 $0x400, s8  }
0x79: {  	[tilespmem:s19], [sflag:$0x1] =	stream.linear.gather @!p0 [hbm4b:s18+s20], $0x50, $0x38;
	[tilespmem:$0x1E600] =	vst v63  }
0x7a: {  	s22 =	rddreg [dreg:$0x8];
	s18 =	sor.u32 @!p0 $0x80, s4;
	s19 =	sadd.s32 @!p0 $0x0, s21  }
0x7b: {  	[tilespmem:s18], [sflag:$0x1] =	stream.linear.gather @!p0 [hbm4b:s19+s20], $0x50, $0x38;
	[tilespmem:$0x1E600] =	vst v63  }
0x7c: {  	s21 =	rddreg [dreg:$0x7];
	s18 =	sadd.s32 @!p0 $0x480, s8;
	s19 =	sadd.s32 @!p0 $0x0, s22  }
0x7d: {  	[tilespmem:s18], [sflag:$0x1] =	stream.linear.gather @!p0 [hbm4b:s19+s20], $0x50, $0x38;
	[tilespmem:$0x1E600] =	vst v63  }
0x7e: {  	s22 =	rddreg [dreg:$0x6];
	s18 =	sor.u32 @!p0 $0x100, s4;
	s19 =	sadd.s32 @!p0 $0x0, s21  }
0x7f: {  	[tilespmem:s18], [sflag:$0x1] =	stream.linear.gather @!p0 [hbm4b:s19+s20], $0x50, $0x38;
	[tilespmem:$0x1E600] =	vst v63  }
0x80: {  	s21 =	rddreg [dreg:$0x5];
	s18 =	sadd.s32 @!p0 $0x500, s8;
	s19 =	sadd.s32 @!p0 $0x0, s22  }
0x81: {  	[tilespmem:s18], [sflag:$0x1] =	stream.linear.gather @!p0 [hbm4b:s19+s20], $0x50, $0x38;
	[tilespmem:$0x1E600] =	vst v63  }
0x82: {  	s4 =	sor.u32 @!p0 $0x180, s4;
	s22 =	rddreg [dreg:$0x4];
	s18 =	sadd.s32 @!p0 $0x0, s21  }
0x83: {  	[tilespmem:s4], [sflag:$0x1] =	stream.linear.gather @!p0 [hbm4b:s18+s20], $0x50, $0x38;
	[tilespmem:$0x1E600] =	vst v63  }
0x84: {  	s4 =	sadd.s32 @!p0 $0x580, s8;
	s8 =	sadd.s32 @!p0 $0x0, s22  }
0x85: {  	[tilespmem:s4], [sflag:$0x1] =	stream.linear.gather @!p0 [hbm4b:s8+s20], $0x50, $0x38;
	[tilespmem:$0x1E600] =	vst v63  }
0x86: {  	_ =	swait.ge [sflag:s9], $0x50  }
0x87: {  	[sflag:s9] =	ssyncset.done $0x0  }
0x88: {  	[sflag:s9] =	ssyncadd.s32 $0xFFFFFFB0  }
0x89: {  	_ =	swait.ge [sflag:s9], $0x50  }
0x8a: {  	[sflag:s9] =	ssyncset.done $0x0  }
0x8b: {  	[sflag:s9] =	ssyncadd.s32 $0xFFFFFFB0  }
0x8c: {  	_ =	swait.ge [sflag:s9], $0x50  }
0x8d: {  	[sflag:s9] =	ssyncset.done $0x0  }
0x8e: {  	[sflag:s9] =	ssyncadd.s32 $0xFFFFFFB0  }
0x8f: {  	_ =	swait.ge [sflag:s9], $0x50  }
0x90: {  	[sflag:s9] =	ssyncset.done $0x0  }
0x91: {  	[sflag:s9] =	ssyncadd.s32 $0xFFFFFFB0  }
0x92: {  	_ =	swait.ge [sflag:s9], $0x50  }
0x93: {  	[sflag:s9] =	ssyncset.done $0x0  }
0x94: {  	[sflag:s9] =	ssyncadd.s32 $0xFFFFFFB0  }
0x95: {  	_ =	swait.ge [sflag:s9], $0x50  }
0x96: {  	[sflag:s9] =	ssyncset.done $0x0  }
0x97: {  	[sflag:s9] =	ssyncadd.s32 $0xFFFFFFB0  }
0x98: {  	_ =	swait.ge [sflag:s9], $0x50  }
0x99: {  	[sflag:s9] =	ssyncset.done $0x0  }
0x9a: {  	[sflag:s9] =	ssyncadd.s32 $0xFFFFFFB0  }
0x9b: {  	s24 =	simm.s32 $0x0;
	_ =	swait.ge [sflag:s9], $0x50  }
0x9c: {  	p0 =	por $0x1, $0x1;
	s4 =	sand.u32 $0x200, s24;
	[sflag:s9] =	ssyncset.done $0x0  }
0x9d: {  	s8 =	simm.s32 @p0 $0x50;
	s18 =	simm.s32 @p0 $0xA00;
	[sflag:s9] =	ssyncadd.s32 $0xFFFFFFB0  }
0x9e: {  	[tilespmem:s18], [sflag:$0x2] =	stream.indirect.gather @p0 [hbm4b:s5+s8], $0x80, s4, s8, $0xb8;
	[tilespmem:$0x1E600] =	vst v63  }
0x9f: {  	s19 =	simm.s32 @p0 $0x3200;
	s18 =	sor.u32 $0x80, s4  }
0xa0: {  	[tilespmem:s19], [sflag:$0x3] =	stream.indirect.gather @p0 [hbm4b:s5+s8], $0x80, s18, s8, $0xb8;
	[tilespmem:$0x1E600] =	vst v63  }
0xa1: {  	s20 =	simm.s32 @p0 $0x5A00;
	s21 =	simm.s32 @!p0 $0x6;
	s19 =	sor.u32 $0x100, s4  }
0xa2: {  	[tilespmem:s20], [sflag:$0x4] =	stream.indirect.gather @p0 [hbm4b:s5+s8], $0x80, s19, s8, $0xb8;
	[tilespmem:$0x1E600] =	vst v63  }
0xa3: {  	_ =	swait.ge @!p0 [sflag:s21], $0x2800  }
0xa4: {  	s8 =	simm.s32 @!p0 $0x7;
	[sflag:s21] =	ssyncset.done @!p0 $0x0  }
0xa5: {  	s20 =	simm.s32 @!p0 $0x50;
	[sflag:s21] =	ssyncadd.s32 @!p0 $0xFFFFD800;
	s21 =	simm.s32 @!p0 $0xA00  }
0xa6: {  	[tilespmem:s21], [sflag:$0x2] =	stream.indirect.gather @!p0 [hbm4b:s5+s20], $0x80, s4, s20, $0xb8;
	[tilespmem:$0x1E600] =	vst v63  }
0xa7: {  	_ =	swait.ge @!p0 [sflag:s8], $0x2800  }
0xa8: {  	[sflag:s8] =	ssyncset.done @!p0 $0x0  }
0xa9: {  	s25 =	simm.s32 $0x0;
	[sflag:s8] =	ssyncadd.s32 @!p0 $0xFFFFD800;
	s8 =	simm.s32 @!p0 $0x3200  }
0xaa: {  	[tilespmem:s8], [sflag:$0x3] =	stream.indirect.gather @!p0 [hbm4b:s5+s20], $0x80, s18, s20, $0xb8;
	[tilespmem:$0x1E600] =	vst v63  }
0xab: {  	s21 =	simm.s32 @!p0 $0x8;
	s8 =	smul.u32 $0xAB, s25  }
0xac: {  	_ =	swait.ge @!p0 [sflag:s21], $0x2800  }
0xad: {  	s18 =	simm.s32 @!p0 $0x5A00;
	[sflag:s21] =	ssyncset.done @!p0 $0x0;
	s8 =	sshrl.u32 s8, $0x9  }
0xae: {  	[sflag:s21] =	ssyncadd.s32 @!p0 $0xFFFFD800;
	s21 =	simm.s32 @!p0 $0x9;
	s8 =	sand.u32 $0x7F, s8  }
0xaf: {  	[tilespmem:s18], [sflag:$0x4] =	stream.indirect.gather @!p0 [hbm4b:s5+s20], $0x80, s19, s20, $0xb8;
	[tilespmem:$0x1E600] =	vst v63  }
0xb0: {  	p1 =	por $0x0, $0x0;
	s8 =	smul.u32 $0x3, s8;
	_ =	swait.ge @!p0 [sflag:s21], $0x2800  }
0xb1: {  	s22 =	sadd.s32 $0x140, s0;
	s4 =	sor.u32 $0x180, s4;
	[sflag:s21] =	ssyncset.done @!p0 $0x0  }
0xb2: {  	s19 =	simm.s32 $0x28;
	s26 =	ssub.s32 $0x0, s8;
	[sflag:s21] =	ssyncadd.s32 @!p0 $0xFFFFD800  }
0xb3: {  	[tilespmem:s11], [sflag:$0x5] =	stream.indirect.gather [hbm4b:s5+s10], $0x80, s4, s10, $0xb8;
	[tilespmem:$0x1E600] =	vst v63  }
0xb4: {  	s18 =	simm.s32 $0x2;
	s4 =	sand.u32 $0xFF, s26;
	_ =	swait.ge [sflag:s12], $0x2800  }
0xb5: {  	s20 =	smul.u32 @!p1 $0xAB, s18;
	s24 =	sshll.u32 s4, $0x9;
	[sflag:s12] =	ssyncset.done $0x0  }
0xb6: {  	s8 =	sshrl.u32 @!p1 s22, $0x3;
	s4 =	sadd.s32 $0x400, s24;
	[sflag:s12] =	ssyncadd.s32 $0xFFFFD800  }
0xb7: {  	[spmem:s3] =	stream.indirect.scatter.add.f32 [tilespmem:s29], [sflag:$0x6], $0x80, s4, s10, $0xb8;
	[tilespmem:$0x1E600] =	vst v63  }
0xb8: {  	s21 =	simm.s32 $0x50;
	s20 =	sshrl.u32 @!p1 s20, $0x9;
	_ =	swait.ge [sflag:s13], $0x2800  }
0xb9: {  	s28 =	sadd.s32 @!p1 s2, s8;
	s26 =	sadd.s32 @!p1 s6, s8;
	[sflag:s13] =	ssyncset.done $0x0  }
0xba: {  	s23 =	sadd.s32 $0x480, s24;
	s31 =	rddreg [dreg:$0xa];
	[sflag:s13] =	ssyncadd.s32 $0xFFFFD800  }
0xbb: {  	[spmem:s3] =	stream.indirect.scatter.add.f32 [tilespmem:s31], [sflag:$0x7], $0x80, s23, s10, $0xb8;
	[tilespmem:$0x1E600] =	vst v63  }
0xbc: {  	s4 =	sadd.s32 $0x500, s24;
	s23 =	sand.u32 @!p1 $0x7F, s20;
	_ =	swait.ge [sflag:s14], $0x2800  }
0xbd: {  	s20 =	simm.s32 $0x400;
	s8 =	rddreg [dreg:$0xb];
	[sflag:s14] =	ssyncset.done $0x0  }
.LBB2_4:
0xbe: {  	s25 =	smul.u32 @!p1 $0x3, s23;
	[sflag:s14] =	ssyncadd.s32 $0xFFFFD800  }
0xbf: {  	[spmem:s3] =	stream.indirect.scatter.add.f32 [tilespmem:s8], [sflag:$0x8], $0x80, s4, s10, $0xb8;
	[tilespmem:$0x1E600] =	vst v63  }
0xc0: {  	_ =	swait.ge [sflag:s15], $0x2800  }
0xc1: {  	s7 =	sadd.s32 $0x580, s24;
	s4 =	ssub.s32 @!p1 s18, s25;
	[sflag:s15] =	ssyncset.done $0x0  }
0xc2: {  	s24 =	simm.s32 @!p1 $0x0;
	s4 =	sand.u32 @!p1 $0xFF, s4;
	[sflag:s15] =	ssyncadd.s32 $0xFFFFD800  }
0xc3: {  	[spmem:s3] =	stream.indirect.scatter.add.f32 [tilespmem:s11], [sflag:$0x9], $0x80, s7, s10, $0xb8;
	[tilespmem:$0x1E600] =	vst v63  }
0xc4: {  	s25 =	sand.u32 @!p1 $0x200, s20;
	s31 =	rddreg [dreg:$0x8];
	s4 =	sshll.u32 @!p1 s4, $0x9  }
0xc5: {  	[tilespmem:s25], [sflag:$0x1] =	stream.linear.gather @!p1 [hbm4b:s28+s24], $0x50, $0x38;
	[tilespmem:$0x1E600] =	vst v63  }
0xc6: {  	s8 =	sadd.s32 @!p1 $0x400, s4;
	s7 =	rddreg [dreg:$0x9]  }
0xc7: {  	[tilespmem:s8], [sflag:$0x1] =	stream.linear.gather @!p1 [hbm4b:s26+s24], $0x50, $0x38;
	[tilespmem:$0x1E600] =	vst v63  }
0xc8: {  	s1 =	sadd.s32 @!p1 $0x480, s4;
	s7 =	sadd.s32 @!p1 s19, s7;
	s28 =	sor.u32 @!p1 $0x80, s25  }
0xc9: {  	[tilespmem:s28], [sflag:$0x1] =	stream.linear.gather @!p1 [hbm4b:s7+s24], $0x50, $0x38;
	[tilespmem:$0x1E600] =	vst v63  }
0xca: {  	s8 =	rddreg [dreg:$0x7];
	s26 =	sor.u32 @!p1 $0x180, s25;
	s7 =	sadd.s32 @!p1 s19, s31  }
0xcb: {  	[tilespmem:s1], [sflag:$0x1] =	stream.linear.gather @!p1 [hbm4b:s7+s24], $0x50, $0x38;
	[tilespmem:$0x1E600] =	vst v63  }
0xcc: {  	s25 =	sor.u32 @!p1 $0x100, s25;
	s28 =	rddreg [dreg:$0x6];
	s1 =	sadd.s32 @!p1 s19, s8  }
0xcd: {  	[tilespmem:s25], [sflag:$0x1] =	stream.linear.gather @!p1 [hbm4b:s1+s24], $0x50, $0x38;
	[tilespmem:$0x1E600] =	vst v63  }
0xce: {  	s0 =	sadd.s32 @!p1 $0x500, s4;
	s7 =	rddreg [dreg:$0x5];
	s1 =	sadd.s32 @!p1 s19, s28  }
0xcf: {  	[tilespmem:s0], [sflag:$0x1] =	stream.linear.gather @!p1 [hbm4b:s1+s24], $0x50, $0x38;
	[tilespmem:$0x1E600] =	vst v63  }
0xd0: {  	s8 =	rddreg [dreg:$0x4];
	s0 =	sadd.s32 @!p1 s19, s7  }
0xd1: {  	[tilespmem:s26], [sflag:$0x1] =	stream.linear.gather @!p1 [hbm4b:s0+s24], $0x50, $0x38;
	[tilespmem:$0x1E600] =	vst v63  }
0xd2: {  	s4 =	sadd.s32 @!p1 $0x580, s4;
	s0 =	sadd.s32 @!p1 s19, s8  }
0xd3: {  	[tilespmem:s4], [sflag:$0x1] =	stream.linear.gather @!p1 [hbm4b:s0+s24], $0x50, $0x38;
	[tilespmem:$0x1E600] =	vst v63  }
0xd4: {  	_ =	swait.ge [sflag:s9], $0x50  }
0xd5: {  	[sflag:s9] =	ssyncset.done $0x0  }
0xd6: {  	[sflag:s9] =	ssyncadd.s32 $0xFFFFFFB0  }
0xd7: {  	_ =	swait.ge [sflag:s9], $0x50  }
0xd8: {  	[sflag:s9] =	ssyncset.done $0x0  }
0xd9: {  	[sflag:s9] =	ssyncadd.s32 $0xFFFFFFB0  }
0xda: {  	_ =	swait.ge [sflag:s9], $0x50  }
0xdb: {  	[sflag:s9] =	ssyncset.done $0x0  }
0xdc: {  	[sflag:s9] =	ssyncadd.s32 $0xFFFFFFB0  }
0xdd: {  	_ =	swait.ge [sflag:s9], $0x50  }
0xde: {  	[sflag:s9] =	ssyncset.done $0x0  }
0xdf: {  	[sflag:s9] =	ssyncadd.s32 $0xFFFFFFB0  }
0xe0: {  	_ =	swait.ge [sflag:s9], $0x50  }
0xe1: {  	[sflag:s9] =	ssyncset.done $0x0  }
0xe2: {  	[sflag:s9] =	ssyncadd.s32 $0xFFFFFFB0  }
0xe3: {  	_ =	swait.ge [sflag:s9], $0x50  }
0xe4: {  	[sflag:s9] =	ssyncset.done $0x0  }
0xe5: {  	[sflag:s9] =	ssyncadd.s32 $0xFFFFFFB0  }
0xe6: {  	_ =	swait.ge [sflag:s9], $0x50  }
0xe7: {  	[sflag:s9] =	ssyncset.done $0x0  }
0xe8: {  	[sflag:s9] =	ssyncadd.s32 $0xFFFFFFB0  }
0xe9: {  	s23 =	smov.u32 s21;
	s25 =	sadd.s32 $0xFFFFFE00, s20;
	_ =	swait.ge [sflag:s9], $0x50  }
0xea: {  	p1 =	seq.s32 s19, $0x0;
	s0 =	sand.u32 $0x200, s25;
	[sflag:s9] =	ssyncset.done $0x0  }
0xeb: {  	s1 =	simm.s32 @p1 $0x50;
	s4 =	simm.s32 @p1 $0xA00;
	[sflag:s9] =	ssyncadd.s32 $0xFFFFFFB0  }
0xec: {  	[tilespmem:s4], [sflag:$0x2] =	stream.indirect.gather @p1 [hbm4b:s5+s1], $0x80, s0, s1, $0xb8;
	[tilespmem:$0x1E600] =	vst v63  }
0xed: {  	s19 =	smov.u32 s23;
	s7 =	simm.s32 @p1 $0x3200;
	s4 =	sor.u32 $0x80, s0  }
0xee: {  	[tilespmem:s7], [sflag:$0x3] =	stream.indirect.gather @p1 [hbm4b:s5+s1], $0x80, s4, s1, $0xb8;
	[tilespmem:$0x1E600] =	vst v63  }
0xef: {  	s8 =	simm.s32 @p1 $0x5A00;
	s23 =	simm.s32 @!p1 $0x6;
	s7 =	sor.u32 $0x100, s0  }
0xf0: {  	[tilespmem:s8], [sflag:$0x4] =	stream.indirect.gather @p1 [hbm4b:s5+s1], $0x80, s7, s1, $0xb8;
	[tilespmem:$0x1E600] =	vst v63  }
0xf1: {  	_ =	swait.ge @!p1 [sflag:s23], $0x2800  }
0xf2: {  	s1 =	simm.s32 @!p1 $0x7;
	[sflag:s23] =	ssyncset.done @!p1 $0x0  }
0xf3: {  	s8 =	simm.s32 @!p1 $0x50;
	[sflag:s23] =	ssyncadd.s32 @!p1 $0xFFFFD800;
	s23 =	simm.s32 @!p1 $0xA00  }
0xf4: {  	[tilespmem:s23], [sflag:$0x2] =	stream.indirect.gather @!p1 [hbm4b:s5+s8], $0x80, s0, s8, $0xb8;
	[tilespmem:$0x1E600] =	vst v63  }
0xf5: {  	s26 =	sadd.s32 $0xFFFFFFFF, s18;
	_ =	swait.ge @!p1 [sflag:s1], $0x2800  }
0xf6: {  	s31 =	smul.u32 $0xAB, s26;
	[sflag:s1] =	ssyncset.done @!p1 $0x0  }
0xf7: {  	s23 =	simm.s32 @!p1 $0x8;
	[sflag:s1] =	ssyncadd.s32 @!p1 $0xFFFFD800;
	s1 =	simm.s32 @!p1 $0x3200  }
0xf8: {  	[tilespmem:s1], [sflag:$0x3] =	stream.indirect.gather @!p1 [hbm4b:s5+s8], $0x80, s4, s8, $0xb8;
	[tilespmem:$0x1E600] =	vst v63  }
0xf9: {  	s21 =	sadd.s32 $0x28, s21;
	_ =	swait.ge @!p1 [sflag:s23], $0x2800  }
0xfa: {  	s24 =	simm.s32 @!p1 $0x9;
	s4 =	sshrl.u32 s31, $0x9;
	[sflag:s23] =	ssyncset.done @!p1 $0x0  }
0xfb: {  	s4 =	sand.u32 $0x7F, s4;
	[sflag:s23] =	ssyncadd.s32 @!p1 $0xFFFFD800;
	s23 =	simm.s32 @!p1 $0x5A00  }
0xfc: {  	[tilespmem:s23], [sflag:$0x4] =	stream.indirect.gather @!p1 [hbm4b:s5+s8], $0x80, s7, s8, $0xb8;
	[tilespmem:$0x1E600] =	vst v63  }
0xfd: {  	s22 =	sadd.s32 $0x140, s22;
	s4 =	smul.u32 $0x3, s4;
	_ =	swait.ge @!p1 [sflag:s24], $0x2800  }
0xfe: {  	p0 =	sne.s32 s21, $0x4D8;
	s20 =	sadd.s32 $0x200, s20;
	[sflag:s24] =	ssyncset.done @!p1 $0x0  }
0xff: {  	s0 =	sor.u32 $0x180, s0;
	s25 =	ssub.s32 s26, s4;
	[sflag:s24] =	ssyncadd.s32 @!p1 $0xFFFFD800  }
0x100: {  	[tilespmem:s11], [sflag:$0x5] =	stream.indirect.gather [hbm4b:s5+s10], $0x80, s0, s10, $0xb8;
	[tilespmem:$0x1E600] =	vst v63  }
0x101: {  	s18 =	sadd.s32 $0x1, s18;
	s0 =	sand.u32 $0xFF, s25;
	_ =	swait.ge [sflag:s12], $0x2800  }
0x102: {  	p1 =	seq.s32 s19, $0x4B0;
	s24 =	sshll.u32 s0, $0x9;
	[sflag:s12] =	ssyncset.done $0x0  }
0x103: {  	s1 =	sshrl.u32 @!p1 s22, $0x3;
	s0 =	sadd.s32 $0x400, s24;
	[sflag:s12] =	ssyncadd.s32 $0xFFFFD800  }
0x104: {  	[spmem:s3] =	stream.indirect.scatter.add.f32 [tilespmem:s29], [sflag:$0x6], $0x80, s0, s10, $0xb8;
	[tilespmem:$0x1E600] =	vst v63  }
0x105: {  	s7 =	smul.u32 @!p1 $0xAB, s18;
	s28 =	sadd.s32 @!p1 s2, s1;
	_ =	swait.ge [sflag:s13], $0x2800  }
.Ltmp1:
0x106: {  	s31 =	sadd.s32 $0x480, s24;
	[sflag:s13] =	ssyncset.done $0x0;
	(pc) =	sbr.rel @p0 .LBB2_4-.Ltmp1, $4  }
0x107: {  	s0 =	sshrl.u32 @!p1 s7, $0x9;
	s26 =	rddreg [dreg:$0xa];
	[sflag:s13] =	ssyncadd.s32 $0xFFFFD800  }
0x108: {  	[spmem:s3] =	stream.indirect.scatter.add.f32 [tilespmem:s26], [sflag:$0x7], $0x80, s31, s10, $0xb8;
	[tilespmem:$0x1E600] =	vst v63  }
0x109: {  	s4 =	sadd.s32 $0x500, s24;
	s23 =	sand.u32 @!p1 $0x7F, s0;
	_ =	swait.ge [sflag:s14], $0x2800  }
0x10a: {  	s26 =	sadd.s32 @!p1 s6, s1;
	s8 =	rddreg [dreg:$0xb];
	[sflag:s14] =	ssyncset.done $0x0  }
0x10b: {  	s0 =	smul.u32 @!p1 $0x3, s23;
	[sflag:s14] =	ssyncadd.s32 $0xFFFFD800  }
0x10c: {  	[spmem:s3] =	stream.indirect.scatter.add.f32 [tilespmem:s8], [sflag:$0x8], $0x80, s4, s10, $0xb8;
	[tilespmem:$0x1E600] =	vst v63  }
0x10d: {  	_ =	swait.ge [sflag:s15], $0x2800  }
0x10e: {  	s0 =	ssub.s32 @!p1 s18, s0;
	[sflag:s15] =	ssyncset.done $0x0  }
0x10f: {  	s1 =	sadd.s32 $0x580, s24;
	s0 =	sand.u32 @!p1 $0xFF, s0;
	[sflag:s15] =	ssyncadd.s32 $0xFFFFD800  }
0x110: {  	[spmem:s3] =	stream.indirect.scatter.add.f32 [tilespmem:s11], [sflag:$0x9], $0x80, s1, s10, $0xb8;
	[tilespmem:$0x1E600] =	vst v63  }
0x111: {  	s4 =	sand.u32 @!p1 $0x200, s20;
	s0 =	sshll.u32 @!p1 s0, $0x9;
	s1 =	simm.s32 @!p1 $0x0  }
0x112: {  	[tilespmem:s4], [sflag:$0x1] =	stream.linear.gather @!p1 [hbm4b:s28+s1], $0x50, $0x38;
	[tilespmem:$0x1E600] =	vst v63  }
0x113: {  	s8 =	rddreg [dreg:$0x9];
	s7 =	sadd.s32 @!p1 $0x400, s0  }
0x114: {  	[tilespmem:s7], [sflag:$0x1] =	stream.linear.gather @!p1 [hbm4b:s26+s1], $0x50, $0x38;
	[tilespmem:$0x1E600] =	vst v63  }
0x115: {  	s21 =	sor.u32 @!p1 $0x80, s4;
	s8 =	sadd.s32 @!p1 s19, s8;
	s7 =	rddreg [dreg:$0x8]  }
0x116: {  	[tilespmem:s21], [sflag:$0x1] =	stream.linear.gather @!p1 [hbm4b:s8+s1], $0x50, $0x38;
	[tilespmem:$0x1E600] =	vst v63  }
0x117: {  	s7 =	sadd.s32 @!p1 s19, s7;
	s8 =	sadd.s32 @!p1 $0x480, s0;
	s21 =	rddreg [dreg:$0x7]  }
0x118: {  	[tilespmem:s8], [sflag:$0x1] =	stream.linear.gather @!p1 [hbm4b:s7+s1], $0x50, $0x38;
	[tilespmem:$0x1E600] =	vst v63  }
0x119: {  	s21 =	sadd.s32 @!p1 s19, s21;
	s7 =	rddreg [dreg:$0x6];
	s8 =	sor.u32 @!p1 $0x100, s4  }
0x11a: {  	[tilespmem:s8], [sflag:$0x1] =	stream.linear.gather @!p1 [hbm4b:s21+s1], $0x50, $0x38;
	[tilespmem:$0x1E600] =	vst v63  }
0x11b: {  	s7 =	sadd.s32 @!p1 s19, s7;
	s8 =	sadd.s32 @!p1 $0x500, s0;
	s21 =	rddreg [dreg:$0x5]  }
0x11c: {  	[tilespmem:s8], [sflag:$0x1] =	stream.linear.gather @!p1 [hbm4b:s7+s1], $0x50, $0x38;
	[tilespmem:$0x1E600] =	vst v63  }
0x11d: {  	s4 =	sor.u32 @!p1 $0x180, s4;
	s7 =	rddreg [dreg:$0x4];
	s8 =	sadd.s32 @!p1 s19, s21  }
0x11e: {  	[tilespmem:s4], [sflag:$0x1] =	stream.linear.gather @!p1 [hbm4b:s8+s1], $0x50, $0x38;
	[tilespmem:$0x1E600] =	vst v63  }
0x11f: {  	s0 =	sadd.s32 @!p1 $0x580, s0;
	s4 =	sadd.s32 @!p1 s19, s7  }
0x120: {  	[tilespmem:s0], [sflag:$0x1] =	stream.linear.gather @!p1 [hbm4b:s4+s1], $0x50, $0x38;
	[tilespmem:$0x1E600] =	vst v63  }
0x121: {  	_ =	swait.ge [sflag:s9], $0x50  }
0x122: {  	[sflag:s9] =	ssyncset.done $0x0  }
0x123: {  	[sflag:s9] =	ssyncadd.s32 $0xFFFFFFB0  }
0x124: {  	_ =	swait.ge [sflag:s9], $0x50  }
0x125: {  	[sflag:s9] =	ssyncset.done $0x0  }
0x126: {  	[sflag:s9] =	ssyncadd.s32 $0xFFFFFFB0  }
0x127: {  	_ =	swait.ge [sflag:s9], $0x50  }
0x128: {  	[sflag:s9] =	ssyncset.done $0x0  }
0x129: {  	[sflag:s9] =	ssyncadd.s32 $0xFFFFFFB0  }
0x12a: {  	_ =	swait.ge [sflag:s9], $0x50  }
0x12b: {  	[sflag:s9] =	ssyncset.done $0x0  }
0x12c: {  	[sflag:s9] =	ssyncadd.s32 $0xFFFFFFB0  }
0x12d: {  	_ =	swait.ge [sflag:s9], $0x50  }
0x12e: {  	[sflag:s9] =	ssyncset.done $0x0  }
0x12f: {  	[sflag:s9] =	ssyncadd.s32 $0xFFFFFFB0  }
0x130: {  	_ =	swait.ge [sflag:s9], $0x50  }
0x131: {  	[sflag:s9] =	ssyncset.done $0x0  }
0x132: {  	[sflag:s9] =	ssyncadd.s32 $0xFFFFFFB0  }
0x133: {  	_ =	swait.ge [sflag:s9], $0x50  }
0x134: {  	[sflag:s9] =	ssyncset.done $0x0  }
0x135: {  	[sflag:s9] =	ssyncadd.s32 $0xFFFFFFB0  }
0x136: {  	s26 =	sadd.s32 $0xFFFFFE00, s20;
	_ =	swait.ge [sflag:s9], $0x50  }
0x137: {  	p0 =	seq.s32 s19, $0x0;
	s0 =	sand.u32 $0x200, s26;
	[sflag:s9] =	ssyncset.done $0x0  }
0x138: {  	s1 =	simm.s32 @p0 $0x50;
	s4 =	simm.s32 @p0 $0xA00;
	[sflag:s9] =	ssyncadd.s32 $0xFFFFFFB0  }
0x139: {  	[tilespmem:s4], [sflag:$0x2] =	stream.indirect.gather @p0 [hbm4b:s5+s1], $0x80, s0, s1, $0xb8;
	[tilespmem:$0x1E600] =	vst v63  }
0x13a: {  	s7 =	simm.s32 @p0 $0x3200;
	s4 =	sor.u32 $0x80, s0  }
0x13b: {  	[tilespmem:s7], [sflag:$0x3] =	stream.indirect.gather @p0 [hbm4b:s5+s1], $0x80, s4, s1, $0xb8;
	[tilespmem:$0x1E600] =	vst v63  }
0x13c: {  	s8 =	simm.s32 @p0 $0x5A00;
	s7 =	sor.u32 $0x100, s0  }
0x13d: {  	[tilespmem:s8], [sflag:$0x4] =	stream.indirect.gather @p0 [hbm4b:s5+s1], $0x80, s7, s1, $0xb8;
	[tilespmem:$0x1E600] =	vst v63  }
0x13e: {  	s1 =	simm.s32 @!p0 $0x6  }
0x13f: {  	_ =	swait.ge @!p0 [sflag:s1], $0x2800  }
0x140: {  	[sflag:s1] =	ssyncset.done @!p0 $0x0  }
0x141: {  	s8 =	simm.s32 @!p0 $0xA00;
	[sflag:s1] =	ssyncadd.s32 @!p0 $0xFFFFD800;
	s1 =	simm.s32 @!p0 $0x50  }
0x142: {  	[tilespmem:s8], [sflag:$0x2] =	stream.indirect.gather @!p0 [hbm4b:s5+s1], $0x80, s0, s1, $0xb8;
	[tilespmem:$0x1E600] =	vst v63  }
0x143: {  	s8 =	simm.s32 @!p0 $0x7  }
0x144: {  	_ =	swait.ge @!p0 [sflag:s8], $0x2800  }
0x145: {  	[sflag:s8] =	ssyncset.done @!p0 $0x0  }
0x146: {  	[sflag:s8] =	ssyncadd.s32 @!p0 $0xFFFFD800;
	s8 =	simm.s32 @!p0 $0x3200  }
0x147: {  	[tilespmem:s8], [sflag:$0x3] =	stream.indirect.gather @!p0 [hbm4b:s5+s1], $0x80, s4, s1, $0xb8;
	[tilespmem:$0x1E600] =	vst v63  }
0x148: {  	s4 =	simm.s32 @!p0 $0x8  }
0x149: {  	_ =	swait.ge @!p0 [sflag:s4], $0x2800  }
0x14a: {  	s28 =	sadd.s32 $0xFFFFFFFF, s18;
	[sflag:s4] =	ssyncset.done @!p0 $0x0  }
0x14b: {  	s31 =	smul.u32 $0xAB, s28;
	[sflag:s4] =	ssyncadd.s32 @!p0 $0xFFFFD800;
	s4 =	simm.s32 @!p0 $0x5A00  }
0x14c: {  	[tilespmem:s4], [sflag:$0x4] =	stream.indirect.gather @!p0 [hbm4b:s5+s1], $0x80, s7, s1, $0xb8;
	[tilespmem:$0x1E600] =	vst v63  }
0x14d: {  	s7 =	simm.s32 @!p0 $0x9  }
0x14e: {  	s4 =	sshrl.u32 s31, $0x9;
	_ =	swait.ge @!p0 [sflag:s7], $0x2800  }
0x14f: {  	s4 =	sand.u32 $0x7F, s4;
	[sflag:s7] =	ssyncset.done @!p0 $0x0  }
0x150: {  	s0 =	sor.u32 $0x180, s0;
	s4 =	smul.u32 $0x3, s4;
	[sflag:s7] =	ssyncadd.s32 @!p0 $0xFFFFD800  }
0x151: {  	[tilespmem:s11], [sflag:$0x5] =	stream.indirect.gather [hbm4b:s5+s10], $0x80, s0, s10, $0xb8;
	[tilespmem:$0x1E600] =	vst v63  }
0x152: {  	s7 =	ssub.s32 s28, s4  }
0x153: {  	_ =	swait.ge [sflag:s12], $0x2800;
	s0 =	sand.u32 $0xFF, s7  }
0x154: {  	s0 =	sshll.u32 s0, $0x9;
	[sflag:s12] =	ssyncset.done $0x0  }
0x155: {  	s8 =	sadd.s32 $0x400, s0;
	[sflag:s12] =	ssyncadd.s32 $0xFFFFD800  }
0x156: {  	[spmem:s3] =	stream.indirect.scatter.add.f32 [tilespmem:s29], [sflag:$0x6], $0x80, s8, s10, $0xb8;
	[tilespmem:$0x1E600] =	vst v63  }
0x157: {  	_ =	swait.ge [sflag:s13], $0x2800  }
0x158: {  	[sflag:s13] =	ssyncset.done $0x0  }
0x159: {  	s19 =	sadd.s32 $0x480, s0;
	s18 =	rddreg [dreg:$0xa];
	[sflag:s13] =	ssyncadd.s32 $0xFFFFD800  }
0x15a: {  	[spmem:s3] =	stream.indirect.scatter.add.f32 [tilespmem:s18], [sflag:$0x7], $0x80, s19, s10, $0xb8;
	[tilespmem:$0x1E600] =	vst v63  }
0x15b: {  	_ =	swait.ge [sflag:s14], $0x2800  }
0x15c: {  	[sflag:s14] =	ssyncset.done $0x0  }
0x15d: {  	s21 =	sadd.s32 $0x500, s0;
	s20 =	rddreg [dreg:$0xb];
	[sflag:s14] =	ssyncadd.s32 $0xFFFFD800  }
0x15e: {  	[spmem:s3] =	stream.indirect.scatter.add.f32 [tilespmem:s20], [sflag:$0x8], $0x80, s21, s10, $0xb8;
	[tilespmem:$0x1E600] =	vst v63  }
0x15f: {  	_ =	swait.ge [sflag:s15], $0x2800  }
0x160: {  	[sflag:s15] =	ssyncset.done $0x0  }
0x161: {  	s0 =	sadd.s32 $0x580, s0;
	[sflag:s15] =	ssyncadd.s32 $0xFFFFD800  }
0x162: {  	[spmem:s3] =	stream.indirect.scatter.add.f32 [tilespmem:s11], [sflag:$0x9], $0x80, s0, s10, $0xb8;
	[tilespmem:$0x1E600] =	vst v63  }
0x163: {  	_ =	swait.ge [sflag:s30], $0x2800  }
0x164: {  	[sflag:s30] =	ssyncset.done $0x0  }
0x165: {  	s8 =	simm.s32 $0x7;
	[sflag:s30] =	ssyncadd.s32 $0xFFFFD800  }
0x166: {  	_ =	swait.ge [sflag:s8], $0x2800  }
0x167: {  	[sflag:s8] =	ssyncset.done $0x0  }
0x168: {  	s19 =	simm.s32 $0x8;
	[sflag:s8] =	ssyncadd.s32 $0xFFFFD800  }
0x169: {  	_ =	swait.ge [sflag:s19], $0x2800  }
0x16a: {  	[sflag:s19] =	ssyncset.done $0x0  }
0x16b: {  	s20 =	simm.s32 $0x9;
	[sflag:s19] =	ssyncadd.s32 $0xFFFFD800  }
0x16c: {  	_ =	swait.ge [sflag:s20], $0x2800  }
0x16d: {  	[sflag:s20] =	ssyncset.done $0x0  }
0x16e: {  	s22 =	simm.s32 $0x0;
	s23 =	rddreg [dreg:$0x1a];
	[sflag:s20] =	ssyncadd.s32 $0xFFFFD800  }
0x16f: {  	[tilespmem:s22], [sflag:$0xA] =	stream.linear.gather [hbm4b:s23+s22], $0x50, $0x38;
	[tilespmem:$0x1E600] =	vst v63  }
0x170: {  	_ =	swait.ge [sflag:s16], $0x50  }
0x171: {  	[sflag:s16] =	ssyncset.done $0x0  }
0x172: {  	s21 =	simm.s32 $0x400;
	s24 =	rddreg [dreg:$0x1b];
	[sflag:s16] =	ssyncadd.s32 $0xFFFFFFB0  }
0x173: {  	[tilespmem:s21], [sflag:$0xA] =	stream.linear.gather [hbm4b:s24+s22], $0x50, $0x38;
	[tilespmem:$0x1E600] =	vst v63  }
0x174: {  	_ =	swait.ge [sflag:s16], $0x50  }
0x175: {  	[sflag:s16] =	ssyncset.done $0x0  }
0x176: {  	[sflag:s16] =	ssyncadd.s32 $0xFFFFFFB0  }
0x177: {  	[tilespmem:s29], [sflag:$0xA] =	stream.indirect.gather [hbm4b:s5+s10], $0x80, s22, s10, $0xb8;
	[tilespmem:$0x1E600] =	vst v63  }
0x178: {  	_ =	swait.ge [sflag:s16], $0x2800  }
0x179: {  	[sflag:s16] =	ssyncset.done $0x0  }
0x17a: {  	[sflag:s16] =	ssyncadd.s32 $0xFFFFD800  }
0x17b: {  	[spmem:s3] =	stream.indirect.scatter.add.f32 [tilespmem:s29], [sflag:$0xA], $0x80, s21, s10, $0xb8;
	[tilespmem:$0x1E600] =	vst v63  }
0x17c: {  	_ =	swait.ge [sflag:s16], $0x2800  }
0x17d: {  	[sflag:s16] =	ssyncset.done $0x0  }
0x17e: {  	[sflag:s16] =	ssyncadd.s32 $0xFFFFD800  }
0x17f: {  	s25 =	stileid.u32;
	[bflag:$0x0] =	sbarrier.arrive $0xFFFF  }
0x180: {  	s0 =	sshll.u32 s25, $0x6;
	s7 =	rddreg [dreg:$0xc]  }
0x181: {  	s0 =	sor.u32 $0x1C0A, s0;
	s28 =	rddreg [dreg:$0x1c];
	s26 =	sshrl.u32 s7, $0x3  }
0x182: {  	[hbm:s28], [sflag:s0] =	dma.local [spmem:s26], $0x2780  }
0x183: {  	_ =	swait.ge [sflag:s16], $0x2780  }
0x184: {  	s17 =	sadd.s32 $0x1, s17;
	s31 =	rddreg [dreg:$0x1d]  }
0x185: {  	p0 =	sne.s32 s17, s31  }
.Ltmp2:
0x186: {  	_ = 	snop;
	(pc) =	sbr.rel @p0 .LBB2_1-.Ltmp2, $3  }
0x187: {  	_ =	sdelay $0x1  }
0x188: {  	[sflag:s16] =	ssyncset.done $0x0  }
0x189: {  	[sflag:s16] =	ssyncadd.s32 $0xFFFFD880  }
0x18a: {  	_ =	sfence.sel $0x180000  }
0x18b: {  	[bflag:$0x0] =	sbarrier.arrive $0xFFFF  }
0x18c: {  	_ =	strace $0x9000004D  }
0x18d: {  	s0 =	stileid.u32;
	[bflag:$0x2] =	sbarrier.arrive $0xFFFF  }
0x18e: {  	p0 =	sne.s32 s0, $0x0;
	s0 =	rddreg [dreg:$0x3]  }
0x18f: {  	s0 =	sadd.s32 @!p0 $0x100000, s0  }
0x190: {  	[sflag:s0] =	ssyncadd.tile.s32 @!p0 $0x1;
	_ =	shalt  }
.Lfunc_end2:
_tile_overlayer_lowered:
.L_overlay_start_2:
0x191: {  	(tag) =	ssettag $0x2  }
0x192: {  	s0 =	rddreg [dreg:$0x0];
	s2 =	stileid.u32  }
0x193: {  	s1 =	rddreg [dreg:$0x1];
	p0 =	sne.s32 s2, $0x0  }
0x194: {  	s3 =	rddreg [dreg:$0x2];
	[bflag:$0x3] =	sbarrier.arrive $0xFFFF;
	s2 =	simm.s32 @!p0 $0x1C0A  }
0x195: {  	[timem:s3], [sflag:s2] =	dma.local @!p0 [hbm:s0], s1  }
0x196: {  	s0 =	simm.s32 @!p0 $0xA  }
0x197: {  	_ =	swait.ge @!p0 [sflag:s0], s1  }
0x198: {  	s1 =	ssub.s32 @!p0 $0x0, s1;
	[sflag:s0] =	ssyncset.done @!p0 $0x0  }
0x199: {  	[sflag:s0] =	ssyncadd.s32 @!p0 s1  }
0x19a: {  	[bflag:$0x3] =	sbarrier.arrive $0xFFFF  }
0x19b: {  	_ =	shalt  }

// kernel: kernel.8.cloned.1.call-start
scs
__scs_entry_jumppad:
0x0: {  	(pc) =	sbr.rel $0x88, $3  }
0x1: {  	(tag) =	ssettag $0x0;
	lr =	simm.s32 $0x1  }
0x2: {  	[smem:$0x3F9B] =	sst lr;
	_ =	strace $0xD0000000  }
0x3: {  	_ = 	snop  }
0x4: {  	_ = 	snop  }
0x5: {  	_ = 	snop  }
0x6: {  	_ = 	snop  }
0x7: {  	_ = 	snop  }
__scs_overlays_trampoline_lowered:
0x8: {  	[smem:$0x3FAA] =	sst s0  }
0x9: {  	[smem:$0x3FAB] =	sst s1  }
0xa: {  	[smem:$0x3FAC] =	sst s2  }
0xb: {  	[smem:$0x3FAD] =	sst s3  }
0xc: {  	[smem:$0x3FAE] =	sst s4  }
0xd: {  	[smem:$0x3FAF] =	sst s5  }
0xe: {  	[smem:$0x3FB0] =	sst s6  }
0xf: {  	[smem:$0x3FB1] =	sst s7  }
0x10: {  	[smem:$0x3FB2] =	sst s8  }
0x11: {  	[smem:$0x3FB3] =	sst s9;
	s0 =	simm.s32 @!p0 $0x0  }
0x12: {  	s1 =	sld [smem:$0x3F99];
	s0 =	simm.s32 @p0 $0x1  }
0x13: {  	[smem:$0x3FB4] =	sst s0;
	s0 =	simm.s32 @!p1 $0x0  }
0x14: {  	s2 =	sld [smem:$0x3F98];
	s0 =	simm.s32 @p1 $0x1  }
0x15: {  	[smem:$0x3FB5] =	sst s0;
	s0 =	simm.s32 @!p2 $0x0  }
0x16: {  	s3 =	sld [smem:$0x3FDB];
	s0 =	simm.s32 @p2 $0x1  }
0x17: {  	s4 =	simm.s32 $0x1BF5;
	[smem:$0x3FB7] =	sst s0  }
0x18: {  	s0 =	sld [smem:$0x3F9A];
	_ =	swait.ge [sflag:s4], $0x0  }
0x19: {  	s7 =	sld [smem:$0x3F9B]  }
0x1a: {  	s8 =	sadd.s32 $0xFFFFE003, lr  }
0x1b: {  	s9 =	sadd.s32 $0xFFFFFEF7, lr;
	s5 =	simm.s32 $0xFFFFFFFF;
	p2 =	slt.u32 s8, $0xFFFFF086  }
0x1c: {  	p1 =	slt.u32 s9, $0xF7A;
	s5 =	simm.s32 @!p2 $0x0  }
0x1d: {  	s5 =	simm.s32 @p1 $0x1;
	p0 =	seq.s32 s7, s2  }
0x1e: {  	s7 =	smul.u32 @!p0 $0xF7A, s2;
	p2 =	seq.s32 @!p0 s5, $0x0  }
0x1f: {  	s9 =	smul.u32 $0xF7A, s1;
	s8 =	simm.s32 @!p0 $0x1BF5;
	p2 =	por !p2, p0  }
0x20: {  	[sflag:s8] =	ssyncset.s32 @!p0 $0xFFFFF086;
	s6 =	sadd.s32 @!p0 s3, s7;
	s7 =	simm.s32 @!p0 $0x108  }
0x21: {  	s3 =	sadd.s32 s3, s9;
	s6 =	sadd.s32 @!p0 $0x88, s6;
	s7 =	simm.s32 @p2 $0x1082  }
0x22: {  	[simem:s7], [sflag:s8] =	dma.local @!p0 [hbm:s6], $0xF7A  }
0x23: {  	s9 =	sor.u32 $0xD0000000, s2;
	s6 =	simm.s32 $0x108;
	_ =	swait.ge @!p0 [sflag:s8], $0x0  }
0x24: {  	s3 =	sadd.s32 $0x88, s3;
	s6 =	simm.s32 @!p1 $0x1082;
	[sflag:s4] =	ssyncset.s32 $0xFFFFF086  }
0x25: {  	[simem:s6], [sflag:s4] =	dma.local [hbm:s3], $0xF7A  }
0x26: {  	[smem:$0x3F9B] =	sst s1;
	(tag) =	ssettag s2;
	_ =	strace s9  }
0x27: {  	s1 =	sld [smem:$0x3FAB]  }
0x28: {  	s2 =	sld [smem:$0x3FAC]  }
0x29: {  	s4 =	sld [smem:$0x3FAE]  }
0x2a: {  	p0 =	seq.s32 s5, $0x0;
	s5 =	sld [smem:$0x3FAF]  }
0x2b: {  	s6 =	sld [smem:$0x3FB0]  }
0x2c: {  	s7 =	sld [smem:$0x3FB1]  }
0x2d: {  	s3 =	simm.s32 $0x108;
	s8 =	sld [smem:$0x3FB2]  }
0x2e: {  	s3 =	simm.s32 @!p0 $0x1082;
	s9 =	sld [smem:$0x3FB3]  }
0x2f: {  	lr =	sadd.s32 s0, s3;
	s0 =	sld [smem:$0x3FAA]  }
0x30: {  	s3 =	sld [smem:$0x3FAD]  }
0x31: {  	[smem:$0x3FB6] =	sst s10  }
0x32: {  	s10 =	sld [smem:$0x3FB4];
	_ =	sdelay $0x3  }
0x33: {  	p0 =	seq.s32 s10, $0x1;
	s10 =	sld [smem:$0x3FB6];
	_ =	sdelay $0x3  }
0x34: {  	[smem:$0x3FB6] =	sst s10  }
0x35: {  	s10 =	sld [smem:$0x3FB5];
	_ =	sdelay $0x3  }
0x36: {  	p1 =	seq.s32 s10, $0x1;
	s10 =	sld [smem:$0x3FB6];
	_ =	sdelay $0x3  }
0x37: {  	[smem:$0x3FB6] =	sst s10  }
0x38: {  	s10 =	sld [smem:$0x3FB7]  }
0x39: {  	_ = 	snop;
	(pc) =	sbr.ind lr, $3  }
0x3a: {  	_ = 	snop  }
0x3b: {  	_ = 	snop  }
0x3c: {  	p2 =	seq.s32 s10, $0x1;
	s10 =	sld [smem:$0x3FB6]  }
0x3d: {  	_ =	shalt  }
0x3e: {  	_ =	shalt  }
0x3f: {  	_ =	shalt  }
0x40: {  	_ =	shalt  }
0x41: {  	_ =	shalt  }
0x42: {  	_ =	shalt  }
0x43: {  	_ =	shalt  }
0x44: {  	_ =	shalt  }
0x45: {  	_ =	shalt  }
0x46: {  	_ =	shalt  }
0x47: {  	_ =	shalt  }
0x48: {  	_ =	shalt  }
0x49: {  	_ =	shalt  }
0x4a: {  	_ =	shalt  }
0x4b: {  	_ =	shalt  }
0x4c: {  	_ =	shalt  }
0x4d: {  	_ =	shalt  }
0x4e: {  	_ =	shalt  }
0x4f: {  	_ =	shalt  }
0x50: {  	_ =	shalt  }
0x51: {  	_ =	shalt  }
0x52: {  	_ =	shalt  }
0x53: {  	_ =	shalt  }
0x54: {  	_ =	shalt  }
0x55: {  	_ =	shalt  }
0x56: {  	_ =	shalt  }
0x57: {  	_ =	shalt  }
0x58: {  	_ =	shalt  }
0x59: {  	_ =	shalt  }
0x5a: {  	_ =	shalt  }
0x5b: {  	_ =	shalt  }
0x5c: {  	_ =	shalt  }
0x5d: {  	_ =	shalt  }
0x5e: {  	_ =	shalt  }
0x5f: {  	_ =	shalt  }
0x60: {  	_ =	shalt  }
0x61: {  	_ =	shalt  }
0x62: {  	_ =	shalt  }
0x63: {  	_ =	shalt  }
0x64: {  	_ =	shalt  }
0x65: {  	_ =	shalt  }
0x66: {  	_ =	shalt  }
0x67: {  	_ =	shalt  }
0x68: {  	_ =	shalt  }
0x69: {  	_ =	shalt  }
0x6a: {  	_ =	shalt  }
0x6b: {  	_ =	shalt  }
0x6c: {  	_ =	shalt  }
0x6d: {  	_ =	shalt  }
0x6e: {  	_ =	shalt  }
0x6f: {  	_ =	shalt  }
0x70: {  	_ =	shalt  }
0x71: {  	_ =	shalt  }
0x72: {  	_ =	shalt  }
0x73: {  	_ =	shalt  }
0x74: {  	_ =	shalt  }
0x75: {  	_ =	shalt  }
0x76: {  	_ =	shalt  }
0x77: {  	_ =	shalt  }
0x78: {  	_ =	shalt  }
0x79: {  	_ =	shalt  }
0x7a: {  	_ =	shalt  }
0x7b: {  	_ =	shalt  }
0x7c: {  	_ =	shalt  }
0x7d: {  	_ =	shalt  }
0x7e: {  	_ =	shalt  }
0x7f: {  	_ =	shalt  }
0x80: {  	_ =	shalt  }
0x81: {  	_ =	shalt  }
0x82: {  	_ =	shalt  }
0x83: {  	_ =	shalt  }
0x84: {  	_ =	shalt  }
0x85: {  	_ =	shalt  }
0x86: {  	_ =	shalt  }
0x87: {  	_ =	shalt  }
.Lfunc_end0:
.L_simem_size_0:
called_computation_lowered:
.L_overlay_start_0:
0x88: {  	s2 =	sld [smem:$0x3FD9]  }
0x89: {  	s3 =	sld [smem:$0x3FFE];
	_ =	sdelay $0x1  }
0x8a: {  	s1 =	srdreg.scid  }
0x8b: {  	s0 =	sand.u32 $0x1, s1  }
0x8c: {  	s14 =	sshll.u32 s0, $0xA;
	s2 =	sadd.s32 s3, s2  }
0x8d: {  	s2 =	sadd.s32 s2, s14  }
0x8e: {  	[smem:$0x3FC2] =	sst s2  }
0x8f: {  	_ = 	snop  }
0x90: {  	s2 =	sld [smem:$0x3FD0];
	_ =	sdelay $0x2  }
0x91: {  	s15 =	simm.s32 $0xA;
	s4 =	simm.s32 $0x10  }
0x92: {  	[smem:s4], [sflag:s15] =	dma.local [hbm:s2], $0x1  }
0x93: {  	_ =	swait.eq [sflag:s15], $0x1  }
0x94: {  	[sflag:s15] =	ssyncset.done $0x0  }
0x95: {  	[sflag:s15] =	ssyncadd.s32 $0xFFFFFFFF  }
0x96: {  	s16 =	sld [smem:$0x11];
	(tm) =	ssettm $0x1  }
0x97: {  	s17 =	sld [smem:$0x3FFB];
	_ =	sdelay $0x3  }
0x98: {  	_ =	strace s17  }
0x99: {  	s3 =	sld [smem:$0x3FFC];
	_ =	sdelay $0x3  }
0x9a: {  	_ =	strace s3  }
0x9b: {  	s3 =	sld [smem:$0x3FFD];
	_ =	sdelay $0x3  }
0x9c: {  	_ =	strace s3  }
0x9d: {  	_ =	strace $0x8FFFFFFF  }
0x9e: {  	s18 =	sld [smem:$0x3FDB];
	_ =	sdelay $0x1  }
0x9f: {  	s19 =	simm.s32 $_scs_section_size  }
0xa0: {  	s5 =	simm.s32 $_size__tile_overlayer_lowered;
	s6 =	simm.s32 $_tile_overlayer_lowered  }
0xa1: {  	s22 =	simm.s32 $0x1BFF;
	s21 =	sshll.u32 s6, $0x1;
	s3 =	sadd.s32 s19, s18  }
0xa2: {  	s7 =	simm.s32 $0x0;
	s20 =	sshll.u32 s5, $0x1;
	s5 =	sadd.s32 s21, s3  }
0xa3: {  	[timem:s7], [sflag:s22] =	dma.local [hbm:s5], s20  }
0xa4: {  	_ =	swait.ge [sflag:s22], s20  }
0xa5: {  	s4 =	ssub.s32 $0x0, s20;
	[sflag:s22] =	ssyncset.done $0x0  }
0xa6: {  	[sflag:s22] =	ssyncadd.s32 s4;
	_ =	sdelay $0x1  }
0xa7: {  	s23 =	simm.s32 $0x1B8B  }
0xa8: {  	_ =	swait.ge [sflag:s23], $0x1  }
0xa9: {  	[sflag:s23] =	ssyncset.done $0x0  }
0xaa: {  	s25 =	simm.s32 $0x1B8E;
	s24 =	sld [smem:$0x3FFE];
	[sflag:s23] =	ssyncadd.s32 $0xFFFFFFFF  }
0xab: {  	s26 =	simm.s32 $execute0_lowered;
	[smem:$0x3FD2] =	sst s25  }
0xac: {  	s5 =	sshll.u32 s26, $0x1;
	_ =	strace $0x80000046;
	[dreg:$0x1] =	wrdreg $0xFFFFFFFF  }
0xad: {  	s28 =	simm.s32 $_size_execute0_lowered;
	s3 =	sadd.s32 s3, s5;
	[dreg:$0x0] =	wrdreg $0x0  }
0xae: {  	s5 =	sshll.u32 s28, $0x1;
	[dreg:$0x2] =	wrdreg s3  }
0xaf: {  	[dreg:$0x3] =	wrdreg s5  }
0xb0: {  	[dreg:$0x4] =	wrdreg $0xC0  }
0xb1: {  	_ =	task [dreg:s7], $0x5FFFF  }
0xb2: {  	[dreg:$0x1] =	wrdreg $0xFFFFFFFF  }
0xb3: {  	[dreg:$0x0] =	wrdreg $0x60  }
0xb4: {  	[dreg:$0x2] =	wrdreg s24  }
0xb5: {  	[dreg:$0x3] =	wrdreg s16  }
0xb6: {  	[dreg:$0x4] =	wrdreg $0x9  }
0xb7: {  	_ =	task.clear_ibuf [dreg:s7], $0x5FFFF;
	_ =	strace $0x90000046  }
0xb8: {  	s29 =	simm.s32 $0x9;
	_ =	strace $0x80000048  }
0xb9: {  	_ =	swait.ge [sflag:s29], $0x1  }
0xba: {  	[sflag:s29] =	ssyncadd.s32 $0xFFFFFFFF  }
0xbb: {  	_ =	strace $0x90000048  }
0xbc: {  	_ =	sfence  }
0xbd: {  	s30 =	sld [smem:$0x0];
	_ =	sdelay $0x2  }
0xbe: {  	s31 =	sshll.u32 s1, $0xD;
	s1 =	sshrl.u32 s1, $0x2  }
0xbf: {  	s3 =	sand.u32 $0x4000, s31;
	s1 =	sadd.s32 s1, s30  }
0xc0: {  	s0 =	sor.u32 s3, s0;
	s1 =	sshll.u32 s1, $0x11  }
0xc1: {  	s0 =	sor.u32 s1, s0  }
0xc2: {  	s0 =	sadd.s32 $0x8F2B, s0  }
0xc3: {  	[sflag:s0] =	ssyncadd.remote.s32 $0x1  }
0xc4: {  	_ =	sfence.sel $0xFFFF  }
0xc5: {  	[dreg:$0x0] =	wrdreg $0xFFFFFFFF;
	(pc) =	sbr.abs _section_cstart, $3  }
0xc6: {  	[dreg:$0x1] =	wrdreg $0xFFFFFFFF  }
0xc7: {  	_ =	task.clear_ibuf [dreg:s7], $0x2FFFF;
	_ =	strace $0x9FFFFFFF  }
0xc8: {  	(tm) =	ssettm $0x7FFFFFFF  }
0xc9: {  	_ =	shalt  }
tec
execute0_lowered:
.L_overlay_start_1:
0x0: {  	(tag) =	ssettag $0x1  }
0x1: {  	s3 =	rddreg [dreg:$0x0];
	s1 =	srdreg.scid  }
0x2: {  	s0 =	stileid.u32;
	s4 =	rddreg [dreg:$0x1]  }
0x3: {  	s8 =	simm.s32 $0x0;
	s5 =	sand.u32 $0x1, s1;
	s2 =	sshll.u32 s0, $0x1  }
0x4: {  	s6 =	sor.u32 s5, s2;
	s2 =	simm.s32 $0x0;
	s5 =	ssub.s32 $0x2, s5  }
0x5: {  	s6 =	smul.u32 $0x4E2, s6;
	[smem:$0x7FF] =	sst s2;
	s7 =	sshrl.u32 s5, $0x1  }
0x6: {  	s1 =	rddreg [dreg:$0x2];
	_ =	strace $0x80000047;
	s5 =	ssub.s32 s5, s7  }
0x7: {  	s7 =	simm.s32 $0x2780;
	s3 =	sadd.s32 s6, s3;
	s4 =	sadd.s32 s4, s6  }
0x8: {  	v0 =	vimm.f32 $0.0e+00;
	v1 =	vimm.f32 $1.000000000e+00;
	s5 =	smax.u32 s5, $0x1;
	s6 =	simm.s32 $0x1;
	s3 =	sadd.s32 $0x2400, s3  }
.LBB2_1:
0x9: {  	s9 =	simm.s32 $0x40;
	s10 =	simm.s32 $0x0  }
.LBB2_2:
0xa: {  	p0 =	sne.s32 s9, $0x9C00;
	[tilespmem:s10+$0x2780] =	vst v0;
	s10 =	smov.u32 s9;
	s9 =	sadd.s32 $0x40, s9  }
.Ltmp0:
0xb: {  	(pc) =	sbr.rel @p0 .LBB2_2-.Ltmp0, $2  }
0xc: {  	_ =	sdelay $0x2  }
0xd: {  	s10 =	sshra.s32 s10, $0x2  }
0xe: {  	[tilespmem:s10+$0x2780] =	vst v0;
	s9 =	simm.s32 $0x0  }
0xf: {  	[tilespmem:s9], [sflag:$0x1] =	stream.linear.gather [hbm4b:s3+s9], $0x2710, $0x38;
	[tilespmem:$0x4F00] =	vst v63  }
0x10: {  	_ =	swait.ge [sflag:s6], $0x2710  }
0x11: {  	[sflag:s6] =	ssyncset.done $0x0  }
0x12: {  	s10 =	simm.s32 $0x0;
	s9 =	simm.s32 $0x40;
	[sflag:s6] =	ssyncadd.s32 $0xFFFFD8F0  }
.LBB2_4:
0x13: {  	p0 =	sne.s32 s9, $0x9C00;
	v2 =	vld [tilespmem:s10+$0x0];
	_ =	sdelay $0x3  }
.Ltmp1:
0x14: {  	(pc) =	sbr.rel @p0 .LBB2_4-.Ltmp1, $2  }
0x15: {  	_ =	sdelay $0x2  }
0x16: {  	s10 =	sshra.s32 s9, $0x2;
	s9 =	sadd.s32 $0x40, s9;
	[tilespmem:v2+s7+$0x0] =	vst.idx.add.f32.msk $0xffff, v1  }
0x17: {  	v2 =	vld [tilespmem:s10+$0x0];
	_ =	sdelay $0x5  }
0x18: {  	s8 =	sadd.s32 $0x1, s8  }
0x19: {  	p0 =	sne.s32 s8, s5  }
.Ltmp2:
0x1a: {  	[tilespmem:v2+s7+$0x0] =	vst.idx.add.f32.msk $0xffff, v1;
	(pc) =	sbr.rel @p0 .LBB2_1-.Ltmp2, $4  }
0x1b: {  	[hbm4b:s4+s2] =	stream.linear.scatter [tilespmem:s7], [sflag:$0x1], $0x2710, $0x38;
	[tilespmem:$0x4F00] =	vst v63  }
0x1c: {  	_ =	swait.ge [sflag:s6], $0x2710  }
0x1d: {  	[sflag:s6] =	ssyncset.done $0x0  }
0x1e: {  	[sflag:s6] =	ssyncadd.s32 $0xFFFFD8F0  }
0x1f: {  	_ =	sfence.sel $0x180000  }
0x20: {  	[bflag:$0x0] =	sbarrier.arrive $0xFFFF  }
0x21: {  	p0 =	sne.s32 s0, $0x0;
	_ =	strace $0x90000047  }
0x22: {  	s0 =	sadd.s32 @!p0 $0x100000, s1;
	[bflag:$0x2] =	sbarrier.arrive $0xFFFF  }
0x23: {  	[sflag:s0] =	ssyncadd.tile.s32 @!p0 $0x1;
	_ =	shalt  }
.Lfunc_end2:
_tile_overlayer_lowered:
.L_overlay_start_2:
0x24: {  	(tag) =	ssettag $0x2  }
0x25: {  	s0 =	rddreg [dreg:$0x0];
	s2 =	stileid.u32  }
0x26: {  	s1 =	rddreg [dreg:$0x1];
	p0 =	sne.s32 s2, $0x0  }
0x27: {  	s3 =	rddreg [dreg:$0x2];
	[bflag:$0x3] =	sbarrier.arrive $0xFFFF;
	s2 =	simm.s32 @!p0 $0x1C01  }
0x28: {  	[timem:s3], [sflag:s2] =	dma.local @!p0 [hbm:s0], s1  }
0x29: {  	s0 =	simm.s32 @!p0 $0x1  }
0x2a: {  	_ =	swait.ge @!p0 [sflag:s0], s1  }
0x2b: {  	s1 =	ssub.s32 @!p0 $0x0, s1;
	[sflag:s0] =	ssyncset.done @!p0 $0x0  }
0x2c: {  	[sflag:s0] =	ssyncadd.s32 @!p0 s1  }
0x2d: {  	[bflag:$0x3] =	sbarrier.arrive $0xFFFF  }
0x2e: {  	_ =	shalt  }

</sc_bundles>
